<compile_context>
chip_gen: v7x
topology: tpu7x:2x2x1
jax: 0.10.2.dev20260603
libtpu: 0.0.44.dev20260713+nightly
codegen_flags: <defaults>
</compile_context>

<pallas_src>
import functools

import jax
import jax.numpy as jnp
from jax import lax
from jax.experimental import pallas as pl
from jax.experimental.pallas import tpu as pltpu
from jax.experimental.pallas import tpu_sc as plsc

_NC = 2
_NS = 16
_NW = _NC * _NS
_N = 16384
_K = 3
_D = 16
_J = _K * _D
_V = 1024
_NPW = _N // _NW
_L = 16
_GRP = _NPW // _L
_XP = 9
_XR = 20


def _build_gather():
    mesh = plsc.VectorSubcoreMesh(core_axis_name="c", subcore_axis_name="s")

    @functools.partial(
        pl.kernel,
        mesh=mesh,
        out_type=(
            jax.ShapeDtypeStruct((_J, _N), jnp.float32),
            jax.ShapeDtypeStruct((_XP, _XR, _N), jnp.float32),
        ),
        scratch_types=[
            pltpu.VMEM((_K * _NPW,), jnp.int32),
            pltpu.VMEM((_V * _D,), jnp.float32),
            pltpu.VMEM((_J * _NPW,), jnp.float32),
            pltpu.VMEM((5, _XR, _NPW), jnp.float32),
            pltpu.SemaphoreType.DMA,
            pltpu.SemaphoreType.DMA,
            pltpu.SemaphoreType.DMA,
            pltpu.SemaphoreType.DMA,
        ],
        compiler_params=pltpu.CompilerParams(needs_layout_passes=False),
    )
    def gather_kernel(kmer_t_hbm, table_hbm, x_hbm, out_hbm, xout_hbm,
                      idx_v, tab_v, m_v, x_v, sem, xrsem, xwsem, ssem):
        wid = lax.axis_index("s") * _NC + lax.axis_index("c")
        n0 = wid * _NPW

        def x_read(p):
            return pltpu.async_copy(
                x_hbm.at[p, :, pl.ds(n0, _NPW)], x_v.at[p % 5], xrsem)

        def x_write(p):
            return pltpu.async_copy(
                x_v.at[p % 5], xout_hbm.at[p, :, pl.ds(n0, _NPW)], xwsem)

        stage = [pltpu.async_copy(table_hbm, tab_v, ssem)]
        for k in range(_K):
            stage.append(
                pltpu.async_copy(
                    kmer_t_hbm.at[pl.ds(k * _N + n0, _NPW)],
                    idx_v.at[pl.ds(k * _NPW, _NPW)],
                    ssem,
                )
            )
        xr = {p: x_read(p) for p in range(5)}
        xw = {}
        for h in stage:
            h.wait()

        m_copies = []
        for s in range(_K):

            @plsc.parallel_loop(0, _GRP, unroll=1)
            def _body(i):
                base = i * _L
                voff = idx_v[pl.ds(s * _NPW + base, _L)] * _D
                vals = [plsc.load_gather(tab_v, [voff + c]) for c in range(_D)]
                for c in range(_D):
                    m_v[pl.ds((s * _D + c) * _NPW + base, _L)] = vals[c]

            for c in range(_D):
                j = s * _D + c
                m_copies.append(
                    pltpu.async_copy(
                        m_v.at[pl.ds(j * _NPW, _NPW)],
                        out_hbm.at[j, pl.ds(n0, _NPW)],
                        sem,
                    )
                )
            if s == 0:
                for p in range(3):
                    xr[p].wait()
                    xw[p] = x_write(p)
            elif s == 1:
                xw[0].wait()
                xr[5] = x_read(5)
                xw[1].wait()
                xr[6] = x_read(6)
                for p in (3, 4):
                    xr[p].wait()
                    xw[p] = x_write(p)
            else:
                xw[2].wait()
                xr[7] = x_read(7)
                xw[3].wait()
                xr[8] = x_read(8)
                for p in (5, 6):
                    xr[p].wait()
                    xw[p] = x_write(p)

        for p in (7, 8):
            xr[p].wait()
            xw[p] = x_write(p)
        for h in m_copies:
            h.wait()
        for p in (4, 5, 6, 7, 8):
            xw[p].wait()

    return gather_kernel


_gather = _build_gather()


def kernel(X, kmer, emb_table):
    kmer_t = kmer.astype(jnp.int32).T.reshape(-1)
    m, xo = _gather(kmer_t, emb_table.reshape(-1), X.transpose(2, 1, 0))
    return (xo.transpose(2, 1, 0), m.T)

# --- scband reference (transcript-rebuilt; emitter-appended) ---
"""Pipeline reference for scband-kmer-multiple-embedding-6081673691554 (READ-ONLY COPY).

The authoritative reference and input builder live on the scoring server;
editing this copy changes nothing except your own understanding.
"""

import jax, jax.numpy as jnp
import numpy as np

def setup_inputs(seed: int = 0) -> dict:
    key = jax.random.key(seed)
    k1, k2, k3 = jax.random.split(key, 3)
    X = jax.random.normal(k1, (16384, 20, 9), dtype=jnp.float32)
    kmer = jax.random.randint(k2, (16384, 3), 0, 1024, dtype=jnp.int64)
    # embedding table per init_kwargs: nn.Embedding(1024, 16)
    emb_table = jax.random.normal(k3, (1024, 16), dtype=jnp.float32)
    return {"X": X, "kmer": kmer, "emb_table": emb_table}

def reference(X, kmer, emb_table):
    # kmer = self.embedding_layer(x['kmer'].long())
    kmer_emb = jnp.take(emb_table, kmer.astype(jnp.int64), axis=0)  # [N, 3, 16]
    # kmer.reshape(list(kmer.shape[:-2]) + [-1])
    kmer_flat = kmer_emb.reshape(tuple(kmer_emb.shape[:-2]) + (-1,))  # [N, 48]
    # returns dict {'X': X, 'kmer': kmer_flat}; return as tuple here
    return (X, kmer_flat)

if __name__ == "__main__":
    import jax
    _d = setup_inputs()
    print(jax.jit(kernel)(*tuple(_d.values())))

</pallas_src>

<mosaic_0001>
#map = affine_map<(d0, d1) -> (0)>
#map1 = affine_map<(d0, d1) -> (0, 0, 0)>
#map2 = affine_map<(d0, d1) -> (0, 0)>
module attributes {stable_mosaic.version = 14 : i64} {
  func.func @gather_kernel(%arg0: i32, %arg1: i32, %arg2: memref<49152xi32, #tpu.memory_space<hbm>>, %arg3: memref<16384xf32, #tpu.memory_space<hbm>>, %arg4: memref<9x20x16384xf32, #tpu.memory_space<hbm>>, %arg5: memref<48x16384xf32, #tpu.memory_space<hbm>>, %arg6: memref<9x20x16384xf32, #tpu.memory_space<hbm>>, %arg7: memref<1536xi32, #tpu.memory_space<vmem>>, %arg8: memref<16384xf32, #tpu.memory_space<vmem>>, %arg9: memref<24576xf32, #tpu.memory_space<vmem>>, %arg10: memref<5x20x512xf32, #tpu.memory_space<vmem>>, %arg11: memref<!tpu.dma_semaphore, #tpu.memory_space<semaphore_mem>>, %arg12: memref<!tpu.dma_semaphore, #tpu.memory_space<semaphore_mem>>, %arg13: memref<!tpu.dma_semaphore, #tpu.memory_space<semaphore_mem>>, %arg14: memref<!tpu.dma_semaphore, #tpu.memory_space<semaphore_mem>>) attributes {dimension_semantics = [#tpu.dimension_semantics<core_parallel>, #tpu.dimension_semantics<subcore_parallel>], iteration_bounds = array<i64: 2, 16>, scalar_prefetch = 0 : i64, scratch_operands = 8 : i64, tpu.core_type = #tpu.core_type<sc_vector_subcore>, window_params = [{transform_indices = #map}, {transform_indices = #map}, {transform_indices = #map1}, {transform_indices = #map2}, {transform_indices = #map1}]} {
    %mul3A = arith.constant 2 : i32
    %mul3A_0 = arith.muli %arg1, %mul3A : i32
    %add3A = arith.addi %mul3A_0, %arg0 : i32
    %mul3A_1 = arith.constant 512 : i32
    %mul3A_2 = arith.muli %add3A, %mul3A_1 : i32
    tpu.enqueue_dma source(%arg3 : memref<16384xf32, #tpu.memory_space<hbm>>) target(%arg8 : memref<16384xf32, #tpu.memory_space<vmem>>) target_semaphore(%arg14 : memref<!tpu.dma_semaphore, #tpu.memory_space<semaphore_mem>>)
    %add3A_3 = arith.constant 0 : i32
    %add3A_4 = arith.addi %add3A_3, %mul3A_2 : i32
    %dma_start3A = arith.constant 0 : i32
    %dma_start3A_5 = tpu.memref_slice %arg7[%dma_start3A] : memref<1536xi32, #tpu.memory_space<vmem>> -> memref<512xi32, #tpu.memory_space<vmem>>
    %dma_start3A_6 = tpu.memref_slice %arg2[%add3A_4] : memref<49152xi32, #tpu.memory_space<hbm>> -> memref<512xi32, #tpu.memory_space<hbm>>
    %dma_start3A_7 = arith.constant 0 : i32
    %dma_start3A_8 = tpu.memref_slice %arg7[%dma_start3A_7] : memref<1536xi32, #tpu.memory_space<vmem>> -> memref<512xi32, #tpu.memory_space<vmem>>
    %dma_start3A_9 = tpu.memref_slice %arg2[%add3A_4] : memref<49152xi32, #tpu.memory_space<hbm>> -> memref<512xi32, #tpu.memory_space<hbm>>
    tpu.enqueue_dma source(%dma_start3A_9 : memref<512xi32, #tpu.memory_space<hbm>>) target(%dma_start3A_8 : memref<512xi32, #tpu.memory_space<vmem>>) target_semaphore(%arg14 : memref<!tpu.dma_semaphore, #tpu.memory_space<semaphore_mem>>)
    %add3A_10 = arith.constant 16384 : i32
    %add3A_11 = arith.addi %add3A_10, %mul3A_2 : i32
    %dma_start3A_12 = arith.constant 512 : i32
    %dma_start3A_13 = tpu.memref_slice %arg7[%dma_start3A_12] : memref<1536xi32, #tpu.memory_space<vmem>> -> memref<512xi32, #tpu.memory_space<vmem>>
    %dma_start3A_14 = tpu.memref_slice %arg2[%add3A_11] : memref<49152xi32, #tpu.memory_space<hbm>> -> memref<512xi32, #tpu.memory_space<hbm>>
    %dma_start3A_15 = arith.constant 512 : i32
    %dma_start3A_16 = tpu.memref_slice %arg7[%dma_start3A_15] : memref<1536xi32, #tpu.memory_space<vmem>> -> memref<512xi32, #tpu.memory_space<vmem>>
    %dma_start3A_17 = tpu.memref_slice %arg2[%add3A_11] : memref<49152xi32, #tpu.memory_space<hbm>> -> memref<512xi32, #tpu.memory_space<hbm>>
    tpu.enqueue_dma source(%dma_start3A_17 : memref<512xi32, #tpu.memory_space<hbm>>) target(%dma_start3A_16 : memref<512xi32, #tpu.memory_space<vmem>>) target_semaphore(%arg14 : memref<!tpu.dma_semaphore, #tpu.memory_space<semaphore_mem>>)
    %add3A_18 = arith.constant 32768 : i32
    %add3A_19 = arith.addi %add3A_18, %mul3A_2 : i32
    %dma_start3A_20 = arith.constant 1024 : i32
    %dma_start3A_21 = tpu.memref_slice %arg7[%dma_start3A_20] : memref<1536xi32, #tpu.memory_space<vmem>> -> memref<512xi32, #tpu.memory_space<vmem>>
    %dma_start3A_22 = tpu.memref_slice %arg2[%add3A_19] : memref<49152xi32, #tpu.memory_space<hbm>> -> memref<512xi32, #tpu.memory_space<hbm>>
    %dma_start3A_23 = arith.constant 1024 : i32
    %dma_start3A_24 = tpu.memref_slice %arg7[%dma_start3A_23] : memref<1536xi32, #tpu.memory_space<vmem>> -> memref<512xi32, #tpu.memory_space<vmem>>
    %dma_start3A_25 = tpu.memref_slice %arg2[%add3A_19] : memref<49152xi32, #tpu.memory_space<hbm>> -> memref<512xi32, #tpu.memory_space<hbm>>
    tpu.enqueue_dma source(%dma_start3A_25 : memref<512xi32, #tpu.memory_space<hbm>>) target(%dma_start3A_24 : memref<512xi32, #tpu.memory_space<vmem>>) target_semaphore(%arg14 : memref<!tpu.dma_semaphore, #tpu.memory_space<semaphore_mem>>)
    %dma_start3A_26 = arith.constant 0 : i32
    %dma_start3A_27 = arith.constant 0 : i32
    %dma_start3A_28 = arith.constant 0 : i32
    %dma_start3A_29 = arith.constant 0 : i32
    %dma_start3A_30 = tpu.memref_slice %arg10[%dma_start3A_27, %dma_start3A_28, %dma_start3A_29] : memref<5x20x512xf32, #tpu.memory_space<vmem>> -> memref<1x20x512xf32, #tpu.memory_space<vmem>>
    %dma_start3A_31 = tpu.memref_squeeze %dma_start3A_30 : memref<1x20x512xf32, #tpu.memory_space<vmem>> -> memref<20x512xf32, #tpu.memory_space<vmem>>
    %dma_start3A_32 = arith.constant 0 : i32
    %dma_start3A_33 = tpu.memref_slice %arg4[%dma_start3A_26, %dma_start3A_32, %mul3A_2] : memref<9x20x16384xf32, #tpu.memory_space<hbm>> -> memref<1x20x512xf32, #tpu.memory_space<hbm>>
    %dma_start3A_34 = tpu.memref_squeeze %dma_start3A_33 : memref<1x20x512xf32, #tpu.memory_space<hbm>> -> memref<20x512xf32, #tpu.memory_space<hbm>>
    %dma_start3A_35 = arith.constant 0 : i32
    %dma_start3A_36 = arith.constant 0 : i32
    %dma_start3A_37 = tpu.memref_slice %arg10[%dma_start3A_27, %dma_start3A_35, %dma_start3A_36] : memref<5x20x512xf32, #tpu.memory_space<vmem>> -> memref<1x20x512xf32, #tpu.memory_space<vmem>>
    %dma_start3A_38 = tpu.memref_squeeze %dma_start3A_37 : memref<1x20x512xf32, #tpu.memory_space<vmem>> -> memref<20x512xf32, #tpu.memory_space<vmem>>
    %dma_start3A_39 = arith.constant 0 : i32
    %dma_start3A_40 = tpu.memref_slice %arg4[%dma_start3A_26, %dma_start3A_39, %mul3A_2] : memref<9x20x16384xf32, #tpu.memory_space<hbm>> -> memref<1x20x512xf32, #tpu.memory_space<hbm>>
    %dma_start3A_41 = tpu.memref_squeeze %dma_start3A_40 : memref<1x20x512xf32, #tpu.memory_space<hbm>> -> memref<20x512xf32, #tpu.memory_space<hbm>>
    tpu.enqueue_dma source(%dma_start3A_41 : memref<20x512xf32, #tpu.memory_space<hbm>>) target(%dma_start3A_38 : memref<20x512xf32, #tpu.memory_space<vmem>>) target_semaphore(%arg12 : memref<!tpu.dma_semaphore, #tpu.memory_space<semaphore_mem>>)
    %dma_start3A_42 = arith.constant 1 : i32
    %dma_start3A_43 = arith.constant 1 : i32
    %dma_start3A_44 = arith.constant 0 : i32
    %dma_start3A_45 = arith.constant 0 : i32
    %dma_start3A_46 = tpu.memref_slice %arg10[%dma_start3A_43, %dma_start3A_44, %dma_start3A_45] : memref<5x20x512xf32, #tpu.memory_space<vmem>> -> memref<1x20x512xf32, #tpu.memory_space<vmem>>
    %dma_start3A_47 = tpu.memref_squeeze %dma_start3A_46 : memref<1x20x512xf32, #tpu.memory_space<vmem>> -> memref<20x512xf32, #tpu.memory_space<vmem>>
    %dma_start3A_48 = arith.constant 0 : i32
    %dma_start3A_49 = tpu.memref_slice %arg4[%dma_start3A_42, %dma_start3A_48, %mul3A_2] : memref<9x20x16384xf32, #tpu.memory_space<hbm>> -> memref<1x20x512xf32, #tpu.memory_space<hbm>>
    %dma_start3A_50 = tpu.memref_squeeze %dma_start3A_49 : memref<1x20x512xf32, #tpu.memory_space<hbm>> -> memref<20x512xf32, #tpu.memory_space<hbm>>
    %dma_start3A_51 = arith.constant 0 : i32
    %dma_start3A_52 = arith.constant 0 : i32
    %dma_start3A_53 = tpu.memref_slice %arg10[%dma_start3A_43, %dma_start3A_51, %dma_start3A_52] : memref<5x20x512xf32, #tpu.memory_space<vmem>> -> memref<1x20x512xf32, #tpu.memory_space<vmem>>
    %dma_start3A_54 = tpu.memref_squeeze %dma_start3A_53 : memref<1x20x512xf32, #tpu.memory_space<vmem>> -> memref<20x512xf32, #tpu.memory_space<vmem>>
    %dma_start3A_55 = arith.constant 0 : i32
    %dma_start3A_56 = tpu.memref_slice %arg4[%dma_start3A_42, %dma_start3A_55, %mul3A_2] : memref<9x20x16384xf32, #tpu.memory_space<hbm>> -> memref<1x20x512xf32, #tpu.memory_space<hbm>>
    %dma_start3A_57 = tpu.memref_squeeze %dma_start3A_56 : memref<1x20x512xf32, #tpu.memory_space<hbm>> -> memref<20x512xf32, #tpu.memory_space<hbm>>
    tpu.enqueue_dma source(%dma_start3A_57 : memref<20x512xf32, #tpu.memory_space<hbm>>) target(%dma_start3A_54 : memref<20x512xf32, #tpu.memory_space<vmem>>) target_semaphore(%arg12 : memref<!tpu.dma_semaphore, #tpu.memory_space<semaphore_mem>>)
    %dma_start3A_58 = arith.constant 2 : i32
    %dma_start3A_59 = arith.constant 2 : i32
    %dma_start3A_60 = arith.constant 0 : i32
    %dma_start3A_61 = arith.constant 0 : i32
    %dma_start3A_62 = tpu.memref_slice %arg10[%dma_start3A_59, %dma_start3A_60, %dma_start3A_61] : memref<5x20x512xf32, #tpu.memory_space<vmem>> -> memref<1x20x512xf32, #tpu.memory_space<vmem>>
    %dma_start3A_63 = tpu.memref_squeeze %dma_start3A_62 : memref<1x20x512xf32, #tpu.memory_space<vmem>> -> memref<20x512xf32, #tpu.memory_space<vmem>>
    %dma_start3A_64 = arith.constant 0 : i32
    %dma_start3A_65 = tpu.memref_slice %arg4[%dma_start3A_58, %dma_start3A_64, %mul3A_2] : memref<9x20x16384xf32, #tpu.memory_space<hbm>> -> memref<1x20x512xf32, #tpu.memory_space<hbm>>
    %dma_start3A_66 = tpu.memref_squeeze %dma_start3A_65 : memref<1x20x512xf32, #tpu.memory_space<hbm>> -> memref<20x512xf32, #tpu.memory_space<hbm>>
    %dma_start3A_67 = arith.constant 0 : i32
    %dma_start3A_68 = arith.constant 0 : i32
    %dma_start3A_69 = tpu.memref_slice %arg10[%dma_start3A_59, %dma_start3A_67, %dma_start3A_68] : memref<5x20x512xf32, #tpu.memory_space<vmem>> -> memref<1x20x512xf32, #tpu.memory_space<vmem>>
    %dma_start3A_70 = tpu.memref_squeeze %dma_start3A_69 : memref<1x20x512xf32, #tpu.memory_space<vmem>> -> memref<20x512xf32, #tpu.memory_space<vmem>>
    %dma_start3A_71 = arith.constant 0 : i32
    %dma_start3A_72 = tpu.memref_slice %arg4[%dma_start3A_58, %dma_start3A_71, %mul3A_2] : memref<9x20x16384xf32, #tpu.memory_space<hbm>> -> memref<1x20x512xf32, #tpu.memory_space<hbm>>
    %dma_start3A_73 = tpu.memref_squeeze %dma_start3A_72 : memref<1x20x512xf32, #tpu.memory_space<hbm>> -> memref<20x512xf32, #tpu.memory_space<hbm>>
    tpu.enqueue_dma source(%dma_start3A_73 : memref<20x512xf32, #tpu.memory_space<hbm>>) target(%dma_start3A_70 : memref<20x512xf32, #tpu.memory_space<vmem>>) target_semaphore(%arg12 : memref<!tpu.dma_semaphore, #tpu.memory_space<semaphore_mem>>)
    %dma_start3A_74 = arith.constant 3 : i32
    %dma_start3A_75 = arith.constant 3 : i32
    %dma_start3A_76 = arith.constant 0 : i32
    %dma_start3A_77 = arith.constant 0 : i32
    %dma_start3A_78 = tpu.memref_slice %arg10[%dma_start3A_75, %dma_start3A_76, %dma_start3A_77] : memref<5x20x512xf32, #tpu.memory_space<vmem>> -> memref<1x20x512xf32, #tpu.memory_space<vmem>>
    %dma_start3A_79 = tpu.memref_squeeze %dma_start3A_78 : memref<1x20x512xf32, #tpu.memory_space<vmem>> -> memref<20x512xf32, #tpu.memory_space<vmem>>
    %dma_start3A_80 = arith.constant 0 : i32
    %dma_start3A_81 = tpu.memref_slice %arg4[%dma_start3A_74, %dma_start3A_80, %mul3A_2] : memref<9x20x16384xf32, #tpu.memory_space<hbm>> -> memref<1x20x512xf32, #tpu.memory_space<hbm>>
    %dma_start3A_82 = tpu.memref_squeeze %dma_start3A_81 : memref<1x20x512xf32, #tpu.memory_space<hbm>> -> memref<20x512xf32, #tpu.memory_space<hbm>>
    %dma_start3A_83 = arith.constant 0 : i32
    %dma_start3A_84 = arith.constant 0 : i32
    %dma_start3A_85 = tpu.memref_slice %arg10[%dma_start3A_75, %dma_start3A_83, %dma_start3A_84] : memref<5x20x512xf32, #tpu.memory_space<vmem>> -> memref<1x20x512xf32, #tpu.memory_space<vmem>>
    %dma_start3A_86 = tpu.memref_squeeze %dma_start3A_85 : memref<1x20x512xf32, #tpu.memory_space<vmem>> -> memref<20x512xf32, #tpu.memory_space<vmem>>
    %dma_start3A_87 = arith.constant 0 : i32
    %dma_start3A_88 = tpu.memref_slice %arg4[%dma_start3A_74, %dma_start3A_87, %mul3A_2] : memref<9x20x16384xf32, #tpu.memory_space<hbm>> -> memref<1x20x512xf32, #tpu.memory_space<hbm>>
    %dma_start3A_89 = tpu.memref_squeeze %dma_start3A_88 : memref<1x20x512xf32, #tpu.memory_space<hbm>> -> memref<20x512xf32, #tpu.memory_space<hbm>>
    tpu.enqueue_dma source(%dma_start3A_89 : memref<20x512xf32, #tpu.memory_space<hbm>>) target(%dma_start3A_86 : memref<20x512xf32, #tpu.memory_space<vmem>>) target_semaphore(%arg12 : memref<!tpu.dma_semaphore, #tpu.memory_space<semaphore_mem>>)
    %dma_start3A_90 = arith.constant 4 : i32
    %dma_start3A_91 = arith.constant 4 : i32
    %dma_start3A_92 = arith.constant 0 : i32
    %dma_start3A_93 = arith.constant 0 : i32
    %dma_start3A_94 = tpu.memref_slice %arg10[%dma_start3A_91, %dma_start3A_92, %dma_start3A_93] : memref<5x20x512xf32, #tpu.memory_space<vmem>> -> memref<1x20x512xf32, #tpu.memory_space<vmem>>
    %dma_start3A_95 = tpu.memref_squeeze %dma_start3A_94 : memref<1x20x512xf32, #tpu.memory_space<vmem>> -> memref<20x512xf32, #tpu.memory_space<vmem>>
    %dma_start3A_96 = arith.constant 0 : i32
    %dma_start3A_97 = tpu.memref_slice %arg4[%dma_start3A_90, %dma_start3A_96, %mul3A_2] : memref<9x20x16384xf32, #tpu.memory_space<hbm>> -> memref<1x20x512xf32, #tpu.memory_space<hbm>>
    %dma_start3A_98 = tpu.memref_squeeze %dma_start3A_97 : memref<1x20x512xf32, #tpu.memory_space<hbm>> -> memref<20x512xf32, #tpu.memory_space<hbm>>
    %dma_start3A_99 = arith.constant 0 : i32
    %dma_start3A_100 = arith.constant 0 : i32
    %dma_start3A_101 = tpu.memref_slice %arg10[%dma_start3A_91, %dma_start3A_99, %dma_start3A_100] : memref<5x20x512xf32, #tpu.memory_space<vmem>> -> memref<1x20x512xf32, #tpu.memory_space<vmem>>
    %dma_start3A_102 = tpu.memref_squeeze %dma_start3A_101 : memref<1x20x512xf32, #tpu.memory_space<vmem>> -> memref<20x512xf32, #tpu.memory_space<vmem>>
    %dma_start3A_103 = arith.constant 0 : i32
    %dma_start3A_104 = tpu.memref_slice %arg4[%dma_start3A_90, %dma_start3A_103, %mul3A_2] : memref<9x20x16384xf32, #tpu.memory_space<hbm>> -> memref<1x20x512xf32, #tpu.memory_space<hbm>>
    %dma_start3A_105 = tpu.memref_squeeze %dma_start3A_104 : memref<1x20x512xf32, #tpu.memory_space<hbm>> -> memref<20x512xf32, #tpu.memory_space<hbm>>
    tpu.enqueue_dma source(%dma_start3A_105 : memref<20x512xf32, #tpu.memory_space<hbm>>) target(%dma_start3A_102 : memref<20x512xf32, #tpu.memory_space<vmem>>) target_semaphore(%arg12 : memref<!tpu.dma_semaphore, #tpu.memory_space<semaphore_mem>>)
    tpu.wait_dma2 semaphore(%arg14 : memref<!tpu.dma_semaphore, #tpu.memory_space<semaphore_mem>>) src(%arg3 : memref<16384xf32, #tpu.memory_space<hbm>>) dst(%arg8 : memref<16384xf32, #tpu.memory_space<vmem>>)
    %dma_wait3A = arith.constant 0 : i32
    %dma_wait3A_106 = tpu.memref_slice %arg7[%dma_wait3A] : memref<1536xi32, #tpu.memory_space<vmem>> -> memref<512xi32, #tpu.memory_space<vmem>>
    %dma_wait3A_107 = tpu.memref_slice %arg2[%add3A_4] : memref<49152xi32, #tpu.memory_space<hbm>> -> memref<512xi32, #tpu.memory_space<hbm>>
    %dma_wait3A_108 = arith.constant 0 : i32
    %dma_wait3A_109 = tpu.memref_slice %arg7[%dma_wait3A_108] : memref<1536xi32, #tpu.memory_space<vmem>> -> memref<512xi32, #tpu.memory_space<vmem>>
    %dma_wait3A_110 = tpu.memref_slice %arg2[%add3A_4] : memref<49152xi32, #tpu.memory_space<hbm>> -> memref<512xi32, #tpu.memory_space<hbm>>
    tpu.wait_dma2 semaphore(%arg14 : memref<!tpu.dma_semaphore, #tpu.memory_space<semaphore_mem>>) src(%dma_wait3A_110 : memref<512xi32, #tpu.memory_space<hbm>>) dst(%dma_wait3A_109 : memref<512xi32, #tpu.memory_space<vmem>>)
    %dma_wait3A_111 = arith.constant 512 : i32
    %dma_wait3A_112 = tpu.memref_slice %arg7[%dma_wait3A_111] : memref<1536xi32, #tpu.memory_space<vmem>> -> memref<512xi32, #tpu.memory_space<vmem>>
    %dma_wait3A_113 = tpu.memref_slice %arg2[%add3A_11] : memref<49152xi32, #tpu.memory_space<hbm>> -> memref<512xi32, #tpu.memory_space<hbm>>
    %dma_wait3A_114 = arith.constant 512 : i32
    %dma_wait3A_115 = tpu.memref_slice %arg7[%dma_wait3A_114] : memref<1536xi32, #tpu.memory_space<vmem>> -> memref<512xi32, #tpu.memory_space<vmem>>
    %dma_wait3A_116 = tpu.memref_slice %arg2[%add3A_11] : memref<49152xi32, #tpu.memory_space<hbm>> -> memref<512xi32, #tpu.memory_space<hbm>>
    tpu.wait_dma2 semaphore(%arg14 : memref<!tpu.dma_semaphore, #tpu.memory_space<semaphore_mem>>) src(%dma_wait3A_116 : memref<512xi32, #tpu.memory_space<hbm>>) dst(%dma_wait3A_115 : memref<512xi32, #tpu.memory_space<vmem>>)
    %dma_wait3A_117 = arith.constant 1024 : i32
    %dma_wait3A_118 = tpu.memref_slice %arg7[%dma_wait3A_117] : memref<1536xi32, #tpu.memory_space<vmem>> -> memref<512xi32, #tpu.memory_space<vmem>>
    %dma_wait3A_119 = tpu.memref_slice %arg2[%add3A_19] : memref<49152xi32, #tpu.memory_space<hbm>> -> memref<512xi32, #tpu.memory_space<hbm>>
    %dma_wait3A_120 = arith.constant 1024 : i32
    %dma_wait3A_121 = tpu.memref_slice %arg7[%dma_wait3A_120] : memref<1536xi32, #tpu.memory_space<vmem>> -> memref<512xi32, #tpu.memory_space<vmem>>
    %dma_wait3A_122 = tpu.memref_slice %arg2[%add3A_19] : memref<49152xi32, #tpu.memory_space<hbm>> -> memref<512xi32, #tpu.memory_space<hbm>>
    tpu.wait_dma2 semaphore(%arg14 : memref<!tpu.dma_semaphore, #tpu.memory_space<semaphore_mem>>) src(%dma_wait3A_122 : memref<512xi32, #tpu.memory_space<hbm>>) dst(%dma_wait3A_121 : memref<512xi32, #tpu.memory_space<vmem>>)
    %parallel_loop3A = arith.constant 0 : i32
    %parallel_loop3A_123 = arith.constant 32 : i32
    %parallel_loop3A_124 = arith.constant 1 : i32
    scf.for %parallel_loop3A_1491 = %parallel_loop3A to %parallel_loop3A_123 step %parallel_loop3A_124  : i32 {
      %parallel_loop3A_1492 = arith.constant 16 : i32
      %parallel_loop3A_1493 = arith.muli %parallel_loop3A_1491, %parallel_loop3A_1492 : i32
      %parallel_loop3A_1494 = arith.constant 0 : i32
      %parallel_loop3A_1495 = arith.addi %parallel_loop3A_1494, %parallel_loop3A_1493 : i32
      %parallel_loop3A_1496 = arith.index_cast %parallel_loop3A_1495 : i32 to index
      %parallel_loop3A_1497 = tpu.vector_load %arg7[%parallel_loop3A_1496] {strides = array<i32>} : memref<1536xi32, #tpu.memory_space<vmem>>, vector<16xi32>,
      %parallel_loop3A_1498 = arith.constant 16 : i32
      %parallel_loop3A_1499 = vector.broadcast %parallel_loop3A_1498 : i32 to vector<16xi32>
      %parallel_loop3A_1500 = arith.muli %parallel_loop3A_1497, %parallel_loop3A_1499 : vector<16xi32>
      %parallel_loop3A_1501 = arith.constant 0 : i32
      %parallel_loop3A_1502 = vector.broadcast %parallel_loop3A_1501 : i32 to vector<16xi32>
      %parallel_loop3A_1503 = arith.addi %parallel_loop3A_1500, %parallel_loop3A_1502 : vector<16xi32>
      %parallel_loop3A_1504 = tpu.vector_load_idx %arg8[%parallel_loop3A_1503] : memref<16384xf32, #tpu.memory_space<vmem>>[vector<16xi32>], vector<16xf32>,
      %parallel_loop3A_1505 = arith.constant 1 : i32
      %parallel_loop3A_1506 = vector.broadcast %parallel_loop3A_1505 : i32 to vector<16xi32>
      %parallel_loop3A_1507 = arith.addi %parallel_loop3A_1500, %parallel_loop3A_1506 : vector<16xi32>
      %parallel_loop3A_1508 = tpu.vector_load_idx %arg8[%parallel_loop3A_1507] : memref<16384xf32, #tpu.memory_space<vmem>>[vector<16xi32>], vector<16xf32>,
      %parallel_loop3A_1509 = arith.constant 2 : i32
      %parallel_loop3A_1510 = vector.broadcast %parallel_loop3A_1509 : i32 to vector<16xi32>
      %parallel_loop3A_1511 = arith.addi %parallel_loop3A_1500, %parallel_loop3A_1510 : vector<16xi32>
      %parallel_loop3A_1512 = tpu.vector_load_idx %arg8[%parallel_loop3A_1511] : memref<16384xf32, #tpu.memory_space<vmem>>[vector<16xi32>], vector<16xf32>,
      %parallel_loop3A_1513 = arith.constant 3 : i32
      %parallel_loop3A_1514 = vector.broadcast %parallel_loop3A_1513 : i32 to vector<16xi32>
      %parallel_loop3A_1515 = arith.addi %parallel_loop3A_1500, %parallel_loop3A_1514 : vector<16xi32>
      %parallel_loop3A_1516 = tpu.vector_load_idx %arg8[%parallel_loop3A_1515] : memref<16384xf32, #tpu.memory_space<vmem>>[vector<16xi32>], vector<16xf32>,
      %parallel_loop3A_1517 = arith.constant 4 : i32
      %parallel_loop3A_1518 = vector.broadcast %parallel_loop3A_1517 : i32 to vector<16xi32>
      %parallel_loop3A_1519 = arith.addi %parallel_loop3A_1500, %parallel_loop3A_1518 : vector<16xi32>
      %parallel_loop3A_1520 = tpu.vector_load_idx %arg8[%parallel_loop3A_1519] : memref<16384xf32, #tpu.memory_space<vmem>>[vector<16xi32>], vector<16xf32>,
      %parallel_loop3A_1521 = arith.constant 5 : i32
      %parallel_loop3A_1522 = vector.broadcast %parallel_loop3A_1521 : i32 to vector<16xi32>
      %parallel_loop3A_1523 = arith.addi %parallel_loop3A_1500, %parallel_loop3A_1522 : vector<16xi32>
      %parallel_loop3A_1524 = tpu.vector_load_idx %arg8[%parallel_loop3A_1523] : memref<16384xf32, #tpu.memory_space<vmem>>[vector<16xi32>], vector<16xf32>,
      %parallel_loop3A_1525 = arith.constant 6 : i32
      %parallel_loop3A_1526 = vector.broadcast %parallel_loop3A_1525 : i32 to vector<16xi32>
      %parallel_loop3A_1527 = arith.addi %parallel_loop3A_1500, %parallel_loop3A_1526 : vector<16xi32>
      %parallel_loop3A_1528 = tpu.vector_load_idx %arg8[%parallel_loop3A_1527] : memref<16384xf32, #tpu.memory_space<vmem>>[vector<16xi32>], vector<16xf32>,
      %parallel_loop3A_1529 = arith.constant 7 : i32
      %parallel_loop3A_1530 = vector.broadcast %parallel_loop3A_1529 : i32 to vector<16xi32>
      %parallel_loop3A_1531 = arith.addi %parallel_loop3A_1500, %parallel_loop3A_1530 : vector<16xi32>
      %parallel_loop3A_1532 = tpu.vector_load_idx %arg8[%parallel_loop3A_1531] : memref<16384xf32, #tpu.memory_space<vmem>>[vector<16xi32>], vector<16xf32>,
      %parallel_loop3A_1533 = arith.constant 8 : i32
      %parallel_loop3A_1534 = vector.broadcast %parallel_loop3A_1533 : i32 to vector<16xi32>
      %parallel_loop3A_1535 = arith.addi %parallel_loop3A_1500, %parallel_loop3A_1534 : vector<16xi32>
      %parallel_loop3A_1536 = tpu.vector_load_idx %arg8[%parallel_loop3A_1535] : memref<16384xf32, #tpu.memory_space<vmem>>[vector<16xi32>], vector<16xf32>,
      %parallel_loop3A_1537 = arith.constant 9 : i32
      %parallel_loop3A_1538 = vector.broadcast %parallel_loop3A_1537 : i32 to vector<16xi32>
      %parallel_loop3A_1539 = arith.addi %parallel_loop3A_1500, %parallel_loop3A_1538 : vector<16xi32>
      %parallel_loop3A_1540 = tpu.vector_load_idx %arg8[%parallel_loop3A_1539] : memref<16384xf32, #tpu.memory_space<vmem>>[vector<16xi32>], vector<16xf32>,
      %parallel_loop3A_1541 = arith.constant 10 : i32
      %parallel_loop3A_1542 = vector.broadcast %parallel_loop3A_1541 : i32 to vector<16xi32>
      %parallel_loop3A_1543 = arith.addi %parallel_loop3A_1500, %parallel_loop3A_1542 : vector<16xi32>
      %parallel_loop3A_1544 = tpu.vector_load_idx %arg8[%parallel_loop3A_1543] : memref<16384xf32, #tpu.memory_space<vmem>>[vector<16xi32>], vector<16xf32>,
      %parallel_loop3A_1545 = arith.constant 11 : i32
      %parallel_loop3A_1546 = vector.broadcast %parallel_loop3A_1545 : i32 to vector<16xi32>
      %parallel_loop3A_1547 = arith.addi %parallel_loop3A_1500, %parallel_loop3A_1546 : vector<16xi32>
      %parallel_loop3A_1548 = tpu.vector_load_idx %arg8[%parallel_loop3A_1547] : memref<16384xf32, #tpu.memory_space<vmem>>[vector<16xi32>], vector<16xf32>,
      %parallel_loop3A_1549 = arith.constant 12 : i32
      %parallel_loop3A_1550 = vector.broadcast %parallel_loop3A_1549 : i32 to vector<16xi32>
      %parallel_loop3A_1551 = arith.addi %parallel_loop3A_1500, %parallel_loop3A_1550 : vector<16xi32>
      %parallel_loop3A_1552 = tpu.vector_load_idx %arg8[%parallel_loop3A_1551] : memref<16384xf32, #tpu.memory_space<vmem>>[vector<16xi32>], vector<16xf32>,
      %parallel_loop3A_1553 = arith.constant 13 : i32
      %parallel_loop3A_1554 = vector.broadcast %parallel_loop3A_1553 : i32 to vector<16xi32>
      %parallel_loop3A_1555 = arith.addi %parallel_loop3A_1500, %parallel_loop3A_1554 : vector<16xi32>
      %parallel_loop3A_1556 = tpu.vector_load_idx %arg8[%parallel_loop3A_1555] : memref<16384xf32, #tpu.memory_space<vmem>>[vector<16xi32>], vector<16xf32>,
      %parallel_loop3A_1557 = arith.constant 14 : i32
      %parallel_loop3A_1558 = vector.broadcast %parallel_loop3A_1557 : i32 to vector<16xi32>
      %parallel_loop3A_1559 = arith.addi %parallel_loop3A_1500, %parallel_loop3A_1558 : vector<16xi32>
      %parallel_loop3A_1560 = tpu.vector_load_idx %arg8[%parallel_loop3A_1559] : memref<16384xf32, #tpu.memory_space<vmem>>[vector<16xi32>], vector<16xf32>,
      %parallel_loop3A_1561 = arith.constant 15 : i32
      %parallel_loop3A_1562 = vector.broadcast %parallel_loop3A_1561 : i32 to vector<16xi32>
      %parallel_loop3A_1563 = arith.addi %parallel_loop3A_1500, %parallel_loop3A_1562 : vector<16xi32>
      %parallel_loop3A_1564 = tpu.vector_load_idx %arg8[%parallel_loop3A_1563] : memref<16384xf32, #tpu.memory_space<vmem>>[vector<16xi32>], vector<16xf32>,
      %parallel_loop3A_1565 = arith.constant 0 : i32
      %parallel_loop3A_1566 = arith.addi %parallel_loop3A_1565, %parallel_loop3A_1493 : i32
      %parallel_loop3A_1567 = arith.index_cast %parallel_loop3A_1566 : i32 to index
      %parallel_loop3A_1568 = tpu.vector_load %arg9[%parallel_loop3A_1567] {strides = array<i32>} : memref<24576xf32, #tpu.memory_space<vmem>>, vector<16xf32>,
      tpu.vector_store %arg9[%parallel_loop3A_1567], %parallel_loop3A_1504 {strides = array<i32>} : memref<24576xf32, #tpu.memory_space<vmem>>, vector<16xf32>,
      %parallel_loop3A_1569 = arith.constant 512 : i32
      %parallel_loop3A_1570 = arith.addi %parallel_loop3A_1569, %parallel_loop3A_1493 : i32
      %parallel_loop3A_1571 = arith.index_cast %parallel_loop3A_1570 : i32 to index
      %parallel_loop3A_1572 = tpu.vector_load %arg9[%parallel_loop3A_1571] {strides = array<i32>} : memref<24576xf32, #tpu.memory_space<vmem>>, vector<16xf32>,
      tpu.vector_store %arg9[%parallel_loop3A_1571], %parallel_loop3A_1508 {strides = array<i32>} : memref<24576xf32, #tpu.memory_space<vmem>>, vector<16xf32>,
      %parallel_loop3A_1573 = arith.constant 1024 : i32
      %parallel_loop3A_1574 = arith.addi %parallel_loop3A_1573, %parallel_loop3A_1493 : i32
      %parallel_loop3A_1575 = arith.index_cast %parallel_loop3A_1574 : i32 to index
      %parallel_loop3A_1576 = tpu.vector_load %arg9[%parallel_loop3A_1575] {strides = array<i32>} : memref<24576xf32, #tpu.memory_space<vmem>>, vector<16xf32>,
      tpu.vector_store %arg9[%parallel_loop3A_1575], %parallel_loop3A_1512 {strides = array<i32>} : memref<24576xf32, #tpu.memory_space<vmem>>, vector<16xf32>,
      %parallel_loop3A_1577 = arith.constant 1536 : i32
      %parallel_loop3A_1578 = arith.addi %parallel_loop3A_1577, %parallel_loop3A_1493 : i32
      %parallel_loop3A_1579 = arith.index_cast %parallel_loop3A_1578 : i32 to index
      %parallel_loop3A_1580 = tpu.vector_load %arg9[%parallel_loop3A_1579] {strides = array<i32>} : memref<24576xf32, #tpu.memory_space<vmem>>, vector<16xf32>,
      tpu.vector_store %arg9[%parallel_loop3A_1579], %parallel_loop3A_1516 {strides = array<i32>} : memref<24576xf32, #tpu.memory_space<vmem>>, vector<16xf32>,
      %parallel_loop3A_1581 = arith.constant 2048 : i32
      %parallel_loop3A_1582 = arith.addi %parallel_loop3A_1581, %parallel_loop3A_1493 : i32
      %parallel_loop3A_1583 = arith.index_cast %parallel_loop3A_1582 : i32 to index
      %parallel_loop3A_1584 = tpu.vector_load %arg9[%parallel_loop3A_1583] {strides = array<i32>} : memref<24576xf32, #tpu.memory_space<vmem>>, vector<16xf32>,
      tpu.vector_store %arg9[%parallel_loop3A_1583], %parallel_loop3A_1520 {strides = array<i32>} : memref<24576xf32, #tpu.memory_space<vmem>>, vector<16xf32>,
      %parallel_loop3A_1585 = arith.constant 2560 : i32
      %parallel_loop3A_1586 = arith.addi %parallel_loop3A_1585, %parallel_loop3A_1493 : i32
      %parallel_loop3A_1587 = arith.index_cast %parallel_loop3A_1586 : i32 to index
      %parallel_loop3A_1588 = tpu.vector_load %arg9[%parallel_loop3A_1587] {strides = array<i32>} : memref<24576xf32, #tpu.memory_space<vmem>>, vector<16xf32>,
      tpu.vector_store %arg9[%parallel_loop3A_1587], %parallel_loop3A_1524 {strides = array<i32>} : memref<24576xf32, #tpu.memory_space<vmem>>, vector<16xf32>,
      %parallel_loop3A_1589 = arith.constant 3072 : i32
      %parallel_loop3A_1590 = arith.addi %parallel_loop3A_1589, %parallel_loop3A_1493 : i32
      %parallel_loop3A_1591 = arith.index_cast %parallel_loop3A_1590 : i32 to index
      %parallel_loop3A_1592 = tpu.vector_load %arg9[%parallel_loop3A_1591] {strides = array<i32>} : memref<24576xf32, #tpu.memory_space<vmem>>, vector<16xf32>,
      tpu.vector_store %arg9[%parallel_loop3A_1591], %parallel_loop3A_1528 {strides = array<i32>} : memref<24576xf32, #tpu.memory_space<vmem>>, vector<16xf32>,
      %parallel_loop3A_1593 = arith.constant 3584 : i32
      %parallel_loop3A_1594 = arith.addi %parallel_loop3A_1593, %parallel_loop3A_1493 : i32
      %parallel_loop3A_1595 = arith.index_cast %parallel_loop3A_1594 : i32 to index
      %parallel_loop3A_1596 = tpu.vector_load %arg9[%parallel_loop3A_1595] {strides = array<i32>} : memref<24576xf32, #tpu.memory_space<vmem>>, vector<16xf32>,
      tpu.vector_store %arg9[%parallel_loop3A_1595], %parallel_loop3A_1532 {strides = array<i32>} : memref<24576xf32, #tpu.memory_space<vmem>>, vector<16xf32>,
      %parallel_loop3A_1597 = arith.constant 4096 : i32
      %parallel_loop3A_1598 = arith.addi %parallel_loop3A_1597, %parallel_loop3A_1493 : i32
      %parallel_loop3A_1599 = arith.index_cast %parallel_loop3A_1598 : i32 to index
      %parallel_loop3A_1600 = tpu.vector_load %arg9[%parallel_loop3A_1599] {strides = array<i32>} : memref<24576xf32, #tpu.memory_space<vmem>>, vector<16xf32>,
      tpu.vector_store %arg9[%parallel_loop3A_1599], %parallel_loop3A_1536 {strides = array<i32>} : memref<24576xf32, #tpu.memory_space<vmem>>, vector<16xf32>,
      %parallel_loop3A_1601 = arith.constant 4608 : i32
      %parallel_loop3A_1602 = arith.addi %parallel_loop3A_1601, %parallel_loop3A_1493 : i32
      %parallel_loop3A_1603 = arith.index_cast %parallel_loop3A_1602 : i32 to index
      %parallel_loop3A_1604 = tpu.vector_load %arg9[%parallel_loop3A_1603] {strides = array<i32>} : memref<24576xf32, #tpu.memory_space<vmem>>, vector<16xf32>,
      tpu.vector_store %arg9[%parallel_loop3A_1603], %parallel_loop3A_1540 {strides = array<i32>} : memref<24576xf32, #tpu.memory_space<vmem>>, vector<16xf32>,
      %parallel_loop3A_1605 = arith.constant 5120 : i32
      %parallel_loop3A_1606 = arith.addi %parallel_loop3A_1605, %parallel_loop3A_1493 : i32
      %parallel_loop3A_1607 = arith.index_cast %parallel_loop3A_1606 : i32 to index
      %parallel_loop3A_1608 = tpu.vector_load %arg9[%parallel_loop3A_1607] {strides = array<i32>} : memref<24576xf32, #tpu.memory_space<vmem>>, vector<16xf32>,
      tpu.vector_store %arg9[%parallel_loop3A_1607], %parallel_loop3A_1544 {strides = array<i32>} : memref<24576xf32, #tpu.memory_space<vmem>>, vector<16xf32>,
      %parallel_loop3A_1609 = arith.constant 5632 : i32
      %parallel_loop3A_1610 = arith.addi %parallel_loop3A_1609, %parallel_loop3A_1493 : i32
      %parallel_loop3A_1611 = arith.index_cast %parallel_loop3A_1610 : i32 to index
      %parallel_loop3A_1612 = tpu.vector_load %arg9[%parallel_loop3A_1611] {strides = array<i32>} : memref<24576xf32, #tpu.memory_space<vmem>>, vector<16xf32>,
      tpu.vector_store %arg9[%parallel_loop3A_1611], %parallel_loop3A_1548 {strides = array<i32>} : memref<24576xf32, #tpu.memory_space<vmem>>, vector<16xf32>,
      %parallel_loop3A_1613 = arith.constant 6144 : i32
      %parallel_loop3A_1614 = arith.addi %parallel_loop3A_1613, %parallel_loop3A_1493 : i32
      %parallel_loop3A_1615 = arith.index_cast %parallel_loop3A_1614 : i32 to index
      %parallel_loop3A_1616 = tpu.vector_load %arg9[%parallel_loop3A_1615] {strides = array<i32>} : memref<24576xf32, #tpu.memory_space<vmem>>, vector<16xf32>,
      tpu.vector_store %arg9[%parallel_loop3A_1615], %parallel_loop3A_1552 {strides = array<i32>} : memref<24576xf32, #tpu.memory_space<vmem>>, vector<16xf32>,
      %parallel_loop3A_1617 = arith.constant 6656 : i32
      %parallel_loop3A_1618 = arith.addi %parallel_loop3A_1617, %parallel_loop3A_1493 : i32
      %parallel_loop3A_1619 = arith.index_cast %parallel_loop3A_1618 : i32 to index
      %parallel_loop3A_1620 = tpu.vector_load %arg9[%parallel_loop3A_1619] {strides = array<i32>} : memref<24576xf32, #tpu.memory_space<vmem>>, vector<16xf32>,
      tpu.vector_store %arg9[%parallel_loop3A_1619], %parallel_loop3A_1556 {strides = array<i32>} : memref<24576xf32, #tpu.memory_space<vmem>>, vector<16xf32>,
      %parallel_loop3A_1621 = arith.constant 7168 : i32
      %parallel_loop3A_1622 = arith.addi %parallel_loop3A_1621, %parallel_loop3A_1493 : i32
      %parallel_loop3A_1623 = arith.index_cast %parallel_loop3A_1622 : i32 to index
      %parallel_loop3A_1624 = tpu.vector_load %arg9[%parallel_loop3A_1623] {strides = array<i32>} : memref<24576xf32, #tpu.memory_space<vmem>>, vector<16xf32>,
      tpu.vector_store %arg9[%parallel_loop3A_1623], %parallel_loop3A_1560 {strides = array<i32>} : memref<24576xf32, #tpu.memory_space<vmem>>, vector<16xf32>,
      %parallel_loop3A_1625 = arith.constant 7680 : i32
      %parallel_loop3A_1626 = arith.addi %parallel_loop3A_1625, %parallel_loop3A_1493 : i32
      %parallel_loop3A_1627 = arith.index_cast %parallel_loop3A_1626 : i32 to index
      %parallel_loop3A_1628 = tpu.vector_load %arg9[%parallel_loop3A_1627] {strides = array<i32>} : memref<24576xf32, #tpu.memory_space<vmem>>, vector<16xf32>,
      tpu.vector_store %arg9[%parallel_loop3A_1627], %parallel_loop3A_1564 {strides = array<i32>} : memref<24576xf32, #tpu.memory_space<vmem>>, vector<16xf32>,
    } {sc.loop_unroll_factor = 1 : i64, sc.parallel_access}
    %dma_start3A_125 = arith.constant 0 : i32
    %dma_start3A_126 = arith.constant 0 : i32
    %dma_start3A_127 = tpu.memref_slice %arg9[%dma_start3A_126] : memref<24576xf32, #tpu.memory_space<vmem>> -> memref<512xf32, #tpu.memory_space<vmem>>
    %dma_start3A_128 = tpu.memref_slice %arg5[%dma_start3A_125, %mul3A_2] : memref<48x16384xf32, #tpu.memory_space<hbm>> -> memref<1x512xf32, #tpu.memory_space<hbm>>
    %dma_start3A_129 = tpu.memref_squeeze %dma_start3A_128 : memref<1x512xf32, #tpu.memory_space<hbm>> -> memref<512xf32, #tpu.memory_space<hbm>>
    %dma_start3A_130 = tpu.memref_slice %arg5[%dma_start3A_125, %mul3A_2] : memref<48x16384xf32, #tpu.memory_space<hbm>> -> memref<1x512xf32, #tpu.memory_space<hbm>>
    %dma_start3A_131 = tpu.memref_squeeze %dma_start3A_130 : memref<1x512xf32, #tpu.memory_space<hbm>> -> memref<512xf32, #tpu.memory_space<hbm>>
    %dma_start3A_132 = arith.constant 0 : i32
    %dma_start3A_133 = tpu.memref_slice %arg9[%dma_start3A_132] : memref<24576xf32, #tpu.memory_space<vmem>> -> memref<512xf32, #tpu.memory_space<vmem>>
    tpu.enqueue_dma source(%dma_start3A_133 : memref<512xf32, #tpu.memory_space<vmem>>) target(%dma_start3A_131 : memref<512xf32, #tpu.memory_space<hbm>>) target_semaphore(%arg11 : memref<!tpu.dma_semaphore, #tpu.memory_space<semaphore_mem>>)
    %dma_start3A_134 = arith.constant 1 : i32
    %dma_start3A_135 = arith.constant 512 : i32
    %dma_start3A_136 = tpu.memref_slice %arg9[%dma_start3A_135] : memref<24576xf32, #tpu.memory_space<vmem>> -> memref<512xf32, #tpu.memory_space<vmem>>
    %dma_start3A_137 = tpu.memref_slice %arg5[%dma_start3A_134, %mul3A_2] : memref<48x16384xf32, #tpu.memory_space<hbm>> -> memref<1x512xf32, #tpu.memory_space<hbm>>
    %dma_start3A_138 = tpu.memref_squeeze %dma_start3A_137 : memref<1x512xf32, #tpu.memory_space<hbm>> -> memref<512xf32, #tpu.memory_space<hbm>>
    %dma_start3A_139 = tpu.memref_slice %arg5[%dma_start3A_134, %mul3A_2] : memref<48x16384xf32, #tpu.memory_space<hbm>> -> memref<1x512xf32, #tpu.memory_space<hbm>>
    %dma_start3A_140 = tpu.memref_squeeze %dma_start3A_139 : memref<1x512xf32, #tpu.memory_space<hbm>> -> memref<512xf32, #tpu.memory_space<hbm>>
    %dma_start3A_141 = arith.constant 512 : i32
    %dma_start3A_142 = tpu.memref_slice %arg9[%dma_start3A_141] : memref<24576xf32, #tpu.memory_space<vmem>> -> memref<512xf32, #tpu.memory_space<vmem>>
    tpu.enqueue_dma source(%dma_start3A_142 : memref<512xf32, #tpu.memory_space<vmem>>) target(%dma_start3A_140 : memref<512xf32, #tpu.memory_space<hbm>>) target_semaphore(%arg11 : memref<!tpu.dma_semaphore, #tpu.memory_space<semaphore_mem>>)
    %dma_start3A_143 = arith.constant 2 : i32
    %dma_start3A_144 = arith.constant 1024 : i32
    %dma_start3A_145 = tpu.memref_slice %arg9[%dma_start3A_144] : memref<24576xf32, #tpu.memory_space<vmem>> -> memref<512xf32, #tpu.memory_space<vmem>>
    %dma_start3A_146 = tpu.memref_slice %arg5[%dma_start3A_143, %mul3A_2] : memref<48x16384xf32, #tpu.memory_space<hbm>> -> memref<1x512xf32, #tpu.memory_space<hbm>>
    %dma_start3A_147 = tpu.memref_squeeze %dma_start3A_146 : memref<1x512xf32, #tpu.memory_space<hbm>> -> memref<512xf32, #tpu.memory_space<hbm>>
    %dma_start3A_148 = tpu.memref_slice %arg5[%dma_start3A_143, %mul3A_2] : memref<48x16384xf32, #tpu.memory_space<hbm>> -> memref<1x512xf32, #tpu.memory_space<hbm>>
    %dma_start3A_149 = tpu.memref_squeeze %dma_start3A_148 : memref<1x512xf32, #tpu.memory_space<hbm>> -> memref<512xf32, #tpu.memory_space<hbm>>
    %dma_start3A_150 = arith.constant 1024 : i32
    %dma_start3A_151 = tpu.memref_slice %arg9[%dma_start3A_150] : memref<24576xf32, #tpu.memory_space<vmem>> -> memref<512xf32, #tpu.memory_space<vmem>>
    tpu.enqueue_dma source(%dma_start3A_151 : memref<512xf32, #tpu.memory_space<vmem>>) target(%dma_start3A_149 : memref<512xf32, #tpu.memory_space<hbm>>) target_semaphore(%arg11 : memref<!tpu.dma_semaphore, #tpu.memory_space<semaphore_mem>>)
    %dma_start3A_152 = arith.constant 3 : i32
    %dma_start3A_153 = arith.constant 1536 : i32
    %dma_start3A_154 = tpu.memref_slice %arg9[%dma_start3A_153] : memref<24576xf32, #tpu.memory_space<vmem>> -> memref<512xf32, #tpu.memory_space<vmem>>
    %dma_start3A_155 = tpu.memref_slice %arg5[%dma_start3A_152, %mul3A_2] : memref<48x16384xf32, #tpu.memory_space<hbm>> -> memref<1x512xf32, #tpu.memory_space<hbm>>
    %dma_start3A_156 = tpu.memref_squeeze %dma_start3A_155 : memref<1x512xf32, #tpu.memory_space<hbm>> -> memref<512xf32, #tpu.memory_space<hbm>>
    %dma_start3A_157 = tpu.memref_slice %arg5[%dma_start3A_152, %mul3A_2] : memref<48x16384xf32, #tpu.memory_space<hbm>> -> memref<1x512xf32, #tpu.memory_space<hbm>>
    %dma_start3A_158 = tpu.memref_squeeze %dma_start3A_157 : memref<1x512xf32, #tpu.memory_space<hbm>> -> memref<512xf32, #tpu.memory_space<hbm>>
    %dma_start3A_159 = arith.constant 1536 : i32
    %dma_start3A_160 = tpu.memref_slice %arg9[%dma_start3A_159] : memref<24576xf32, #tpu.memory_space<vmem>> -> memref<512xf32, #tpu.memory_space<vmem>>
    tpu.enqueue_dma source(%dma_start3A_160 : memref<512xf32, #tpu.memory_space<vmem>>) target(%dma_start3A_158 : memref<512xf32, #tpu.memory_space<hbm>>) target_semaphore(%arg11 : memref<!tpu.dma_semaphore, #tpu.memory_space<semaphore_mem>>)
    %dma_start3A_161 = arith.constant 4 : i32
    %dma_start3A_162 = arith.constant 2048 : i32
    %dma_start3A_163 = tpu.memref_slice %arg9[%dma_start3A_162] : memref<24576xf32, #tpu.memory_space<vmem>> -> memref<512xf32, #tpu.memory_space<vmem>>
    %dma_start3A_164 = tpu.memref_slice %arg5[%dma_start3A_161, %mul3A_2] : memref<48x16384xf32, #tpu.memory_space<hbm>> -> memref<1x512xf32, #tpu.memory_space<hbm>>
    %dma_start3A_165 = tpu.memref_squeeze %dma_start3A_164 : memref<1x512xf32, #tpu.memory_space<hbm>> -> memref<512xf32, #tpu.memory_space<hbm>>
    %dma_start3A_166 = tpu.memref_slice %arg5[%dma_start3A_161, %mul3A_2] : memref<48x16384xf32, #tpu.memory_space<hbm>> -> memref<1x512xf32, #tpu.memory_space<hbm>>
    %dma_start3A_167 = tpu.memref_squeeze %dma_start3A_166 : memref<1x512xf32, #tpu.memory_space<hbm>> -> memref<512xf32, #tpu.memory_space<hbm>>
    %dma_start3A_168 = arith.constant 2048 : i32
    %dma_start3A_169 = tpu.memref_slice %arg9[%dma_start3A_168] : memref<24576xf32, #tpu.memory_space<vmem>> -> memref<512xf32, #tpu.memory_space<vmem>>
    tpu.enqueue_dma source(%dma_start3A_169 : memref<512xf32, #tpu.memory_space<vmem>>) target(%dma_start3A_167 : memref<512xf32, #tpu.memory_space<hbm>>) target_semaphore(%arg11 : memref<!tpu.dma_semaphore, #tpu.memory_space<semaphore_mem>>)
    %dma_start3A_170 = arith.constant 5 : i32
    %dma_start3A_171 = arith.constant 2560 : i32
    %dma_start3A_172 = tpu.memref_slice %arg9[%dma_start3A_171] : memref<24576xf32, #tpu.memory_space<vmem>> -> memref<512xf32, #tpu.memory_space<vmem>>
    %dma_start3A_173 = tpu.memref_slice %arg5[%dma_start3A_170, %mul3A_2] : memref<48x16384xf32, #tpu.memory_space<hbm>> -> memref<1x512xf32, #tpu.memory_space<hbm>>
    %dma_start3A_174 = tpu.memref_squeeze %dma_start3A_173 : memref<1x512xf32, #tpu.memory_space<hbm>> -> memref<512xf32, #tpu.memory_space<hbm>>
    %dma_start3A_175 = tpu.memref_slice %arg5[%dma_start3A_170, %mul3A_2] : memref<48x16384xf32, #tpu.memory_space<hbm>> -> memref<1x512xf32, #tpu.memory_space<hbm>>
    %dma_start3A_176 = tpu.memref_squeeze %dma_start3A_175 : memref<1x512xf32, #tpu.memory_space<hbm>> -> memref<512xf32, #tpu.memory_space<hbm>>
    %dma_start3A_177 = arith.constant 2560 : i32
    %dma_start3A_178 = tpu.memref_slice %arg9[%dma_start3A_177] : memref<24576xf32, #tpu.memory_space<vmem>> -> memref<512xf32, #tpu.memory_space<vmem>>
    tpu.enqueue_dma source(%dma_start3A_178 : memref<512xf32, #tpu.memory_space<vmem>>) target(%dma_start3A_176 : memref<512xf32, #tpu.memory_space<hbm>>) target_semaphore(%arg11 : memref<!tpu.dma_semaphore, #tpu.memory_space<semaphore_mem>>)
    %dma_start3A_179 = arith.constant 6 : i32
    %dma_start3A_180 = arith.constant 3072 : i32
    %dma_start3A_181 = tpu.memref_slice %arg9[%dma_start3A_180] : memref<24576xf32, #tpu.memory_space<vmem>> -> memref<512xf32, #tpu.memory_space<vmem>>
    %dma_start3A_182 = tpu.memref_slice %arg5[%dma_start3A_179, %mul3A_2] : memref<48x16384xf32, #tpu.memory_space<hbm>> -> memref<1x512xf32, #tpu.memory_space<hbm>>
    %dma_start3A_183 = tpu.memref_squeeze %dma_start3A_182 : memref<1x512xf32, #tpu.memory_space<hbm>> -> memref<512xf32, #tpu.memory_space<hbm>>
    %dma_start3A_184 = tpu.memref_slice %arg5[%dma_start3A_179, %mul3A_2] : memref<48x16384xf32, #tpu.memory_space<hbm>> -> memref<1x512xf32, #tpu.memory_space<hbm>>
    %dma_start3A_185 = tpu.memref_squeeze %dma_start3A_184 : memref<1x512xf32, #tpu.memory_space<hbm>> -> memref<512xf32, #tpu.memory_space<hbm>>
    %dma_start3A_186 = arith.constant 3072 : i32
    %dma_start3A_187 = tpu.memref_slice %arg9[%dma_start3A_186] : memref<24576xf32, #tpu.memory_space<vmem>> -> memref<512xf32, #tpu.memory_space<vmem>>
    tpu.enqueue_dma source(%dma_start3A_187 : memref<512xf32, #tpu.memory_space<vmem>>) target(%dma_start3A_185 : memref<512xf32, #tpu.memory_space<hbm>>) target_semaphore(%arg11 : memref<!tpu.dma_semaphore, #tpu.memory_space<semaphore_mem>>)
    %dma_start3A_188 = arith.constant 7 : i32
    %dma_start3A_189 = arith.constant 3584 : i32
    %dma_start3A_190 = tpu.memref_slice %arg9[%dma_start3A_189] : memref<24576xf32, #tpu.memory_space<vmem>> -> memref<512xf32, #tpu.memory_space<vmem>>
    %dma_start3A_191 = tpu.memref_slice %arg5[%dma_start3A_188, %mul3A_2] : memref<48x16384xf32, #tpu.memory_space<hbm>> -> memref<1x512xf32, #tpu.memory_space<hbm>>
    %dma_start3A_192 = tpu.memref_squeeze %dma_start3A_191 : memref<1x512xf32, #tpu.memory_space<hbm>> -> memref<512xf32, #tpu.memory_space<hbm>>
    %dma_start3A_193 = tpu.memref_slice %arg5[%dma_start3A_188, %mul3A_2] : memref<48x16384xf32, #tpu.memory_space<hbm>> -> memref<1x512xf32, #tpu.memory_space<hbm>>
    %dma_start3A_194 = tpu.memref_squeeze %dma_start3A_193 : memref<1x512xf32, #tpu.memory_space<hbm>> -> memref<512xf32, #tpu.memory_space<hbm>>
    %dma_start3A_195 = arith.constant 3584 : i32
    %dma_start3A_196 = tpu.memref_slice %arg9[%dma_start3A_195] : memref<24576xf32, #tpu.memory_space<vmem>> -> memref<512xf32, #tpu.memory_space<vmem>>
    tpu.enqueue_dma source(%dma_start3A_196 : memref<512xf32, #tpu.memory_space<vmem>>) target(%dma_start3A_194 : memref<512xf32, #tpu.memory_space<hbm>>) target_semaphore(%arg11 : memref<!tpu.dma_semaphore, #tpu.memory_space<semaphore_mem>>)
    %dma_start3A_197 = arith.constant 8 : i32
    %dma_start3A_198 = arith.constant 4096 : i32
    %dma_start3A_199 = tpu.memref_slice %arg9[%dma_start3A_198] : memref<24576xf32, #tpu.memory_space<vmem>> -> memref<512xf32, #tpu.memory_space<vmem>>
    %dma_start3A_200 = tpu.memref_slice %arg5[%dma_start3A_197, %mul3A_2] : memref<48x16384xf32, #tpu.memory_space<hbm>> -> memref<1x512xf32, #tpu.memory_space<hbm>>
    %dma_start3A_201 = tpu.memref_squeeze %dma_start3A_200 : memref<1x512xf32, #tpu.memory_space<hbm>> -> memref<512xf32, #tpu.memory_space<hbm>>
    %dma_start3A_202 = tpu.memref_slice %arg5[%dma_start3A_197, %mul3A_2] : memref<48x16384xf32, #tpu.memory_space<hbm>> -> memref<1x512xf32, #tpu.memory_space<hbm>>
    %dma_start3A_203 = tpu.memref_squeeze %dma_start3A_202 : memref<1x512xf32, #tpu.memory_space<hbm>> -> memref<512xf32, #tpu.memory_space<hbm>>
    %dma_start3A_204 = arith.constant 4096 : i32
    %dma_start3A_205 = tpu.memref_slice %arg9[%dma_start3A_204] : memref<24576xf32, #tpu.memory_space<vmem>> -> memref<512xf32, #tpu.memory_space<vmem>>
    tpu.enqueue_dma source(%dma_start3A_205 : memref<512xf32, #tpu.memory_space<vmem>>) target(%dma_start3A_203 : memref<512xf32, #tpu.memory_space<hbm>>) target_semaphore(%arg11 : memref<!tpu.dma_semaphore, #tpu.memory_space<semaphore_mem>>)
    %dma_start3A_206 = arith.constant 9 : i32
    %dma_start3A_207 = arith.constant 4608 : i32
    %dma_start3A_208 = tpu.memref_slice %arg9[%dma_start3A_207] : memref<24576xf32, #tpu.memory_space<vmem>> -> memref<512xf32, #tpu.memory_space<vmem>>
    %dma_start3A_209 = tpu.memref_slice %arg5[%dma_start3A_206, %mul3A_2] : memref<48x16384xf32, #tpu.memory_space<hbm>> -> memref<1x512xf32, #tpu.memory_space<hbm>>
    %dma_start3A_210 = tpu.memref_squeeze %dma_start3A_209 : memref<1x512xf32, #tpu.memory_space<hbm>> -> memref<512xf32, #tpu.memory_space<hbm>>
    %dma_start3A_211 = tpu.memref_slice %arg5[%dma_start3A_206, %mul3A_2] : memref<48x16384xf32, #tpu.memory_space<hbm>> -> memref<1x512xf32, #tpu.memory_space<hbm>>
    %dma_start3A_212 = tpu.memref_squeeze %dma_start3A_211 : memref<1x512xf32, #tpu.memory_space<hbm>> -> memref<512xf32, #tpu.memory_space<hbm>>
    %dma_start3A_213 = arith.constant 4608 : i32
    %dma_start3A_214 = tpu.memref_slice %arg9[%dma_start3A_213] : memref<24576xf32, #tpu.memory_space<vmem>> -> memref<512xf32, #tpu.memory_space<vmem>>
    tpu.enqueue_dma source(%dma_start3A_214 : memref<512xf32, #tpu.memory_space<vmem>>) target(%dma_start3A_212 : memref<512xf32, #tpu.memory_space<hbm>>) target_semaphore(%arg11 : memref<!tpu.dma_semaphore, #tpu.memory_space<semaphore_mem>>)
    %dma_start3A_215 = arith.constant 10 : i32
    %dma_start3A_216 = arith.constant 5120 : i32
    %dma_start3A_217 = tpu.memref_slice %arg9[%dma_start3A_216] : memref<24576xf32, #tpu.memory_space<vmem>> -> memref<512xf32, #tpu.memory_space<vmem>>
    %dma_start3A_218 = tpu.memref_slice %arg5[%dma_start3A_215, %mul3A_2] : memref<48x16384xf32, #tpu.memory_space<hbm>> -> memref<1x512xf32, #tpu.memory_space<hbm>>
    %dma_start3A_219 = tpu.memref_squeeze %dma_start3A_218 : memref<1x512xf32, #tpu.memory_space<hbm>> -> memref<512xf32, #tpu.memory_space<hbm>>
    %dma_start3A_220 = tpu.memref_slice %arg5[%dma_start3A_215, %mul3A_2] : memref<48x16384xf32, #tpu.memory_space<hbm>> -> memref<1x512xf32, #tpu.memory_space<hbm>>
    %dma_start3A_221 = tpu.memref_squeeze %dma_start3A_220 : memref<1x512xf32, #tpu.memory_space<hbm>> -> memref<512xf32, #tpu.memory_space<hbm>>
    %dma_start3A_222 = arith.constant 5120 : i32
    %dma_start3A_223 = tpu.memref_slice %arg9[%dma_start3A_222] : memref<24576xf32, #tpu.memory_space<vmem>> -> memref<512xf32, #tpu.memory_space<vmem>>
    tpu.enqueue_dma source(%dma_start3A_223 : memref<512xf32, #tpu.memory_space<vmem>>) target(%dma_start3A_221 : memref<512xf32, #tpu.memory_space<hbm>>) target_semaphore(%arg11 : memref<!tpu.dma_semaphore, #tpu.memory_space<semaphore_mem>>)
    %dma_start3A_224 = arith.constant 11 : i32
    %dma_start3A_225 = arith.constant 5632 : i32
    %dma_start3A_226 = tpu.memref_slice %arg9[%dma_start3A_225] : memref<24576xf32, #tpu.memory_space<vmem>> -> memref<512xf32, #tpu.memory_space<vmem>>
    %dma_start3A_227 = tpu.memref_slice %arg5[%dma_start3A_224, %mul3A_2] : memref<48x16384xf32, #tpu.memory_space<hbm>> -> memref<1x512xf32, #tpu.memory_space<hbm>>
    %dma_start3A_228 = tpu.memref_squeeze %dma_start3A_227 : memref<1x512xf32, #tpu.memory_space<hbm>> -> memref<512xf32, #tpu.memory_space<hbm>>
    %dma_start3A_229 = tpu.memref_slice %arg5[%dma_start3A_224, %mul3A_2] : memref<48x16384xf32, #tpu.memory_space<hbm>> -> memref<1x512xf32, #tpu.memory_space<hbm>>
    %dma_start3A_230 = tpu.memref_squeeze %dma_start3A_229 : memref<1x512xf32, #tpu.memory_space<hbm>> -> memref<512xf32, #tpu.memory_space<hbm>>
    %dma_start3A_231 = arith.constant 5632 : i32
    %dma_start3A_232 = tpu.memref_slice %arg9[%dma_start3A_231] : memref<24576xf32, #tpu.memory_space<vmem>> -> memref<512xf32, #tpu.memory_space<vmem>>
    tpu.enqueue_dma source(%dma_start3A_232 : memref<512xf32, #tpu.memory_space<vmem>>) target(%dma_start3A_230 : memref<512xf32, #tpu.memory_space<hbm>>) target_semaphore(%arg11 : memref<!tpu.dma_semaphore, #tpu.memory_space<semaphore_mem>>)
    %dma_start3A_233 = arith.constant 12 : i32
    %dma_start3A_234 = arith.constant 6144 : i32
    %dma_start3A_235 = tpu.memref_slice %arg9[%dma_start3A_234] : memref<24576xf32, #tpu.memory_space<vmem>> -> memref<512xf32, #tpu.memory_space<vmem>>
    %dma_start3A_236 = tpu.memref_slice %arg5[%dma_start3A_233, %mul3A_2] : memref<48x16384xf32, #tpu.memory_space<hbm>> -> memref<1x512xf32, #tpu.memory_space<hbm>>
    %dma_start3A_237 = tpu.memref_squeeze %dma_start3A_236 : memref<1x512xf32, #tpu.memory_space<hbm>> -> memref<512xf32, #tpu.memory_space<hbm>>
    %dma_start3A_238 = tpu.memref_slice %arg5[%dma_start3A_233, %mul3A_2] : memref<48x16384xf32, #tpu.memory_space<hbm>> -> memref<1x512xf32, #tpu.memory_space<hbm>>
    %dma_start3A_239 = tpu.memref_squeeze %dma_start3A_238 : memref<1x512xf32, #tpu.memory_space<hbm>> -> memref<512xf32, #tpu.memory_space<hbm>>
    %dma_start3A_240 = arith.constant 6144 : i32
    %dma_start3A_241 = tpu.memref_slice %arg9[%dma_start3A_240] : memref<24576xf32, #tpu.memory_space<vmem>> -> memref<512xf32, #tpu.memory_space<vmem>>
    tpu.enqueue_dma source(%dma_start3A_241 : memref<512xf32, #tpu.memory_space<vmem>>) target(%dma_start3A_239 : memref<512xf32, #tpu.memory_space<hbm>>) target_semaphore(%arg11 : memref<!tpu.dma_semaphore, #tpu.memory_space<semaphore_mem>>)
    %dma_start3A_242 = arith.constant 13 : i32
    %dma_start3A_243 = arith.constant 6656 : i32
    %dma_start3A_244 = tpu.memref_slice %arg9[%dma_start3A_243] : memref<24576xf32, #tpu.memory_space<vmem>> -> memref<512xf32, #tpu.memory_space<vmem>>
    %dma_start3A_245 = tpu.memref_slice %arg5[%dma_start3A_242, %mul3A_2] : memref<48x16384xf32, #tpu.memory_space<hbm>> -> memref<1x512xf32, #tpu.memory_space<hbm>>
    %dma_start3A_246 = tpu.memref_squeeze %dma_start3A_245 : memref<1x512xf32, #tpu.memory_space<hbm>> -> memref<512xf32, #tpu.memory_space<hbm>>
    %dma_start3A_247 = tpu.memref_slice %arg5[%dma_start3A_242, %mul3A_2] : memref<48x16384xf32, #tpu.memory_space<hbm>> -> memref<1x512xf32, #tpu.memory_space<hbm>>
    %dma_start3A_248 = tpu.memref_squeeze %dma_start3A_247 : memref<1x512xf32, #tpu.memory_space<hbm>> -> memref<512xf32, #tpu.memory_space<hbm>>
    %dma_start3A_249 = arith.constant 6656 : i32
    %dma_start3A_250 = tpu.memref_slice %arg9[%dma_start3A_249] : memref<24576xf32, #tpu.memory_space<vmem>> -> memref<512xf32, #tpu.memory_space<vmem>>
    tpu.enqueue_dma source(%dma_start3A_250 : memref<512xf32, #tpu.memory_space<vmem>>) target(%dma_start3A_248 : memref<512xf32, #tpu.memory_space<hbm>>) target_semaphore(%arg11 : memref<!tpu.dma_semaphore, #tpu.memory_space<semaphore_mem>>)
    %dma_start3A_251 = arith.constant 14 : i32
    %dma_start3A_252 = arith.constant 7168 : i32
    %dma_start3A_253 = tpu.memref_slice %arg9[%dma_start3A_252] : memref<24576xf32, #tpu.memory_space<vmem>> -> memref<512xf32, #tpu.memory_space<vmem>>
    %dma_start3A_254 = tpu.memref_slice %arg5[%dma_start3A_251, %mul3A_2] : memref<48x16384xf32, #tpu.memory_space<hbm>> -> memref<1x512xf32, #tpu.memory_space<hbm>>
    %dma_start3A_255 = tpu.memref_squeeze %dma_start3A_254 : memref<1x512xf32, #tpu.memory_space<hbm>> -> memref<512xf32, #tpu.memory_space<hbm>>
    %dma_start3A_256 = tpu.memref_slice %arg5[%dma_start3A_251, %mul3A_2] : memref<48x16384xf32, #tpu.memory_space<hbm>> -> memref<1x512xf32, #tpu.memory_space<hbm>>
    %dma_start3A_257 = tpu.memref_squeeze %dma_start3A_256 : memref<1x512xf32, #tpu.memory_space<hbm>> -> memref<512xf32, #tpu.memory_space<hbm>>
    %dma_start3A_258 = arith.constant 7168 : i32
    %dma_start3A_259 = tpu.memref_slice %arg9[%dma_start3A_258] : memref<24576xf32, #tpu.memory_space<vmem>> -> memref<512xf32, #tpu.memory_space<vmem>>
    tpu.enqueue_dma source(%dma_start3A_259 : memref<512xf32, #tpu.memory_space<vmem>>) target(%dma_start3A_257 : memref<512xf32, #tpu.memory_space<hbm>>) target_semaphore(%arg11 : memref<!tpu.dma_semaphore, #tpu.memory_space<semaphore_mem>>)
    %dma_start3A_260 = arith.constant 15 : i32
    %dma_start3A_261 = arith.constant 7680 : i32
    %dma_start3A_262 = tpu.memref_slice %arg9[%dma_start3A_261] : memref<24576xf32, #tpu.memory_space<vmem>> -> memref<512xf32, #tpu.memory_space<vmem>>
    %dma_start3A_263 = tpu.memref_slice %arg5[%dma_start3A_260, %mul3A_2] : memref<48x16384xf32, #tpu.memory_space<hbm>> -> memref<1x512xf32, #tpu.memory_space<hbm>>
    %dma_start3A_264 = tpu.memref_squeeze %dma_start3A_263 : memref<1x512xf32, #tpu.memory_space<hbm>> -> memref<512xf32, #tpu.memory_space<hbm>>
    %dma_start3A_265 = tpu.memref_slice %arg5[%dma_start3A_260, %mul3A_2] : memref<48x16384xf32, #tpu.memory_space<hbm>> -> memref<1x512xf32, #tpu.memory_space<hbm>>
    %dma_start3A_266 = tpu.memref_squeeze %dma_start3A_265 : memref<1x512xf32, #tpu.memory_space<hbm>> -> memref<512xf32, #tpu.memory_space<hbm>>
    %dma_start3A_267 = arith.constant 7680 : i32
    %dma_start3A_268 = tpu.memref_slice %arg9[%dma_start3A_267] : memref<24576xf32, #tpu.memory_space<vmem>> -> memref<512xf32, #tpu.memory_space<vmem>>
    tpu.enqueue_dma source(%dma_start3A_268 : memref<512xf32, #tpu.memory_space<vmem>>) target(%dma_start3A_266 : memref<512xf32, #tpu.memory_space<hbm>>) target_semaphore(%arg11 : memref<!tpu.dma_semaphore, #tpu.memory_space<semaphore_mem>>)
    %dma_wait3A_269 = arith.constant 0 : i32
    %dma_wait3A_270 = arith.constant 0 : i32
    %dma_wait3A_271 = arith.constant 0 : i32
    %dma_wait3A_272 = arith.constant 0 : i32
    %dma_wait3A_273 = tpu.memref_slice %arg10[%dma_wait3A_270, %dma_wait3A_271, %dma_wait3A_272] : memref<5x20x512xf32, #tpu.memory_space<vmem>> -> memref<1x20x512xf32, #tpu.memory_space<vmem>>
    %dma_wait3A_274 = tpu.memref_squeeze %dma_wait3A_273 : memref<1x20x512xf32, #tpu.memory_space<vmem>> -> memref<20x512xf32, #tpu.memory_space<vmem>>
    %dma_wait3A_275 = arith.constant 0 : i32
    %dma_wait3A_276 = tpu.memref_slice %arg4[%dma_wait3A_269, %dma_wait3A_275, %mul3A_2] : memref<9x20x16384xf32, #tpu.memory_space<hbm>> -> memref<1x20x512xf32, #tpu.memory_space<hbm>>
    %dma_wait3A_277 = tpu.memref_squeeze %dma_wait3A_276 : memref<1x20x512xf32, #tpu.memory_space<hbm>> -> memref<20x512xf32, #tpu.memory_space<hbm>>
    %dma_wait3A_278 = arith.constant 0 : i32
    %dma_wait3A_279 = arith.constant 0 : i32
    %dma_wait3A_280 = tpu.memref_slice %arg10[%dma_wait3A_270, %dma_wait3A_278, %dma_wait3A_279] : memref<5x20x512xf32, #tpu.memory_space<vmem>> -> memref<1x20x512xf32, #tpu.memory_space<vmem>>
    %dma_wait3A_281 = tpu.memref_squeeze %dma_wait3A_280 : memref<1x20x512xf32, #tpu.memory_space<vmem>> -> memref<20x512xf32, #tpu.memory_space<vmem>>
    %dma_wait3A_282 = arith.constant 0 : i32
    %dma_wait3A_283 = tpu.memref_slice %arg4[%dma_wait3A_269, %dma_wait3A_282, %mul3A_2] : memref<9x20x16384xf32, #tpu.memory_space<hbm>> -> memref<1x20x512xf32, #tpu.memory_space<hbm>>
    %dma_wait3A_284 = tpu.memref_squeeze %dma_wait3A_283 : memref<1x20x512xf32, #tpu.memory_space<hbm>> -> memref<20x512xf32, #tpu.memory_space<hbm>>
    tpu.wait_dma2 semaphore(%arg12 : memref<!tpu.dma_semaphore, #tpu.memory_space<semaphore_mem>>) src(%dma_wait3A_284 : memref<20x512xf32, #tpu.memory_space<hbm>>) dst(%dma_wait3A_281 : memref<20x512xf32, #tpu.memory_space<vmem>>)
    %dma_start3A_285 = arith.constant 0 : i32
    %dma_start3A_286 = arith.constant 0 : i32
    %dma_start3A_287 = arith.constant 0 : i32
    %dma_start3A_288 = arith.constant 0 : i32
    %dma_start3A_289 = tpu.memref_slice %arg10[%dma_start3A_285, %dma_start3A_287, %dma_start3A_288] : memref<5x20x512xf32, #tpu.memory_space<vmem>> -> memref<1x20x512xf32, #tpu.memory_space<vmem>>
    %dma_start3A_290 = tpu.memref_squeeze %dma_start3A_289 : memref<1x20x512xf32, #tpu.memory_space<vmem>> -> memref<20x512xf32, #tpu.memory_space<vmem>>
    %dma_start3A_291 = arith.constant 0 : i32
    %dma_start3A_292 = tpu.memref_slice %arg6[%dma_start3A_286, %dma_start3A_291, %mul3A_2] : memref<9x20x16384xf32, #tpu.memory_space<hbm>> -> memref<1x20x512xf32, #tpu.memory_space<hbm>>
    %dma_start3A_293 = tpu.memref_squeeze %dma_start3A_292 : memref<1x20x512xf32, #tpu.memory_space<hbm>> -> memref<20x512xf32, #tpu.memory_space<hbm>>
    %dma_start3A_294 = arith.constant 0 : i32
    %dma_start3A_295 = tpu.memref_slice %arg6[%dma_start3A_286, %dma_start3A_294, %mul3A_2] : memref<9x20x16384xf32, #tpu.memory_space<hbm>> -> memref<1x20x512xf32, #tpu.memory_space<hbm>>
    %dma_start3A_296 = tpu.memref_squeeze %dma_start3A_295 : memref<1x20x512xf32, #tpu.memory_space<hbm>> -> memref<20x512xf32, #tpu.memory_space<hbm>>
    %dma_start3A_297 = arith.constant 0 : i32
    %dma_start3A_298 = arith.constant 0 : i32
    %dma_start3A_299 = tpu.memref_slice %arg10[%dma_start3A_285, %dma_start3A_297, %dma_start3A_298] : memref<5x20x512xf32, #tpu.memory_space<vmem>> -> memref<1x20x512xf32, #tpu.memory_space<vmem>>
    %dma_start3A_300 = tpu.memref_squeeze %dma_start3A_299 : memref<1x20x512xf32, #tpu.memory_space<vmem>> -> memref<20x512xf32, #tpu.memory_space<vmem>>
    tpu.enqueue_dma source(%dma_start3A_300 : memref<20x512xf32, #tpu.memory_space<vmem>>) target(%dma_start3A_296 : memref<20x512xf32, #tpu.memory_space<hbm>>) target_semaphore(%arg13 : memref<!tpu.dma_semaphore, #tpu.memory_space<semaphore_mem>>)
    %dma_wait3A_301 = arith.constant 1 : i32
    %dma_wait3A_302 = arith.constant 1 : i32
    %dma_wait3A_303 = arith.constant 0 : i32
    %dma_wait3A_304 = arith.constant 0 : i32
    %dma_wait3A_305 = tpu.memref_slice %arg10[%dma_wait3A_302, %dma_wait3A_303, %dma_wait3A_304] : memref<5x20x512xf32, #tpu.memory_space<vmem>> -> memref<1x20x512xf32, #tpu.memory_space<vmem>>
    %dma_wait3A_306 = tpu.memref_squeeze %dma_wait3A_305 : memref<1x20x512xf32, #tpu.memory_space<vmem>> -> memref<20x512xf32, #tpu.memory_space<vmem>>
    %dma_wait3A_307 = arith.constant 0 : i32
    %dma_wait3A_308 = tpu.memref_slice %arg4[%dma_wait3A_301, %dma_wait3A_307, %mul3A_2] : memref<9x20x16384xf32, #tpu.memory_space<hbm>> -> memref<1x20x512xf32, #tpu.memory_space<hbm>>
    %dma_wait3A_309 = tpu.memref_squeeze %dma_wait3A_308 : memref<1x20x512xf32, #tpu.memory_space<hbm>> -> memref<20x512xf32, #tpu.memory_space<hbm>>
    %dma_wait3A_310 = arith.constant 0 : i32
    %dma_wait3A_311 = arith.constant 0 : i32
    %dma_wait3A_312 = tpu.memref_slice %arg10[%dma_wait3A_302, %dma_wait3A_310, %dma_wait3A_311] : memref<5x20x512xf32, #tpu.memory_space<vmem>> -> memref<1x20x512xf32, #tpu.memory_space<vmem>>
    %dma_wait3A_313 = tpu.memref_squeeze %dma_wait3A_312 : memref<1x20x512xf32, #tpu.memory_space<vmem>> -> memref<20x512xf32, #tpu.memory_space<vmem>>
    %dma_wait3A_314 = arith.constant 0 : i32
    %dma_wait3A_315 = tpu.memref_slice %arg4[%dma_wait3A_301, %dma_wait3A_314, %mul3A_2] : memref<9x20x16384xf32, #tpu.memory_space<hbm>> -> memref<1x20x512xf32, #tpu.memory_space<hbm>>
    %dma_wait3A_316 = tpu.memref_squeeze %dma_wait3A_315 : memref<1x20x512xf32, #tpu.memory_space<hbm>> -> memref<20x512xf32, #tpu.memory_space<hbm>>
    tpu.wait_dma2 semaphore(%arg12 : memref<!tpu.dma_semaphore, #tpu.memory_space<semaphore_mem>>) src(%dma_wait3A_316 : memref<20x512xf32, #tpu.memory_space<hbm>>) dst(%dma_wait3A_313 : memref<20x512xf32, #tpu.memory_space<vmem>>)
    %dma_start3A_317 = arith.constant 1 : i32
    %dma_start3A_318 = arith.constant 1 : i32
    %dma_start3A_319 = arith.constant 0 : i32
    %dma_start3A_320 = arith.constant 0 : i32
    %dma_start3A_321 = tpu.memref_slice %arg10[%dma_start3A_317, %dma_start3A_319, %dma_start3A_320] : memref<5x20x512xf32, #tpu.memory_space<vmem>> -> memref<1x20x512xf32, #tpu.memory_space<vmem>>
    %dma_start3A_322 = tpu.memref_squeeze %dma_start3A_321 : memref<1x20x512xf32, #tpu.memory_space<vmem>> -> memref<20x512xf32, #tpu.memory_space<vmem>>
    %dma_start3A_323 = arith.constant 0 : i32
    %dma_start3A_324 = tpu.memref_slice %arg6[%dma_start3A_318, %dma_start3A_323, %mul3A_2] : memref<9x20x16384xf32, #tpu.memory_space<hbm>> -> memref<1x20x512xf32, #tpu.memory_space<hbm>>
    %dma_start3A_325 = tpu.memref_squeeze %dma_start3A_324 : memref<1x20x512xf32, #tpu.memory_space<hbm>> -> memref<20x512xf32, #tpu.memory_space<hbm>>
    %dma_start3A_326 = arith.constant 0 : i32
    %dma_start3A_327 = tpu.memref_slice %arg6[%dma_start3A_318, %dma_start3A_326, %mul3A_2] : memref<9x20x16384xf32, #tpu.memory_space<hbm>> -> memref<1x20x512xf32, #tpu.memory_space<hbm>>
    %dma_start3A_328 = tpu.memref_squeeze %dma_start3A_327 : memref<1x20x512xf32, #tpu.memory_space<hbm>> -> memref<20x512xf32, #tpu.memory_space<hbm>>
    %dma_start3A_329 = arith.constant 0 : i32
    %dma_start3A_330 = arith.constant 0 : i32
    %dma_start3A_331 = tpu.memref_slice %arg10[%dma_start3A_317, %dma_start3A_329, %dma_start3A_330] : memref<5x20x512xf32, #tpu.memory_space<vmem>> -> memref<1x20x512xf32, #tpu.memory_space<vmem>>
    %dma_start3A_332 = tpu.memref_squeeze %dma_start3A_331 : memref<1x20x512xf32, #tpu.memory_space<vmem>> -> memref<20x512xf32, #tpu.memory_space<vmem>>
    tpu.enqueue_dma source(%dma_start3A_332 : memref<20x512xf32, #tpu.memory_space<vmem>>) target(%dma_start3A_328 : memref<20x512xf32, #tpu.memory_space<hbm>>) target_semaphore(%arg13 : memref<!tpu.dma_semaphore, #tpu.memory_space<semaphore_mem>>)
    %dma_wait3A_333 = arith.constant 2 : i32
    %dma_wait3A_334 = arith.constant 2 : i32
    %dma_wait3A_335 = arith.constant 0 : i32
    %dma_wait3A_336 = arith.constant 0 : i32
    %dma_wait3A_337 = tpu.memref_slice %arg10[%dma_wait3A_334, %dma_wait3A_335, %dma_wait3A_336] : memref<5x20x512xf32, #tpu.memory_space<vmem>> -> memref<1x20x512xf32, #tpu.memory_space<vmem>>
    %dma_wait3A_338 = tpu.memref_squeeze %dma_wait3A_337 : memref<1x20x512xf32, #tpu.memory_space<vmem>> -> memref<20x512xf32, #tpu.memory_space<vmem>>
    %dma_wait3A_339 = arith.constant 0 : i32
    %dma_wait3A_340 = tpu.memref_slice %arg4[%dma_wait3A_333, %dma_wait3A_339, %mul3A_2] : memref<9x20x16384xf32, #tpu.memory_space<hbm>> -> memref<1x20x512xf32, #tpu.memory_space<hbm>>
    %dma_wait3A_341 = tpu.memref_squeeze %dma_wait3A_340 : memref<1x20x512xf32, #tpu.memory_space<hbm>> -> memref<20x512xf32, #tpu.memory_space<hbm>>
    %dma_wait3A_342 = arith.constant 0 : i32
    %dma_wait3A_343 = arith.constant 0 : i32
    %dma_wait3A_344 = tpu.memref_slice %arg10[%dma_wait3A_334, %dma_wait3A_342, %dma_wait3A_343] : memref<5x20x512xf32, #tpu.memory_space<vmem>> -> memref<1x20x512xf32, #tpu.memory_space<vmem>>
    %dma_wait3A_345 = tpu.memref_squeeze %dma_wait3A_344 : memref<1x20x512xf32, #tpu.memory_space<vmem>> -> memref<20x512xf32, #tpu.memory_space<vmem>>
    %dma_wait3A_346 = arith.constant 0 : i32
    %dma_wait3A_347 = tpu.memref_slice %arg4[%dma_wait3A_333, %dma_wait3A_346, %mul3A_2] : memref<9x20x16384xf32, #tpu.memory_space<hbm>> -> memref<1x20x512xf32, #tpu.memory_space<hbm>>
    %dma_wait3A_348 = tpu.memref_squeeze %dma_wait3A_347 : memref<1x20x512xf32, #tpu.memory_space<hbm>> -> memref<20x512xf32, #tpu.memory_space<hbm>>
    tpu.wait_dma2 semaphore(%arg12 : memref<!tpu.dma_semaphore, #tpu.memory_space<semaphore_mem>>) src(%dma_wait3A_348 : memref<20x512xf32, #tpu.memory_space<hbm>>) dst(%dma_wait3A_345 : memref<20x512xf32, #tpu.memory_space<vmem>>)
    %dma_start3A_349 = arith.constant 2 : i32
    %dma_start3A_350 = arith.constant 2 : i32
    %dma_start3A_351 = arith.constant 0 : i32
    %dma_start3A_352 = arith.constant 0 : i32
    %dma_start3A_353 = tpu.memref_slice %arg10[%dma_start3A_349, %dma_start3A_351, %dma_start3A_352] : memref<5x20x512xf32, #tpu.memory_space<vmem>> -> memref<1x20x512xf32, #tpu.memory_space<vmem>>
    %dma_start3A_354 = tpu.memref_squeeze %dma_start3A_353 : memref<1x20x512xf32, #tpu.memory_space<vmem>> -> memref<20x512xf32, #tpu.memory_space<vmem>>
    %dma_start3A_355 = arith.constant 0 : i32
    %dma_start3A_356 = tpu.memref_slice %arg6[%dma_start3A_350, %dma_start3A_355, %mul3A_2] : memref<9x20x16384xf32, #tpu.memory_space<hbm>> -> memref<1x20x512xf32, #tpu.memory_space<hbm>>
    %dma_start3A_357 = tpu.memref_squeeze %dma_start3A_356 : memref<1x20x512xf32, #tpu.memory_space<hbm>> -> memref<20x512xf32, #tpu.memory_space<hbm>>
    %dma_start3A_358 = arith.constant 0 : i32
    %dma_start3A_359 = tpu.memref_slice %arg6[%dma_start3A_350, %dma_start3A_358, %mul3A_2] : memref<9x20x16384xf32, #tpu.memory_space<hbm>> -> memref<1x20x512xf32, #tpu.memory_space<hbm>>
    %dma_start3A_360 = tpu.memref_squeeze %dma_start3A_359 : memref<1x20x512xf32, #tpu.memory_space<hbm>> -> memref<20x512xf32, #tpu.memory_space<hbm>>
    %dma_start3A_361 = arith.constant 0 : i32
    %dma_start3A_362 = arith.constant 0 : i32
    %dma_start3A_363 = tpu.memref_slice %arg10[%dma_start3A_349, %dma_start3A_361, %dma_start3A_362] : memref<5x20x512xf32, #tpu.memory_space<vmem>> -> memref<1x20x512xf32, #tpu.memory_space<vmem>>
    %dma_start3A_364 = tpu.memref_squeeze %dma_start3A_363 : memref<1x20x512xf32, #tpu.memory_space<vmem>> -> memref<20x512xf32, #tpu.memory_space<vmem>>
    tpu.enqueue_dma source(%dma_start3A_364 : memref<20x512xf32, #tpu.memory_space<vmem>>) target(%dma_start3A_360 : memref<20x512xf32, #tpu.memory_space<hbm>>) target_semaphore(%arg13 : memref<!tpu.dma_semaphore, #tpu.memory_space<semaphore_mem>>)
    %parallel_loop3A_365 = arith.constant 0 : i32
    %parallel_loop3A_366 = arith.constant 32 : i32
    %parallel_loop3A_367 = arith.constant 1 : i32
    scf.for %parallel_loop3A_1491 = %parallel_loop3A_365 to %parallel_loop3A_366 step %parallel_loop3A_367  : i32 {
      %parallel_loop3A_1492 = arith.constant 16 : i32
      %parallel_loop3A_1493 = arith.muli %parallel_loop3A_1491, %parallel_loop3A_1492 : i32
      %parallel_loop3A_1494 = arith.constant 512 : i32
      %parallel_loop3A_1495 = arith.addi %parallel_loop3A_1494, %parallel_loop3A_1493 : i32
      %parallel_loop3A_1496 = arith.index_cast %parallel_loop3A_1495 : i32 to index
      %parallel_loop3A_1497 = tpu.vector_load %arg7[%parallel_loop3A_1496] {strides = array<i32>} : memref<1536xi32, #tpu.memory_space<vmem>>, vector<16xi32>,
      %parallel_loop3A_1498 = arith.constant 16 : i32
      %parallel_loop3A_1499 = vector.broadcast %parallel_loop3A_1498 : i32 to vector<16xi32>
      %parallel_loop3A_1500 = arith.muli %parallel_loop3A_1497, %parallel_loop3A_1499 : vector<16xi32>
      %parallel_loop3A_1501 = arith.constant 0 : i32
      %parallel_loop3A_1502 = vector.broadcast %parallel_loop3A_1501 : i32 to vector<16xi32>
      %parallel_loop3A_1503 = arith.addi %parallel_loop3A_1500, %parallel_loop3A_1502 : vector<16xi32>
      %parallel_loop3A_1504 = tpu.vector_load_idx %arg8[%parallel_loop3A_1503] : memref<16384xf32, #tpu.memory_space<vmem>>[vector<16xi32>], vector<16xf32>,
      %parallel_loop3A_1505 = arith.constant 1 : i32
      %parallel_loop3A_1506 = vector.broadcast %parallel_loop3A_1505 : i32 to vector<16xi32>
      %parallel_loop3A_1507 = arith.addi %parallel_loop3A_1500, %parallel_loop3A_1506 : vector<16xi32>
      %parallel_loop3A_1508 = tpu.vector_load_idx %arg8[%parallel_loop3A_1507] : memref<16384xf32, #tpu.memory_space<vmem>>[vector<16xi32>], vector<16xf32>,
      %parallel_loop3A_1509 = arith.constant 2 : i32
      %parallel_loop3A_1510 = vector.broadcast %parallel_loop3A_1509 : i32 to vector<16xi32>
      %parallel_loop3A_1511 = arith.addi %parallel_loop3A_1500, %parallel_loop3A_1510 : vector<16xi32>
      %parallel_loop3A_1512 = tpu.vector_load_idx %arg8[%parallel_loop3A_1511] : memref<16384xf32, #tpu.memory_space<vmem>>[vector<16xi32>], vector<16xf32>,
      %parallel_loop3A_1513 = arith.constant 3 : i32
      %parallel_loop3A_1514 = vector.broadcast %parallel_loop3A_1513 : i32 to vector<16xi32>
      %parallel_loop3A_1515 = arith.addi %parallel_loop3A_1500, %parallel_loop3A_1514 : vector<16xi32>
      %parallel_loop3A_1516 = tpu.vector_load_idx %arg8[%parallel_loop3A_1515] : memref<16384xf32, #tpu.memory_space<vmem>>[vector<16xi32>], vector<16xf32>,
      %parallel_loop3A_1517 = arith.constant 4 : i32
      %parallel_loop3A_1518 = vector.broadcast %parallel_loop3A_1517 : i32 to vector<16xi32>
      %parallel_loop3A_1519 = arith.addi %parallel_loop3A_1500, %parallel_loop3A_1518 : vector<16xi32>
      %parallel_loop3A_1520 = tpu.vector_load_idx %arg8[%parallel_loop3A_1519] : memref<16384xf32, #tpu.memory_space<vmem>>[vector<16xi32>], vector<16xf32>,
      %parallel_loop3A_1521 = arith.constant 5 : i32
      %parallel_loop3A_1522 = vector.broadcast %parallel_loop3A_1521 : i32 to vector<16xi32>
      %parallel_loop3A_1523 = arith.addi %parallel_loop3A_1500, %parallel_loop3A_1522 : vector<16xi32>
      %parallel_loop3A_1524 = tpu.vector_load_idx %arg8[%parallel_loop3A_1523] : memref<16384xf32, #tpu.memory_space<vmem>>[vector<16xi32>], vector<16xf32>,
      %parallel_loop3A_1525 = arith.constant 6 : i32
      %parallel_loop3A_1526 = vector.broadcast %parallel_loop3A_1525 : i32 to vector<16xi32>
      %parallel_loop3A_1527 = arith.addi %parallel_loop3A_1500, %parallel_loop3A_1526 : vector<16xi32>
      %parallel_loop3A_1528 = tpu.vector_load_idx %arg8[%parallel_loop3A_1527] : memref<16384xf32, #tpu.memory_space<vmem>>[vector<16xi32>], vector<16xf32>,
      %parallel_loop3A_1529 = arith.constant 7 : i32
      %parallel_loop3A_1530 = vector.broadcast %parallel_loop3A_1529 : i32 to vector<16xi32>
      %parallel_loop3A_1531 = arith.addi %parallel_loop3A_1500, %parallel_loop3A_1530 : vector<16xi32>
      %parallel_loop3A_1532 = tpu.vector_load_idx %arg8[%parallel_loop3A_1531] : memref<16384xf32, #tpu.memory_space<vmem>>[vector<16xi32>], vector<16xf32>,
      %parallel_loop3A_1533 = arith.constant 8 : i32
      %parallel_loop3A_1534 = vector.broadcast %parallel_loop3A_1533 : i32 to vector<16xi32>
      %parallel_loop3A_1535 = arith.addi %parallel_loop3A_1500, %parallel_loop3A_1534 : vector<16xi32>
      %parallel_loop3A_1536 = tpu.vector_load_idx %arg8[%parallel_loop3A_1535] : memref<16384xf32, #tpu.memory_space<vmem>>[vector<16xi32>], vector<16xf32>,
      %parallel_loop3A_1537 = arith.constant 9 : i32
      %parallel_loop3A_1538 = vector.broadcast %parallel_loop3A_1537 : i32 to vector<16xi32>
      %parallel_loop3A_1539 = arith.addi %parallel_loop3A_1500, %parallel_loop3A_1538 : vector<16xi32>
      %parallel_loop3A_1540 = tpu.vector_load_idx %arg8[%parallel_loop3A_1539] : memref<16384xf32, #tpu.memory_space<vmem>>[vector<16xi32>], vector<16xf32>,
      %parallel_loop3A_1541 = arith.constant 10 : i32
      %parallel_loop3A_1542 = vector.broadcast %parallel_loop3A_1541 : i32 to vector<16xi32>
      %parallel_loop3A_1543 = arith.addi %parallel_loop3A_1500, %parallel_loop3A_1542 : vector<16xi32>
      %parallel_loop3A_1544 = tpu.vector_load_idx %arg8[%parallel_loop3A_1543] : memref<16384xf32, #tpu.memory_space<vmem>>[vector<16xi32>], vector<16xf32>,
      %parallel_loop3A_1545 = arith.constant 11 : i32
      %parallel_loop3A_1546 = vector.broadcast %parallel_loop3A_1545 : i32 to vector<16xi32>
      %parallel_loop3A_1547 = arith.addi %parallel_loop3A_1500, %parallel_loop3A_1546 : vector<16xi32>
      %parallel_loop3A_1548 = tpu.vector_load_idx %arg8[%parallel_loop3A_1547] : memref<16384xf32, #tpu.memory_space<vmem>>[vector<16xi32>], vector<16xf32>,
      %parallel_loop3A_1549 = arith.constant 12 : i32
      %parallel_loop3A_1550 = vector.broadcast %parallel_loop3A_1549 : i32 to vector<16xi32>
      %parallel_loop3A_1551 = arith.addi %parallel_loop3A_1500, %parallel_loop3A_1550 : vector<16xi32>
      %parallel_loop3A_1552 = tpu.vector_load_idx %arg8[%parallel_loop3A_1551] : memref<16384xf32, #tpu.memory_space<vmem>>[vector<16xi32>], vector<16xf32>,
      %parallel_loop3A_1553 = arith.constant 13 : i32
      %parallel_loop3A_1554 = vector.broadcast %parallel_loop3A_1553 : i32 to vector<16xi32>
      %parallel_loop3A_1555 = arith.addi %parallel_loop3A_1500, %parallel_loop3A_1554 : vector<16xi32>
      %parallel_loop3A_1556 = tpu.vector_load_idx %arg8[%parallel_loop3A_1555] : memref<16384xf32, #tpu.memory_space<vmem>>[vector<16xi32>], vector<16xf32>,
      %parallel_loop3A_1557 = arith.constant 14 : i32
      %parallel_loop3A_1558 = vector.broadcast %parallel_loop3A_1557 : i32 to vector<16xi32>
      %parallel_loop3A_1559 = arith.addi %parallel_loop3A_1500, %parallel_loop3A_1558 : vector<16xi32>
      %parallel_loop3A_1560 = tpu.vector_load_idx %arg8[%parallel_loop3A_1559] : memref<16384xf32, #tpu.memory_space<vmem>>[vector<16xi32>], vector<16xf32>,
      %parallel_loop3A_1561 = arith.constant 15 : i32
      %parallel_loop3A_1562 = vector.broadcast %parallel_loop3A_1561 : i32 to vector<16xi32>
      %parallel_loop3A_1563 = arith.addi %parallel_loop3A_1500, %parallel_loop3A_1562 : vector<16xi32>
      %parallel_loop3A_1564 = tpu.vector_load_idx %arg8[%parallel_loop3A_1563] : memref<16384xf32, #tpu.memory_space<vmem>>[vector<16xi32>], vector<16xf32>,
      %parallel_loop3A_1565 = arith.constant 8192 : i32
      %parallel_loop3A_1566 = arith.addi %parallel_loop3A_1565, %parallel_loop3A_1493 : i32
      %parallel_loop3A_1567 = arith.index_cast %parallel_loop3A_1566 : i32 to index
      %parallel_loop3A_1568 = tpu.vector_load %arg9[%parallel_loop3A_1567] {strides = array<i32>} : memref<24576xf32, #tpu.memory_space<vmem>>, vector<16xf32>,
      tpu.vector_store %arg9[%parallel_loop3A_1567], %parallel_loop3A_1504 {strides = array<i32>} : memref<24576xf32, #tpu.memory_space<vmem>>, vector<16xf32>,
      %parallel_loop3A_1569 = arith.constant 8704 : i32
      %parallel_loop3A_1570 = arith.addi %parallel_loop3A_1569, %parallel_loop3A_1493 : i32
      %parallel_loop3A_1571 = arith.index_cast %parallel_loop3A_1570 : i32 to index
      %parallel_loop3A_1572 = tpu.vector_load %arg9[%parallel_loop3A_1571] {strides = array<i32>} : memref<24576xf32, #tpu.memory_space<vmem>>, vector<16xf32>,
      tpu.vector_store %arg9[%parallel_loop3A_1571], %parallel_loop3A_1508 {strides = array<i32>} : memref<24576xf32, #tpu.memory_space<vmem>>, vector<16xf32>,
      %parallel_loop3A_1573 = arith.constant 9216 : i32
      %parallel_loop3A_1574 = arith.addi %parallel_loop3A_1573, %parallel_loop3A_1493 : i32
      %parallel_loop3A_1575 = arith.index_cast %parallel_loop3A_1574 : i32 to index
      %parallel_loop3A_1576 = tpu.vector_load %arg9[%parallel_loop3A_1575] {strides = array<i32>} : memref<24576xf32, #tpu.memory_space<vmem>>, vector<16xf32>,
      tpu.vector_store %arg9[%parallel_loop3A_1575], %parallel_loop3A_1512 {strides = array<i32>} : memref<24576xf32, #tpu.memory_space<vmem>>, vector<16xf32>,
      %parallel_loop3A_1577 = arith.constant 9728 : i32
      %parallel_loop3A_1578 = arith.addi %parallel_loop3A_1577, %parallel_loop3A_1493 : i32
      %parallel_loop3A_1579 = arith.index_cast %parallel_loop3A_1578 : i32 to index
      %parallel_loop3A_1580 = tpu.vector_load %arg9[%parallel_loop3A_1579] {strides = array<i32>} : memref<24576xf32, #tpu.memory_space<vmem>>, vector<16xf32>,
      tpu.vector_store %arg9[%parallel_loop3A_1579], %parallel_loop3A_1516 {strides = array<i32>} : memref<24576xf32, #tpu.memory_space<vmem>>, vector<16xf32>,
      %parallel_loop3A_1581 = arith.constant 10240 : i32
      %parallel_loop3A_1582 = arith.addi %parallel_loop3A_1581, %parallel_loop3A_1493 : i32
      %parallel_loop3A_1583 = arith.index_cast %parallel_loop3A_1582 : i32 to index
      %parallel_loop3A_1584 = tpu.vector_load %arg9[%parallel_loop3A_1583] {strides = array<i32>} : memref<24576xf32, #tpu.memory_space<vmem>>, vector<16xf32>,
      tpu.vector_store %arg9[%parallel_loop3A_1583], %parallel_loop3A_1520 {strides = array<i32>} : memref<24576xf32, #tpu.memory_space<vmem>>, vector<16xf32>,
      %parallel_loop3A_1585 = arith.constant 10752 : i32
      %parallel_loop3A_1586 = arith.addi %parallel_loop3A_1585, %parallel_loop3A_1493 : i32
      %parallel_loop3A_1587 = arith.index_cast %parallel_loop3A_1586 : i32 to index
      %parallel_loop3A_1588 = tpu.vector_load %arg9[%parallel_loop3A_1587] {strides = array<i32>} : memref<24576xf32, #tpu.memory_space<vmem>>, vector<16xf32>,
      tpu.vector_store %arg9[%parallel_loop3A_1587], %parallel_loop3A_1524 {strides = array<i32>} : memref<24576xf32, #tpu.memory_space<vmem>>, vector<16xf32>,
      %parallel_loop3A_1589 = arith.constant 11264 : i32
      %parallel_loop3A_1590 = arith.addi %parallel_loop3A_1589, %parallel_loop3A_1493 : i32
      %parallel_loop3A_1591 = arith.index_cast %parallel_loop3A_1590 : i32 to index
      %parallel_loop3A_1592 = tpu.vector_load %arg9[%parallel_loop3A_1591] {strides = array<i32>} : memref<24576xf32, #tpu.memory_space<vmem>>, vector<16xf32>,
      tpu.vector_store %arg9[%parallel_loop3A_1591], %parallel_loop3A_1528 {strides = array<i32>} : memref<24576xf32, #tpu.memory_space<vmem>>, vector<16xf32>,
      %parallel_loop3A_1593 = arith.constant 11776 : i32
      %parallel_loop3A_1594 = arith.addi %parallel_loop3A_1593, %parallel_loop3A_1493 : i32
      %parallel_loop3A_1595 = arith.index_cast %parallel_loop3A_1594 : i32 to index
      %parallel_loop3A_1596 = tpu.vector_load %arg9[%parallel_loop3A_1595] {strides = array<i32>} : memref<24576xf32, #tpu.memory_space<vmem>>, vector<16xf32>,
      tpu.vector_store %arg9[%parallel_loop3A_1595], %parallel_loop3A_1532 {strides = array<i32>} : memref<24576xf32, #tpu.memory_space<vmem>>, vector<16xf32>,
      %parallel_loop3A_1597 = arith.constant 12288 : i32
      %parallel_loop3A_1598 = arith.addi %parallel_loop3A_1597, %parallel_loop3A_1493 : i32
      %parallel_loop3A_1599 = arith.index_cast %parallel_loop3A_1598 : i32 to index
      %parallel_loop3A_1600 = tpu.vector_load %arg9[%parallel_loop3A_1599] {strides = array<i32>} : memref<24576xf32, #tpu.memory_space<vmem>>, vector<16xf32>,
      tpu.vector_store %arg9[%parallel_loop3A_1599], %parallel_loop3A_1536 {strides = array<i32>} : memref<24576xf32, #tpu.memory_space<vmem>>, vector<16xf32>,
      %parallel_loop3A_1601 = arith.constant 12800 : i32
      %parallel_loop3A_1602 = arith.addi %parallel_loop3A_1601, %parallel_loop3A_1493 : i32
      %parallel_loop3A_1603 = arith.index_cast %parallel_loop3A_1602 : i32 to index
      %parallel_loop3A_1604 = tpu.vector_load %arg9[%parallel_loop3A_1603] {strides = array<i32>} : memref<24576xf32, #tpu.memory_space<vmem>>, vector<16xf32>,
      tpu.vector_store %arg9[%parallel_loop3A_1603], %parallel_loop3A_1540 {strides = array<i32>} : memref<24576xf32, #tpu.memory_space<vmem>>, vector<16xf32>,
      %parallel_loop3A_1605 = arith.constant 13312 : i32
      %parallel_loop3A_1606 = arith.addi %parallel_loop3A_1605, %parallel_loop3A_1493 : i32
      %parallel_loop3A_1607 = arith.index_cast %parallel_loop3A_1606 : i32 to index
      %parallel_loop3A_1608 = tpu.vector_load %arg9[%parallel_loop3A_1607] {strides = array<i32>} : memref<24576xf32, #tpu.memory_space<vmem>>, vector<16xf32>,
      tpu.vector_store %arg9[%parallel_loop3A_1607], %parallel_loop3A_1544 {strides = array<i32>} : memref<24576xf32, #tpu.memory_space<vmem>>, vector<16xf32>,
      %parallel_loop3A_1609 = arith.constant 13824 : i32
      %parallel_loop3A_1610 = arith.addi %parallel_loop3A_1609, %parallel_loop3A_1493 : i32
      %parallel_loop3A_1611 = arith.index_cast %parallel_loop3A_1610 : i32 to index
      %parallel_loop3A_1612 = tpu.vector_load %arg9[%parallel_loop3A_1611] {strides = array<i32>} : memref<24576xf32, #tpu.memory_space<vmem>>, vector<16xf32>,
      tpu.vector_store %arg9[%parallel_loop3A_1611], %parallel_loop3A_1548 {strides = array<i32>} : memref<24576xf32, #tpu.memory_space<vmem>>, vector<16xf32>,
      %parallel_loop3A_1613 = arith.constant 14336 : i32
      %parallel_loop3A_1614 = arith.addi %parallel_loop3A_1613, %parallel_loop3A_1493 : i32
      %parallel_loop3A_1615 = arith.index_cast %parallel_loop3A_1614 : i32 to index
      %parallel_loop3A_1616 = tpu.vector_load %arg9[%parallel_loop3A_1615] {strides = array<i32>} : memref<24576xf32, #tpu.memory_space<vmem>>, vector<16xf32>,
      tpu.vector_store %arg9[%parallel_loop3A_1615], %parallel_loop3A_1552 {strides = array<i32>} : memref<24576xf32, #tpu.memory_space<vmem>>, vector<16xf32>,
      %parallel_loop3A_1617 = arith.constant 14848 : i32
      %parallel_loop3A_1618 = arith.addi %parallel_loop3A_1617, %parallel_loop3A_1493 : i32
      %parallel_loop3A_1619 = arith.index_cast %parallel_loop3A_1618 : i32 to index
      %parallel_loop3A_1620 = tpu.vector_load %arg9[%parallel_loop3A_1619] {strides = array<i32>} : memref<24576xf32, #tpu.memory_space<vmem>>, vector<16xf32>,
      tpu.vector_store %arg9[%parallel_loop3A_1619], %parallel_loop3A_1556 {strides = array<i32>} : memref<24576xf32, #tpu.memory_space<vmem>>, vector<16xf32>,
      %parallel_loop3A_1621 = arith.constant 15360 : i32
      %parallel_loop3A_1622 = arith.addi %parallel_loop3A_1621, %parallel_loop3A_1493 : i32
      %parallel_loop3A_1623 = arith.index_cast %parallel_loop3A_1622 : i32 to index
      %parallel_loop3A_1624 = tpu.vector_load %arg9[%parallel_loop3A_1623] {strides = array<i32>} : memref<24576xf32, #tpu.memory_space<vmem>>, vector<16xf32>,
      tpu.vector_store %arg9[%parallel_loop3A_1623], %parallel_loop3A_1560 {strides = array<i32>} : memref<24576xf32, #tpu.memory_space<vmem>>, vector<16xf32>,
      %parallel_loop3A_1625 = arith.constant 15872 : i32
      %parallel_loop3A_1626 = arith.addi %parallel_loop3A_1625, %parallel_loop3A_1493 : i32
      %parallel_loop3A_1627 = arith.index_cast %parallel_loop3A_1626 : i32 to index
      %parallel_loop3A_1628 = tpu.vector_load %arg9[%parallel_loop3A_1627] {strides = array<i32>} : memref<24576xf32, #tpu.memory_space<vmem>>, vector<16xf32>,
      tpu.vector_store %arg9[%parallel_loop3A_1627], %parallel_loop3A_1564 {strides = array<i32>} : memref<24576xf32, #tpu.memory_space<vmem>>, vector<16xf32>,
    } {sc.loop_unroll_factor = 1 : i64, sc.parallel_access}
    %dma_start3A_368 = arith.constant 16 : i32
    %dma_start3A_369 = arith.constant 8192 : i32
    %dma_start3A_370 = tpu.memref_slice %arg9[%dma_start3A_369] : memref<24576xf32, #tpu.memory_space<vmem>> -> memref<512xf32, #tpu.memory_space<vmem>>
    %dma_start3A_371 = tpu.memref_slice %arg5[%dma_start3A_368, %mul3A_2] : memref<48x16384xf32, #tpu.memory_space<hbm>> -> memref<1x512xf32, #tpu.memory_space<hbm>>
    %dma_start3A_372 = tpu.memref_squeeze %dma_start3A_371 : memref<1x512xf32, #tpu.memory_space<hbm>> -> memref<512xf32, #tpu.memory_space<hbm>>
    %dma_start3A_373 = tpu.memref_slice %arg5[%dma_start3A_368, %mul3A_2] : memref<48x16384xf32, #tpu.memory_space<hbm>> -> memref<1x512xf32, #tpu.memory_space<hbm>>
    %dma_start3A_374 = tpu.memref_squeeze %dma_start3A_373 : memref<1x512xf32, #tpu.memory_space<hbm>> -> memref<512xf32, #tpu.memory_space<hbm>>
    %dma_start3A_375 = arith.constant 8192 : i32
    %dma_start3A_376 = tpu.memref_slice %arg9[%dma_start3A_375] : memref<24576xf32, #tpu.memory_space<vmem>> -> memref<512xf32, #tpu.memory_space<vmem>>
    tpu.enqueue_dma source(%dma_start3A_376 : memref<512xf32, #tpu.memory_space<vmem>>) target(%dma_start3A_374 : memref<512xf32, #tpu.memory_space<hbm>>) target_semaphore(%arg11 : memref<!tpu.dma_semaphore, #tpu.memory_space<semaphore_mem>>)
    %dma_start3A_377 = arith.constant 17 : i32
    %dma_start3A_378 = arith.constant 8704 : i32
    %dma_start3A_379 = tpu.memref_slice %arg9[%dma_start3A_378] : memref<24576xf32, #tpu.memory_space<vmem>> -> memref<512xf32, #tpu.memory_space<vmem>>
    %dma_start3A_380 = tpu.memref_slice %arg5[%dma_start3A_377, %mul3A_2] : memref<48x16384xf32, #tpu.memory_space<hbm>> -> memref<1x512xf32, #tpu.memory_space<hbm>>
    %dma_start3A_381 = tpu.memref_squeeze %dma_start3A_380 : memref<1x512xf32, #tpu.memory_space<hbm>> -> memref<512xf32, #tpu.memory_space<hbm>>
    %dma_start3A_382 = tpu.memref_slice %arg5[%dma_start3A_377, %mul3A_2] : memref<48x16384xf32, #tpu.memory_space<hbm>> -> memref<1x512xf32, #tpu.memory_space<hbm>>
    %dma_start3A_383 = tpu.memref_squeeze %dma_start3A_382 : memref<1x512xf32, #tpu.memory_space<hbm>> -> memref<512xf32, #tpu.memory_space<hbm>>
    %dma_start3A_384 = arith.constant 8704 : i32
    %dma_start3A_385 = tpu.memref_slice %arg9[%dma_start3A_384] : memref<24576xf32, #tpu.memory_space<vmem>> -> memref<512xf32, #tpu.memory_space<vmem>>
    tpu.enqueue_dma source(%dma_start3A_385 : memref<512xf32, #tpu.memory_space<vmem>>) target(%dma_start3A_383 : memref<512xf32, #tpu.memory_space<hbm>>) target_semaphore(%arg11 : memref<!tpu.dma_semaphore, #tpu.memory_space<semaphore_mem>>)
    %dma_start3A_386 = arith.constant 18 : i32
    %dma_start3A_387 = arith.constant 9216 : i32
    %dma_start3A_388 = tpu.memref_slice %arg9[%dma_start3A_387] : memref<24576xf32, #tpu.memory_space<vmem>> -> memref<512xf32, #tpu.memory_space<vmem>>
    %dma_start3A_389 = tpu.memref_slice %arg5[%dma_start3A_386, %mul3A_2] : memref<48x16384xf32, #tpu.memory_space<hbm>> -> memref<1x512xf32, #tpu.memory_space<hbm>>
    %dma_start3A_390 = tpu.memref_squeeze %dma_start3A_389 : memref<1x512xf32, #tpu.memory_space<hbm>> -> memref<512xf32, #tpu.memory_space<hbm>>
    %dma_start3A_391 = tpu.memref_slice %arg5[%dma_start3A_386, %mul3A_2] : memref<48x16384xf32, #tpu.memory_space<hbm>> -> memref<1x512xf32, #tpu.memory_space<hbm>>
    %dma_start3A_392 = tpu.memref_squeeze %dma_start3A_391 : memref<1x512xf32, #tpu.memory_space<hbm>> -> memref<512xf32, #tpu.memory_space<hbm>>
    %dma_start3A_393 = arith.constant 9216 : i32
    %dma_start3A_394 = tpu.memref_slice %arg9[%dma_start3A_393] : memref<24576xf32, #tpu.memory_space<vmem>> -> memref<512xf32, #tpu.memory_space<vmem>>
    tpu.enqueue_dma source(%dma_start3A_394 : memref<512xf32, #tpu.memory_space<vmem>>) target(%dma_start3A_392 : memref<512xf32, #tpu.memory_space<hbm>>) target_semaphore(%arg11 : memref<!tpu.dma_semaphore, #tpu.memory_space<semaphore_mem>>)
    %dma_start3A_395 = arith.constant 19 : i32
    %dma_start3A_396 = arith.constant 9728 : i32
    %dma_start3A_397 = tpu.memref_slice %arg9[%dma_start3A_396] : memref<24576xf32, #tpu.memory_space<vmem>> -> memref<512xf32, #tpu.memory_space<vmem>>
    %dma_start3A_398 = tpu.memref_slice %arg5[%dma_start3A_395, %mul3A_2] : memref<48x16384xf32, #tpu.memory_space<hbm>> -> memref<1x512xf32, #tpu.memory_space<hbm>>
    %dma_start3A_399 = tpu.memref_squeeze %dma_start3A_398 : memref<1x512xf32, #tpu.memory_space<hbm>> -> memref<512xf32, #tpu.memory_space<hbm>>
    %dma_start3A_400 = tpu.memref_slice %arg5[%dma_start3A_395, %mul3A_2] : memref<48x16384xf32, #tpu.memory_space<hbm>> -> memref<1x512xf32, #tpu.memory_space<hbm>>
    %dma_start3A_401 = tpu.memref_squeeze %dma_start3A_400 : memref<1x512xf32, #tpu.memory_space<hbm>> -> memref<512xf32, #tpu.memory_space<hbm>>
    %dma_start3A_402 = arith.constant 9728 : i32
    %dma_start3A_403 = tpu.memref_slice %arg9[%dma_start3A_402] : memref<24576xf32, #tpu.memory_space<vmem>> -> memref<512xf32, #tpu.memory_space<vmem>>
    tpu.enqueue_dma source(%dma_start3A_403 : memref<512xf32, #tpu.memory_space<vmem>>) target(%dma_start3A_401 : memref<512xf32, #tpu.memory_space<hbm>>) target_semaphore(%arg11 : memref<!tpu.dma_semaphore, #tpu.memory_space<semaphore_mem>>)
    %dma_start3A_404 = arith.constant 20 : i32
    %dma_start3A_405 = arith.constant 10240 : i32
    %dma_start3A_406 = tpu.memref_slice %arg9[%dma_start3A_405] : memref<24576xf32, #tpu.memory_space<vmem>> -> memref<512xf32, #tpu.memory_space<vmem>>
    %dma_start3A_407 = tpu.memref_slice %arg5[%dma_start3A_404, %mul3A_2] : memref<48x16384xf32, #tpu.memory_space<hbm>> -> memref<1x512xf32, #tpu.memory_space<hbm>>
    %dma_start3A_408 = tpu.memref_squeeze %dma_start3A_407 : memref<1x512xf32, #tpu.memory_space<hbm>> -> memref<512xf32, #tpu.memory_space<hbm>>
    %dma_start3A_409 = tpu.memref_slice %arg5[%dma_start3A_404, %mul3A_2] : memref<48x16384xf32, #tpu.memory_space<hbm>> -> memref<1x512xf32, #tpu.memory_space<hbm>>
    %dma_start3A_410 = tpu.memref_squeeze %dma_start3A_409 : memref<1x512xf32, #tpu.memory_space<hbm>> -> memref<512xf32, #tpu.memory_space<hbm>>
    %dma_start3A_411 = arith.constant 10240 : i32
    %dma_start3A_412 = tpu.memref_slice %arg9[%dma_start3A_411] : memref<24576xf32, #tpu.memory_space<vmem>> -> memref<512xf32, #tpu.memory_space<vmem>>
    tpu.enqueue_dma source(%dma_start3A_412 : memref<512xf32, #tpu.memory_space<vmem>>) target(%dma_start3A_410 : memref<512xf32, #tpu.memory_space<hbm>>) target_semaphore(%arg11 : memref<!tpu.dma_semaphore, #tpu.memory_space<semaphore_mem>>)
    %dma_start3A_413 = arith.constant 21 : i32
    %dma_start3A_414 = arith.constant 10752 : i32
    %dma_start3A_415 = tpu.memref_slice %arg9[%dma_start3A_414] : memref<24576xf32, #tpu.memory_space<vmem>> -> memref<512xf32, #tpu.memory_space<vmem>>
    %dma_start3A_416 = tpu.memref_slice %arg5[%dma_start3A_413, %mul3A_2] : memref<48x16384xf32, #tpu.memory_space<hbm>> -> memref<1x512xf32, #tpu.memory_space<hbm>>
    %dma_start3A_417 = tpu.memref_squeeze %dma_start3A_416 : memref<1x512xf32, #tpu.memory_space<hbm>> -> memref<512xf32, #tpu.memory_space<hbm>>
    %dma_start3A_418 = tpu.memref_slice %arg5[%dma_start3A_413, %mul3A_2] : memref<48x16384xf32, #tpu.memory_space<hbm>> -> memref<1x512xf32, #tpu.memory_space<hbm>>
    %dma_start3A_419 = tpu.memref_squeeze %dma_start3A_418 : memref<1x512xf32, #tpu.memory_space<hbm>> -> memref<512xf32, #tpu.memory_space<hbm>>
    %dma_start3A_420 = arith.constant 10752 : i32
    %dma_start3A_421 = tpu.memref_slice %arg9[%dma_start3A_420] : memref<24576xf32, #tpu.memory_space<vmem>> -> memref<512xf32, #tpu.memory_space<vmem>>
    tpu.enqueue_dma source(%dma_start3A_421 : memref<512xf32, #tpu.memory_space<vmem>>) target(%dma_start3A_419 : memref<512xf32, #tpu.memory_space<hbm>>) target_semaphore(%arg11 : memref<!tpu.dma_semaphore, #tpu.memory_space<semaphore_mem>>)
    %dma_start3A_422 = arith.constant 22 : i32
    %dma_start3A_423 = arith.constant 11264 : i32
    %dma_start3A_424 = tpu.memref_slice %arg9[%dma_start3A_423] : memref<24576xf32, #tpu.memory_space<vmem>> -> memref<512xf32, #tpu.memory_space<vmem>>
    %dma_start3A_425 = tpu.memref_slice %arg5[%dma_start3A_422, %mul3A_2] : memref<48x16384xf32, #tpu.memory_space<hbm>> -> memref<1x512xf32, #tpu.memory_space<hbm>>
    %dma_start3A_426 = tpu.memref_squeeze %dma_start3A_425 : memref<1x512xf32, #tpu.memory_space<hbm>> -> memref<512xf32, #tpu.memory_space<hbm>>
    %dma_start3A_427 = tpu.memref_slice %arg5[%dma_start3A_422, %mul3A_2] : memref<48x16384xf32, #tpu.memory_space<hbm>> -> memref<1x512xf32, #tpu.memory_space<hbm>>
    %dma_start3A_428 = tpu.memref_squeeze %dma_start3A_427 : memref<1x512xf32, #tpu.memory_space<hbm>> -> memref<512xf32, #tpu.memory_space<hbm>>
    %dma_start3A_429 = arith.constant 11264 : i32
    %dma_start3A_430 = tpu.memref_slice %arg9[%dma_start3A_429] : memref<24576xf32, #tpu.memory_space<vmem>> -> memref<512xf32, #tpu.memory_space<vmem>>
    tpu.enqueue_dma source(%dma_start3A_430 : memref<512xf32, #tpu.memory_space<vmem>>) target(%dma_start3A_428 : memref<512xf32, #tpu.memory_space<hbm>>) target_semaphore(%arg11 : memref<!tpu.dma_semaphore, #tpu.memory_space<semaphore_mem>>)
    %dma_start3A_431 = arith.constant 23 : i32
    %dma_start3A_432 = arith.constant 11776 : i32
    %dma_start3A_433 = tpu.memref_slice %arg9[%dma_start3A_432] : memref<24576xf32, #tpu.memory_space<vmem>> -> memref<512xf32, #tpu.memory_space<vmem>>
    %dma_start3A_434 = tpu.memref_slice %arg5[%dma_start3A_431, %mul3A_2] : memref<48x16384xf32, #tpu.memory_space<hbm>> -> memref<1x512xf32, #tpu.memory_space<hbm>>
    %dma_start3A_435 = tpu.memref_squeeze %dma_start3A_434 : memref<1x512xf32, #tpu.memory_space<hbm>> -> memref<512xf32, #tpu.memory_space<hbm>>
    %dma_start3A_436 = tpu.memref_slice %arg5[%dma_start3A_431, %mul3A_2] : memref<48x16384xf32, #tpu.memory_space<hbm>> -> memref<1x512xf32, #tpu.memory_space<hbm>>
    %dma_start3A_437 = tpu.memref_squeeze %dma_start3A_436 : memref<1x512xf32, #tpu.memory_space<hbm>> -> memref<512xf32, #tpu.memory_space<hbm>>
    %dma_start3A_438 = arith.constant 11776 : i32
    %dma_start3A_439 = tpu.memref_slice %arg9[%dma_start3A_438] : memref<24576xf32, #tpu.memory_space<vmem>> -> memref<512xf32, #tpu.memory_space<vmem>>
    tpu.enqueue_dma source(%dma_start3A_439 : memref<512xf32, #tpu.memory_space<vmem>>) target(%dma_start3A_437 : memref<512xf32, #tpu.memory_space<hbm>>) target_semaphore(%arg11 : memref<!tpu.dma_semaphore, #tpu.memory_space<semaphore_mem>>)
    %dma_start3A_440 = arith.constant 24 : i32
    %dma_start3A_441 = arith.constant 12288 : i32
    %dma_start3A_442 = tpu.memref_slice %arg9[%dma_start3A_441] : memref<24576xf32, #tpu.memory_space<vmem>> -> memref<512xf32, #tpu.memory_space<vmem>>
    %dma_start3A_443 = tpu.memref_slice %arg5[%dma_start3A_440, %mul3A_2] : memref<48x16384xf32, #tpu.memory_space<hbm>> -> memref<1x512xf32, #tpu.memory_space<hbm>>
    %dma_start3A_444 = tpu.memref_squeeze %dma_start3A_443 : memref<1x512xf32, #tpu.memory_space<hbm>> -> memref<512xf32, #tpu.memory_space<hbm>>
    %dma_start3A_445 = tpu.memref_slice %arg5[%dma_start3A_440, %mul3A_2] : memref<48x16384xf32, #tpu.memory_space<hbm>> -> memref<1x512xf32, #tpu.memory_space<hbm>>
    %dma_start3A_446 = tpu.memref_squeeze %dma_start3A_445 : memref<1x512xf32, #tpu.memory_space<hbm>> -> memref<512xf32, #tpu.memory_space<hbm>>
    %dma_start3A_447 = arith.constant 12288 : i32
    %dma_start3A_448 = tpu.memref_slice %arg9[%dma_start3A_447] : memref<24576xf32, #tpu.memory_space<vmem>> -> memref<512xf32, #tpu.memory_space<vmem>>
    tpu.enqueue_dma source(%dma_start3A_448 : memref<512xf32, #tpu.memory_space<vmem>>) target(%dma_start3A_446 : memref<512xf32, #tpu.memory_space<hbm>>) target_semaphore(%arg11 : memref<!tpu.dma_semaphore, #tpu.memory_space<semaphore_mem>>)
    %dma_start3A_449 = arith.constant 25 : i32
    %dma_start3A_450 = arith.constant 12800 : i32
    %dma_start3A_451 = tpu.memref_slice %arg9[%dma_start3A_450] : memref<24576xf32, #tpu.memory_space<vmem>> -> memref<512xf32, #tpu.memory_space<vmem>>
    %dma_start3A_452 = tpu.memref_slice %arg5[%dma_start3A_449, %mul3A_2] : memref<48x16384xf32, #tpu.memory_space<hbm>> -> memref<1x512xf32, #tpu.memory_space<hbm>>
    %dma_start3A_453 = tpu.memref_squeeze %dma_start3A_452 : memref<1x512xf32, #tpu.memory_space<hbm>> -> memref<512xf32, #tpu.memory_space<hbm>>
    %dma_start3A_454 = tpu.memref_slice %arg5[%dma_start3A_449, %mul3A_2] : memref<48x16384xf32, #tpu.memory_space<hbm>> -> memref<1x512xf32, #tpu.memory_space<hbm>>
    %dma_start3A_455 = tpu.memref_squeeze %dma_start3A_454 : memref<1x512xf32, #tpu.memory_space<hbm>> -> memref<512xf32, #tpu.memory_space<hbm>>
    %dma_start3A_456 = arith.constant 12800 : i32
    %dma_start3A_457 = tpu.memref_slice %arg9[%dma_start3A_456] : memref<24576xf32, #tpu.memory_space<vmem>> -> memref<512xf32, #tpu.memory_space<vmem>>
    tpu.enqueue_dma source(%dma_start3A_457 : memref<512xf32, #tpu.memory_space<vmem>>) target(%dma_start3A_455 : memref<512xf32, #tpu.memory_space<hbm>>) target_semaphore(%arg11 : memref<!tpu.dma_semaphore, #tpu.memory_space<semaphore_mem>>)
    %dma_start3A_458 = arith.constant 26 : i32
    %dma_start3A_459 = arith.constant 13312 : i32
    %dma_start3A_460 = tpu.memref_slice %arg9[%dma_start3A_459] : memref<24576xf32, #tpu.memory_space<vmem>> -> memref<512xf32, #tpu.memory_space<vmem>>
    %dma_start3A_461 = tpu.memref_slice %arg5[%dma_start3A_458, %mul3A_2] : memref<48x16384xf32, #tpu.memory_space<hbm>> -> memref<1x512xf32, #tpu.memory_space<hbm>>
    %dma_start3A_462 = tpu.memref_squeeze %dma_start3A_461 : memref<1x512xf32, #tpu.memory_space<hbm>> -> memref<512xf32, #tpu.memory_space<hbm>>
    %dma_start3A_463 = tpu.memref_slice %arg5[%dma_start3A_458, %mul3A_2] : memref<48x16384xf32, #tpu.memory_space<hbm>> -> memref<1x512xf32, #tpu.memory_space<hbm>>
    %dma_start3A_464 = tpu.memref_squeeze %dma_start3A_463 : memref<1x512xf32, #tpu.memory_space<hbm>> -> memref<512xf32, #tpu.memory_space<hbm>>
    %dma_start3A_465 = arith.constant 13312 : i32
    %dma_start3A_466 = tpu.memref_slice %arg9[%dma_start3A_465] : memref<24576xf32, #tpu.memory_space<vmem>> -> memref<512xf32, #tpu.memory_space<vmem>>
    tpu.enqueue_dma source(%dma_start3A_466 : memref<512xf32, #tpu.memory_space<vmem>>) target(%dma_start3A_464 : memref<512xf32, #tpu.memory_space<hbm>>) target_semaphore(%arg11 : memref<!tpu.dma_semaphore, #tpu.memory_space<semaphore_mem>>)
    %dma_start3A_467 = arith.constant 27 : i32
    %dma_start3A_468 = arith.constant 13824 : i32
    %dma_start3A_469 = tpu.memref_slice %arg9[%dma_start3A_468] : memref<24576xf32, #tpu.memory_space<vmem>> -> memref<512xf32, #tpu.memory_space<vmem>>
    %dma_start3A_470 = tpu.memref_slice %arg5[%dma_start3A_467, %mul3A_2] : memref<48x16384xf32, #tpu.memory_space<hbm>> -> memref<1x512xf32, #tpu.memory_space<hbm>>
    %dma_start3A_471 = tpu.memref_squeeze %dma_start3A_470 : memref<1x512xf32, #tpu.memory_space<hbm>> -> memref<512xf32, #tpu.memory_space<hbm>>
    %dma_start3A_472 = tpu.memref_slice %arg5[%dma_start3A_467, %mul3A_2] : memref<48x16384xf32, #tpu.memory_space<hbm>> -> memref<1x512xf32, #tpu.memory_space<hbm>>
    %dma_start3A_473 = tpu.memref_squeeze %dma_start3A_472 : memref<1x512xf32, #tpu.memory_space<hbm>> -> memref<512xf32, #tpu.memory_space<hbm>>
    %dma_start3A_474 = arith.constant 13824 : i32
    %dma_start3A_475 = tpu.memref_slice %arg9[%dma_start3A_474] : memref<24576xf32, #tpu.memory_space<vmem>> -> memref<512xf32, #tpu.memory_space<vmem>>
    tpu.enqueue_dma source(%dma_start3A_475 : memref<512xf32, #tpu.memory_space<vmem>>) target(%dma_start3A_473 : memref<512xf32, #tpu.memory_space<hbm>>) target_semaphore(%arg11 : memref<!tpu.dma_semaphore, #tpu.memory_space<semaphore_mem>>)
    %dma_start3A_476 = arith.constant 28 : i32
    %dma_start3A_477 = arith.constant 14336 : i32
    %dma_start3A_478 = tpu.memref_slice %arg9[%dma_start3A_477] : memref<24576xf32, #tpu.memory_space<vmem>> -> memref<512xf32, #tpu.memory_space<vmem>>
    %dma_start3A_479 = tpu.memref_slice %arg5[%dma_start3A_476, %mul3A_2] : memref<48x16384xf32, #tpu.memory_space<hbm>> -> memref<1x512xf32, #tpu.memory_space<hbm>>
    %dma_start3A_480 = tpu.memref_squeeze %dma_start3A_479 : memref<1x512xf32, #tpu.memory_space<hbm>> -> memref<512xf32, #tpu.memory_space<hbm>>
    %dma_start3A_481 = tpu.memref_slice %arg5[%dma_start3A_476, %mul3A_2] : memref<48x16384xf32, #tpu.memory_space<hbm>> -> memref<1x512xf32, #tpu.memory_space<hbm>>
    %dma_start3A_482 = tpu.memref_squeeze %dma_start3A_481 : memref<1x512xf32, #tpu.memory_space<hbm>> -> memref<512xf32, #tpu.memory_space<hbm>>
    %dma_start3A_483 = arith.constant 14336 : i32
    %dma_start3A_484 = tpu.memref_slice %arg9[%dma_start3A_483] : memref<24576xf32, #tpu.memory_space<vmem>> -> memref<512xf32, #tpu.memory_space<vmem>>
    tpu.enqueue_dma source(%dma_start3A_484 : memref<512xf32, #tpu.memory_space<vmem>>) target(%dma_start3A_482 : memref<512xf32, #tpu.memory_space<hbm>>) target_semaphore(%arg11 : memref<!tpu.dma_semaphore, #tpu.memory_space<semaphore_mem>>)
    %dma_start3A_485 = arith.constant 29 : i32
    %dma_start3A_486 = arith.constant 14848 : i32
    %dma_start3A_487 = tpu.memref_slice %arg9[%dma_start3A_486] : memref<24576xf32, #tpu.memory_space<vmem>> -> memref<512xf32, #tpu.memory_space<vmem>>
    %dma_start3A_488 = tpu.memref_slice %arg5[%dma_start3A_485, %mul3A_2] : memref<48x16384xf32, #tpu.memory_space<hbm>> -> memref<1x512xf32, #tpu.memory_space<hbm>>
    %dma_start3A_489 = tpu.memref_squeeze %dma_start3A_488 : memref<1x512xf32, #tpu.memory_space<hbm>> -> memref<512xf32, #tpu.memory_space<hbm>>
    %dma_start3A_490 = tpu.memref_slice %arg5[%dma_start3A_485, %mul3A_2] : memref<48x16384xf32, #tpu.memory_space<hbm>> -> memref<1x512xf32, #tpu.memory_space<hbm>>
    %dma_start3A_491 = tpu.memref_squeeze %dma_start3A_490 : memref<1x512xf32, #tpu.memory_space<hbm>> -> memref<512xf32, #tpu.memory_space<hbm>>
    %dma_start3A_492 = arith.constant 14848 : i32
    %dma_start3A_493 = tpu.memref_slice %arg9[%dma_start3A_492] : memref<24576xf32, #tpu.memory_space<vmem>> -> memref<512xf32, #tpu.memory_space<vmem>>
    tpu.enqueue_dma source(%dma_start3A_493 : memref<512xf32, #tpu.memory_space<vmem>>) target(%dma_start3A_491 : memref<512xf32, #tpu.memory_space<hbm>>) target_semaphore(%arg11 : memref<!tpu.dma_semaphore, #tpu.memory_space<semaphore_mem>>)
    %dma_start3A_494 = arith.constant 30 : i32
    %dma_start3A_495 = arith.constant 15360 : i32
    %dma_start3A_496 = tpu.memref_slice %arg9[%dma_start3A_495] : memref<24576xf32, #tpu.memory_space<vmem>> -> memref<512xf32, #tpu.memory_space<vmem>>
    %dma_start3A_497 = tpu.memref_slice %arg5[%dma_start3A_494, %mul3A_2] : memref<48x16384xf32, #tpu.memory_space<hbm>> -> memref<1x512xf32, #tpu.memory_space<hbm>>
    %dma_start3A_498 = tpu.memref_squeeze %dma_start3A_497 : memref<1x512xf32, #tpu.memory_space<hbm>> -> memref<512xf32, #tpu.memory_space<hbm>>
    %dma_start3A_499 = tpu.memref_slice %arg5[%dma_start3A_494, %mul3A_2] : memref<48x16384xf32, #tpu.memory_space<hbm>> -> memref<1x512xf32, #tpu.memory_space<hbm>>
    %dma_start3A_500 = tpu.memref_squeeze %dma_start3A_499 : memref<1x512xf32, #tpu.memory_space<hbm>> -> memref<512xf32, #tpu.memory_space<hbm>>
    %dma_start3A_501 = arith.constant 15360 : i32
    %dma_start3A_502 = tpu.memref_slice %arg9[%dma_start3A_501] : memref<24576xf32, #tpu.memory_space<vmem>> -> memref<512xf32, #tpu.memory_space<vmem>>
    tpu.enqueue_dma source(%dma_start3A_502 : memref<512xf32, #tpu.memory_space<vmem>>) target(%dma_start3A_500 : memref<512xf32, #tpu.memory_space<hbm>>) target_semaphore(%arg11 : memref<!tpu.dma_semaphore, #tpu.memory_space<semaphore_mem>>)
    %dma_start3A_503 = arith.constant 31 : i32
    %dma_start3A_504 = arith.constant 15872 : i32
    %dma_start3A_505 = tpu.memref_slice %arg9[%dma_start3A_504] : memref<24576xf32, #tpu.memory_space<vmem>> -> memref<512xf32, #tpu.memory_space<vmem>>
    %dma_start3A_506 = tpu.memref_slice %arg5[%dma_start3A_503, %mul3A_2] : memref<48x16384xf32, #tpu.memory_space<hbm>> -> memref<1x512xf32, #tpu.memory_space<hbm>>
    %dma_start3A_507 = tpu.memref_squeeze %dma_start3A_506 : memref<1x512xf32, #tpu.memory_space<hbm>> -> memref<512xf32, #tpu.memory_space<hbm>>
    %dma_start3A_508 = tpu.memref_slice %arg5[%dma_start3A_503, %mul3A_2] : memref<48x16384xf32, #tpu.memory_space<hbm>> -> memref<1x512xf32, #tpu.memory_space<hbm>>
    %dma_start3A_509 = tpu.memref_squeeze %dma_start3A_508 : memref<1x512xf32, #tpu.memory_space<hbm>> -> memref<512xf32, #tpu.memory_space<hbm>>
    %dma_start3A_510 = arith.constant 15872 : i32
    %dma_start3A_511 = tpu.memref_slice %arg9[%dma_start3A_510] : memref<24576xf32, #tpu.memory_space<vmem>> -> memref<512xf32, #tpu.memory_space<vmem>>
    tpu.enqueue_dma source(%dma_start3A_511 : memref<512xf32, #tpu.memory_space<vmem>>) target(%dma_start3A_509 : memref<512xf32, #tpu.memory_space<hbm>>) target_semaphore(%arg11 : memref<!tpu.dma_semaphore, #tpu.memory_space<semaphore_mem>>)
    %dma_wait3A_512 = arith.constant 0 : i32
    %dma_wait3A_513 = arith.constant 0 : i32
    %dma_wait3A_514 = arith.constant 0 : i32
    %dma_wait3A_515 = arith.constant 0 : i32
    %dma_wait3A_516 = tpu.memref_slice %arg10[%dma_wait3A_512, %dma_wait3A_514, %dma_wait3A_515] : memref<5x20x512xf32, #tpu.memory_space<vmem>> -> memref<1x20x512xf32, #tpu.memory_space<vmem>>
    %dma_wait3A_517 = tpu.memref_squeeze %dma_wait3A_516 : memref<1x20x512xf32, #tpu.memory_space<vmem>> -> memref<20x512xf32, #tpu.memory_space<vmem>>
    %dma_wait3A_518 = arith.constant 0 : i32
    %dma_wait3A_519 = tpu.memref_slice %arg6[%dma_wait3A_513, %dma_wait3A_518, %mul3A_2] : memref<9x20x16384xf32, #tpu.memory_space<hbm>> -> memref<1x20x512xf32, #tpu.memory_space<hbm>>
    %dma_wait3A_520 = tpu.memref_squeeze %dma_wait3A_519 : memref<1x20x512xf32, #tpu.memory_space<hbm>> -> memref<20x512xf32, #tpu.memory_space<hbm>>
    %dma_wait3A_521 = arith.constant 0 : i32
    %dma_wait3A_522 = tpu.memref_slice %arg6[%dma_wait3A_513, %dma_wait3A_521, %mul3A_2] : memref<9x20x16384xf32, #tpu.memory_space<hbm>> -> memref<1x20x512xf32, #tpu.memory_space<hbm>>
    %dma_wait3A_523 = tpu.memref_squeeze %dma_wait3A_522 : memref<1x20x512xf32, #tpu.memory_space<hbm>> -> memref<20x512xf32, #tpu.memory_space<hbm>>
    %dma_wait3A_524 = arith.constant 0 : i32
    %dma_wait3A_525 = arith.constant 0 : i32
    %dma_wait3A_526 = tpu.memref_slice %arg10[%dma_wait3A_512, %dma_wait3A_524, %dma_wait3A_525] : memref<5x20x512xf32, #tpu.memory_space<vmem>> -> memref<1x20x512xf32, #tpu.memory_space<vmem>>
    %dma_wait3A_527 = tpu.memref_squeeze %dma_wait3A_526 : memref<1x20x512xf32, #tpu.memory_space<vmem>> -> memref<20x512xf32, #tpu.memory_space<vmem>>
    tpu.wait_dma2 semaphore(%arg13 : memref<!tpu.dma_semaphore, #tpu.memory_space<semaphore_mem>>) src(%dma_wait3A_527 : memref<20x512xf32, #tpu.memory_space<vmem>>) dst(%dma_wait3A_523 : memref<20x512xf32, #tpu.memory_space<hbm>>)
    %dma_start3A_528 = arith.constant 5 : i32
    %dma_start3A_529 = arith.constant 0 : i32
    %dma_start3A_530 = arith.constant 0 : i32
    %dma_start3A_531 = arith.constant 0 : i32
    %dma_start3A_532 = tpu.memref_slice %arg10[%dma_start3A_529, %dma_start3A_530, %dma_start3A_531] : memref<5x20x512xf32, #tpu.memory_space<vmem>> -> memref<1x20x512xf32, #tpu.memory_space<vmem>>
    %dma_start3A_533 = tpu.memref_squeeze %dma_start3A_532 : memref<1x20x512xf32, #tpu.memory_space<vmem>> -> memref<20x512xf32, #tpu.memory_space<vmem>>
    %dma_start3A_534 = arith.constant 0 : i32
    %dma_start3A_535 = tpu.memref_slice %arg4[%dma_start3A_528, %dma_start3A_534, %mul3A_2] : memref<9x20x16384xf32, #tpu.memory_space<hbm>> -> memref<1x20x512xf32, #tpu.memory_space<hbm>>
    %dma_start3A_536 = tpu.memref_squeeze %dma_start3A_535 : memref<1x20x512xf32, #tpu.memory_space<hbm>> -> memref<20x512xf32, #tpu.memory_space<hbm>>
    %dma_start3A_537 = arith.constant 0 : i32
    %dma_start3A_538 = arith.constant 0 : i32
    %dma_start3A_539 = tpu.memref_slice %arg10[%dma_start3A_529, %dma_start3A_537, %dma_start3A_538] : memref<5x20x512xf32, #tpu.memory_space<vmem>> -> memref<1x20x512xf32, #tpu.memory_space<vmem>>
    %dma_start3A_540 = tpu.memref_squeeze %dma_start3A_539 : memref<1x20x512xf32, #tpu.memory_space<vmem>> -> memref<20x512xf32, #tpu.memory_space<vmem>>
    %dma_start3A_541 = arith.constant 0 : i32
    %dma_start3A_542 = tpu.memref_slice %arg4[%dma_start3A_528, %dma_start3A_541, %mul3A_2] : memref<9x20x16384xf32, #tpu.memory_space<hbm>> -> memref<1x20x512xf32, #tpu.memory_space<hbm>>
    %dma_start3A_543 = tpu.memref_squeeze %dma_start3A_542 : memref<1x20x512xf32, #tpu.memory_space<hbm>> -> memref<20x512xf32, #tpu.memory_space<hbm>>
    tpu.enqueue_dma source(%dma_start3A_543 : memref<20x512xf32, #tpu.memory_space<hbm>>) target(%dma_start3A_540 : memref<20x512xf32, #tpu.memory_space<vmem>>) target_semaphore(%arg12 : memref<!tpu.dma_semaphore, #tpu.memory_space<semaphore_mem>>)
    %dma_wait3A_544 = arith.constant 1 : i32
    %dma_wait3A_545 = arith.constant 1 : i32
    %dma_wait3A_546 = arith.constant 0 : i32
    %dma_wait3A_547 = arith.constant 0 : i32
    %dma_wait3A_548 = tpu.memref_slice %arg10[%dma_wait3A_544, %dma_wait3A_546, %dma_wait3A_547] : memref<5x20x512xf32, #tpu.memory_space<vmem>> -> memref<1x20x512xf32, #tpu.memory_space<vmem>>
    %dma_wait3A_549 = tpu.memref_squeeze %dma_wait3A_548 : memref<1x20x512xf32, #tpu.memory_space<vmem>> -> memref<20x512xf32, #tpu.memory_space<vmem>>
    %dma_wait3A_550 = arith.constant 0 : i32
    %dma_wait3A_551 = tpu.memref_slice %arg6[%dma_wait3A_545, %dma_wait3A_550, %mul3A_2] : memref<9x20x16384xf32, #tpu.memory_space<hbm>> -> memref<1x20x512xf32, #tpu.memory_space<hbm>>
    %dma_wait3A_552 = tpu.memref_squeeze %dma_wait3A_551 : memref<1x20x512xf32, #tpu.memory_space<hbm>> -> memref<20x512xf32, #tpu.memory_space<hbm>>
    %dma_wait3A_553 = arith.constant 0 : i32
    %dma_wait3A_554 = tpu.memref_slice %arg6[%dma_wait3A_545, %dma_wait3A_553, %mul3A_2] : memref<9x20x16384xf32, #tpu.memory_space<hbm>> -> memref<1x20x512xf32, #tpu.memory_space<hbm>>
    %dma_wait3A_555 = tpu.memref_squeeze %dma_wait3A_554 : memref<1x20x512xf32, #tpu.memory_space<hbm>> -> memref<20x512xf32, #tpu.memory_space<hbm>>
    %dma_wait3A_556 = arith.constant 0 : i32
    %dma_wait3A_557 = arith.constant 0 : i32
    %dma_wait3A_558 = tpu.memref_slice %arg10[%dma_wait3A_544, %dma_wait3A_556, %dma_wait3A_557] : memref<5x20x512xf32, #tpu.memory_space<vmem>> -> memref<1x20x512xf32, #tpu.memory_space<vmem>>
    %dma_wait3A_559 = tpu.memref_squeeze %dma_wait3A_558 : memref<1x20x512xf32, #tpu.memory_space<vmem>> -> memref<20x512xf32, #tpu.memory_space<vmem>>
    tpu.wait_dma2 semaphore(%arg13 : memref<!tpu.dma_semaphore, #tpu.memory_space<semaphore_mem>>) src(%dma_wait3A_559 : memref<20x512xf32, #tpu.memory_space<vmem>>) dst(%dma_wait3A_555 : memref<20x512xf32, #tpu.memory_space<hbm>>)
    %dma_start3A_560 = arith.constant 6 : i32
    %dma_start3A_561 = arith.constant 1 : i32
    %dma_start3A_562 = arith.constant 0 : i32
    %dma_start3A_563 = arith.constant 0 : i32
    %dma_start3A_564 = tpu.memref_slice %arg10[%dma_start3A_561, %dma_start3A_562, %dma_start3A_563] : memref<5x20x512xf32, #tpu.memory_space<vmem>> -> memref<1x20x512xf32, #tpu.memory_space<vmem>>
    %dma_start3A_565 = tpu.memref_squeeze %dma_start3A_564 : memref<1x20x512xf32, #tpu.memory_space<vmem>> -> memref<20x512xf32, #tpu.memory_space<vmem>>
    %dma_start3A_566 = arith.constant 0 : i32
    %dma_start3A_567 = tpu.memref_slice %arg4[%dma_start3A_560, %dma_start3A_566, %mul3A_2] : memref<9x20x16384xf32, #tpu.memory_space<hbm>> -> memref<1x20x512xf32, #tpu.memory_space<hbm>>
    %dma_start3A_568 = tpu.memref_squeeze %dma_start3A_567 : memref<1x20x512xf32, #tpu.memory_space<hbm>> -> memref<20x512xf32, #tpu.memory_space<hbm>>
    %dma_start3A_569 = arith.constant 0 : i32
    %dma_start3A_570 = arith.constant 0 : i32
    %dma_start3A_571 = tpu.memref_slice %arg10[%dma_start3A_561, %dma_start3A_569, %dma_start3A_570] : memref<5x20x512xf32, #tpu.memory_space<vmem>> -> memref<1x20x512xf32, #tpu.memory_space<vmem>>
    %dma_start3A_572 = tpu.memref_squeeze %dma_start3A_571 : memref<1x20x512xf32, #tpu.memory_space<vmem>> -> memref<20x512xf32, #tpu.memory_space<vmem>>
    %dma_start3A_573 = arith.constant 0 : i32
    %dma_start3A_574 = tpu.memref_slice %arg4[%dma_start3A_560, %dma_start3A_573, %mul3A_2] : memref<9x20x16384xf32, #tpu.memory_space<hbm>> -> memref<1x20x512xf32, #tpu.memory_space<hbm>>
    %dma_start3A_575 = tpu.memref_squeeze %dma_start3A_574 : memref<1x20x512xf32, #tpu.memory_space<hbm>> -> memref<20x512xf32, #tpu.memory_space<hbm>>
    tpu.enqueue_dma source(%dma_start3A_575 : memref<20x512xf32, #tpu.memory_space<hbm>>) target(%dma_start3A_572 : memref<20x512xf32, #tpu.memory_space<vmem>>) target_semaphore(%arg12 : memref<!tpu.dma_semaphore, #tpu.memory_space<semaphore_mem>>)
    %dma_wait3A_576 = arith.constant 3 : i32
    %dma_wait3A_577 = arith.constant 3 : i32
    %dma_wait3A_578 = arith.constant 0 : i32
    %dma_wait3A_579 = arith.constant 0 : i32
    %dma_wait3A_580 = tpu.memref_slice %arg10[%dma_wait3A_577, %dma_wait3A_578, %dma_wait3A_579] : memref<5x20x512xf32, #tpu.memory_space<vmem>> -> memref<1x20x512xf32, #tpu.memory_space<vmem>>
    %dma_wait3A_581 = tpu.memref_squeeze %dma_wait3A_580 : memref<1x20x512xf32, #tpu.memory_space<vmem>> -> memref<20x512xf32, #tpu.memory_space<vmem>>
    %dma_wait3A_582 = arith.constant 0 : i32
    %dma_wait3A_583 = tpu.memref_slice %arg4[%dma_wait3A_576, %dma_wait3A_582, %mul3A_2] : memref<9x20x16384xf32, #tpu.memory_space<hbm>> -> memref<1x20x512xf32, #tpu.memory_space<hbm>>
    %dma_wait3A_584 = tpu.memref_squeeze %dma_wait3A_583 : memref<1x20x512xf32, #tpu.memory_space<hbm>> -> memref<20x512xf32, #tpu.memory_space<hbm>>
    %dma_wait3A_585 = arith.constant 0 : i32
    %dma_wait3A_586 = arith.constant 0 : i32
    %dma_wait3A_587 = tpu.memref_slice %arg10[%dma_wait3A_577, %dma_wait3A_585, %dma_wait3A_586] : memref<5x20x512xf32, #tpu.memory_space<vmem>> -> memref<1x20x512xf32, #tpu.memory_space<vmem>>
    %dma_wait3A_588 = tpu.memref_squeeze %dma_wait3A_587 : memref<1x20x512xf32, #tpu.memory_space<vmem>> -> memref<20x512xf32, #tpu.memory_space<vmem>>
    %dma_wait3A_589 = arith.constant 0 : i32
    %dma_wait3A_590 = tpu.memref_slice %arg4[%dma_wait3A_576, %dma_wait3A_589, %mul3A_2] : memref<9x20x16384xf32, #tpu.memory_space<hbm>> -> memref<1x20x512xf32, #tpu.memory_space<hbm>>
    %dma_wait3A_591 = tpu.memref_squeeze %dma_wait3A_590 : memref<1x20x512xf32, #tpu.memory_space<hbm>> -> memref<20x512xf32, #tpu.memory_space<hbm>>
    tpu.wait_dma2 semaphore(%arg12 : memref<!tpu.dma_semaphore, #tpu.memory_space<semaphore_mem>>) src(%dma_wait3A_591 : memref<20x512xf32, #tpu.memory_space<hbm>>) dst(%dma_wait3A_588 : memref<20x512xf32, #tpu.memory_space<vmem>>)
    %dma_start3A_592 = arith.constant 3 : i32
    %dma_start3A_593 = arith.constant 3 : i32
    %dma_start3A_594 = arith.constant 0 : i32
    %dma_start3A_595 = arith.constant 0 : i32
    %dma_start3A_596 = tpu.memref_slice %arg10[%dma_start3A_592, %dma_start3A_594, %dma_start3A_595] : memref<5x20x512xf32, #tpu.memory_space<vmem>> -> memref<1x20x512xf32, #tpu.memory_space<vmem>>
    %dma_start3A_597 = tpu.memref_squeeze %dma_start3A_596 : memref<1x20x512xf32, #tpu.memory_space<vmem>> -> memref<20x512xf32, #tpu.memory_space<vmem>>
    %dma_start3A_598 = arith.constant 0 : i32
    %dma_start3A_599 = tpu.memref_slice %arg6[%dma_start3A_593, %dma_start3A_598, %mul3A_2] : memref<9x20x16384xf32, #tpu.memory_space<hbm>> -> memref<1x20x512xf32, #tpu.memory_space<hbm>>
    %dma_start3A_600 = tpu.memref_squeeze %dma_start3A_599 : memref<1x20x512xf32, #tpu.memory_space<hbm>> -> memref<20x512xf32, #tpu.memory_space<hbm>>
    %dma_start3A_601 = arith.constant 0 : i32
    %dma_start3A_602 = tpu.memref_slice %arg6[%dma_start3A_593, %dma_start3A_601, %mul3A_2] : memref<9x20x16384xf32, #tpu.memory_space<hbm>> -> memref<1x20x512xf32, #tpu.memory_space<hbm>>
    %dma_start3A_603 = tpu.memref_squeeze %dma_start3A_602 : memref<1x20x512xf32, #tpu.memory_space<hbm>> -> memref<20x512xf32, #tpu.memory_space<hbm>>
    %dma_start3A_604 = arith.constant 0 : i32
    %dma_start3A_605 = arith.constant 0 : i32
    %dma_start3A_606 = tpu.memref_slice %arg10[%dma_start3A_592, %dma_start3A_604, %dma_start3A_605] : memref<5x20x512xf32, #tpu.memory_space<vmem>> -> memref<1x20x512xf32, #tpu.memory_space<vmem>>
    %dma_start3A_607 = tpu.memref_squeeze %dma_start3A_606 : memref<1x20x512xf32, #tpu.memory_space<vmem>> -> memref<20x512xf32, #tpu.memory_space<vmem>>
    tpu.enqueue_dma source(%dma_start3A_607 : memref<20x512xf32, #tpu.memory_space<vmem>>) target(%dma_start3A_603 : memref<20x512xf32, #tpu.memory_space<hbm>>) target_semaphore(%arg13 : memref<!tpu.dma_semaphore, #tpu.memory_space<semaphore_mem>>)
    %dma_wait3A_608 = arith.constant 4 : i32
    %dma_wait3A_609 = arith.constant 4 : i32
    %dma_wait3A_610 = arith.constant 0 : i32
    %dma_wait3A_611 = arith.constant 0 : i32
    %dma_wait3A_612 = tpu.memref_slice %arg10[%dma_wait3A_609, %dma_wait3A_610, %dma_wait3A_611] : memref<5x20x512xf32, #tpu.memory_space<vmem>> -> memref<1x20x512xf32, #tpu.memory_space<vmem>>
    %dma_wait3A_613 = tpu.memref_squeeze %dma_wait3A_612 : memref<1x20x512xf32, #tpu.memory_space<vmem>> -> memref<20x512xf32, #tpu.memory_space<vmem>>
    %dma_wait3A_614 = arith.constant 0 : i32
    %dma_wait3A_615 = tpu.memref_slice %arg4[%dma_wait3A_608, %dma_wait3A_614, %mul3A_2] : memref<9x20x16384xf32, #tpu.memory_space<hbm>> -> memref<1x20x512xf32, #tpu.memory_space<hbm>>
    %dma_wait3A_616 = tpu.memref_squeeze %dma_wait3A_615 : memref<1x20x512xf32, #tpu.memory_space<hbm>> -> memref<20x512xf32, #tpu.memory_space<hbm>>
    %dma_wait3A_617 = arith.constant 0 : i32
    %dma_wait3A_618 = arith.constant 0 : i32
    %dma_wait3A_619 = tpu.memref_slice %arg10[%dma_wait3A_609, %dma_wait3A_617, %dma_wait3A_618] : memref<5x20x512xf32, #tpu.memory_space<vmem>> -> memref<1x20x512xf32, #tpu.memory_space<vmem>>
    %dma_wait3A_620 = tpu.memref_squeeze %dma_wait3A_619 : memref<1x20x512xf32, #tpu.memory_space<vmem>> -> memref<20x512xf32, #tpu.memory_space<vmem>>
    %dma_wait3A_621 = arith.constant 0 : i32
    %dma_wait3A_622 = tpu.memref_slice %arg4[%dma_wait3A_608, %dma_wait3A_621, %mul3A_2] : memref<9x20x16384xf32, #tpu.memory_space<hbm>> -> memref<1x20x512xf32, #tpu.memory_space<hbm>>
    %dma_wait3A_623 = tpu.memref_squeeze %dma_wait3A_622 : memref<1x20x512xf32, #tpu.memory_space<hbm>> -> memref<20x512xf32, #tpu.memory_space<hbm>>
    tpu.wait_dma2 semaphore(%arg12 : memref<!tpu.dma_semaphore, #tpu.memory_space<semaphore_mem>>) src(%dma_wait3A_623 : memref<20x512xf32, #tpu.memory_space<hbm>>) dst(%dma_wait3A_620 : memref<20x512xf32, #tpu.memory_space<vmem>>)
    %dma_start3A_624 = arith.constant 4 : i32
    %dma_start3A_625 = arith.constant 4 : i32
    %dma_start3A_626 = arith.constant 0 : i32
    %dma_start3A_627 = arith.constant 0 : i32
    %dma_start3A_628 = tpu.memref_slice %arg10[%dma_start3A_624, %dma_start3A_626, %dma_start3A_627] : memref<5x20x512xf32, #tpu.memory_space<vmem>> -> memref<1x20x512xf32, #tpu.memory_space<vmem>>
    %dma_start3A_629 = tpu.memref_squeeze %dma_start3A_628 : memref<1x20x512xf32, #tpu.memory_space<vmem>> -> memref<20x512xf32, #tpu.memory_space<vmem>>
    %dma_start3A_630 = arith.constant 0 : i32
    %dma_start3A_631 = tpu.memref_slice %arg6[%dma_start3A_625, %dma_start3A_630, %mul3A_2] : memref<9x20x16384xf32, #tpu.memory_space<hbm>> -> memref<1x20x512xf32, #tpu.memory_space<hbm>>
    %dma_start3A_632 = tpu.memref_squeeze %dma_start3A_631 : memref<1x20x512xf32, #tpu.memory_space<hbm>> -> memref<20x512xf32, #tpu.memory_space<hbm>>
    %dma_start3A_633 = arith.constant 0 : i32
    %dma_start3A_634 = tpu.memref_slice %arg6[%dma_start3A_625, %dma_start3A_633, %mul3A_2] : memref<9x20x16384xf32, #tpu.memory_space<hbm>> -> memref<1x20x512xf32, #tpu.memory_space<hbm>>
    %dma_start3A_635 = tpu.memref_squeeze %dma_start3A_634 : memref<1x20x512xf32, #tpu.memory_space<hbm>> -> memref<20x512xf32, #tpu.memory_space<hbm>>
    %dma_start3A_636 = arith.constant 0 : i32
    %dma_start3A_637 = arith.constant 0 : i32
    %dma_start3A_638 = tpu.memref_slice %arg10[%dma_start3A_624, %dma_start3A_636, %dma_start3A_637] : memref<5x20x512xf32, #tpu.memory_space<vmem>> -> memref<1x20x512xf32, #tpu.memory_space<vmem>>
    %dma_start3A_639 = tpu.memref_squeeze %dma_start3A_638 : memref<1x20x512xf32, #tpu.memory_space<vmem>> -> memref<20x512xf32, #tpu.memory_space<vmem>>
    tpu.enqueue_dma source(%dma_start3A_639 : memref<20x512xf32, #tpu.memory_space<vmem>>) target(%dma_start3A_635 : memref<20x512xf32, #tpu.memory_space<hbm>>) target_semaphore(%arg13 : memref<!tpu.dma_semaphore, #tpu.memory_space<semaphore_mem>>)
    %parallel_loop3A_640 = arith.constant 0 : i32
    %parallel_loop3A_641 = arith.constant 32 : i32
    %parallel_loop3A_642 = arith.constant 1 : i32
    scf.for %parallel_loop3A_1491 = %parallel_loop3A_640 to %parallel_loop3A_641 step %parallel_loop3A_642  : i32 {
      %parallel_loop3A_1492 = arith.constant 16 : i32
      %parallel_loop3A_1493 = arith.muli %parallel_loop3A_1491, %parallel_loop3A_1492 : i32
      %parallel_loop3A_1494 = arith.constant 1024 : i32
      %parallel_loop3A_1495 = arith.addi %parallel_loop3A_1494, %parallel_loop3A_1493 : i32
      %parallel_loop3A_1496 = arith.index_cast %parallel_loop3A_1495 : i32 to index
      %parallel_loop3A_1497 = tpu.vector_load %arg7[%parallel_loop3A_1496] {strides = array<i32>} : memref<1536xi32, #tpu.memory_space<vmem>>, vector<16xi32>,
      %parallel_loop3A_1498 = arith.constant 16 : i32
      %parallel_loop3A_1499 = vector.broadcast %parallel_loop3A_1498 : i32 to vector<16xi32>
      %parallel_loop3A_1500 = arith.muli %parallel_loop3A_1497, %parallel_loop3A_1499 : vector<16xi32>
      %parallel_loop3A_1501 = arith.constant 0 : i32
      %parallel_loop3A_1502 = vector.broadcast %parallel_loop3A_1501 : i32 to vector<16xi32>
      %parallel_loop3A_1503 = arith.addi %parallel_loop3A_1500, %parallel_loop3A_1502 : vector<16xi32>
      %parallel_loop3A_1504 = tpu.vector_load_idx %arg8[%parallel_loop3A_1503] : memref<16384xf32, #tpu.memory_space<vmem>>[vector<16xi32>], vector<16xf32>,
      %parallel_loop3A_1505 = arith.constant 1 : i32
      %parallel_loop3A_1506 = vector.broadcast %parallel_loop3A_1505 : i32 to vector<16xi32>
      %parallel_loop3A_1507 = arith.addi %parallel_loop3A_1500, %parallel_loop3A_1506 : vector<16xi32>
      %parallel_loop3A_1508 = tpu.vector_load_idx %arg8[%parallel_loop3A_1507] : memref<16384xf32, #tpu.memory_space<vmem>>[vector<16xi32>], vector<16xf32>,
      %parallel_loop3A_1509 = arith.constant 2 : i32
      %parallel_loop3A_1510 = vector.broadcast %parallel_loop3A_1509 : i32 to vector<16xi32>
      %parallel_loop3A_1511 = arith.addi %parallel_loop3A_1500, %parallel_loop3A_1510 : vector<16xi32>
      %parallel_loop3A_1512 = tpu.vector_load_idx %arg8[%parallel_loop3A_1511] : memref<16384xf32, #tpu.memory_space<vmem>>[vector<16xi32>], vector<16xf32>,
      %parallel_loop3A_1513 = arith.constant 3 : i32
      %parallel_loop3A_1514 = vector.broadcast %parallel_loop3A_1513 : i32 to vector<16xi32>
      %parallel_loop3A_1515 = arith.addi %parallel_loop3A_1500, %parallel_loop3A_1514 : vector<16xi32>
      %parallel_loop3A_1516 = tpu.vector_load_idx %arg8[%parallel_loop3A_1515] : memref<16384xf32, #tpu.memory_space<vmem>>[vector<16xi32>], vector<16xf32>,
      %parallel_loop3A_1517 = arith.constant 4 : i32
      %parallel_loop3A_1518 = vector.broadcast %parallel_loop3A_1517 : i32 to vector<16xi32>
      %parallel_loop3A_1519 = arith.addi %parallel_loop3A_1500, %parallel_loop3A_1518 : vector<16xi32>
      %parallel_loop3A_1520 = tpu.vector_load_idx %arg8[%parallel_loop3A_1519] : memref<16384xf32, #tpu.memory_space<vmem>>[vector<16xi32>], vector<16xf32>,
      %parallel_loop3A_1521 = arith.constant 5 : i32
      %parallel_loop3A_1522 = vector.broadcast %parallel_loop3A_1521 : i32 to vector<16xi32>
      %parallel_loop3A_1523 = arith.addi %parallel_loop3A_1500, %parallel_loop3A_1522 : vector<16xi32>
      %parallel_loop3A_1524 = tpu.vector_load_idx %arg8[%parallel_loop3A_1523] : memref<16384xf32, #tpu.memory_space<vmem>>[vector<16xi32>], vector<16xf32>,
      %parallel_loop3A_1525 = arith.constant 6 : i32
      %parallel_loop3A_1526 = vector.broadcast %parallel_loop3A_1525 : i32 to vector<16xi32>
      %parallel_loop3A_1527 = arith.addi %parallel_loop3A_1500, %parallel_loop3A_1526 : vector<16xi32>
      %parallel_loop3A_1528 = tpu.vector_load_idx %arg8[%parallel_loop3A_1527] : memref<16384xf32, #tpu.memory_space<vmem>>[vector<16xi32>], vector<16xf32>,
      %parallel_loop3A_1529 = arith.constant 7 : i32
      %parallel_loop3A_1530 = vector.broadcast %parallel_loop3A_1529 : i32 to vector<16xi32>
      %parallel_loop3A_1531 = arith.addi %parallel_loop3A_1500, %parallel_loop3A_1530 : vector<16xi32>
      %parallel_loop3A_1532 = tpu.vector_load_idx %arg8[%parallel_loop3A_1531] : memref<16384xf32, #tpu.memory_space<vmem>>[vector<16xi32>], vector<16xf32>,
      %parallel_loop3A_1533 = arith.constant 8 : i32
      %parallel_loop3A_1534 = vector.broadcast %parallel_loop3A_1533 : i32 to vector<16xi32>
      %parallel_loop3A_1535 = arith.addi %parallel_loop3A_1500, %parallel_loop3A_1534 : vector<16xi32>
      %parallel_loop3A_1536 = tpu.vector_load_idx %arg8[%parallel_loop3A_1535] : memref<16384xf32, #tpu.memory_space<vmem>>[vector<16xi32>], vector<16xf32>,
      %parallel_loop3A_1537 = arith.constant 9 : i32
      %parallel_loop3A_1538 = vector.broadcast %parallel_loop3A_1537 : i32 to vector<16xi32>
      %parallel_loop3A_1539 = arith.addi %parallel_loop3A_1500, %parallel_loop3A_1538 : vector<16xi32>
      %parallel_loop3A_1540 = tpu.vector_load_idx %arg8[%parallel_loop3A_1539] : memref<16384xf32, #tpu.memory_space<vmem>>[vector<16xi32>], vector<16xf32>,
      %parallel_loop3A_1541 = arith.constant 10 : i32
      %parallel_loop3A_1542 = vector.broadcast %parallel_loop3A_1541 : i32 to vector<16xi32>
      %parallel_loop3A_1543 = arith.addi %parallel_loop3A_1500, %parallel_loop3A_1542 : vector<16xi32>
      %parallel_loop3A_1544 = tpu.vector_load_idx %arg8[%parallel_loop3A_1543] : memref<16384xf32, #tpu.memory_space<vmem>>[vector<16xi32>], vector<16xf32>,
      %parallel_loop3A_1545 = arith.constant 11 : i32
      %parallel_loop3A_1546 = vector.broadcast %parallel_loop3A_1545 : i32 to vector<16xi32>
      %parallel_loop3A_1547 = arith.addi %parallel_loop3A_1500, %parallel_loop3A_1546 : vector<16xi32>
      %parallel_loop3A_1548 = tpu.vector_load_idx %arg8[%parallel_loop3A_1547] : memref<16384xf32, #tpu.memory_space<vmem>>[vector<16xi32>], vector<16xf32>,
      %parallel_loop3A_1549 = arith.constant 12 : i32
      %parallel_loop3A_1550 = vector.broadcast %parallel_loop3A_1549 : i32 to vector<16xi32>
      %parallel_loop3A_1551 = arith.addi %parallel_loop3A_1500, %parallel_loop3A_1550 : vector<16xi32>
      %parallel_loop3A_1552 = tpu.vector_load_idx %arg8[%parallel_loop3A_1551] : memref<16384xf32, #tpu.memory_space<vmem>>[vector<16xi32>], vector<16xf32>,
      %parallel_loop3A_1553 = arith.constant 13 : i32
      %parallel_loop3A_1554 = vector.broadcast %parallel_loop3A_1553 : i32 to vector<16xi32>
      %parallel_loop3A_1555 = arith.addi %parallel_loop3A_1500, %parallel_loop3A_1554 : vector<16xi32>
      %parallel_loop3A_1556 = tpu.vector_load_idx %arg8[%parallel_loop3A_1555] : memref<16384xf32, #tpu.memory_space<vmem>>[vector<16xi32>], vector<16xf32>,
      %parallel_loop3A_1557 = arith.constant 14 : i32
      %parallel_loop3A_1558 = vector.broadcast %parallel_loop3A_1557 : i32 to vector<16xi32>
      %parallel_loop3A_1559 = arith.addi %parallel_loop3A_1500, %parallel_loop3A_1558 : vector<16xi32>
      %parallel_loop3A_1560 = tpu.vector_load_idx %arg8[%parallel_loop3A_1559] : memref<16384xf32, #tpu.memory_space<vmem>>[vector<16xi32>], vector<16xf32>,
      %parallel_loop3A_1561 = arith.constant 15 : i32
      %parallel_loop3A_1562 = vector.broadcast %parallel_loop3A_1561 : i32 to vector<16xi32>
      %parallel_loop3A_1563 = arith.addi %parallel_loop3A_1500, %parallel_loop3A_1562 : vector<16xi32>
      %parallel_loop3A_1564 = tpu.vector_load_idx %arg8[%parallel_loop3A_1563] : memref<16384xf32, #tpu.memory_space<vmem>>[vector<16xi32>], vector<16xf32>,
      %parallel_loop3A_1565 = arith.constant 16384 : i32
      %parallel_loop3A_1566 = arith.addi %parallel_loop3A_1565, %parallel_loop3A_1493 : i32
      %parallel_loop3A_1567 = arith.index_cast %parallel_loop3A_1566 : i32 to index
      %parallel_loop3A_1568 = tpu.vector_load %arg9[%parallel_loop3A_1567] {strides = array<i32>} : memref<24576xf32, #tpu.memory_space<vmem>>, vector<16xf32>,
      tpu.vector_store %arg9[%parallel_loop3A_1567], %parallel_loop3A_1504 {strides = array<i32>} : memref<24576xf32, #tpu.memory_space<vmem>>, vector<16xf32>,
      %parallel_loop3A_1569 = arith.constant 16896 : i32
      %parallel_loop3A_1570 = arith.addi %parallel_loop3A_1569, %parallel_loop3A_1493 : i32
      %parallel_loop3A_1571 = arith.index_cast %parallel_loop3A_1570 : i32 to index
      %parallel_loop3A_1572 = tpu.vector_load %arg9[%parallel_loop3A_1571] {strides = array<i32>} : memref<24576xf32, #tpu.memory_space<vmem>>, vector<16xf32>,
      tpu.vector_store %arg9[%parallel_loop3A_1571], %parallel_loop3A_1508 {strides = array<i32>} : memref<24576xf32, #tpu.memory_space<vmem>>, vector<16xf32>,
      %parallel_loop3A_1573 = arith.constant 17408 : i32
      %parallel_loop3A_1574 = arith.addi %parallel_loop3A_1573, %parallel_loop3A_1493 : i32
      %parallel_loop3A_1575 = arith.index_cast %parallel_loop3A_1574 : i32 to index
      %parallel_loop3A_1576 = tpu.vector_load %arg9[%parallel_loop3A_1575] {strides = array<i32>} : memref<24576xf32, #tpu.memory_space<vmem>>, vector<16xf32>,
      tpu.vector_store %arg9[%parallel_loop3A_1575], %parallel_loop3A_1512 {strides = array<i32>} : memref<24576xf32, #tpu.memory_space<vmem>>, vector<16xf32>,
      %parallel_loop3A_1577 = arith.constant 17920 : i32
      %parallel_loop3A_1578 = arith.addi %parallel_loop3A_1577, %parallel_loop3A_1493 : i32
      %parallel_loop3A_1579 = arith.index_cast %parallel_loop3A_1578 : i32 to index
      %parallel_loop3A_1580 = tpu.vector_load %arg9[%parallel_loop3A_1579] {strides = array<i32>} : memref<24576xf32, #tpu.memory_space<vmem>>, vector<16xf32>,
      tpu.vector_store %arg9[%parallel_loop3A_1579], %parallel_loop3A_1516 {strides = array<i32>} : memref<24576xf32, #tpu.memory_space<vmem>>, vector<16xf32>,
      %parallel_loop3A_1581 = arith.constant 18432 : i32
      %parallel_loop3A_1582 = arith.addi %parallel_loop3A_1581, %parallel_loop3A_1493 : i32
      %parallel_loop3A_1583 = arith.index_cast %parallel_loop3A_1582 : i32 to index
      %parallel_loop3A_1584 = tpu.vector_load %arg9[%parallel_loop3A_1583] {strides = array<i32>} : memref<24576xf32, #tpu.memory_space<vmem>>, vector<16xf32>,
      tpu.vector_store %arg9[%parallel_loop3A_1583], %parallel_loop3A_1520 {strides = array<i32>} : memref<24576xf32, #tpu.memory_space<vmem>>, vector<16xf32>,
      %parallel_loop3A_1585 = arith.constant 18944 : i32
      %parallel_loop3A_1586 = arith.addi %parallel_loop3A_1585, %parallel_loop3A_1493 : i32
      %parallel_loop3A_1587 = arith.index_cast %parallel_loop3A_1586 : i32 to index
      %parallel_loop3A_1588 = tpu.vector_load %arg9[%parallel_loop3A_1587] {strides = array<i32>} : memref<24576xf32, #tpu.memory_space<vmem>>, vector<16xf32>,
      tpu.vector_store %arg9[%parallel_loop3A_1587], %parallel_loop3A_1524 {strides = array<i32>} : memref<24576xf32, #tpu.memory_space<vmem>>, vector<16xf32>,
      %parallel_loop3A_1589 = arith.constant 19456 : i32
      %parallel_loop3A_1590 = arith.addi %parallel_loop3A_1589, %parallel_loop3A_1493 : i32
      %parallel_loop3A_1591 = arith.index_cast %parallel_loop3A_1590 : i32 to index
      %parallel_loop3A_1592 = tpu.vector_load %arg9[%parallel_loop3A_1591] {strides = array<i32>} : memref<24576xf32, #tpu.memory_space<vmem>>, vector<16xf32>,
      tpu.vector_store %arg9[%parallel_loop3A_1591], %parallel_loop3A_1528 {strides = array<i32>} : memref<24576xf32, #tpu.memory_space<vmem>>, vector<16xf32>,
      %parallel_loop3A_1593 = arith.constant 19968 : i32
      %parallel_loop3A_1594 = arith.addi %parallel_loop3A_1593, %parallel_loop3A_1493 : i32
      %parallel_loop3A_1595 = arith.index_cast %parallel_loop3A_1594 : i32 to index
      %parallel_loop3A_1596 = tpu.vector_load %arg9[%parallel_loop3A_1595] {strides = array<i32>} : memref<24576xf32, #tpu.memory_space<vmem>>, vector<16xf32>,
      tpu.vector_store %arg9[%parallel_loop3A_1595], %parallel_loop3A_1532 {strides = array<i32>} : memref<24576xf32, #tpu.memory_space<vmem>>, vector<16xf32>,
      %parallel_loop3A_1597 = arith.constant 20480 : i32
      %parallel_loop3A_1598 = arith.addi %parallel_loop3A_1597, %parallel_loop3A_1493 : i32
      %parallel_loop3A_1599 = arith.index_cast %parallel_loop3A_1598 : i32 to index
      %parallel_loop3A_1600 = tpu.vector_load %arg9[%parallel_loop3A_1599] {strides = array<i32>} : memref<24576xf32, #tpu.memory_space<vmem>>, vector<16xf32>,
      tpu.vector_store %arg9[%parallel_loop3A_1599], %parallel_loop3A_1536 {strides = array<i32>} : memref<24576xf32, #tpu.memory_space<vmem>>, vector<16xf32>,
      %parallel_loop3A_1601 = arith.constant 20992 : i32
      %parallel_loop3A_1602 = arith.addi %parallel_loop3A_1601, %parallel_loop3A_1493 : i32
      %parallel_loop3A_1603 = arith.index_cast %parallel_loop3A_1602 : i32 to index
      %parallel_loop3A_1604 = tpu.vector_load %arg9[%parallel_loop3A_1603] {strides = array<i32>} : memref<24576xf32, #tpu.memory_space<vmem>>, vector<16xf32>,
      tpu.vector_store %arg9[%parallel_loop3A_1603], %parallel_loop3A_1540 {strides = array<i32>} : memref<24576xf32, #tpu.memory_space<vmem>>, vector<16xf32>,
      %parallel_loop3A_1605 = arith.constant 21504 : i32
      %parallel_loop3A_1606 = arith.addi %parallel_loop3A_1605, %parallel_loop3A_1493 : i32
      %parallel_loop3A_1607 = arith.index_cast %parallel_loop3A_1606 : i32 to index
      %parallel_loop3A_1608 = tpu.vector_load %arg9[%parallel_loop3A_1607] {strides = array<i32>} : memref<24576xf32, #tpu.memory_space<vmem>>, vector<16xf32>,
      tpu.vector_store %arg9[%parallel_loop3A_1607], %parallel_loop3A_1544 {strides = array<i32>} : memref<24576xf32, #tpu.memory_space<vmem>>, vector<16xf32>,
      %parallel_loop3A_1609 = arith.constant 22016 : i32
      %parallel_loop3A_1610 = arith.addi %parallel_loop3A_1609, %parallel_loop3A_1493 : i32
      %parallel_loop3A_1611 = arith.index_cast %parallel_loop3A_1610 : i32 to index
      %parallel_loop3A_1612 = tpu.vector_load %arg9[%parallel_loop3A_1611] {strides = array<i32>} : memref<24576xf32, #tpu.memory_space<vmem>>, vector<16xf32>,
      tpu.vector_store %arg9[%parallel_loop3A_1611], %parallel_loop3A_1548 {strides = array<i32>} : memref<24576xf32, #tpu.memory_space<vmem>>, vector<16xf32>,
      %parallel_loop3A_1613 = arith.constant 22528 : i32
      %parallel_loop3A_1614 = arith.addi %parallel_loop3A_1613, %parallel_loop3A_1493 : i32
      %parallel_loop3A_1615 = arith.index_cast %parallel_loop3A_1614 : i32 to index
      %parallel_loop3A_1616 = tpu.vector_load %arg9[%parallel_loop3A_1615] {strides = array<i32>} : memref<24576xf32, #tpu.memory_space<vmem>>, vector<16xf32>,
      tpu.vector_store %arg9[%parallel_loop3A_1615], %parallel_loop3A_1552 {strides = array<i32>} : memref<24576xf32, #tpu.memory_space<vmem>>, vector<16xf32>,
      %parallel_loop3A_1617 = arith.constant 23040 : i32
      %parallel_loop3A_1618 = arith.addi %parallel_loop3A_1617, %parallel_loop3A_1493 : i32
      %parallel_loop3A_1619 = arith.index_cast %parallel_loop3A_1618 : i32 to index
      %parallel_loop3A_1620 = tpu.vector_load %arg9[%parallel_loop3A_1619] {strides = array<i32>} : memref<24576xf32, #tpu.memory_space<vmem>>, vector<16xf32>,
      tpu.vector_store %arg9[%parallel_loop3A_1619], %parallel_loop3A_1556 {strides = array<i32>} : memref<24576xf32, #tpu.memory_space<vmem>>, vector<16xf32>,
      %parallel_loop3A_1621 = arith.constant 23552 : i32
      %parallel_loop3A_1622 = arith.addi %parallel_loop3A_1621, %parallel_loop3A_1493 : i32
      %parallel_loop3A_1623 = arith.index_cast %parallel_loop3A_1622 : i32 to index
      %parallel_loop3A_1624 = tpu.vector_load %arg9[%parallel_loop3A_1623] {strides = array<i32>} : memref<24576xf32, #tpu.memory_space<vmem>>, vector<16xf32>,
      tpu.vector_store %arg9[%parallel_loop3A_1623], %parallel_loop3A_1560 {strides = array<i32>} : memref<24576xf32, #tpu.memory_space<vmem>>, vector<16xf32>,
      %parallel_loop3A_1625 = arith.constant 24064 : i32
      %parallel_loop3A_1626 = arith.addi %parallel_loop3A_1625, %parallel_loop3A_1493 : i32
      %parallel_loop3A_1627 = arith.index_cast %parallel_loop3A_1626 : i32 to index
      %parallel_loop3A_1628 = tpu.vector_load %arg9[%parallel_loop3A_1627] {strides = array<i32>} : memref<24576xf32, #tpu.memory_space<vmem>>, vector<16xf32>,
      tpu.vector_store %arg9[%parallel_loop3A_1627], %parallel_loop3A_1564 {strides = array<i32>} : memref<24576xf32, #tpu.memory_space<vmem>>, vector<16xf32>,
    } {sc.loop_unroll_factor = 1 : i64, sc.parallel_access}
    %dma_start3A_643 = arith.constant 32 : i32
    %dma_start3A_644 = arith.constant 16384 : i32
    %dma_start3A_645 = tpu.memref_slice %arg9[%dma_start3A_644] : memref<24576xf32, #tpu.memory_space<vmem>> -> memref<512xf32, #tpu.memory_space<vmem>>
    %dma_start3A_646 = tpu.memref_slice %arg5[%dma_start3A_643, %mul3A_2] : memref<48x16384xf32, #tpu.memory_space<hbm>> -> memref<1x512xf32, #tpu.memory_space<hbm>>
    %dma_start3A_647 = tpu.memref_squeeze %dma_start3A_646 : memref<1x512xf32, #tpu.memory_space<hbm>> -> memref<512xf32, #tpu.memory_space<hbm>>
    %dma_start3A_648 = tpu.memref_slice %arg5[%dma_start3A_643, %mul3A_2] : memref<48x16384xf32, #tpu.memory_space<hbm>> -> memref<1x512xf32, #tpu.memory_space<hbm>>
    %dma_start3A_649 = tpu.memref_squeeze %dma_start3A_648 : memref<1x512xf32, #tpu.memory_space<hbm>> -> memref<512xf32, #tpu.memory_space<hbm>>
    %dma_start3A_650 = arith.constant 16384 : i32
    %dma_start3A_651 = tpu.memref_slice %arg9[%dma_start3A_650] : memref<24576xf32, #tpu.memory_space<vmem>> -> memref<512xf32, #tpu.memory_space<vmem>>
    tpu.enqueue_dma source(%dma_start3A_651 : memref<512xf32, #tpu.memory_space<vmem>>) target(%dma_start3A_649 : memref<512xf32, #tpu.memory_space<hbm>>) target_semaphore(%arg11 : memref<!tpu.dma_semaphore, #tpu.memory_space<semaphore_mem>>)
    %dma_start3A_652 = arith.constant 33 : i32
    %dma_start3A_653 = arith.constant 16896 : i32
    %dma_start3A_654 = tpu.memref_slice %arg9[%dma_start3A_653] : memref<24576xf32, #tpu.memory_space<vmem>> -> memref<512xf32, #tpu.memory_space<vmem>>
    %dma_start3A_655 = tpu.memref_slice %arg5[%dma_start3A_652, %mul3A_2] : memref<48x16384xf32, #tpu.memory_space<hbm>> -> memref<1x512xf32, #tpu.memory_space<hbm>>
    %dma_start3A_656 = tpu.memref_squeeze %dma_start3A_655 : memref<1x512xf32, #tpu.memory_space<hbm>> -> memref<512xf32, #tpu.memory_space<hbm>>
    %dma_start3A_657 = tpu.memref_slice %arg5[%dma_start3A_652, %mul3A_2] : memref<48x16384xf32, #tpu.memory_space<hbm>> -> memref<1x512xf32, #tpu.memory_space<hbm>>
    %dma_start3A_658 = tpu.memref_squeeze %dma_start3A_657 : memref<1x512xf32, #tpu.memory_space<hbm>> -> memref<512xf32, #tpu.memory_space<hbm>>
    %dma_start3A_659 = arith.constant 16896 : i32
    %dma_start3A_660 = tpu.memref_slice %arg9[%dma_start3A_659] : memref<24576xf32, #tpu.memory_space<vmem>> -> memref<512xf32, #tpu.memory_space<vmem>>
    tpu.enqueue_dma source(%dma_start3A_660 : memref<512xf32, #tpu.memory_space<vmem>>) target(%dma_start3A_658 : memref<512xf32, #tpu.memory_space<hbm>>) target_semaphore(%arg11 : memref<!tpu.dma_semaphore, #tpu.memory_space<semaphore_mem>>)
    %dma_start3A_661 = arith.constant 34 : i32
    %dma_start3A_662 = arith.constant 17408 : i32
    %dma_start3A_663 = tpu.memref_slice %arg9[%dma_start3A_662] : memref<24576xf32, #tpu.memory_space<vmem>> -> memref<512xf32, #tpu.memory_space<vmem>>
    %dma_start3A_664 = tpu.memref_slice %arg5[%dma_start3A_661, %mul3A_2] : memref<48x16384xf32, #tpu.memory_space<hbm>> -> memref<1x512xf32, #tpu.memory_space<hbm>>
    %dma_start3A_665 = tpu.memref_squeeze %dma_start3A_664 : memref<1x512xf32, #tpu.memory_space<hbm>> -> memref<512xf32, #tpu.memory_space<hbm>>
    %dma_start3A_666 = tpu.memref_slice %arg5[%dma_start3A_661, %mul3A_2] : memref<48x16384xf32, #tpu.memory_space<hbm>> -> memref<1x512xf32, #tpu.memory_space<hbm>>
    %dma_start3A_667 = tpu.memref_squeeze %dma_start3A_666 : memref<1x512xf32, #tpu.memory_space<hbm>> -> memref<512xf32, #tpu.memory_space<hbm>>
    %dma_start3A_668 = arith.constant 17408 : i32
    %dma_start3A_669 = tpu.memref_slice %arg9[%dma_start3A_668] : memref<24576xf32, #tpu.memory_space<vmem>> -> memref<512xf32, #tpu.memory_space<vmem>>
    tpu.enqueue_dma source(%dma_start3A_669 : memref<512xf32, #tpu.memory_space<vmem>>) target(%dma_start3A_667 : memref<512xf32, #tpu.memory_space<hbm>>) target_semaphore(%arg11 : memref<!tpu.dma_semaphore, #tpu.memory_space<semaphore_mem>>)
    %dma_start3A_670 = arith.constant 35 : i32
    %dma_start3A_671 = arith.constant 17920 : i32
    %dma_start3A_672 = tpu.memref_slice %arg9[%dma_start3A_671] : memref<24576xf32, #tpu.memory_space<vmem>> -> memref<512xf32, #tpu.memory_space<vmem>>
    %dma_start3A_673 = tpu.memref_slice %arg5[%dma_start3A_670, %mul3A_2] : memref<48x16384xf32, #tpu.memory_space<hbm>> -> memref<1x512xf32, #tpu.memory_space<hbm>>
    %dma_start3A_674 = tpu.memref_squeeze %dma_start3A_673 : memref<1x512xf32, #tpu.memory_space<hbm>> -> memref<512xf32, #tpu.memory_space<hbm>>
    %dma_start3A_675 = tpu.memref_slice %arg5[%dma_start3A_670, %mul3A_2] : memref<48x16384xf32, #tpu.memory_space<hbm>> -> memref<1x512xf32, #tpu.memory_space<hbm>>
    %dma_start3A_676 = tpu.memref_squeeze %dma_start3A_675 : memref<1x512xf32, #tpu.memory_space<hbm>> -> memref<512xf32, #tpu.memory_space<hbm>>
    %dma_start3A_677 = arith.constant 17920 : i32
    %dma_start3A_678 = tpu.memref_slice %arg9[%dma_start3A_677] : memref<24576xf32, #tpu.memory_space<vmem>> -> memref<512xf32, #tpu.memory_space<vmem>>
    tpu.enqueue_dma source(%dma_start3A_678 : memref<512xf32, #tpu.memory_space<vmem>>) target(%dma_start3A_676 : memref<512xf32, #tpu.memory_space<hbm>>) target_semaphore(%arg11 : memref<!tpu.dma_semaphore, #tpu.memory_space<semaphore_mem>>)
    %dma_start3A_679 = arith.constant 36 : i32
    %dma_start3A_680 = arith.constant 18432 : i32
    %dma_start3A_681 = tpu.memref_slice %arg9[%dma_start3A_680] : memref<24576xf32, #tpu.memory_space<vmem>> -> memref<512xf32, #tpu.memory_space<vmem>>
    %dma_start3A_682 = tpu.memref_slice %arg5[%dma_start3A_679, %mul3A_2] : memref<48x16384xf32, #tpu.memory_space<hbm>> -> memref<1x512xf32, #tpu.memory_space<hbm>>
    %dma_start3A_683 = tpu.memref_squeeze %dma_start3A_682 : memref<1x512xf32, #tpu.memory_space<hbm>> -> memref<512xf32, #tpu.memory_space<hbm>>
    %dma_start3A_684 = tpu.memref_slice %arg5[%dma_start3A_679, %mul3A_2] : memref<48x16384xf32, #tpu.memory_space<hbm>> -> memref<1x512xf32, #tpu.memory_space<hbm>>
    %dma_start3A_685 = tpu.memref_squeeze %dma_start3A_684 : memref<1x512xf32, #tpu.memory_space<hbm>> -> memref<512xf32, #tpu.memory_space<hbm>>
    %dma_start3A_686 = arith.constant 18432 : i32
    %dma_start3A_687 = tpu.memref_slice %arg9[%dma_start3A_686] : memref<24576xf32, #tpu.memory_space<vmem>> -> memref<512xf32, #tpu.memory_space<vmem>>
    tpu.enqueue_dma source(%dma_start3A_687 : memref<512xf32, #tpu.memory_space<vmem>>) target(%dma_start3A_685 : memref<512xf32, #tpu.memory_space<hbm>>) target_semaphore(%arg11 : memref<!tpu.dma_semaphore, #tpu.memory_space<semaphore_mem>>)
    %dma_start3A_688 = arith.constant 37 : i32
    %dma_start3A_689 = arith.constant 18944 : i32
    %dma_start3A_690 = tpu.memref_slice %arg9[%dma_start3A_689] : memref<24576xf32, #tpu.memory_space<vmem>> -> memref<512xf32, #tpu.memory_space<vmem>>
    %dma_start3A_691 = tpu.memref_slice %arg5[%dma_start3A_688, %mul3A_2] : memref<48x16384xf32, #tpu.memory_space<hbm>> -> memref<1x512xf32, #tpu.memory_space<hbm>>
    %dma_start3A_692 = tpu.memref_squeeze %dma_start3A_691 : memref<1x512xf32, #tpu.memory_space<hbm>> -> memref<512xf32, #tpu.memory_space<hbm>>
    %dma_start3A_693 = tpu.memref_slice %arg5[%dma_start3A_688, %mul3A_2] : memref<48x16384xf32, #tpu.memory_space<hbm>> -> memref<1x512xf32, #tpu.memory_space<hbm>>
    %dma_start3A_694 = tpu.memref_squeeze %dma_start3A_693 : memref<1x512xf32, #tpu.memory_space<hbm>> -> memref<512xf32, #tpu.memory_space<hbm>>
    %dma_start3A_695 = arith.constant 18944 : i32
    %dma_start3A_696 = tpu.memref_slice %arg9[%dma_start3A_695] : memref<24576xf32, #tpu.memory_space<vmem>> -> memref<512xf32, #tpu.memory_space<vmem>>
    tpu.enqueue_dma source(%dma_start3A_696 : memref<512xf32, #tpu.memory_space<vmem>>) target(%dma_start3A_694 : memref<512xf32, #tpu.memory_space<hbm>>) target_semaphore(%arg11 : memref<!tpu.dma_semaphore, #tpu.memory_space<semaphore_mem>>)
    %dma_start3A_697 = arith.constant 38 : i32
    %dma_start3A_698 = arith.constant 19456 : i32
    %dma_start3A_699 = tpu.memref_slice %arg9[%dma_start3A_698] : memref<24576xf32, #tpu.memory_space<vmem>> -> memref<512xf32, #tpu.memory_space<vmem>>
    %dma_start3A_700 = tpu.memref_slice %arg5[%dma_start3A_697, %mul3A_2] : memref<48x16384xf32, #tpu.memory_space<hbm>> -> memref<1x512xf32, #tpu.memory_space<hbm>>
    %dma_start3A_701 = tpu.memref_squeeze %dma_start3A_700 : memref<1x512xf32, #tpu.memory_space<hbm>> -> memref<512xf32, #tpu.memory_space<hbm>>
    %dma_start3A_702 = tpu.memref_slice %arg5[%dma_start3A_697, %mul3A_2] : memref<48x16384xf32, #tpu.memory_space<hbm>> -> memref<1x512xf32, #tpu.memory_space<hbm>>
    %dma_start3A_703 = tpu.memref_squeeze %dma_start3A_702 : memref<1x512xf32, #tpu.memory_space<hbm>> -> memref<512xf32, #tpu.memory_space<hbm>>
    %dma_start3A_704 = arith.constant 19456 : i32
    %dma_start3A_705 = tpu.memref_slice %arg9[%dma_start3A_704] : memref<24576xf32, #tpu.memory_space<vmem>> -> memref<512xf32, #tpu.memory_space<vmem>>
    tpu.enqueue_dma source(%dma_start3A_705 : memref<512xf32, #tpu.memory_space<vmem>>) target(%dma_start3A_703 : memref<512xf32, #tpu.memory_space<hbm>>) target_semaphore(%arg11 : memref<!tpu.dma_semaphore, #tpu.memory_space<semaphore_mem>>)
    %dma_start3A_706 = arith.constant 39 : i32
    %dma_start3A_707 = arith.constant 19968 : i32
    %dma_start3A_708 = tpu.memref_slice %arg9[%dma_start3A_707] : memref<24576xf32, #tpu.memory_space<vmem>> -> memref<512xf32, #tpu.memory_space<vmem>>
    %dma_start3A_709 = tpu.memref_slice %arg5[%dma_start3A_706, %mul3A_2] : memref<48x16384xf32, #tpu.memory_space<hbm>> -> memref<1x512xf32, #tpu.memory_space<hbm>>
    %dma_start3A_710 = tpu.memref_squeeze %dma_start3A_709 : memref<1x512xf32, #tpu.memory_space<hbm>> -> memref<512xf32, #tpu.memory_space<hbm>>
    %dma_start3A_711 = tpu.memref_slice %arg5[%dma_start3A_706, %mul3A_2] : memref<48x16384xf32, #tpu.memory_space<hbm>> -> memref<1x512xf32, #tpu.memory_space<hbm>>
    %dma_start3A_712 = tpu.memref_squeeze %dma_start3A_711 : memref<1x512xf32, #tpu.memory_space<hbm>> -> memref<512xf32, #tpu.memory_space<hbm>>
    %dma_start3A_713 = arith.constant 19968 : i32
    %dma_start3A_714 = tpu.memref_slice %arg9[%dma_start3A_713] : memref<24576xf32, #tpu.memory_space<vmem>> -> memref<512xf32, #tpu.memory_space<vmem>>
    tpu.enqueue_dma source(%dma_start3A_714 : memref<512xf32, #tpu.memory_space<vmem>>) target(%dma_start3A_712 : memref<512xf32, #tpu.memory_space<hbm>>) target_semaphore(%arg11 : memref<!tpu.dma_semaphore, #tpu.memory_space<semaphore_mem>>)
    %dma_start3A_715 = arith.constant 40 : i32
    %dma_start3A_716 = arith.constant 20480 : i32
    %dma_start3A_717 = tpu.memref_slice %arg9[%dma_start3A_716] : memref<24576xf32, #tpu.memory_space<vmem>> -> memref<512xf32, #tpu.memory_space<vmem>>
    %dma_start3A_718 = tpu.memref_slice %arg5[%dma_start3A_715, %mul3A_2] : memref<48x16384xf32, #tpu.memory_space<hbm>> -> memref<1x512xf32, #tpu.memory_space<hbm>>
    %dma_start3A_719 = tpu.memref_squeeze %dma_start3A_718 : memref<1x512xf32, #tpu.memory_space<hbm>> -> memref<512xf32, #tpu.memory_space<hbm>>
    %dma_start3A_720 = tpu.memref_slice %arg5[%dma_start3A_715, %mul3A_2] : memref<48x16384xf32, #tpu.memory_space<hbm>> -> memref<1x512xf32, #tpu.memory_space<hbm>>
    %dma_start3A_721 = tpu.memref_squeeze %dma_start3A_720 : memref<1x512xf32, #tpu.memory_space<hbm>> -> memref<512xf32, #tpu.memory_space<hbm>>
    %dma_start3A_722 = arith.constant 20480 : i32
    %dma_start3A_723 = tpu.memref_slice %arg9[%dma_start3A_722] : memref<24576xf32, #tpu.memory_space<vmem>> -> memref<512xf32, #tpu.memory_space<vmem>>
    tpu.enqueue_dma source(%dma_start3A_723 : memref<512xf32, #tpu.memory_space<vmem>>) target(%dma_start3A_721 : memref<512xf32, #tpu.memory_space<hbm>>) target_semaphore(%arg11 : memref<!tpu.dma_semaphore, #tpu.memory_space<semaphore_mem>>)
    %dma_start3A_724 = arith.constant 41 : i32
    %dma_start3A_725 = arith.constant 20992 : i32
    %dma_start3A_726 = tpu.memref_slice %arg9[%dma_start3A_725] : memref<24576xf32, #tpu.memory_space<vmem>> -> memref<512xf32, #tpu.memory_space<vmem>>
    %dma_start3A_727 = tpu.memref_slice %arg5[%dma_start3A_724, %mul3A_2] : memref<48x16384xf32, #tpu.memory_space<hbm>> -> memref<1x512xf32, #tpu.memory_space<hbm>>
    %dma_start3A_728 = tpu.memref_squeeze %dma_start3A_727 : memref<1x512xf32, #tpu.memory_space<hbm>> -> memref<512xf32, #tpu.memory_space<hbm>>
    %dma_start3A_729 = tpu.memref_slice %arg5[%dma_start3A_724, %mul3A_2] : memref<48x16384xf32, #tpu.memory_space<hbm>> -> memref<1x512xf32, #tpu.memory_space<hbm>>
    %dma_start3A_730 = tpu.memref_squeeze %dma_start3A_729 : memref<1x512xf32, #tpu.memory_space<hbm>> -> memref<512xf32, #tpu.memory_space<hbm>>
    %dma_start3A_731 = arith.constant 20992 : i32
    %dma_start3A_732 = tpu.memref_slice %arg9[%dma_start3A_731] : memref<24576xf32, #tpu.memory_space<vmem>> -> memref<512xf32, #tpu.memory_space<vmem>>
    tpu.enqueue_dma source(%dma_start3A_732 : memref<512xf32, #tpu.memory_space<vmem>>) target(%dma_start3A_730 : memref<512xf32, #tpu.memory_space<hbm>>) target_semaphore(%arg11 : memref<!tpu.dma_semaphore, #tpu.memory_space<semaphore_mem>>)
    %dma_start3A_733 = arith.constant 42 : i32
    %dma_start3A_734 = arith.constant 21504 : i32
    %dma_start3A_735 = tpu.memref_slice %arg9[%dma_start3A_734] : memref<24576xf32, #tpu.memory_space<vmem>> -> memref<512xf32, #tpu.memory_space<vmem>>
    %dma_start3A_736 = tpu.memref_slice %arg5[%dma_start3A_733, %mul3A_2] : memref<48x16384xf32, #tpu.memory_space<hbm>> -> memref<1x512xf32, #tpu.memory_space<hbm>>
    %dma_start3A_737 = tpu.memref_squeeze %dma_start3A_736 : memref<1x512xf32, #tpu.memory_space<hbm>> -> memref<512xf32, #tpu.memory_space<hbm>>
    %dma_start3A_738 = tpu.memref_slice %arg5[%dma_start3A_733, %mul3A_2] : memref<48x16384xf32, #tpu.memory_space<hbm>> -> memref<1x512xf32, #tpu.memory_space<hbm>>
    %dma_start3A_739 = tpu.memref_squeeze %dma_start3A_738 : memref<1x512xf32, #tpu.memory_space<hbm>> -> memref<512xf32, #tpu.memory_space<hbm>>
    %dma_start3A_740 = arith.constant 21504 : i32
    %dma_start3A_741 = tpu.memref_slice %arg9[%dma_start3A_740] : memref<24576xf32, #tpu.memory_space<vmem>> -> memref<512xf32, #tpu.memory_space<vmem>>
    tpu.enqueue_dma source(%dma_start3A_741 : memref<512xf32, #tpu.memory_space<vmem>>) target(%dma_start3A_739 : memref<512xf32, #tpu.memory_space<hbm>>) target_semaphore(%arg11 : memref<!tpu.dma_semaphore, #tpu.memory_space<semaphore_mem>>)
    %dma_start3A_742 = arith.constant 43 : i32
    %dma_start3A_743 = arith.constant 22016 : i32
    %dma_start3A_744 = tpu.memref_slice %arg9[%dma_start3A_743] : memref<24576xf32, #tpu.memory_space<vmem>> -> memref<512xf32, #tpu.memory_space<vmem>>
    %dma_start3A_745 = tpu.memref_slice %arg5[%dma_start3A_742, %mul3A_2] : memref<48x16384xf32, #tpu.memory_space<hbm>> -> memref<1x512xf32, #tpu.memory_space<hbm>>
    %dma_start3A_746 = tpu.memref_squeeze %dma_start3A_745 : memref<1x512xf32, #tpu.memory_space<hbm>> -> memref<512xf32, #tpu.memory_space<hbm>>
    %dma_start3A_747 = tpu.memref_slice %arg5[%dma_start3A_742, %mul3A_2] : memref<48x16384xf32, #tpu.memory_space<hbm>> -> memref<1x512xf32, #tpu.memory_space<hbm>>
    %dma_start3A_748 = tpu.memref_squeeze %dma_start3A_747 : memref<1x512xf32, #tpu.memory_space<hbm>> -> memref<512xf32, #tpu.memory_space<hbm>>
    %dma_start3A_749 = arith.constant 22016 : i32
    %dma_start3A_750 = tpu.memref_slice %arg9[%dma_start3A_749] : memref<24576xf32, #tpu.memory_space<vmem>> -> memref<512xf32, #tpu.memory_space<vmem>>
    tpu.enqueue_dma source(%dma_start3A_750 : memref<512xf32, #tpu.memory_space<vmem>>) target(%dma_start3A_748 : memref<512xf32, #tpu.memory_space<hbm>>) target_semaphore(%arg11 : memref<!tpu.dma_semaphore, #tpu.memory_space<semaphore_mem>>)
    %dma_start3A_751 = arith.constant 44 : i32
    %dma_start3A_752 = arith.constant 22528 : i32
    %dma_start3A_753 = tpu.memref_slice %arg9[%dma_start3A_752] : memref<24576xf32, #tpu.memory_space<vmem>> -> memref<512xf32, #tpu.memory_space<vmem>>
    %dma_start3A_754 = tpu.memref_slice %arg5[%dma_start3A_751, %mul3A_2] : memref<48x16384xf32, #tpu.memory_space<hbm>> -> memref<1x512xf32, #tpu.memory_space<hbm>>
    %dma_start3A_755 = tpu.memref_squeeze %dma_start3A_754 : memref<1x512xf32, #tpu.memory_space<hbm>> -> memref<512xf32, #tpu.memory_space<hbm>>
    %dma_start3A_756 = tpu.memref_slice %arg5[%dma_start3A_751, %mul3A_2] : memref<48x16384xf32, #tpu.memory_space<hbm>> -> memref<1x512xf32, #tpu.memory_space<hbm>>
    %dma_start3A_757 = tpu.memref_squeeze %dma_start3A_756 : memref<1x512xf32, #tpu.memory_space<hbm>> -> memref<512xf32, #tpu.memory_space<hbm>>
    %dma_start3A_758 = arith.constant 22528 : i32
    %dma_start3A_759 = tpu.memref_slice %arg9[%dma_start3A_758] : memref<24576xf32, #tpu.memory_space<vmem>> -> memref<512xf32, #tpu.memory_space<vmem>>
    tpu.enqueue_dma source(%dma_start3A_759 : memref<512xf32, #tpu.memory_space<vmem>>) target(%dma_start3A_757 : memref<512xf32, #tpu.memory_space<hbm>>) target_semaphore(%arg11 : memref<!tpu.dma_semaphore, #tpu.memory_space<semaphore_mem>>)
    %dma_start3A_760 = arith.constant 45 : i32
    %dma_start3A_761 = arith.constant 23040 : i32
    %dma_start3A_762 = tpu.memref_slice %arg9[%dma_start3A_761] : memref<24576xf32, #tpu.memory_space<vmem>> -> memref<512xf32, #tpu.memory_space<vmem>>
    %dma_start3A_763 = tpu.memref_slice %arg5[%dma_start3A_760, %mul3A_2] : memref<48x16384xf32, #tpu.memory_space<hbm>> -> memref<1x512xf32, #tpu.memory_space<hbm>>
    %dma_start3A_764 = tpu.memref_squeeze %dma_start3A_763 : memref<1x512xf32, #tpu.memory_space<hbm>> -> memref<512xf32, #tpu.memory_space<hbm>>
    %dma_start3A_765 = tpu.memref_slice %arg5[%dma_start3A_760, %mul3A_2] : memref<48x16384xf32, #tpu.memory_space<hbm>> -> memref<1x512xf32, #tpu.memory_space<hbm>>
    %dma_start3A_766 = tpu.memref_squeeze %dma_start3A_765 : memref<1x512xf32, #tpu.memory_space<hbm>> -> memref<512xf32, #tpu.memory_space<hbm>>
    %dma_start3A_767 = arith.constant 23040 : i32
    %dma_start3A_768 = tpu.memref_slice %arg9[%dma_start3A_767] : memref<24576xf32, #tpu.memory_space<vmem>> -> memref<512xf32, #tpu.memory_space<vmem>>
    tpu.enqueue_dma source(%dma_start3A_768 : memref<512xf32, #tpu.memory_space<vmem>>) target(%dma_start3A_766 : memref<512xf32, #tpu.memory_space<hbm>>) target_semaphore(%arg11 : memref<!tpu.dma_semaphore, #tpu.memory_space<semaphore_mem>>)
    %dma_start3A_769 = arith.constant 46 : i32
    %dma_start3A_770 = arith.constant 23552 : i32
    %dma_start3A_771 = tpu.memref_slice %arg9[%dma_start3A_770] : memref<24576xf32, #tpu.memory_space<vmem>> -> memref<512xf32, #tpu.memory_space<vmem>>
    %dma_start3A_772 = tpu.memref_slice %arg5[%dma_start3A_769, %mul3A_2] : memref<48x16384xf32, #tpu.memory_space<hbm>> -> memref<1x512xf32, #tpu.memory_space<hbm>>
    %dma_start3A_773 = tpu.memref_squeeze %dma_start3A_772 : memref<1x512xf32, #tpu.memory_space<hbm>> -> memref<512xf32, #tpu.memory_space<hbm>>
    %dma_start3A_774 = tpu.memref_slice %arg5[%dma_start3A_769, %mul3A_2] : memref<48x16384xf32, #tpu.memory_space<hbm>> -> memref<1x512xf32, #tpu.memory_space<hbm>>
    %dma_start3A_775 = tpu.memref_squeeze %dma_start3A_774 : memref<1x512xf32, #tpu.memory_space<hbm>> -> memref<512xf32, #tpu.memory_space<hbm>>
    %dma_start3A_776 = arith.constant 23552 : i32
    %dma_start3A_777 = tpu.memref_slice %arg9[%dma_start3A_776] : memref<24576xf32, #tpu.memory_space<vmem>> -> memref<512xf32, #tpu.memory_space<vmem>>
    tpu.enqueue_dma source(%dma_start3A_777 : memref<512xf32, #tpu.memory_space<vmem>>) target(%dma_start3A_775 : memref<512xf32, #tpu.memory_space<hbm>>) target_semaphore(%arg11 : memref<!tpu.dma_semaphore, #tpu.memory_space<semaphore_mem>>)
    %dma_start3A_778 = arith.constant 47 : i32
    %dma_start3A_779 = arith.constant 24064 : i32
    %dma_start3A_780 = tpu.memref_slice %arg9[%dma_start3A_779] : memref<24576xf32, #tpu.memory_space<vmem>> -> memref<512xf32, #tpu.memory_space<vmem>>
    %dma_start3A_781 = tpu.memref_slice %arg5[%dma_start3A_778, %mul3A_2] : memref<48x16384xf32, #tpu.memory_space<hbm>> -> memref<1x512xf32, #tpu.memory_space<hbm>>
    %dma_start3A_782 = tpu.memref_squeeze %dma_start3A_781 : memref<1x512xf32, #tpu.memory_space<hbm>> -> memref<512xf32, #tpu.memory_space<hbm>>
    %dma_start3A_783 = tpu.memref_slice %arg5[%dma_start3A_778, %mul3A_2] : memref<48x16384xf32, #tpu.memory_space<hbm>> -> memref<1x512xf32, #tpu.memory_space<hbm>>
    %dma_start3A_784 = tpu.memref_squeeze %dma_start3A_783 : memref<1x512xf32, #tpu.memory_space<hbm>> -> memref<512xf32, #tpu.memory_space<hbm>>
    %dma_start3A_785 = arith.constant 24064 : i32
    %dma_start3A_786 = tpu.memref_slice %arg9[%dma_start3A_785] : memref<24576xf32, #tpu.memory_space<vmem>> -> memref<512xf32, #tpu.memory_space<vmem>>
    tpu.enqueue_dma source(%dma_start3A_786 : memref<512xf32, #tpu.memory_space<vmem>>) target(%dma_start3A_784 : memref<512xf32, #tpu.memory_space<hbm>>) target_semaphore(%arg11 : memref<!tpu.dma_semaphore, #tpu.memory_space<semaphore_mem>>)
    %dma_wait3A_787 = arith.constant 2 : i32
    %dma_wait3A_788 = arith.constant 2 : i32
    %dma_wait3A_789 = arith.constant 0 : i32
    %dma_wait3A_790 = arith.constant 0 : i32
    %dma_wait3A_791 = tpu.memref_slice %arg10[%dma_wait3A_787, %dma_wait3A_789, %dma_wait3A_790] : memref<5x20x512xf32, #tpu.memory_space<vmem>> -> memref<1x20x512xf32, #tpu.memory_space<vmem>>
    %dma_wait3A_792 = tpu.memref_squeeze %dma_wait3A_791 : memref<1x20x512xf32, #tpu.memory_space<vmem>> -> memref<20x512xf32, #tpu.memory_space<vmem>>
    %dma_wait3A_793 = arith.constant 0 : i32
    %dma_wait3A_794 = tpu.memref_slice %arg6[%dma_wait3A_788, %dma_wait3A_793, %mul3A_2] : memref<9x20x16384xf32, #tpu.memory_space<hbm>> -> memref<1x20x512xf32, #tpu.memory_space<hbm>>
    %dma_wait3A_795 = tpu.memref_squeeze %dma_wait3A_794 : memref<1x20x512xf32, #tpu.memory_space<hbm>> -> memref<20x512xf32, #tpu.memory_space<hbm>>
    %dma_wait3A_796 = arith.constant 0 : i32
    %dma_wait3A_797 = tpu.memref_slice %arg6[%dma_wait3A_788, %dma_wait3A_796, %mul3A_2] : memref<9x20x16384xf32, #tpu.memory_space<hbm>> -> memref<1x20x512xf32, #tpu.memory_space<hbm>>
    %dma_wait3A_798 = tpu.memref_squeeze %dma_wait3A_797 : memref<1x20x512xf32, #tpu.memory_space<hbm>> -> memref<20x512xf32, #tpu.memory_space<hbm>>
    %dma_wait3A_799 = arith.constant 0 : i32
    %dma_wait3A_800 = arith.constant 0 : i32
    %dma_wait3A_801 = tpu.memref_slice %arg10[%dma_wait3A_787, %dma_wait3A_799, %dma_wait3A_800] : memref<5x20x512xf32, #tpu.memory_space<vmem>> -> memref<1x20x512xf32, #tpu.memory_space<vmem>>
    %dma_wait3A_802 = tpu.memref_squeeze %dma_wait3A_801 : memref<1x20x512xf32, #tpu.memory_space<vmem>> -> memref<20x512xf32, #tpu.memory_space<vmem>>
    tpu.wait_dma2 semaphore(%arg13 : memref<!tpu.dma_semaphore, #tpu.memory_space<semaphore_mem>>) src(%dma_wait3A_802 : memref<20x512xf32, #tpu.memory_space<vmem>>) dst(%dma_wait3A_798 : memref<20x512xf32, #tpu.memory_space<hbm>>)
    %dma_start3A_803 = arith.constant 7 : i32
    %dma_start3A_804 = arith.constant 2 : i32
    %dma_start3A_805 = arith.constant 0 : i32
    %dma_start3A_806 = arith.constant 0 : i32
    %dma_start3A_807 = tpu.memref_slice %arg10[%dma_start3A_804, %dma_start3A_805, %dma_start3A_806] : memref<5x20x512xf32, #tpu.memory_space<vmem>> -> memref<1x20x512xf32, #tpu.memory_space<vmem>>
    %dma_start3A_808 = tpu.memref_squeeze %dma_start3A_807 : memref<1x20x512xf32, #tpu.memory_space<vmem>> -> memref<20x512xf32, #tpu.memory_space<vmem>>
    %dma_start3A_809 = arith.constant 0 : i32
    %dma_start3A_810 = tpu.memref_slice %arg4[%dma_start3A_803, %dma_start3A_809, %mul3A_2] : memref<9x20x16384xf32, #tpu.memory_space<hbm>> -> memref<1x20x512xf32, #tpu.memory_space<hbm>>
    %dma_start3A_811 = tpu.memref_squeeze %dma_start3A_810 : memref<1x20x512xf32, #tpu.memory_space<hbm>> -> memref<20x512xf32, #tpu.memory_space<hbm>>
    %dma_start3A_812 = arith.constant 0 : i32
    %dma_start3A_813 = arith.constant 0 : i32
    %dma_start3A_814 = tpu.memref_slice %arg10[%dma_start3A_804, %dma_start3A_812, %dma_start3A_813] : memref<5x20x512xf32, #tpu.memory_space<vmem>> -> memref<1x20x512xf32, #tpu.memory_space<vmem>>
    %dma_start3A_815 = tpu.memref_squeeze %dma_start3A_814 : memref<1x20x512xf32, #tpu.memory_space<vmem>> -> memref<20x512xf32, #tpu.memory_space<vmem>>
    %dma_start3A_816 = arith.constant 0 : i32
    %dma_start3A_817 = tpu.memref_slice %arg4[%dma_start3A_803, %dma_start3A_816, %mul3A_2] : memref<9x20x16384xf32, #tpu.memory_space<hbm>> -> memref<1x20x512xf32, #tpu.memory_space<hbm>>
    %dma_start3A_818 = tpu.memref_squeeze %dma_start3A_817 : memref<1x20x512xf32, #tpu.memory_space<hbm>> -> memref<20x512xf32, #tpu.memory_space<hbm>>
    tpu.enqueue_dma source(%dma_start3A_818 : memref<20x512xf32, #tpu.memory_space<hbm>>) target(%dma_start3A_815 : memref<20x512xf32, #tpu.memory_space<vmem>>) target_semaphore(%arg12 : memref<!tpu.dma_semaphore, #tpu.memory_space<semaphore_mem>>)
    %dma_wait3A_819 = arith.constant 3 : i32
    %dma_wait3A_820 = arith.constant 3 : i32
    %dma_wait3A_821 = arith.constant 0 : i32
    %dma_wait3A_822 = arith.constant 0 : i32
    %dma_wait3A_823 = tpu.memref_slice %arg10[%dma_wait3A_819, %dma_wait3A_821, %dma_wait3A_822] : memref<5x20x512xf32, #tpu.memory_space<vmem>> -> memref<1x20x512xf32, #tpu.memory_space<vmem>>
    %dma_wait3A_824 = tpu.memref_squeeze %dma_wait3A_823 : memref<1x20x512xf32, #tpu.memory_space<vmem>> -> memref<20x512xf32, #tpu.memory_space<vmem>>
    %dma_wait3A_825 = arith.constant 0 : i32
    %dma_wait3A_826 = tpu.memref_slice %arg6[%dma_wait3A_820, %dma_wait3A_825, %mul3A_2] : memref<9x20x16384xf32, #tpu.memory_space<hbm>> -> memref<1x20x512xf32, #tpu.memory_space<hbm>>
    %dma_wait3A_827 = tpu.memref_squeeze %dma_wait3A_826 : memref<1x20x512xf32, #tpu.memory_space<hbm>> -> memref<20x512xf32, #tpu.memory_space<hbm>>
    %dma_wait3A_828 = arith.constant 0 : i32
    %dma_wait3A_829 = tpu.memref_slice %arg6[%dma_wait3A_820, %dma_wait3A_828, %mul3A_2] : memref<9x20x16384xf32, #tpu.memory_space<hbm>> -> memref<1x20x512xf32, #tpu.memory_space<hbm>>
    %dma_wait3A_830 = tpu.memref_squeeze %dma_wait3A_829 : memref<1x20x512xf32, #tpu.memory_space<hbm>> -> memref<20x512xf32, #tpu.memory_space<hbm>>
    %dma_wait3A_831 = arith.constant 0 : i32
    %dma_wait3A_832 = arith.constant 0 : i32
    %dma_wait3A_833 = tpu.memref_slice %arg10[%dma_wait3A_819, %dma_wait3A_831, %dma_wait3A_832] : memref<5x20x512xf32, #tpu.memory_space<vmem>> -> memref<1x20x512xf32, #tpu.memory_space<vmem>>
    %dma_wait3A_834 = tpu.memref_squeeze %dma_wait3A_833 : memref<1x20x512xf32, #tpu.memory_space<vmem>> -> memref<20x512xf32, #tpu.memory_space<vmem>>
    tpu.wait_dma2 semaphore(%arg13 : memref<!tpu.dma_semaphore, #tpu.memory_space<semaphore_mem>>) src(%dma_wait3A_834 : memref<20x512xf32, #tpu.memory_space<vmem>>) dst(%dma_wait3A_830 : memref<20x512xf32, #tpu.memory_space<hbm>>)
    %dma_start3A_835 = arith.constant 8 : i32
    %dma_start3A_836 = arith.constant 3 : i32
    %dma_start3A_837 = arith.constant 0 : i32
    %dma_start3A_838 = arith.constant 0 : i32
    %dma_start3A_839 = tpu.memref_slice %arg10[%dma_start3A_836, %dma_start3A_837, %dma_start3A_838] : memref<5x20x512xf32, #tpu.memory_space<vmem>> -> memref<1x20x512xf32, #tpu.memory_space<vmem>>
    %dma_start3A_840 = tpu.memref_squeeze %dma_start3A_839 : memref<1x20x512xf32, #tpu.memory_space<vmem>> -> memref<20x512xf32, #tpu.memory_space<vmem>>
    %dma_start3A_841 = arith.constant 0 : i32
    %dma_start3A_842 = tpu.memref_slice %arg4[%dma_start3A_835, %dma_start3A_841, %mul3A_2] : memref<9x20x16384xf32, #tpu.memory_space<hbm>> -> memref<1x20x512xf32, #tpu.memory_space<hbm>>
    %dma_start3A_843 = tpu.memref_squeeze %dma_start3A_842 : memref<1x20x512xf32, #tpu.memory_space<hbm>> -> memref<20x512xf32, #tpu.memory_space<hbm>>
    %dma_start3A_844 = arith.constant 0 : i32
    %dma_start3A_845 = arith.constant 0 : i32
    %dma_start3A_846 = tpu.memref_slice %arg10[%dma_start3A_836, %dma_start3A_844, %dma_start3A_845] : memref<5x20x512xf32, #tpu.memory_space<vmem>> -> memref<1x20x512xf32, #tpu.memory_space<vmem>>
    %dma_start3A_847 = tpu.memref_squeeze %dma_start3A_846 : memref<1x20x512xf32, #tpu.memory_space<vmem>> -> memref<20x512xf32, #tpu.memory_space<vmem>>
    %dma_start3A_848 = arith.constant 0 : i32
    %dma_start3A_849 = tpu.memref_slice %arg4[%dma_start3A_835, %dma_start3A_848, %mul3A_2] : memref<9x20x16384xf32, #tpu.memory_space<hbm>> -> memref<1x20x512xf32, #tpu.memory_space<hbm>>
    %dma_start3A_850 = tpu.memref_squeeze %dma_start3A_849 : memref<1x20x512xf32, #tpu.memory_space<hbm>> -> memref<20x512xf32, #tpu.memory_space<hbm>>
    tpu.enqueue_dma source(%dma_start3A_850 : memref<20x512xf32, #tpu.memory_space<hbm>>) target(%dma_start3A_847 : memref<20x512xf32, #tpu.memory_space<vmem>>) target_semaphore(%arg12 : memref<!tpu.dma_semaphore, #tpu.memory_space<semaphore_mem>>)
    %dma_wait3A_851 = arith.constant 5 : i32
    %dma_wait3A_852 = arith.constant 0 : i32
    %dma_wait3A_853 = arith.constant 0 : i32
    %dma_wait3A_854 = arith.constant 0 : i32
    %dma_wait3A_855 = tpu.memref_slice %arg10[%dma_wait3A_852, %dma_wait3A_853, %dma_wait3A_854] : memref<5x20x512xf32, #tpu.memory_space<vmem>> -> memref<1x20x512xf32, #tpu.memory_space<vmem>>
    %dma_wait3A_856 = tpu.memref_squeeze %dma_wait3A_855 : memref<1x20x512xf32, #tpu.memory_space<vmem>> -> memref<20x512xf32, #tpu.memory_space<vmem>>
    %dma_wait3A_857 = arith.constant 0 : i32
    %dma_wait3A_858 = tpu.memref_slice %arg4[%dma_wait3A_851, %dma_wait3A_857, %mul3A_2] : memref<9x20x16384xf32, #tpu.memory_space<hbm>> -> memref<1x20x512xf32, #tpu.memory_space<hbm>>
    %dma_wait3A_859 = tpu.memref_squeeze %dma_wait3A_858 : memref<1x20x512xf32, #tpu.memory_space<hbm>> -> memref<20x512xf32, #tpu.memory_space<hbm>>
    %dma_wait3A_860 = arith.constant 0 : i32
    %dma_wait3A_861 = arith.constant 0 : i32
    %dma_wait3A_862 = tpu.memref_slice %arg10[%dma_wait3A_852, %dma_wait3A_860, %dma_wait3A_861] : memref<5x20x512xf32, #tpu.memory_space<vmem>> -> memref<1x20x512xf32, #tpu.memory_space<vmem>>
    %dma_wait3A_863 = tpu.memref_squeeze %dma_wait3A_862 : memref<1x20x512xf32, #tpu.memory_space<vmem>> -> memref<20x512xf32, #tpu.memory_space<vmem>>
    %dma_wait3A_864 = arith.constant 0 : i32
    %dma_wait3A_865 = tpu.memref_slice %arg4[%dma_wait3A_851, %dma_wait3A_864, %mul3A_2] : memref<9x20x16384xf32, #tpu.memory_space<hbm>> -> memref<1x20x512xf32, #tpu.memory_space<hbm>>
    %dma_wait3A_866 = tpu.memref_squeeze %dma_wait3A_865 : memref<1x20x512xf32, #tpu.memory_space<hbm>> -> memref<20x512xf32, #tpu.memory_space<hbm>>
    tpu.wait_dma2 semaphore(%arg12 : memref<!tpu.dma_semaphore, #tpu.memory_space<semaphore_mem>>) src(%dma_wait3A_866 : memref<20x512xf32, #tpu.memory_space<hbm>>) dst(%dma_wait3A_863 : memref<20x512xf32, #tpu.memory_space<vmem>>)
    %dma_start3A_867 = arith.constant 0 : i32
    %dma_start3A_868 = arith.constant 5 : i32
    %dma_start3A_869 = arith.constant 0 : i32
    %dma_start3A_870 = arith.constant 0 : i32
    %dma_start3A_871 = tpu.memref_slice %arg10[%dma_start3A_867, %dma_start3A_869, %dma_start3A_870] : memref<5x20x512xf32, #tpu.memory_space<vmem>> -> memref<1x20x512xf32, #tpu.memory_space<vmem>>
    %dma_start3A_872 = tpu.memref_squeeze %dma_start3A_871 : memref<1x20x512xf32, #tpu.memory_space<vmem>> -> memref<20x512xf32, #tpu.memory_space<vmem>>
    %dma_start3A_873 = arith.constant 0 : i32
    %dma_start3A_874 = tpu.memref_slice %arg6[%dma_start3A_868, %dma_start3A_873, %mul3A_2] : memref<9x20x16384xf32, #tpu.memory_space<hbm>> -> memref<1x20x512xf32, #tpu.memory_space<hbm>>
    %dma_start3A_875 = tpu.memref_squeeze %dma_start3A_874 : memref<1x20x512xf32, #tpu.memory_space<hbm>> -> memref<20x512xf32, #tpu.memory_space<hbm>>
    %dma_start3A_876 = arith.constant 0 : i32
    %dma_start3A_877 = tpu.memref_slice %arg6[%dma_start3A_868, %dma_start3A_876, %mul3A_2] : memref<9x20x16384xf32, #tpu.memory_space<hbm>> -> memref<1x20x512xf32, #tpu.memory_space<hbm>>
    %dma_start3A_878 = tpu.memref_squeeze %dma_start3A_877 : memref<1x20x512xf32, #tpu.memory_space<hbm>> -> memref<20x512xf32, #tpu.memory_space<hbm>>
    %dma_start3A_879 = arith.constant 0 : i32
    %dma_start3A_880 = arith.constant 0 : i32
    %dma_start3A_881 = tpu.memref_slice %arg10[%dma_start3A_867, %dma_start3A_879, %dma_start3A_880] : memref<5x20x512xf32, #tpu.memory_space<vmem>> -> memref<1x20x512xf32, #tpu.memory_space<vmem>>
    %dma_start3A_882 = tpu.memref_squeeze %dma_start3A_881 : memref<1x20x512xf32, #tpu.memory_space<vmem>> -> memref<20x512xf32, #tpu.memory_space<vmem>>
    tpu.enqueue_dma source(%dma_start3A_882 : memref<20x512xf32, #tpu.memory_space<vmem>>) target(%dma_start3A_878 : memref<20x512xf32, #tpu.memory_space<hbm>>) target_semaphore(%arg13 : memref<!tpu.dma_semaphore, #tpu.memory_space<semaphore_mem>>)
    %dma_wait3A_883 = arith.constant 6 : i32
    %dma_wait3A_884 = arith.constant 1 : i32
    %dma_wait3A_885 = arith.constant 0 : i32
    %dma_wait3A_886 = arith.constant 0 : i32
    %dma_wait3A_887 = tpu.memref_slice %arg10[%dma_wait3A_884, %dma_wait3A_885, %dma_wait3A_886] : memref<5x20x512xf32, #tpu.memory_space<vmem>> -> memref<1x20x512xf32, #tpu.memory_space<vmem>>
    %dma_wait3A_888 = tpu.memref_squeeze %dma_wait3A_887 : memref<1x20x512xf32, #tpu.memory_space<vmem>> -> memref<20x512xf32, #tpu.memory_space<vmem>>
    %dma_wait3A_889 = arith.constant 0 : i32
    %dma_wait3A_890 = tpu.memref_slice %arg4[%dma_wait3A_883, %dma_wait3A_889, %mul3A_2] : memref<9x20x16384xf32, #tpu.memory_space<hbm>> -> memref<1x20x512xf32, #tpu.memory_space<hbm>>
    %dma_wait3A_891 = tpu.memref_squeeze %dma_wait3A_890 : memref<1x20x512xf32, #tpu.memory_space<hbm>> -> memref<20x512xf32, #tpu.memory_space<hbm>>
    %dma_wait3A_892 = arith.constant 0 : i32
    %dma_wait3A_893 = arith.constant 0 : i32
    %dma_wait3A_894 = tpu.memref_slice %arg10[%dma_wait3A_884, %dma_wait3A_892, %dma_wait3A_893] : memref<5x20x512xf32, #tpu.memory_space<vmem>> -> memref<1x20x512xf32, #tpu.memory_space<vmem>>
    %dma_wait3A_895 = tpu.memref_squeeze %dma_wait3A_894 : memref<1x20x512xf32, #tpu.memory_space<vmem>> -> memref<20x512xf32, #tpu.memory_space<vmem>>
    %dma_wait3A_896 = arith.constant 0 : i32
    %dma_wait3A_897 = tpu.memref_slice %arg4[%dma_wait3A_883, %dma_wait3A_896, %mul3A_2] : memref<9x20x16384xf32, #tpu.memory_space<hbm>> -> memref<1x20x512xf32, #tpu.memory_space<hbm>>
    %dma_wait3A_898 = tpu.memref_squeeze %dma_wait3A_897 : memref<1x20x512xf32, #tpu.memory_space<hbm>> -> memref<20x512xf32, #tpu.memory_space<hbm>>
    tpu.wait_dma2 semaphore(%arg12 : memref<!tpu.dma_semaphore, #tpu.memory_space<semaphore_mem>>) src(%dma_wait3A_898 : memref<20x512xf32, #tpu.memory_space<hbm>>) dst(%dma_wait3A_895 : memref<20x512xf32, #tpu.memory_space<vmem>>)
    %dma_start3A_899 = arith.constant 1 : i32
    %dma_start3A_900 = arith.constant 6 : i32
    %dma_start3A_901 = arith.constant 0 : i32
    %dma_start3A_902 = arith.constant 0 : i32
    %dma_start3A_903 = tpu.memref_slice %arg10[%dma_start3A_899, %dma_start3A_901, %dma_start3A_902] : memref<5x20x512xf32, #tpu.memory_space<vmem>> -> memref<1x20x512xf32, #tpu.memory_space<vmem>>
    %dma_start3A_904 = tpu.memref_squeeze %dma_start3A_903 : memref<1x20x512xf32, #tpu.memory_space<vmem>> -> memref<20x512xf32, #tpu.memory_space<vmem>>
    %dma_start3A_905 = arith.constant 0 : i32
    %dma_start3A_906 = tpu.memref_slice %arg6[%dma_start3A_900, %dma_start3A_905, %mul3A_2] : memref<9x20x16384xf32, #tpu.memory_space<hbm>> -> memref<1x20x512xf32, #tpu.memory_space<hbm>>
    %dma_start3A_907 = tpu.memref_squeeze %dma_start3A_906 : memref<1x20x512xf32, #tpu.memory_space<hbm>> -> memref<20x512xf32, #tpu.memory_space<hbm>>
    %dma_start3A_908 = arith.constant 0 : i32
    %dma_start3A_909 = tpu.memref_slice %arg6[%dma_start3A_900, %dma_start3A_908, %mul3A_2] : memref<9x20x16384xf32, #tpu.memory_space<hbm>> -> memref<1x20x512xf32, #tpu.memory_space<hbm>>
    %dma_start3A_910 = tpu.memref_squeeze %dma_start3A_909 : memref<1x20x512xf32, #tpu.memory_space<hbm>> -> memref<20x512xf32, #tpu.memory_space<hbm>>
    %dma_start3A_911 = arith.constant 0 : i32
    %dma_start3A_912 = arith.constant 0 : i32
    %dma_start3A_913 = tpu.memref_slice %arg10[%dma_start3A_899, %dma_start3A_911, %dma_start3A_912] : memref<5x20x512xf32, #tpu.memory_space<vmem>> -> memref<1x20x512xf32, #tpu.memory_space<vmem>>
    %dma_start3A_914 = tpu.memref_squeeze %dma_start3A_913 : memref<1x20x512xf32, #tpu.memory_space<vmem>> -> memref<20x512xf32, #tpu.memory_space<vmem>>
    tpu.enqueue_dma source(%dma_start3A_914 : memref<20x512xf32, #tpu.memory_space<vmem>>) target(%dma_start3A_910 : memref<20x512xf32, #tpu.memory_space<hbm>>) target_semaphore(%arg13 : memref<!tpu.dma_semaphore, #tpu.memory_space<semaphore_mem>>)
    %dma_wait3A_915 = arith.constant 7 : i32
    %dma_wait3A_916 = arith.constant 2 : i32
    %dma_wait3A_917 = arith.constant 0 : i32
    %dma_wait3A_918 = arith.constant 0 : i32
    %dma_wait3A_919 = tpu.memref_slice %arg10[%dma_wait3A_916, %dma_wait3A_917, %dma_wait3A_918] : memref<5x20x512xf32, #tpu.memory_space<vmem>> -> memref<1x20x512xf32, #tpu.memory_space<vmem>>
    %dma_wait3A_920 = tpu.memref_squeeze %dma_wait3A_919 : memref<1x20x512xf32, #tpu.memory_space<vmem>> -> memref<20x512xf32, #tpu.memory_space<vmem>>
    %dma_wait3A_921 = arith.constant 0 : i32
    %dma_wait3A_922 = tpu.memref_slice %arg4[%dma_wait3A_915, %dma_wait3A_921, %mul3A_2] : memref<9x20x16384xf32, #tpu.memory_space<hbm>> -> memref<1x20x512xf32, #tpu.memory_space<hbm>>
    %dma_wait3A_923 = tpu.memref_squeeze %dma_wait3A_922 : memref<1x20x512xf32, #tpu.memory_space<hbm>> -> memref<20x512xf32, #tpu.memory_space<hbm>>
    %dma_wait3A_924 = arith.constant 0 : i32
    %dma_wait3A_925 = arith.constant 0 : i32
    %dma_wait3A_926 = tpu.memref_slice %arg10[%dma_wait3A_916, %dma_wait3A_924, %dma_wait3A_925] : memref<5x20x512xf32, #tpu.memory_space<vmem>> -> memref<1x20x512xf32, #tpu.memory_space<vmem>>
    %dma_wait3A_927 = tpu.memref_squeeze %dma_wait3A_926 : memref<1x20x512xf32, #tpu.memory_space<vmem>> -> memref<20x512xf32, #tpu.memory_space<vmem>>
    %dma_wait3A_928 = arith.constant 0 : i32
    %dma_wait3A_929 = tpu.memref_slice %arg4[%dma_wait3A_915, %dma_wait3A_928, %mul3A_2] : memref<9x20x16384xf32, #tpu.memory_space<hbm>> -> memref<1x20x512xf32, #tpu.memory_space<hbm>>
    %dma_wait3A_930 = tpu.memref_squeeze %dma_wait3A_929 : memref<1x20x512xf32, #tpu.memory_space<hbm>> -> memref<20x512xf32, #tpu.memory_space<hbm>>
    tpu.wait_dma2 semaphore(%arg12 : memref<!tpu.dma_semaphore, #tpu.memory_space<semaphore_mem>>) src(%dma_wait3A_930 : memref<20x512xf32, #tpu.memory_space<hbm>>) dst(%dma_wait3A_927 : memref<20x512xf32, #tpu.memory_space<vmem>>)
    %dma_start3A_931 = arith.constant 2 : i32
    %dma_start3A_932 = arith.constant 7 : i32
    %dma_start3A_933 = arith.constant 0 : i32
    %dma_start3A_934 = arith.constant 0 : i32
    %dma_start3A_935 = tpu.memref_slice %arg10[%dma_start3A_931, %dma_start3A_933, %dma_start3A_934] : memref<5x20x512xf32, #tpu.memory_space<vmem>> -> memref<1x20x512xf32, #tpu.memory_space<vmem>>
    %dma_start3A_936 = tpu.memref_squeeze %dma_start3A_935 : memref<1x20x512xf32, #tpu.memory_space<vmem>> -> memref<20x512xf32, #tpu.memory_space<vmem>>
    %dma_start3A_937 = arith.constant 0 : i32
    %dma_start3A_938 = tpu.memref_slice %arg6[%dma_start3A_932, %dma_start3A_937, %mul3A_2] : memref<9x20x16384xf32, #tpu.memory_space<hbm>> -> memref<1x20x512xf32, #tpu.memory_space<hbm>>
    %dma_start3A_939 = tpu.memref_squeeze %dma_start3A_938 : memref<1x20x512xf32, #tpu.memory_space<hbm>> -> memref<20x512xf32, #tpu.memory_space<hbm>>
    %dma_start3A_940 = arith.constant 0 : i32
    %dma_start3A_941 = tpu.memref_slice %arg6[%dma_start3A_932, %dma_start3A_940, %mul3A_2] : memref<9x20x16384xf32, #tpu.memory_space<hbm>> -> memref<1x20x512xf32, #tpu.memory_space<hbm>>
    %dma_start3A_942 = tpu.memref_squeeze %dma_start3A_941 : memref<1x20x512xf32, #tpu.memory_space<hbm>> -> memref<20x512xf32, #tpu.memory_space<hbm>>
    %dma_start3A_943 = arith.constant 0 : i32
    %dma_start3A_944 = arith.constant 0 : i32
    %dma_start3A_945 = tpu.memref_slice %arg10[%dma_start3A_931, %dma_start3A_943, %dma_start3A_944] : memref<5x20x512xf32, #tpu.memory_space<vmem>> -> memref<1x20x512xf32, #tpu.memory_space<vmem>>
    %dma_start3A_946 = tpu.memref_squeeze %dma_start3A_945 : memref<1x20x512xf32, #tpu.memory_space<vmem>> -> memref<20x512xf32, #tpu.memory_space<vmem>>
    tpu.enqueue_dma source(%dma_start3A_946 : memref<20x512xf32, #tpu.memory_space<vmem>>) target(%dma_start3A_942 : memref<20x512xf32, #tpu.memory_space<hbm>>) target_semaphore(%arg13 : memref<!tpu.dma_semaphore, #tpu.memory_space<semaphore_mem>>)
    %dma_wait3A_947 = arith.constant 8 : i32
    %dma_wait3A_948 = arith.constant 3 : i32
    %dma_wait3A_949 = arith.constant 0 : i32
    %dma_wait3A_950 = arith.constant 0 : i32
    %dma_wait3A_951 = tpu.memref_slice %arg10[%dma_wait3A_948, %dma_wait3A_949, %dma_wait3A_950] : memref<5x20x512xf32, #tpu.memory_space<vmem>> -> memref<1x20x512xf32, #tpu.memory_space<vmem>>
    %dma_wait3A_952 = tpu.memref_squeeze %dma_wait3A_951 : memref<1x20x512xf32, #tpu.memory_space<vmem>> -> memref<20x512xf32, #tpu.memory_space<vmem>>
    %dma_wait3A_953 = arith.constant 0 : i32
    %dma_wait3A_954 = tpu.memref_slice %arg4[%dma_wait3A_947, %dma_wait3A_953, %mul3A_2] : memref<9x20x16384xf32, #tpu.memory_space<hbm>> -> memref<1x20x512xf32, #tpu.memory_space<hbm>>
    %dma_wait3A_955 = tpu.memref_squeeze %dma_wait3A_954 : memref<1x20x512xf32, #tpu.memory_space<hbm>> -> memref<20x512xf32, #tpu.memory_space<hbm>>
    %dma_wait3A_956 = arith.constant 0 : i32
    %dma_wait3A_957 = arith.constant 0 : i32
    %dma_wait3A_958 = tpu.memref_slice %arg10[%dma_wait3A_948, %dma_wait3A_956, %dma_wait3A_957] : memref<5x20x512xf32, #tpu.memory_space<vmem>> -> memref<1x20x512xf32, #tpu.memory_space<vmem>>
    %dma_wait3A_959 = tpu.memref_squeeze %dma_wait3A_958 : memref<1x20x512xf32, #tpu.memory_space<vmem>> -> memref<20x512xf32, #tpu.memory_space<vmem>>
    %dma_wait3A_960 = arith.constant 0 : i32
    %dma_wait3A_961 = tpu.memref_slice %arg4[%dma_wait3A_947, %dma_wait3A_960, %mul3A_2] : memref<9x20x16384xf32, #tpu.memory_space<hbm>> -> memref<1x20x512xf32, #tpu.memory_space<hbm>>
    %dma_wait3A_962 = tpu.memref_squeeze %dma_wait3A_961 : memref<1x20x512xf32, #tpu.memory_space<hbm>> -> memref<20x512xf32, #tpu.memory_space<hbm>>
    tpu.wait_dma2 semaphore(%arg12 : memref<!tpu.dma_semaphore, #tpu.memory_space<semaphore_mem>>) src(%dma_wait3A_962 : memref<20x512xf32, #tpu.memory_space<hbm>>) dst(%dma_wait3A_959 : memref<20x512xf32, #tpu.memory_space<vmem>>)
    %dma_start3A_963 = arith.constant 3 : i32
    %dma_start3A_964 = arith.constant 8 : i32
    %dma_start3A_965 = arith.constant 0 : i32
    %dma_start3A_966 = arith.constant 0 : i32
    %dma_start3A_967 = tpu.memref_slice %arg10[%dma_start3A_963, %dma_start3A_965, %dma_start3A_966] : memref<5x20x512xf32, #tpu.memory_space<vmem>> -> memref<1x20x512xf32, #tpu.memory_space<vmem>>
    %dma_start3A_968 = tpu.memref_squeeze %dma_start3A_967 : memref<1x20x512xf32, #tpu.memory_space<vmem>> -> memref<20x512xf32, #tpu.memory_space<vmem>>
    %dma_start3A_969 = arith.constant 0 : i32
    %dma_start3A_970 = tpu.memref_slice %arg6[%dma_start3A_964, %dma_start3A_969, %mul3A_2] : memref<9x20x16384xf32, #tpu.memory_space<hbm>> -> memref<1x20x512xf32, #tpu.memory_space<hbm>>
    %dma_start3A_971 = tpu.memref_squeeze %dma_start3A_970 : memref<1x20x512xf32, #tpu.memory_space<hbm>> -> memref<20x512xf32, #tpu.memory_space<hbm>>
    %dma_start3A_972 = arith.constant 0 : i32
    %dma_start3A_973 = tpu.memref_slice %arg6[%dma_start3A_964, %dma_start3A_972, %mul3A_2] : memref<9x20x16384xf32, #tpu.memory_space<hbm>> -> memref<1x20x512xf32, #tpu.memory_space<hbm>>
    %dma_start3A_974 = tpu.memref_squeeze %dma_start3A_973 : memref<1x20x512xf32, #tpu.memory_space<hbm>> -> memref<20x512xf32, #tpu.memory_space<hbm>>
    %dma_start3A_975 = arith.constant 0 : i32
    %dma_start3A_976 = arith.constant 0 : i32
    %dma_start3A_977 = tpu.memref_slice %arg10[%dma_start3A_963, %dma_start3A_975, %dma_start3A_976] : memref<5x20x512xf32, #tpu.memory_space<vmem>> -> memref<1x20x512xf32, #tpu.memory_space<vmem>>
    %dma_start3A_978 = tpu.memref_squeeze %dma_start3A_977 : memref<1x20x512xf32, #tpu.memory_space<vmem>> -> memref<20x512xf32, #tpu.memory_space<vmem>>
    tpu.enqueue_dma source(%dma_start3A_978 : memref<20x512xf32, #tpu.memory_space<vmem>>) target(%dma_start3A_974 : memref<20x512xf32, #tpu.memory_space<hbm>>) target_semaphore(%arg13 : memref<!tpu.dma_semaphore, #tpu.memory_space<semaphore_mem>>)
    %dma_wait3A_979 = arith.constant 0 : i32
    %dma_wait3A_980 = arith.constant 0 : i32
    %dma_wait3A_981 = tpu.memref_slice %arg9[%dma_wait3A_980] : memref<24576xf32, #tpu.memory_space<vmem>> -> memref<512xf32, #tpu.memory_space<vmem>>
    %dma_wait3A_982 = tpu.memref_slice %arg5[%dma_wait3A_979, %mul3A_2] : memref<48x16384xf32, #tpu.memory_space<hbm>> -> memref<1x512xf32, #tpu.memory_space<hbm>>
    %dma_wait3A_983 = tpu.memref_squeeze %dma_wait3A_982 : memref<1x512xf32, #tpu.memory_space<hbm>> -> memref<512xf32, #tpu.memory_space<hbm>>
    %dma_wait3A_984 = tpu.memref_slice %arg5[%dma_wait3A_979, %mul3A_2] : memref<48x16384xf32, #tpu.memory_space<hbm>> -> memref<1x512xf32, #tpu.memory_space<hbm>>
    %dma_wait3A_985 = tpu.memref_squeeze %dma_wait3A_984 : memref<1x512xf32, #tpu.memory_space<hbm>> -> memref<512xf32, #tpu.memory_space<hbm>>
    %dma_wait3A_986 = arith.constant 0 : i32
    %dma_wait3A_987 = tpu.memref_slice %arg9[%dma_wait3A_986] : memref<24576xf32, #tpu.memory_space<vmem>> -> memref<512xf32, #tpu.memory_space<vmem>>
    tpu.wait_dma2 semaphore(%arg11 : memref<!tpu.dma_semaphore, #tpu.memory_space<semaphore_mem>>) src(%dma_wait3A_987 : memref<512xf32, #tpu.memory_space<vmem>>) dst(%dma_wait3A_985 : memref<512xf32, #tpu.memory_space<hbm>>)
    %dma_wait3A_988 = arith.constant 1 : i32
    %dma_wait3A_989 = arith.constant 512 : i32
    %dma_wait3A_990 = tpu.memref_slice %arg9[%dma_wait3A_989] : memref<24576xf32, #tpu.memory_space<vmem>> -> memref<512xf32, #tpu.memory_space<vmem>>
    %dma_wait3A_991 = tpu.memref_slice %arg5[%dma_wait3A_988, %mul3A_2] : memref<48x16384xf32, #tpu.memory_space<hbm>> -> memref<1x512xf32, #tpu.memory_space<hbm>>
    %dma_wait3A_992 = tpu.memref_squeeze %dma_wait3A_991 : memref<1x512xf32, #tpu.memory_space<hbm>> -> memref<512xf32, #tpu.memory_space<hbm>>
    %dma_wait3A_993 = tpu.memref_slice %arg5[%dma_wait3A_988, %mul3A_2] : memref<48x16384xf32, #tpu.memory_space<hbm>> -> memref<1x512xf32, #tpu.memory_space<hbm>>
    %dma_wait3A_994 = tpu.memref_squeeze %dma_wait3A_993 : memref<1x512xf32, #tpu.memory_space<hbm>> -> memref<512xf32, #tpu.memory_space<hbm>>
    %dma_wait3A_995 = arith.constant 512 : i32
    %dma_wait3A_996 = tpu.memref_slice %arg9[%dma_wait3A_995] : memref<24576xf32, #tpu.memory_space<vmem>> -> memref<512xf32, #tpu.memory_space<vmem>>
    tpu.wait_dma2 semaphore(%arg11 : memref<!tpu.dma_semaphore, #tpu.memory_space<semaphore_mem>>) src(%dma_wait3A_996 : memref<512xf32, #tpu.memory_space<vmem>>) dst(%dma_wait3A_994 : memref<512xf32, #tpu.memory_space<hbm>>)
    %dma_wait3A_997 = arith.constant 2 : i32
    %dma_wait3A_998 = arith.constant 1024 : i32
    %dma_wait3A_999 = tpu.memref_slice %arg9[%dma_wait3A_998] : memref<24576xf32, #tpu.memory_space<vmem>> -> memref<512xf32, #tpu.memory_space<vmem>>
    %dma_wait3A_1000 = tpu.memref_slice %arg5[%dma_wait3A_997, %mul3A_2] : memref<48x16384xf32, #tpu.memory_space<hbm>> -> memref<1x512xf32, #tpu.memory_space<hbm>>
    %dma_wait3A_1001 = tpu.memref_squeeze %dma_wait3A_1000 : memref<1x512xf32, #tpu.memory_space<hbm>> -> memref<512xf32, #tpu.memory_space<hbm>>
    %dma_wait3A_1002 = tpu.memref_slice %arg5[%dma_wait3A_997, %mul3A_2] : memref<48x16384xf32, #tpu.memory_space<hbm>> -> memref<1x512xf32, #tpu.memory_space<hbm>>
    %dma_wait3A_1003 = tpu.memref_squeeze %dma_wait3A_1002 : memref<1x512xf32, #tpu.memory_space<hbm>> -> memref<512xf32, #tpu.memory_space<hbm>>
    %dma_wait3A_1004 = arith.constant 1024 : i32
    %dma_wait3A_1005 = tpu.memref_slice %arg9[%dma_wait3A_1004] : memref<24576xf32, #tpu.memory_space<vmem>> -> memref<512xf32, #tpu.memory_space<vmem>>
    tpu.wait_dma2 semaphore(%arg11 : memref<!tpu.dma_semaphore, #tpu.memory_space<semaphore_mem>>) src(%dma_wait3A_1005 : memref<512xf32, #tpu.memory_space<vmem>>) dst(%dma_wait3A_1003 : memref<512xf32, #tpu.memory_space<hbm>>)
    %dma_wait3A_1006 = arith.constant 3 : i32
    %dma_wait3A_1007 = arith.constant 1536 : i32
    %dma_wait3A_1008 = tpu.memref_slice %arg9[%dma_wait3A_1007] : memref<24576xf32, #tpu.memory_space<vmem>> -> memref<512xf32, #tpu.memory_space<vmem>>
    %dma_wait3A_1009 = tpu.memref_slice %arg5[%dma_wait3A_1006, %mul3A_2] : memref<48x16384xf32, #tpu.memory_space<hbm>> -> memref<1x512xf32, #tpu.memory_space<hbm>>
    %dma_wait3A_1010 = tpu.memref_squeeze %dma_wait3A_1009 : memref<1x512xf32, #tpu.memory_space<hbm>> -> memref<512xf32, #tpu.memory_space<hbm>>
    %dma_wait3A_1011 = tpu.memref_slice %arg5[%dma_wait3A_1006, %mul3A_2] : memref<48x16384xf32, #tpu.memory_space<hbm>> -> memref<1x512xf32, #tpu.memory_space<hbm>>
    %dma_wait3A_1012 = tpu.memref_squeeze %dma_wait3A_1011 : memref<1x512xf32, #tpu.memory_space<hbm>> -> memref<512xf32, #tpu.memory_space<hbm>>
    %dma_wait3A_1013 = arith.constant 1536 : i32
    %dma_wait3A_1014 = tpu.memref_slice %arg9[%dma_wait3A_1013] : memref<24576xf32, #tpu.memory_space<vmem>> -> memref<512xf32, #tpu.memory_space<vmem>>
    tpu.wait_dma2 semaphore(%arg11 : memref<!tpu.dma_semaphore, #tpu.memory_space<semaphore_mem>>) src(%dma_wait3A_1014 : memref<512xf32, #tpu.memory_space<vmem>>) dst(%dma_wait3A_1012 : memref<512xf32, #tpu.memory_space<hbm>>)
    %dma_wait3A_1015 = arith.constant 4 : i32
    %dma_wait3A_1016 = arith.constant 2048 : i32
    %dma_wait3A_1017 = tpu.memref_slice %arg9[%dma_wait3A_1016] : memref<24576xf32, #tpu.memory_space<vmem>> -> memref<512xf32, #tpu.memory_space<vmem>>
    %dma_wait3A_1018 = tpu.memref_slice %arg5[%dma_wait3A_1015, %mul3A_2] : memref<48x16384xf32, #tpu.memory_space<hbm>> -> memref<1x512xf32, #tpu.memory_space<hbm>>
    %dma_wait3A_1019 = tpu.memref_squeeze %dma_wait3A_1018 : memref<1x512xf32, #tpu.memory_space<hbm>> -> memref<512xf32, #tpu.memory_space<hbm>>
    %dma_wait3A_1020 = tpu.memref_slice %arg5[%dma_wait3A_1015, %mul3A_2] : memref<48x16384xf32, #tpu.memory_space<hbm>> -> memref<1x512xf32, #tpu.memory_space<hbm>>
    %dma_wait3A_1021 = tpu.memref_squeeze %dma_wait3A_1020 : memref<1x512xf32, #tpu.memory_space<hbm>> -> memref<512xf32, #tpu.memory_space<hbm>>
    %dma_wait3A_1022 = arith.constant 2048 : i32
    %dma_wait3A_1023 = tpu.memref_slice %arg9[%dma_wait3A_1022] : memref<24576xf32, #tpu.memory_space<vmem>> -> memref<512xf32, #tpu.memory_space<vmem>>
    tpu.wait_dma2 semaphore(%arg11 : memref<!tpu.dma_semaphore, #tpu.memory_space<semaphore_mem>>) src(%dma_wait3A_1023 : memref<512xf32, #tpu.memory_space<vmem>>) dst(%dma_wait3A_1021 : memref<512xf32, #tpu.memory_space<hbm>>)
    %dma_wait3A_1024 = arith.constant 5 : i32
    %dma_wait3A_1025 = arith.constant 2560 : i32
    %dma_wait3A_1026 = tpu.memref_slice %arg9[%dma_wait3A_1025] : memref<24576xf32, #tpu.memory_space<vmem>> -> memref<512xf32, #tpu.memory_space<vmem>>
    %dma_wait3A_1027 = tpu.memref_slice %arg5[%dma_wait3A_1024, %mul3A_2] : memref<48x16384xf32, #tpu.memory_space<hbm>> -> memref<1x512xf32, #tpu.memory_space<hbm>>
    %dma_wait3A_1028 = tpu.memref_squeeze %dma_wait3A_1027 : memref<1x512xf32, #tpu.memory_space<hbm>> -> memref<512xf32, #tpu.memory_space<hbm>>
    %dma_wait3A_1029 = tpu.memref_slice %arg5[%dma_wait3A_1024, %mul3A_2] : memref<48x16384xf32, #tpu.memory_space<hbm>> -> memref<1x512xf32, #tpu.memory_space<hbm>>
    %dma_wait3A_1030 = tpu.memref_squeeze %dma_wait3A_1029 : memref<1x512xf32, #tpu.memory_space<hbm>> -> memref<512xf32, #tpu.memory_space<hbm>>
    %dma_wait3A_1031 = arith.constant 2560 : i32
    %dma_wait3A_1032 = tpu.memref_slice %arg9[%dma_wait3A_1031] : memref<24576xf32, #tpu.memory_space<vmem>> -> memref<512xf32, #tpu.memory_space<vmem>>
    tpu.wait_dma2 semaphore(%arg11 : memref<!tpu.dma_semaphore, #tpu.memory_space<semaphore_mem>>) src(%dma_wait3A_1032 : memref<512xf32, #tpu.memory_space<vmem>>) dst(%dma_wait3A_1030 : memref<512xf32, #tpu.memory_space<hbm>>)
    %dma_wait3A_1033 = arith.constant 6 : i32
    %dma_wait3A_1034 = arith.constant 3072 : i32
    %dma_wait3A_1035 = tpu.memref_slice %arg9[%dma_wait3A_1034] : memref<24576xf32, #tpu.memory_space<vmem>> -> memref<512xf32, #tpu.memory_space<vmem>>
    %dma_wait3A_1036 = tpu.memref_slice %arg5[%dma_wait3A_1033, %mul3A_2] : memref<48x16384xf32, #tpu.memory_space<hbm>> -> memref<1x512xf32, #tpu.memory_space<hbm>>
    %dma_wait3A_1037 = tpu.memref_squeeze %dma_wait3A_1036 : memref<1x512xf32, #tpu.memory_space<hbm>> -> memref<512xf32, #tpu.memory_space<hbm>>
    %dma_wait3A_1038 = tpu.memref_slice %arg5[%dma_wait3A_1033, %mul3A_2] : memref<48x16384xf32, #tpu.memory_space<hbm>> -> memref<1x512xf32, #tpu.memory_space<hbm>>
    %dma_wait3A_1039 = tpu.memref_squeeze %dma_wait3A_1038 : memref<1x512xf32, #tpu.memory_space<hbm>> -> memref<512xf32, #tpu.memory_space<hbm>>
    %dma_wait3A_1040 = arith.constant 3072 : i32
    %dma_wait3A_1041 = tpu.memref_slice %arg9[%dma_wait3A_1040] : memref<24576xf32, #tpu.memory_space<vmem>> -> memref<512xf32, #tpu.memory_space<vmem>>
    tpu.wait_dma2 semaphore(%arg11 : memref<!tpu.dma_semaphore, #tpu.memory_space<semaphore_mem>>) src(%dma_wait3A_1041 : memref<512xf32, #tpu.memory_space<vmem>>) dst(%dma_wait3A_1039 : memref<512xf32, #tpu.memory_space<hbm>>)
    %dma_wait3A_1042 = arith.constant 7 : i32
    %dma_wait3A_1043 = arith.constant 3584 : i32
    %dma_wait3A_1044 = tpu.memref_slice %arg9[%dma_wait3A_1043] : memref<24576xf32, #tpu.memory_space<vmem>> -> memref<512xf32, #tpu.memory_space<vmem>>
    %dma_wait3A_1045 = tpu.memref_slice %arg5[%dma_wait3A_1042, %mul3A_2] : memref<48x16384xf32, #tpu.memory_space<hbm>> -> memref<1x512xf32, #tpu.memory_space<hbm>>
    %dma_wait3A_1046 = tpu.memref_squeeze %dma_wait3A_1045 : memref<1x512xf32, #tpu.memory_space<hbm>> -> memref<512xf32, #tpu.memory_space<hbm>>
    %dma_wait3A_1047 = tpu.memref_slice %arg5[%dma_wait3A_1042, %mul3A_2] : memref<48x16384xf32, #tpu.memory_space<hbm>> -> memref<1x512xf32, #tpu.memory_space<hbm>>
    %dma_wait3A_1048 = tpu.memref_squeeze %dma_wait3A_1047 : memref<1x512xf32, #tpu.memory_space<hbm>> -> memref<512xf32, #tpu.memory_space<hbm>>
    %dma_wait3A_1049 = arith.constant 3584 : i32
    %dma_wait3A_1050 = tpu.memref_slice %arg9[%dma_wait3A_1049] : memref<24576xf32, #tpu.memory_space<vmem>> -> memref<512xf32, #tpu.memory_space<vmem>>
    tpu.wait_dma2 semaphore(%arg11 : memref<!tpu.dma_semaphore, #tpu.memory_space<semaphore_mem>>) src(%dma_wait3A_1050 : memref<512xf32, #tpu.memory_space<vmem>>) dst(%dma_wait3A_1048 : memref<512xf32, #tpu.memory_space<hbm>>)
    %dma_wait3A_1051 = arith.constant 8 : i32
    %dma_wait3A_1052 = arith.constant 4096 : i32
    %dma_wait3A_1053 = tpu.memref_slice %arg9[%dma_wait3A_1052] : memref<24576xf32, #tpu.memory_space<vmem>> -> memref<512xf32, #tpu.memory_space<vmem>>
    %dma_wait3A_1054 = tpu.memref_slice %arg5[%dma_wait3A_1051, %mul3A_2] : memref<48x16384xf32, #tpu.memory_space<hbm>> -> memref<1x512xf32, #tpu.memory_space<hbm>>
    %dma_wait3A_1055 = tpu.memref_squeeze %dma_wait3A_1054 : memref<1x512xf32, #tpu.memory_space<hbm>> -> memref<512xf32, #tpu.memory_space<hbm>>
    %dma_wait3A_1056 = tpu.memref_slice %arg5[%dma_wait3A_1051, %mul3A_2] : memref<48x16384xf32, #tpu.memory_space<hbm>> -> memref<1x512xf32, #tpu.memory_space<hbm>>
    %dma_wait3A_1057 = tpu.memref_squeeze %dma_wait3A_1056 : memref<1x512xf32, #tpu.memory_space<hbm>> -> memref<512xf32, #tpu.memory_space<hbm>>
    %dma_wait3A_1058 = arith.constant 4096 : i32
    %dma_wait3A_1059 = tpu.memref_slice %arg9[%dma_wait3A_1058] : memref<24576xf32, #tpu.memory_space<vmem>> -> memref<512xf32, #tpu.memory_space<vmem>>
    tpu.wait_dma2 semaphore(%arg11 : memref<!tpu.dma_semaphore, #tpu.memory_space<semaphore_mem>>) src(%dma_wait3A_1059 : memref<512xf32, #tpu.memory_space<vmem>>) dst(%dma_wait3A_1057 : memref<512xf32, #tpu.memory_space<hbm>>)
    %dma_wait3A_1060 = arith.constant 9 : i32
    %dma_wait3A_1061 = arith.constant 4608 : i32
    %dma_wait3A_1062 = tpu.memref_slice %arg9[%dma_wait3A_1061] : memref<24576xf32, #tpu.memory_space<vmem>> -> memref<512xf32, #tpu.memory_space<vmem>>
    %dma_wait3A_1063 = tpu.memref_slice %arg5[%dma_wait3A_1060, %mul3A_2] : memref<48x16384xf32, #tpu.memory_space<hbm>> -> memref<1x512xf32, #tpu.memory_space<hbm>>
    %dma_wait3A_1064 = tpu.memref_squeeze %dma_wait3A_1063 : memref<1x512xf32, #tpu.memory_space<hbm>> -> memref<512xf32, #tpu.memory_space<hbm>>
    %dma_wait3A_1065 = tpu.memref_slice %arg5[%dma_wait3A_1060, %mul3A_2] : memref<48x16384xf32, #tpu.memory_space<hbm>> -> memref<1x512xf32, #tpu.memory_space<hbm>>
    %dma_wait3A_1066 = tpu.memref_squeeze %dma_wait3A_1065 : memref<1x512xf32, #tpu.memory_space<hbm>> -> memref<512xf32, #tpu.memory_space<hbm>>
    %dma_wait3A_1067 = arith.constant 4608 : i32
    %dma_wait3A_1068 = tpu.memref_slice %arg9[%dma_wait3A_1067] : memref<24576xf32, #tpu.memory_space<vmem>> -> memref<512xf32, #tpu.memory_space<vmem>>
    tpu.wait_dma2 semaphore(%arg11 : memref<!tpu.dma_semaphore, #tpu.memory_space<semaphore_mem>>) src(%dma_wait3A_1068 : memref<512xf32, #tpu.memory_space<vmem>>) dst(%dma_wait3A_1066 : memref<512xf32, #tpu.memory_space<hbm>>)
    %dma_wait3A_1069 = arith.constant 10 : i32
    %dma_wait3A_1070 = arith.constant 5120 : i32
    %dma_wait3A_1071 = tpu.memref_slice %arg9[%dma_wait3A_1070] : memref<24576xf32, #tpu.memory_space<vmem>> -> memref<512xf32, #tpu.memory_space<vmem>>
    %dma_wait3A_1072 = tpu.memref_slice %arg5[%dma_wait3A_1069, %mul3A_2] : memref<48x16384xf32, #tpu.memory_space<hbm>> -> memref<1x512xf32, #tpu.memory_space<hbm>>
    %dma_wait3A_1073 = tpu.memref_squeeze %dma_wait3A_1072 : memref<1x512xf32, #tpu.memory_space<hbm>> -> memref<512xf32, #tpu.memory_space<hbm>>
    %dma_wait3A_1074 = tpu.memref_slice %arg5[%dma_wait3A_1069, %mul3A_2] : memref<48x16384xf32, #tpu.memory_space<hbm>> -> memref<1x512xf32, #tpu.memory_space<hbm>>
    %dma_wait3A_1075 = tpu.memref_squeeze %dma_wait3A_1074 : memref<1x512xf32, #tpu.memory_space<hbm>> -> memref<512xf32, #tpu.memory_space<hbm>>
    %dma_wait3A_1076 = arith.constant 5120 : i32
    %dma_wait3A_1077 = tpu.memref_slice %arg9[%dma_wait3A_1076] : memref<24576xf32, #tpu.memory_space<vmem>> -> memref<512xf32, #tpu.memory_space<vmem>>
    tpu.wait_dma2 semaphore(%arg11 : memref<!tpu.dma_semaphore, #tpu.memory_space<semaphore_mem>>) src(%dma_wait3A_1077 : memref<512xf32, #tpu.memory_space<vmem>>) dst(%dma_wait3A_1075 : memref<512xf32, #tpu.memory_space<hbm>>)
    %dma_wait3A_1078 = arith.constant 11 : i32
    %dma_wait3A_1079 = arith.constant 5632 : i32
    %dma_wait3A_1080 = tpu.memref_slice %arg9[%dma_wait3A_1079] : memref<24576xf32, #tpu.memory_space<vmem>> -> memref<512xf32, #tpu.memory_space<vmem>>
    %dma_wait3A_1081 = tpu.memref_slice %arg5[%dma_wait3A_1078, %mul3A_2] : memref<48x16384xf32, #tpu.memory_space<hbm>> -> memref<1x512xf32, #tpu.memory_space<hbm>>
    %dma_wait3A_1082 = tpu.memref_squeeze %dma_wait3A_1081 : memref<1x512xf32, #tpu.memory_space<hbm>> -> memref<512xf32, #tpu.memory_space<hbm>>
    %dma_wait3A_1083 = tpu.memref_slice %arg5[%dma_wait3A_1078, %mul3A_2] : memref<48x16384xf32, #tpu.memory_space<hbm>> -> memref<1x512xf32, #tpu.memory_space<hbm>>
    %dma_wait3A_1084 = tpu.memref_squeeze %dma_wait3A_1083 : memref<1x512xf32, #tpu.memory_space<hbm>> -> memref<512xf32, #tpu.memory_space<hbm>>
    %dma_wait3A_1085 = arith.constant 5632 : i32
    %dma_wait3A_1086 = tpu.memref_slice %arg9[%dma_wait3A_1085] : memref<24576xf32, #tpu.memory_space<vmem>> -> memref<512xf32, #tpu.memory_space<vmem>>
    tpu.wait_dma2 semaphore(%arg11 : memref<!tpu.dma_semaphore, #tpu.memory_space<semaphore_mem>>) src(%dma_wait3A_1086 : memref<512xf32, #tpu.memory_space<vmem>>) dst(%dma_wait3A_1084 : memref<512xf32, #tpu.memory_space<hbm>>)
    %dma_wait3A_1087 = arith.constant 12 : i32
    %dma_wait3A_1088 = arith.constant 6144 : i32
    %dma_wait3A_1089 = tpu.memref_slice %arg9[%dma_wait3A_1088] : memref<24576xf32, #tpu.memory_space<vmem>> -> memref<512xf32, #tpu.memory_space<vmem>>
    %dma_wait3A_1090 = tpu.memref_slice %arg5[%dma_wait3A_1087, %mul3A_2] : memref<48x16384xf32, #tpu.memory_space<hbm>> -> memref<1x512xf32, #tpu.memory_space<hbm>>
    %dma_wait3A_1091 = tpu.memref_squeeze %dma_wait3A_1090 : memref<1x512xf32, #tpu.memory_space<hbm>> -> memref<512xf32, #tpu.memory_space<hbm>>
    %dma_wait3A_1092 = tpu.memref_slice %arg5[%dma_wait3A_1087, %mul3A_2] : memref<48x16384xf32, #tpu.memory_space<hbm>> -> memref<1x512xf32, #tpu.memory_space<hbm>>
    %dma_wait3A_1093 = tpu.memref_squeeze %dma_wait3A_1092 : memref<1x512xf32, #tpu.memory_space<hbm>> -> memref<512xf32, #tpu.memory_space<hbm>>
    %dma_wait3A_1094 = arith.constant 6144 : i32
    %dma_wait3A_1095 = tpu.memref_slice %arg9[%dma_wait3A_1094] : memref<24576xf32, #tpu.memory_space<vmem>> -> memref<512xf32, #tpu.memory_space<vmem>>
    tpu.wait_dma2 semaphore(%arg11 : memref<!tpu.dma_semaphore, #tpu.memory_space<semaphore_mem>>) src(%dma_wait3A_1095 : memref<512xf32, #tpu.memory_space<vmem>>) dst(%dma_wait3A_1093 : memref<512xf32, #tpu.memory_space<hbm>>)
    %dma_wait3A_1096 = arith.constant 13 : i32
    %dma_wait3A_1097 = arith.constant 6656 : i32
    %dma_wait3A_1098 = tpu.memref_slice %arg9[%dma_wait3A_1097] : memref<24576xf32, #tpu.memory_space<vmem>> -> memref<512xf32, #tpu.memory_space<vmem>>
    %dma_wait3A_1099 = tpu.memref_slice %arg5[%dma_wait3A_1096, %mul3A_2] : memref<48x16384xf32, #tpu.memory_space<hbm>> -> memref<1x512xf32, #tpu.memory_space<hbm>>
    %dma_wait3A_1100 = tpu.memref_squeeze %dma_wait3A_1099 : memref<1x512xf32, #tpu.memory_space<hbm>> -> memref<512xf32, #tpu.memory_space<hbm>>
    %dma_wait3A_1101 = tpu.memref_slice %arg5[%dma_wait3A_1096, %mul3A_2] : memref<48x16384xf32, #tpu.memory_space<hbm>> -> memref<1x512xf32, #tpu.memory_space<hbm>>
    %dma_wait3A_1102 = tpu.memref_squeeze %dma_wait3A_1101 : memref<1x512xf32, #tpu.memory_space<hbm>> -> memref<512xf32, #tpu.memory_space<hbm>>
    %dma_wait3A_1103 = arith.constant 6656 : i32
    %dma_wait3A_1104 = tpu.memref_slice %arg9[%dma_wait3A_1103] : memref<24576xf32, #tpu.memory_space<vmem>> -> memref<512xf32, #tpu.memory_space<vmem>>
    tpu.wait_dma2 semaphore(%arg11 : memref<!tpu.dma_semaphore, #tpu.memory_space<semaphore_mem>>) src(%dma_wait3A_1104 : memref<512xf32, #tpu.memory_space<vmem>>) dst(%dma_wait3A_1102 : memref<512xf32, #tpu.memory_space<hbm>>)
    %dma_wait3A_1105 = arith.constant 14 : i32
    %dma_wait3A_1106 = arith.constant 7168 : i32
    %dma_wait3A_1107 = tpu.memref_slice %arg9[%dma_wait3A_1106] : memref<24576xf32, #tpu.memory_space<vmem>> -> memref<512xf32, #tpu.memory_space<vmem>>
    %dma_wait3A_1108 = tpu.memref_slice %arg5[%dma_wait3A_1105, %mul3A_2] : memref<48x16384xf32, #tpu.memory_space<hbm>> -> memref<1x512xf32, #tpu.memory_space<hbm>>
    %dma_wait3A_1109 = tpu.memref_squeeze %dma_wait3A_1108 : memref<1x512xf32, #tpu.memory_space<hbm>> -> memref<512xf32, #tpu.memory_space<hbm>>
    %dma_wait3A_1110 = tpu.memref_slice %arg5[%dma_wait3A_1105, %mul3A_2] : memref<48x16384xf32, #tpu.memory_space<hbm>> -> memref<1x512xf32, #tpu.memory_space<hbm>>
    %dma_wait3A_1111 = tpu.memref_squeeze %dma_wait3A_1110 : memref<1x512xf32, #tpu.memory_space<hbm>> -> memref<512xf32, #tpu.memory_space<hbm>>
    %dma_wait3A_1112 = arith.constant 7168 : i32
    %dma_wait3A_1113 = tpu.memref_slice %arg9[%dma_wait3A_1112] : memref<24576xf32, #tpu.memory_space<vmem>> -> memref<512xf32, #tpu.memory_space<vmem>>
    tpu.wait_dma2 semaphore(%arg11 : memref<!tpu.dma_semaphore, #tpu.memory_space<semaphore_mem>>) src(%dma_wait3A_1113 : memref<512xf32, #tpu.memory_space<vmem>>) dst(%dma_wait3A_1111 : memref<512xf32, #tpu.memory_space<hbm>>)
    %dma_wait3A_1114 = arith.constant 15 : i32
    %dma_wait3A_1115 = arith.constant 7680 : i32
    %dma_wait3A_1116 = tpu.memref_slice %arg9[%dma_wait3A_1115] : memref<24576xf32, #tpu.memory_space<vmem>> -> memref<512xf32, #tpu.memory_space<vmem>>
    %dma_wait3A_1117 = tpu.memref_slice %arg5[%dma_wait3A_1114, %mul3A_2] : memref<48x16384xf32, #tpu.memory_space<hbm>> -> memref<1x512xf32, #tpu.memory_space<hbm>>
    %dma_wait3A_1118 = tpu.memref_squeeze %dma_wait3A_1117 : memref<1x512xf32, #tpu.memory_space<hbm>> -> memref<512xf32, #tpu.memory_space<hbm>>
    %dma_wait3A_1119 = tpu.memref_slice %arg5[%dma_wait3A_1114, %mul3A_2] : memref<48x16384xf32, #tpu.memory_space<hbm>> -> memref<1x512xf32, #tpu.memory_space<hbm>>
    %dma_wait3A_1120 = tpu.memref_squeeze %dma_wait3A_1119 : memref<1x512xf32, #tpu.memory_space<hbm>> -> memref<512xf32, #tpu.memory_space<hbm>>
    %dma_wait3A_1121 = arith.constant 7680 : i32
    %dma_wait3A_1122 = tpu.memref_slice %arg9[%dma_wait3A_1121] : memref<24576xf32, #tpu.memory_space<vmem>> -> memref<512xf32, #tpu.memory_space<vmem>>
    tpu.wait_dma2 semaphore(%arg11 : memref<!tpu.dma_semaphore, #tpu.memory_space<semaphore_mem>>) src(%dma_wait3A_1122 : memref<512xf32, #tpu.memory_space<vmem>>) dst(%dma_wait3A_1120 : memref<512xf32, #tpu.memory_space<hbm>>)
    %dma_wait3A_1123 = arith.constant 16 : i32
    %dma_wait3A_1124 = arith.constant 8192 : i32
    %dma_wait3A_1125 = tpu.memref_slice %arg9[%dma_wait3A_1124] : memref<24576xf32, #tpu.memory_space<vmem>> -> memref<512xf32, #tpu.memory_space<vmem>>
    %dma_wait3A_1126 = tpu.memref_slice %arg5[%dma_wait3A_1123, %mul3A_2] : memref<48x16384xf32, #tpu.memory_space<hbm>> -> memref<1x512xf32, #tpu.memory_space<hbm>>
    %dma_wait3A_1127 = tpu.memref_squeeze %dma_wait3A_1126 : memref<1x512xf32, #tpu.memory_space<hbm>> -> memref<512xf32, #tpu.memory_space<hbm>>
    %dma_wait3A_1128 = tpu.memref_slice %arg5[%dma_wait3A_1123, %mul3A_2] : memref<48x16384xf32, #tpu.memory_space<hbm>> -> memref<1x512xf32, #tpu.memory_space<hbm>>
    %dma_wait3A_1129 = tpu.memref_squeeze %dma_wait3A_1128 : memref<1x512xf32, #tpu.memory_space<hbm>> -> memref<512xf32, #tpu.memory_space<hbm>>
    %dma_wait3A_1130 = arith.constant 8192 : i32
    %dma_wait3A_1131 = tpu.memref_slice %arg9[%dma_wait3A_1130] : memref<24576xf32, #tpu.memory_space<vmem>> -> memref<512xf32, #tpu.memory_space<vmem>>
    tpu.wait_dma2 semaphore(%arg11 : memref<!tpu.dma_semaphore, #tpu.memory_space<semaphore_mem>>) src(%dma_wait3A_1131 : memref<512xf32, #tpu.memory_space<vmem>>) dst(%dma_wait3A_1129 : memref<512xf32, #tpu.memory_space<hbm>>)
    %dma_wait3A_1132 = arith.constant 17 : i32
    %dma_wait3A_1133 = arith.constant 8704 : i32
    %dma_wait3A_1134 = tpu.memref_slice %arg9[%dma_wait3A_1133] : memref<24576xf32, #tpu.memory_space<vmem>> -> memref<512xf32, #tpu.memory_space<vmem>>
    %dma_wait3A_1135 = tpu.memref_slice %arg5[%dma_wait3A_1132, %mul3A_2] : memref<48x16384xf32, #tpu.memory_space<hbm>> -> memref<1x512xf32, #tpu.memory_space<hbm>>
    %dma_wait3A_1136 = tpu.memref_squeeze %dma_wait3A_1135 : memref<1x512xf32, #tpu.memory_space<hbm>> -> memref<512xf32, #tpu.memory_space<hbm>>
    %dma_wait3A_1137 = tpu.memref_slice %arg5[%dma_wait3A_1132, %mul3A_2] : memref<48x16384xf32, #tpu.memory_space<hbm>> -> memref<1x512xf32, #tpu.memory_space<hbm>>
    %dma_wait3A_1138 = tpu.memref_squeeze %dma_wait3A_1137 : memref<1x512xf32, #tpu.memory_space<hbm>> -> memref<512xf32, #tpu.memory_space<hbm>>
    %dma_wait3A_1139 = arith.constant 8704 : i32
    %dma_wait3A_1140 = tpu.memref_slice %arg9[%dma_wait3A_1139] : memref<24576xf32, #tpu.memory_space<vmem>> -> memref<512xf32, #tpu.memory_space<vmem>>
    tpu.wait_dma2 semaphore(%arg11 : memref<!tpu.dma_semaphore, #tpu.memory_space<semaphore_mem>>) src(%dma_wait3A_1140 : memref<512xf32, #tpu.memory_space<vmem>>) dst(%dma_wait3A_1138 : memref<512xf32, #tpu.memory_space<hbm>>)
    %dma_wait3A_1141 = arith.constant 18 : i32
    %dma_wait3A_1142 = arith.constant 9216 : i32
    %dma_wait3A_1143 = tpu.memref_slice %arg9[%dma_wait3A_1142] : memref<24576xf32, #tpu.memory_space<vmem>> -> memref<512xf32, #tpu.memory_space<vmem>>
    %dma_wait3A_1144 = tpu.memref_slice %arg5[%dma_wait3A_1141, %mul3A_2] : memref<48x16384xf32, #tpu.memory_space<hbm>> -> memref<1x512xf32, #tpu.memory_space<hbm>>
    %dma_wait3A_1145 = tpu.memref_squeeze %dma_wait3A_1144 : memref<1x512xf32, #tpu.memory_space<hbm>> -> memref<512xf32, #tpu.memory_space<hbm>>
    %dma_wait3A_1146 = tpu.memref_slice %arg5[%dma_wait3A_1141, %mul3A_2] : memref<48x16384xf32, #tpu.memory_space<hbm>> -> memref<1x512xf32, #tpu.memory_space<hbm>>
    %dma_wait3A_1147 = tpu.memref_squeeze %dma_wait3A_1146 : memref<1x512xf32, #tpu.memory_space<hbm>> -> memref<512xf32, #tpu.memory_space<hbm>>
    %dma_wait3A_1148 = arith.constant 9216 : i32
    %dma_wait3A_1149 = tpu.memref_slice %arg9[%dma_wait3A_1148] : memref<24576xf32, #tpu.memory_space<vmem>> -> memref<512xf32, #tpu.memory_space<vmem>>
    tpu.wait_dma2 semaphore(%arg11 : memref<!tpu.dma_semaphore, #tpu.memory_space<semaphore_mem>>) src(%dma_wait3A_1149 : memref<512xf32, #tpu.memory_space<vmem>>) dst(%dma_wait3A_1147 : memref<512xf32, #tpu.memory_space<hbm>>)
    %dma_wait3A_1150 = arith.constant 19 : i32
    %dma_wait3A_1151 = arith.constant 9728 : i32
    %dma_wait3A_1152 = tpu.memref_slice %arg9[%dma_wait3A_1151] : memref<24576xf32, #tpu.memory_space<vmem>> -> memref<512xf32, #tpu.memory_space<vmem>>
    %dma_wait3A_1153 = tpu.memref_slice %arg5[%dma_wait3A_1150, %mul3A_2] : memref<48x16384xf32, #tpu.memory_space<hbm>> -> memref<1x512xf32, #tpu.memory_space<hbm>>
    %dma_wait3A_1154 = tpu.memref_squeeze %dma_wait3A_1153 : memref<1x512xf32, #tpu.memory_space<hbm>> -> memref<512xf32, #tpu.memory_space<hbm>>
    %dma_wait3A_1155 = tpu.memref_slice %arg5[%dma_wait3A_1150, %mul3A_2] : memref<48x16384xf32, #tpu.memory_space<hbm>> -> memref<1x512xf32, #tpu.memory_space<hbm>>
    %dma_wait3A_1156 = tpu.memref_squeeze %dma_wait3A_1155 : memref<1x512xf32, #tpu.memory_space<hbm>> -> memref<512xf32, #tpu.memory_space<hbm>>
    %dma_wait3A_1157 = arith.constant 9728 : i32
    %dma_wait3A_1158 = tpu.memref_slice %arg9[%dma_wait3A_1157] : memref<24576xf32, #tpu.memory_space<vmem>> -> memref<512xf32, #tpu.memory_space<vmem>>
    tpu.wait_dma2 semaphore(%arg11 : memref<!tpu.dma_semaphore, #tpu.memory_space<semaphore_mem>>) src(%dma_wait3A_1158 : memref<512xf32, #tpu.memory_space<vmem>>) dst(%dma_wait3A_1156 : memref<512xf32, #tpu.memory_space<hbm>>)
    %dma_wait3A_1159 = arith.constant 20 : i32
    %dma_wait3A_1160 = arith.constant 10240 : i32
    %dma_wait3A_1161 = tpu.memref_slice %arg9[%dma_wait3A_1160] : memref<24576xf32, #tpu.memory_space<vmem>> -> memref<512xf32, #tpu.memory_space<vmem>>
    %dma_wait3A_1162 = tpu.memref_slice %arg5[%dma_wait3A_1159, %mul3A_2] : memref<48x16384xf32, #tpu.memory_space<hbm>> -> memref<1x512xf32, #tpu.memory_space<hbm>>
    %dma_wait3A_1163 = tpu.memref_squeeze %dma_wait3A_1162 : memref<1x512xf32, #tpu.memory_space<hbm>> -> memref<512xf32, #tpu.memory_space<hbm>>
    %dma_wait3A_1164 = tpu.memref_slice %arg5[%dma_wait3A_1159, %mul3A_2] : memref<48x16384xf32, #tpu.memory_space<hbm>> -> memref<1x512xf32, #tpu.memory_space<hbm>>
    %dma_wait3A_1165 = tpu.memref_squeeze %dma_wait3A_1164 : memref<1x512xf32, #tpu.memory_space<hbm>> -> memref<512xf32, #tpu.memory_space<hbm>>
    %dma_wait3A_1166 = arith.constant 10240 : i32
    %dma_wait3A_1167 = tpu.memref_slice %arg9[%dma_wait3A_1166] : memref<24576xf32, #tpu.memory_space<vmem>> -> memref<512xf32, #tpu.memory_space<vmem>>
    tpu.wait_dma2 semaphore(%arg11 : memref<!tpu.dma_semaphore, #tpu.memory_space<semaphore_mem>>) src(%dma_wait3A_1167 : memref<512xf32, #tpu.memory_space<vmem>>) dst(%dma_wait3A_1165 : memref<512xf32, #tpu.memory_space<hbm>>)
    %dma_wait3A_1168 = arith.constant 21 : i32
    %dma_wait3A_1169 = arith.constant 10752 : i32
    %dma_wait3A_1170 = tpu.memref_slice %arg9[%dma_wait3A_1169] : memref<24576xf32, #tpu.memory_space<vmem>> -> memref<512xf32, #tpu.memory_space<vmem>>
    %dma_wait3A_1171 = tpu.memref_slice %arg5[%dma_wait3A_1168, %mul3A_2] : memref<48x16384xf32, #tpu.memory_space<hbm>> -> memref<1x512xf32, #tpu.memory_space<hbm>>
    %dma_wait3A_1172 = tpu.memref_squeeze %dma_wait3A_1171 : memref<1x512xf32, #tpu.memory_space<hbm>> -> memref<512xf32, #tpu.memory_space<hbm>>
    %dma_wait3A_1173 = tpu.memref_slice %arg5[%dma_wait3A_1168, %mul3A_2] : memref<48x16384xf32, #tpu.memory_space<hbm>> -> memref<1x512xf32, #tpu.memory_space<hbm>>
    %dma_wait3A_1174 = tpu.memref_squeeze %dma_wait3A_1173 : memref<1x512xf32, #tpu.memory_space<hbm>> -> memref<512xf32, #tpu.memory_space<hbm>>
    %dma_wait3A_1175 = arith.constant 10752 : i32
    %dma_wait3A_1176 = tpu.memref_slice %arg9[%dma_wait3A_1175] : memref<24576xf32, #tpu.memory_space<vmem>> -> memref<512xf32, #tpu.memory_space<vmem>>
    tpu.wait_dma2 semaphore(%arg11 : memref<!tpu.dma_semaphore, #tpu.memory_space<semaphore_mem>>) src(%dma_wait3A_1176 : memref<512xf32, #tpu.memory_space<vmem>>) dst(%dma_wait3A_1174 : memref<512xf32, #tpu.memory_space<hbm>>)
    %dma_wait3A_1177 = arith.constant 22 : i32
    %dma_wait3A_1178 = arith.constant 11264 : i32
    %dma_wait3A_1179 = tpu.memref_slice %arg9[%dma_wait3A_1178] : memref<24576xf32, #tpu.memory_space<vmem>> -> memref<512xf32, #tpu.memory_space<vmem>>
    %dma_wait3A_1180 = tpu.memref_slice %arg5[%dma_wait3A_1177, %mul3A_2] : memref<48x16384xf32, #tpu.memory_space<hbm>> -> memref<1x512xf32, #tpu.memory_space<hbm>>
    %dma_wait3A_1181 = tpu.memref_squeeze %dma_wait3A_1180 : memref<1x512xf32, #tpu.memory_space<hbm>> -> memref<512xf32, #tpu.memory_space<hbm>>
    %dma_wait3A_1182 = tpu.memref_slice %arg5[%dma_wait3A_1177, %mul3A_2] : memref<48x16384xf32, #tpu.memory_space<hbm>> -> memref<1x512xf32, #tpu.memory_space<hbm>>
    %dma_wait3A_1183 = tpu.memref_squeeze %dma_wait3A_1182 : memref<1x512xf32, #tpu.memory_space<hbm>> -> memref<512xf32, #tpu.memory_space<hbm>>
    %dma_wait3A_1184 = arith.constant 11264 : i32
    %dma_wait3A_1185 = tpu.memref_slice %arg9[%dma_wait3A_1184] : memref<24576xf32, #tpu.memory_space<vmem>> -> memref<512xf32, #tpu.memory_space<vmem>>
    tpu.wait_dma2 semaphore(%arg11 : memref<!tpu.dma_semaphore, #tpu.memory_space<semaphore_mem>>) src(%dma_wait3A_1185 : memref<512xf32, #tpu.memory_space<vmem>>) dst(%dma_wait3A_1183 : memref<512xf32, #tpu.memory_space<hbm>>)
    %dma_wait3A_1186 = arith.constant 23 : i32
    %dma_wait3A_1187 = arith.constant 11776 : i32
    %dma_wait3A_1188 = tpu.memref_slice %arg9[%dma_wait3A_1187] : memref<24576xf32, #tpu.memory_space<vmem>> -> memref<512xf32, #tpu.memory_space<vmem>>
    %dma_wait3A_1189 = tpu.memref_slice %arg5[%dma_wait3A_1186, %mul3A_2] : memref<48x16384xf32, #tpu.memory_space<hbm>> -> memref<1x512xf32, #tpu.memory_space<hbm>>
    %dma_wait3A_1190 = tpu.memref_squeeze %dma_wait3A_1189 : memref<1x512xf32, #tpu.memory_space<hbm>> -> memref<512xf32, #tpu.memory_space<hbm>>
    %dma_wait3A_1191 = tpu.memref_slice %arg5[%dma_wait3A_1186, %mul3A_2] : memref<48x16384xf32, #tpu.memory_space<hbm>> -> memref<1x512xf32, #tpu.memory_space<hbm>>
    %dma_wait3A_1192 = tpu.memref_squeeze %dma_wait3A_1191 : memref<1x512xf32, #tpu.memory_space<hbm>> -> memref<512xf32, #tpu.memory_space<hbm>>
    %dma_wait3A_1193 = arith.constant 11776 : i32
    %dma_wait3A_1194 = tpu.memref_slice %arg9[%dma_wait3A_1193] : memref<24576xf32, #tpu.memory_space<vmem>> -> memref<512xf32, #tpu.memory_space<vmem>>
    tpu.wait_dma2 semaphore(%arg11 : memref<!tpu.dma_semaphore, #tpu.memory_space<semaphore_mem>>) src(%dma_wait3A_1194 : memref<512xf32, #tpu.memory_space<vmem>>) dst(%dma_wait3A_1192 : memref<512xf32, #tpu.memory_space<hbm>>)
    %dma_wait3A_1195 = arith.constant 24 : i32
    %dma_wait3A_1196 = arith.constant 12288 : i32
    %dma_wait3A_1197 = tpu.memref_slice %arg9[%dma_wait3A_1196] : memref<24576xf32, #tpu.memory_space<vmem>> -> memref<512xf32, #tpu.memory_space<vmem>>
    %dma_wait3A_1198 = tpu.memref_slice %arg5[%dma_wait3A_1195, %mul3A_2] : memref<48x16384xf32, #tpu.memory_space<hbm>> -> memref<1x512xf32, #tpu.memory_space<hbm>>
    %dma_wait3A_1199 = tpu.memref_squeeze %dma_wait3A_1198 : memref<1x512xf32, #tpu.memory_space<hbm>> -> memref<512xf32, #tpu.memory_space<hbm>>
    %dma_wait3A_1200 = tpu.memref_slice %arg5[%dma_wait3A_1195, %mul3A_2] : memref<48x16384xf32, #tpu.memory_space<hbm>> -> memref<1x512xf32, #tpu.memory_space<hbm>>
    %dma_wait3A_1201 = tpu.memref_squeeze %dma_wait3A_1200 : memref<1x512xf32, #tpu.memory_space<hbm>> -> memref<512xf32, #tpu.memory_space<hbm>>
    %dma_wait3A_1202 = arith.constant 12288 : i32
    %dma_wait3A_1203 = tpu.memref_slice %arg9[%dma_wait3A_1202] : memref<24576xf32, #tpu.memory_space<vmem>> -> memref<512xf32, #tpu.memory_space<vmem>>
    tpu.wait_dma2 semaphore(%arg11 : memref<!tpu.dma_semaphore, #tpu.memory_space<semaphore_mem>>) src(%dma_wait3A_1203 : memref<512xf32, #tpu.memory_space<vmem>>) dst(%dma_wait3A_1201 : memref<512xf32, #tpu.memory_space<hbm>>)
    %dma_wait3A_1204 = arith.constant 25 : i32
    %dma_wait3A_1205 = arith.constant 12800 : i32
    %dma_wait3A_1206 = tpu.memref_slice %arg9[%dma_wait3A_1205] : memref<24576xf32, #tpu.memory_space<vmem>> -> memref<512xf32, #tpu.memory_space<vmem>>
    %dma_wait3A_1207 = tpu.memref_slice %arg5[%dma_wait3A_1204, %mul3A_2] : memref<48x16384xf32, #tpu.memory_space<hbm>> -> memref<1x512xf32, #tpu.memory_space<hbm>>
    %dma_wait3A_1208 = tpu.memref_squeeze %dma_wait3A_1207 : memref<1x512xf32, #tpu.memory_space<hbm>> -> memref<512xf32, #tpu.memory_space<hbm>>
    %dma_wait3A_1209 = tpu.memref_slice %arg5[%dma_wait3A_1204, %mul3A_2] : memref<48x16384xf32, #tpu.memory_space<hbm>> -> memref<1x512xf32, #tpu.memory_space<hbm>>
    %dma_wait3A_1210 = tpu.memref_squeeze %dma_wait3A_1209 : memref<1x512xf32, #tpu.memory_space<hbm>> -> memref<512xf32, #tpu.memory_space<hbm>>
    %dma_wait3A_1211 = arith.constant 12800 : i32
    %dma_wait3A_1212 = tpu.memref_slice %arg9[%dma_wait3A_1211] : memref<24576xf32, #tpu.memory_space<vmem>> -> memref<512xf32, #tpu.memory_space<vmem>>
    tpu.wait_dma2 semaphore(%arg11 : memref<!tpu.dma_semaphore, #tpu.memory_space<semaphore_mem>>) src(%dma_wait3A_1212 : memref<512xf32, #tpu.memory_space<vmem>>) dst(%dma_wait3A_1210 : memref<512xf32, #tpu.memory_space<hbm>>)
    %dma_wait3A_1213 = arith.constant 26 : i32
    %dma_wait3A_1214 = arith.constant 13312 : i32
    %dma_wait3A_1215 = tpu.memref_slice %arg9[%dma_wait3A_1214] : memref<24576xf32, #tpu.memory_space<vmem>> -> memref<512xf32, #tpu.memory_space<vmem>>
    %dma_wait3A_1216 = tpu.memref_slice %arg5[%dma_wait3A_1213, %mul3A_2] : memref<48x16384xf32, #tpu.memory_space<hbm>> -> memref<1x512xf32, #tpu.memory_space<hbm>>
    %dma_wait3A_1217 = tpu.memref_squeeze %dma_wait3A_1216 : memref<1x512xf32, #tpu.memory_space<hbm>> -> memref<512xf32, #tpu.memory_space<hbm>>
    %dma_wait3A_1218 = tpu.memref_slice %arg5[%dma_wait3A_1213, %mul3A_2] : memref<48x16384xf32, #tpu.memory_space<hbm>> -> memref<1x512xf32, #tpu.memory_space<hbm>>
    %dma_wait3A_1219 = tpu.memref_squeeze %dma_wait3A_1218 : memref<1x512xf32, #tpu.memory_space<hbm>> -> memref<512xf32, #tpu.memory_space<hbm>>
    %dma_wait3A_1220 = arith.constant 13312 : i32
    %dma_wait3A_1221 = tpu.memref_slice %arg9[%dma_wait3A_1220] : memref<24576xf32, #tpu.memory_space<vmem>> -> memref<512xf32, #tpu.memory_space<vmem>>
    tpu.wait_dma2 semaphore(%arg11 : memref<!tpu.dma_semaphore, #tpu.memory_space<semaphore_mem>>) src(%dma_wait3A_1221 : memref<512xf32, #tpu.memory_space<vmem>>) dst(%dma_wait3A_1219 : memref<512xf32, #tpu.memory_space<hbm>>)
    %dma_wait3A_1222 = arith.constant 27 : i32
    %dma_wait3A_1223 = arith.constant 13824 : i32
    %dma_wait3A_1224 = tpu.memref_slice %arg9[%dma_wait3A_1223] : memref<24576xf32, #tpu.memory_space<vmem>> -> memref<512xf32, #tpu.memory_space<vmem>>
    %dma_wait3A_1225 = tpu.memref_slice %arg5[%dma_wait3A_1222, %mul3A_2] : memref<48x16384xf32, #tpu.memory_space<hbm>> -> memref<1x512xf32, #tpu.memory_space<hbm>>
    %dma_wait3A_1226 = tpu.memref_squeeze %dma_wait3A_1225 : memref<1x512xf32, #tpu.memory_space<hbm>> -> memref<512xf32, #tpu.memory_space<hbm>>
    %dma_wait3A_1227 = tpu.memref_slice %arg5[%dma_wait3A_1222, %mul3A_2] : memref<48x16384xf32, #tpu.memory_space<hbm>> -> memref<1x512xf32, #tpu.memory_space<hbm>>
    %dma_wait3A_1228 = tpu.memref_squeeze %dma_wait3A_1227 : memref<1x512xf32, #tpu.memory_space<hbm>> -> memref<512xf32, #tpu.memory_space<hbm>>
    %dma_wait3A_1229 = arith.constant 13824 : i32
    %dma_wait3A_1230 = tpu.memref_slice %arg9[%dma_wait3A_1229] : memref<24576xf32, #tpu.memory_space<vmem>> -> memref<512xf32, #tpu.memory_space<vmem>>
    tpu.wait_dma2 semaphore(%arg11 : memref<!tpu.dma_semaphore, #tpu.memory_space<semaphore_mem>>) src(%dma_wait3A_1230 : memref<512xf32, #tpu.memory_space<vmem>>) dst(%dma_wait3A_1228 : memref<512xf32, #tpu.memory_space<hbm>>)
    %dma_wait3A_1231 = arith.constant 28 : i32
    %dma_wait3A_1232 = arith.constant 14336 : i32
    %dma_wait3A_1233 = tpu.memref_slice %arg9[%dma_wait3A_1232] : memref<24576xf32, #tpu.memory_space<vmem>> -> memref<512xf32, #tpu.memory_space<vmem>>
    %dma_wait3A_1234 = tpu.memref_slice %arg5[%dma_wait3A_1231, %mul3A_2] : memref<48x16384xf32, #tpu.memory_space<hbm>> -> memref<1x512xf32, #tpu.memory_space<hbm>>
    %dma_wait3A_1235 = tpu.memref_squeeze %dma_wait3A_1234 : memref<1x512xf32, #tpu.memory_space<hbm>> -> memref<512xf32, #tpu.memory_space<hbm>>
    %dma_wait3A_1236 = tpu.memref_slice %arg5[%dma_wait3A_1231, %mul3A_2] : memref<48x16384xf32, #tpu.memory_space<hbm>> -> memref<1x512xf32, #tpu.memory_space<hbm>>
    %dma_wait3A_1237 = tpu.memref_squeeze %dma_wait3A_1236 : memref<1x512xf32, #tpu.memory_space<hbm>> -> memref<512xf32, #tpu.memory_space<hbm>>
    %dma_wait3A_1238 = arith.constant 14336 : i32
    %dma_wait3A_1239 = tpu.memref_slice %arg9[%dma_wait3A_1238] : memref<24576xf32, #tpu.memory_space<vmem>> -> memref<512xf32, #tpu.memory_space<vmem>>
    tpu.wait_dma2 semaphore(%arg11 : memref<!tpu.dma_semaphore, #tpu.memory_space<semaphore_mem>>) src(%dma_wait3A_1239 : memref<512xf32, #tpu.memory_space<vmem>>) dst(%dma_wait3A_1237 : memref<512xf32, #tpu.memory_space<hbm>>)
    %dma_wait3A_1240 = arith.constant 29 : i32
    %dma_wait3A_1241 = arith.constant 14848 : i32
    %dma_wait3A_1242 = tpu.memref_slice %arg9[%dma_wait3A_1241] : memref<24576xf32, #tpu.memory_space<vmem>> -> memref<512xf32, #tpu.memory_space<vmem>>
    %dma_wait3A_1243 = tpu.memref_slice %arg5[%dma_wait3A_1240, %mul3A_2] : memref<48x16384xf32, #tpu.memory_space<hbm>> -> memref<1x512xf32, #tpu.memory_space<hbm>>
    %dma_wait3A_1244 = tpu.memref_squeeze %dma_wait3A_1243 : memref<1x512xf32, #tpu.memory_space<hbm>> -> memref<512xf32, #tpu.memory_space<hbm>>
    %dma_wait3A_1245 = tpu.memref_slice %arg5[%dma_wait3A_1240, %mul3A_2] : memref<48x16384xf32, #tpu.memory_space<hbm>> -> memref<1x512xf32, #tpu.memory_space<hbm>>
    %dma_wait3A_1246 = tpu.memref_squeeze %dma_wait3A_1245 : memref<1x512xf32, #tpu.memory_space<hbm>> -> memref<512xf32, #tpu.memory_space<hbm>>
    %dma_wait3A_1247 = arith.constant 14848 : i32
    %dma_wait3A_1248 = tpu.memref_slice %arg9[%dma_wait3A_1247] : memref<24576xf32, #tpu.memory_space<vmem>> -> memref<512xf32, #tpu.memory_space<vmem>>
    tpu.wait_dma2 semaphore(%arg11 : memref<!tpu.dma_semaphore, #tpu.memory_space<semaphore_mem>>) src(%dma_wait3A_1248 : memref<512xf32, #tpu.memory_space<vmem>>) dst(%dma_wait3A_1246 : memref<512xf32, #tpu.memory_space<hbm>>)
    %dma_wait3A_1249 = arith.constant 30 : i32
    %dma_wait3A_1250 = arith.constant 15360 : i32
    %dma_wait3A_1251 = tpu.memref_slice %arg9[%dma_wait3A_1250] : memref<24576xf32, #tpu.memory_space<vmem>> -> memref<512xf32, #tpu.memory_space<vmem>>
    %dma_wait3A_1252 = tpu.memref_slice %arg5[%dma_wait3A_1249, %mul3A_2] : memref<48x16384xf32, #tpu.memory_space<hbm>> -> memref<1x512xf32, #tpu.memory_space<hbm>>
    %dma_wait3A_1253 = tpu.memref_squeeze %dma_wait3A_1252 : memref<1x512xf32, #tpu.memory_space<hbm>> -> memref<512xf32, #tpu.memory_space<hbm>>
    %dma_wait3A_1254 = tpu.memref_slice %arg5[%dma_wait3A_1249, %mul3A_2] : memref<48x16384xf32, #tpu.memory_space<hbm>> -> memref<1x512xf32, #tpu.memory_space<hbm>>
    %dma_wait3A_1255 = tpu.memref_squeeze %dma_wait3A_1254 : memref<1x512xf32, #tpu.memory_space<hbm>> -> memref<512xf32, #tpu.memory_space<hbm>>
    %dma_wait3A_1256 = arith.constant 15360 : i32
    %dma_wait3A_1257 = tpu.memref_slice %arg9[%dma_wait3A_1256] : memref<24576xf32, #tpu.memory_space<vmem>> -> memref<512xf32, #tpu.memory_space<vmem>>
    tpu.wait_dma2 semaphore(%arg11 : memref<!tpu.dma_semaphore, #tpu.memory_space<semaphore_mem>>) src(%dma_wait3A_1257 : memref<512xf32, #tpu.memory_space<vmem>>) dst(%dma_wait3A_1255 : memref<512xf32, #tpu.memory_space<hbm>>)
    %dma_wait3A_1258 = arith.constant 31 : i32
    %dma_wait3A_1259 = arith.constant 15872 : i32
    %dma_wait3A_1260 = tpu.memref_slice %arg9[%dma_wait3A_1259] : memref<24576xf32, #tpu.memory_space<vmem>> -> memref<512xf32, #tpu.memory_space<vmem>>
    %dma_wait3A_1261 = tpu.memref_slice %arg5[%dma_wait3A_1258, %mul3A_2] : memref<48x16384xf32, #tpu.memory_space<hbm>> -> memref<1x512xf32, #tpu.memory_space<hbm>>
    %dma_wait3A_1262 = tpu.memref_squeeze %dma_wait3A_1261 : memref<1x512xf32, #tpu.memory_space<hbm>> -> memref<512xf32, #tpu.memory_space<hbm>>
    %dma_wait3A_1263 = tpu.memref_slice %arg5[%dma_wait3A_1258, %mul3A_2] : memref<48x16384xf32, #tpu.memory_space<hbm>> -> memref<1x512xf32, #tpu.memory_space<hbm>>
    %dma_wait3A_1264 = tpu.memref_squeeze %dma_wait3A_1263 : memref<1x512xf32, #tpu.memory_space<hbm>> -> memref<512xf32, #tpu.memory_space<hbm>>
    %dma_wait3A_1265 = arith.constant 15872 : i32
    %dma_wait3A_1266 = tpu.memref_slice %arg9[%dma_wait3A_1265] : memref<24576xf32, #tpu.memory_space<vmem>> -> memref<512xf32, #tpu.memory_space<vmem>>
    tpu.wait_dma2 semaphore(%arg11 : memref<!tpu.dma_semaphore, #tpu.memory_space<semaphore_mem>>) src(%dma_wait3A_1266 : memref<512xf32, #tpu.memory_space<vmem>>) dst(%dma_wait3A_1264 : memref<512xf32, #tpu.memory_space<hbm>>)
    %dma_wait3A_1267 = arith.constant 32 : i32
    %dma_wait3A_1268 = arith.constant 16384 : i32
    %dma_wait3A_1269 = tpu.memref_slice %arg9[%dma_wait3A_1268] : memref<24576xf32, #tpu.memory_space<vmem>> -> memref<512xf32, #tpu.memory_space<vmem>>
    %dma_wait3A_1270 = tpu.memref_slice %arg5[%dma_wait3A_1267, %mul3A_2] : memref<48x16384xf32, #tpu.memory_space<hbm>> -> memref<1x512xf32, #tpu.memory_space<hbm>>
    %dma_wait3A_1271 = tpu.memref_squeeze %dma_wait3A_1270 : memref<1x512xf32, #tpu.memory_space<hbm>> -> memref<512xf32, #tpu.memory_space<hbm>>
    %dma_wait3A_1272 = tpu.memref_slice %arg5[%dma_wait3A_1267, %mul3A_2] : memref<48x16384xf32, #tpu.memory_space<hbm>> -> memref<1x512xf32, #tpu.memory_space<hbm>>
    %dma_wait3A_1273 = tpu.memref_squeeze %dma_wait3A_1272 : memref<1x512xf32, #tpu.memory_space<hbm>> -> memref<512xf32, #tpu.memory_space<hbm>>
    %dma_wait3A_1274 = arith.constant 16384 : i32
    %dma_wait3A_1275 = tpu.memref_slice %arg9[%dma_wait3A_1274] : memref<24576xf32, #tpu.memory_space<vmem>> -> memref<512xf32, #tpu.memory_space<vmem>>
    tpu.wait_dma2 semaphore(%arg11 : memref<!tpu.dma_semaphore, #tpu.memory_space<semaphore_mem>>) src(%dma_wait3A_1275 : memref<512xf32, #tpu.memory_space<vmem>>) dst(%dma_wait3A_1273 : memref<512xf32, #tpu.memory_space<hbm>>)
    %dma_wait3A_1276 = arith.constant 33 : i32
    %dma_wait3A_1277 = arith.constant 16896 : i32
    %dma_wait3A_1278 = tpu.memref_slice %arg9[%dma_wait3A_1277] : memref<24576xf32, #tpu.memory_space<vmem>> -> memref<512xf32, #tpu.memory_space<vmem>>
    %dma_wait3A_1279 = tpu.memref_slice %arg5[%dma_wait3A_1276, %mul3A_2] : memref<48x16384xf32, #tpu.memory_space<hbm>> -> memref<1x512xf32, #tpu.memory_space<hbm>>
    %dma_wait3A_1280 = tpu.memref_squeeze %dma_wait3A_1279 : memref<1x512xf32, #tpu.memory_space<hbm>> -> memref<512xf32, #tpu.memory_space<hbm>>
    %dma_wait3A_1281 = tpu.memref_slice %arg5[%dma_wait3A_1276, %mul3A_2] : memref<48x16384xf32, #tpu.memory_space<hbm>> -> memref<1x512xf32, #tpu.memory_space<hbm>>
    %dma_wait3A_1282 = tpu.memref_squeeze %dma_wait3A_1281 : memref<1x512xf32, #tpu.memory_space<hbm>> -> memref<512xf32, #tpu.memory_space<hbm>>
    %dma_wait3A_1283 = arith.constant 16896 : i32
    %dma_wait3A_1284 = tpu.memref_slice %arg9[%dma_wait3A_1283] : memref<24576xf32, #tpu.memory_space<vmem>> -> memref<512xf32, #tpu.memory_space<vmem>>
    tpu.wait_dma2 semaphore(%arg11 : memref<!tpu.dma_semaphore, #tpu.memory_space<semaphore_mem>>) src(%dma_wait3A_1284 : memref<512xf32, #tpu.memory_space<vmem>>) dst(%dma_wait3A_1282 : memref<512xf32, #tpu.memory_space<hbm>>)
    %dma_wait3A_1285 = arith.constant 34 : i32
    %dma_wait3A_1286 = arith.constant 17408 : i32
    %dma_wait3A_1287 = tpu.memref_slice %arg9[%dma_wait3A_1286] : memref<24576xf32, #tpu.memory_space<vmem>> -> memref<512xf32, #tpu.memory_space<vmem>>
    %dma_wait3A_1288 = tpu.memref_slice %arg5[%dma_wait3A_1285, %mul3A_2] : memref<48x16384xf32, #tpu.memory_space<hbm>> -> memref<1x512xf32, #tpu.memory_space<hbm>>
    %dma_wait3A_1289 = tpu.memref_squeeze %dma_wait3A_1288 : memref<1x512xf32, #tpu.memory_space<hbm>> -> memref<512xf32, #tpu.memory_space<hbm>>
    %dma_wait3A_1290 = tpu.memref_slice %arg5[%dma_wait3A_1285, %mul3A_2] : memref<48x16384xf32, #tpu.memory_space<hbm>> -> memref<1x512xf32, #tpu.memory_space<hbm>>
    %dma_wait3A_1291 = tpu.memref_squeeze %dma_wait3A_1290 : memref<1x512xf32, #tpu.memory_space<hbm>> -> memref<512xf32, #tpu.memory_space<hbm>>
    %dma_wait3A_1292 = arith.constant 17408 : i32
    %dma_wait3A_1293 = tpu.memref_slice %arg9[%dma_wait3A_1292] : memref<24576xf32, #tpu.memory_space<vmem>> -> memref<512xf32, #tpu.memory_space<vmem>>
    tpu.wait_dma2 semaphore(%arg11 : memref<!tpu.dma_semaphore, #tpu.memory_space<semaphore_mem>>) src(%dma_wait3A_1293 : memref<512xf32, #tpu.memory_space<vmem>>) dst(%dma_wait3A_1291 : memref<512xf32, #tpu.memory_space<hbm>>)
    %dma_wait3A_1294 = arith.constant 35 : i32
    %dma_wait3A_1295 = arith.constant 17920 : i32
    %dma_wait3A_1296 = tpu.memref_slice %arg9[%dma_wait3A_1295] : memref<24576xf32, #tpu.memory_space<vmem>> -> memref<512xf32, #tpu.memory_space<vmem>>
    %dma_wait3A_1297 = tpu.memref_slice %arg5[%dma_wait3A_1294, %mul3A_2] : memref<48x16384xf32, #tpu.memory_space<hbm>> -> memref<1x512xf32, #tpu.memory_space<hbm>>
    %dma_wait3A_1298 = tpu.memref_squeeze %dma_wait3A_1297 : memref<1x512xf32, #tpu.memory_space<hbm>> -> memref<512xf32, #tpu.memory_space<hbm>>
    %dma_wait3A_1299 = tpu.memref_slice %arg5[%dma_wait3A_1294, %mul3A_2] : memref<48x16384xf32, #tpu.memory_space<hbm>> -> memref<1x512xf32, #tpu.memory_space<hbm>>
    %dma_wait3A_1300 = tpu.memref_squeeze %dma_wait3A_1299 : memref<1x512xf32, #tpu.memory_space<hbm>> -> memref<512xf32, #tpu.memory_space<hbm>>
    %dma_wait3A_1301 = arith.constant 17920 : i32
    %dma_wait3A_1302 = tpu.memref_slice %arg9[%dma_wait3A_1301] : memref<24576xf32, #tpu.memory_space<vmem>> -> memref<512xf32, #tpu.memory_space<vmem>>
    tpu.wait_dma2 semaphore(%arg11 : memref<!tpu.dma_semaphore, #tpu.memory_space<semaphore_mem>>) src(%dma_wait3A_1302 : memref<512xf32, #tpu.memory_space<vmem>>) dst(%dma_wait3A_1300 : memref<512xf32, #tpu.memory_space<hbm>>)
    %dma_wait3A_1303 = arith.constant 36 : i32
    %dma_wait3A_1304 = arith.constant 18432 : i32
    %dma_wait3A_1305 = tpu.memref_slice %arg9[%dma_wait3A_1304] : memref<24576xf32, #tpu.memory_space<vmem>> -> memref<512xf32, #tpu.memory_space<vmem>>
    %dma_wait3A_1306 = tpu.memref_slice %arg5[%dma_wait3A_1303, %mul3A_2] : memref<48x16384xf32, #tpu.memory_space<hbm>> -> memref<1x512xf32, #tpu.memory_space<hbm>>
    %dma_wait3A_1307 = tpu.memref_squeeze %dma_wait3A_1306 : memref<1x512xf32, #tpu.memory_space<hbm>> -> memref<512xf32, #tpu.memory_space<hbm>>
    %dma_wait3A_1308 = tpu.memref_slice %arg5[%dma_wait3A_1303, %mul3A_2] : memref<48x16384xf32, #tpu.memory_space<hbm>> -> memref<1x512xf32, #tpu.memory_space<hbm>>
    %dma_wait3A_1309 = tpu.memref_squeeze %dma_wait3A_1308 : memref<1x512xf32, #tpu.memory_space<hbm>> -> memref<512xf32, #tpu.memory_space<hbm>>
    %dma_wait3A_1310 = arith.constant 18432 : i32
    %dma_wait3A_1311 = tpu.memref_slice %arg9[%dma_wait3A_1310] : memref<24576xf32, #tpu.memory_space<vmem>> -> memref<512xf32, #tpu.memory_space<vmem>>
    tpu.wait_dma2 semaphore(%arg11 : memref<!tpu.dma_semaphore, #tpu.memory_space<semaphore_mem>>) src(%dma_wait3A_1311 : memref<512xf32, #tpu.memory_space<vmem>>) dst(%dma_wait3A_1309 : memref<512xf32, #tpu.memory_space<hbm>>)
    %dma_wait3A_1312 = arith.constant 37 : i32
    %dma_wait3A_1313 = arith.constant 18944 : i32
    %dma_wait3A_1314 = tpu.memref_slice %arg9[%dma_wait3A_1313] : memref<24576xf32, #tpu.memory_space<vmem>> -> memref<512xf32, #tpu.memory_space<vmem>>
    %dma_wait3A_1315 = tpu.memref_slice %arg5[%dma_wait3A_1312, %mul3A_2] : memref<48x16384xf32, #tpu.memory_space<hbm>> -> memref<1x512xf32, #tpu.memory_space<hbm>>
    %dma_wait3A_1316 = tpu.memref_squeeze %dma_wait3A_1315 : memref<1x512xf32, #tpu.memory_space<hbm>> -> memref<512xf32, #tpu.memory_space<hbm>>
    %dma_wait3A_1317 = tpu.memref_slice %arg5[%dma_wait3A_1312, %mul3A_2] : memref<48x16384xf32, #tpu.memory_space<hbm>> -> memref<1x512xf32, #tpu.memory_space<hbm>>
    %dma_wait3A_1318 = tpu.memref_squeeze %dma_wait3A_1317 : memref<1x512xf32, #tpu.memory_space<hbm>> -> memref<512xf32, #tpu.memory_space<hbm>>
    %dma_wait3A_1319 = arith.constant 18944 : i32
    %dma_wait3A_1320 = tpu.memref_slice %arg9[%dma_wait3A_1319] : memref<24576xf32, #tpu.memory_space<vmem>> -> memref<512xf32, #tpu.memory_space<vmem>>
    tpu.wait_dma2 semaphore(%arg11 : memref<!tpu.dma_semaphore, #tpu.memory_space<semaphore_mem>>) src(%dma_wait3A_1320 : memref<512xf32, #tpu.memory_space<vmem>>) dst(%dma_wait3A_1318 : memref<512xf32, #tpu.memory_space<hbm>>)
    %dma_wait3A_1321 = arith.constant 38 : i32
    %dma_wait3A_1322 = arith.constant 19456 : i32
    %dma_wait3A_1323 = tpu.memref_slice %arg9[%dma_wait3A_1322] : memref<24576xf32, #tpu.memory_space<vmem>> -> memref<512xf32, #tpu.memory_space<vmem>>
    %dma_wait3A_1324 = tpu.memref_slice %arg5[%dma_wait3A_1321, %mul3A_2] : memref<48x16384xf32, #tpu.memory_space<hbm>> -> memref<1x512xf32, #tpu.memory_space<hbm>>
    %dma_wait3A_1325 = tpu.memref_squeeze %dma_wait3A_1324 : memref<1x512xf32, #tpu.memory_space<hbm>> -> memref<512xf32, #tpu.memory_space<hbm>>
    %dma_wait3A_1326 = tpu.memref_slice %arg5[%dma_wait3A_1321, %mul3A_2] : memref<48x16384xf32, #tpu.memory_space<hbm>> -> memref<1x512xf32, #tpu.memory_space<hbm>>
    %dma_wait3A_1327 = tpu.memref_squeeze %dma_wait3A_1326 : memref<1x512xf32, #tpu.memory_space<hbm>> -> memref<512xf32, #tpu.memory_space<hbm>>
    %dma_wait3A_1328 = arith.constant 19456 : i32
    %dma_wait3A_1329 = tpu.memref_slice %arg9[%dma_wait3A_1328] : memref<24576xf32, #tpu.memory_space<vmem>> -> memref<512xf32, #tpu.memory_space<vmem>>
    tpu.wait_dma2 semaphore(%arg11 : memref<!tpu.dma_semaphore, #tpu.memory_space<semaphore_mem>>) src(%dma_wait3A_1329 : memref<512xf32, #tpu.memory_space<vmem>>) dst(%dma_wait3A_1327 : memref<512xf32, #tpu.memory_space<hbm>>)
    %dma_wait3A_1330 = arith.constant 39 : i32
    %dma_wait3A_1331 = arith.constant 19968 : i32
    %dma_wait3A_1332 = tpu.memref_slice %arg9[%dma_wait3A_1331] : memref<24576xf32, #tpu.memory_space<vmem>> -> memref<512xf32, #tpu.memory_space<vmem>>
    %dma_wait3A_1333 = tpu.memref_slice %arg5[%dma_wait3A_1330, %mul3A_2] : memref<48x16384xf32, #tpu.memory_space<hbm>> -> memref<1x512xf32, #tpu.memory_space<hbm>>
    %dma_wait3A_1334 = tpu.memref_squeeze %dma_wait3A_1333 : memref<1x512xf32, #tpu.memory_space<hbm>> -> memref<512xf32, #tpu.memory_space<hbm>>
    %dma_wait3A_1335 = tpu.memref_slice %arg5[%dma_wait3A_1330, %mul3A_2] : memref<48x16384xf32, #tpu.memory_space<hbm>> -> memref<1x512xf32, #tpu.memory_space<hbm>>
    %dma_wait3A_1336 = tpu.memref_squeeze %dma_wait3A_1335 : memref<1x512xf32, #tpu.memory_space<hbm>> -> memref<512xf32, #tpu.memory_space<hbm>>
    %dma_wait3A_1337 = arith.constant 19968 : i32
    %dma_wait3A_1338 = tpu.memref_slice %arg9[%dma_wait3A_1337] : memref<24576xf32, #tpu.memory_space<vmem>> -> memref<512xf32, #tpu.memory_space<vmem>>
    tpu.wait_dma2 semaphore(%arg11 : memref<!tpu.dma_semaphore, #tpu.memory_space<semaphore_mem>>) src(%dma_wait3A_1338 : memref<512xf32, #tpu.memory_space<vmem>>) dst(%dma_wait3A_1336 : memref<512xf32, #tpu.memory_space<hbm>>)
    %dma_wait3A_1339 = arith.constant 40 : i32
    %dma_wait3A_1340 = arith.constant 20480 : i32
    %dma_wait3A_1341 = tpu.memref_slice %arg9[%dma_wait3A_1340] : memref<24576xf32, #tpu.memory_space<vmem>> -> memref<512xf32, #tpu.memory_space<vmem>>
    %dma_wait3A_1342 = tpu.memref_slice %arg5[%dma_wait3A_1339, %mul3A_2] : memref<48x16384xf32, #tpu.memory_space<hbm>> -> memref<1x512xf32, #tpu.memory_space<hbm>>
    %dma_wait3A_1343 = tpu.memref_squeeze %dma_wait3A_1342 : memref<1x512xf32, #tpu.memory_space<hbm>> -> memref<512xf32, #tpu.memory_space<hbm>>
    %dma_wait3A_1344 = tpu.memref_slice %arg5[%dma_wait3A_1339, %mul3A_2] : memref<48x16384xf32, #tpu.memory_space<hbm>> -> memref<1x512xf32, #tpu.memory_space<hbm>>
    %dma_wait3A_1345 = tpu.memref_squeeze %dma_wait3A_1344 : memref<1x512xf32, #tpu.memory_space<hbm>> -> memref<512xf32, #tpu.memory_space<hbm>>
    %dma_wait3A_1346 = arith.constant 20480 : i32
    %dma_wait3A_1347 = tpu.memref_slice %arg9[%dma_wait3A_1346] : memref<24576xf32, #tpu.memory_space<vmem>> -> memref<512xf32, #tpu.memory_space<vmem>>
    tpu.wait_dma2 semaphore(%arg11 : memref<!tpu.dma_semaphore, #tpu.memory_space<semaphore_mem>>) src(%dma_wait3A_1347 : memref<512xf32, #tpu.memory_space<vmem>>) dst(%dma_wait3A_1345 : memref<512xf32, #tpu.memory_space<hbm>>)
    %dma_wait3A_1348 = arith.constant 41 : i32
    %dma_wait3A_1349 = arith.constant 20992 : i32
    %dma_wait3A_1350 = tpu.memref_slice %arg9[%dma_wait3A_1349] : memref<24576xf32, #tpu.memory_space<vmem>> -> memref<512xf32, #tpu.memory_space<vmem>>
    %dma_wait3A_1351 = tpu.memref_slice %arg5[%dma_wait3A_1348, %mul3A_2] : memref<48x16384xf32, #tpu.memory_space<hbm>> -> memref<1x512xf32, #tpu.memory_space<hbm>>
    %dma_wait3A_1352 = tpu.memref_squeeze %dma_wait3A_1351 : memref<1x512xf32, #tpu.memory_space<hbm>> -> memref<512xf32, #tpu.memory_space<hbm>>
    %dma_wait3A_1353 = tpu.memref_slice %arg5[%dma_wait3A_1348, %mul3A_2] : memref<48x16384xf32, #tpu.memory_space<hbm>> -> memref<1x512xf32, #tpu.memory_space<hbm>>
    %dma_wait3A_1354 = tpu.memref_squeeze %dma_wait3A_1353 : memref<1x512xf32, #tpu.memory_space<hbm>> -> memref<512xf32, #tpu.memory_space<hbm>>
    %dma_wait3A_1355 = arith.constant 20992 : i32
    %dma_wait3A_1356 = tpu.memref_slice %arg9[%dma_wait3A_1355] : memref<24576xf32, #tpu.memory_space<vmem>> -> memref<512xf32, #tpu.memory_space<vmem>>
    tpu.wait_dma2 semaphore(%arg11 : memref<!tpu.dma_semaphore, #tpu.memory_space<semaphore_mem>>) src(%dma_wait3A_1356 : memref<512xf32, #tpu.memory_space<vmem>>) dst(%dma_wait3A_1354 : memref<512xf32, #tpu.memory_space<hbm>>)
    %dma_wait3A_1357 = arith.constant 42 : i32
    %dma_wait3A_1358 = arith.constant 21504 : i32
    %dma_wait3A_1359 = tpu.memref_slice %arg9[%dma_wait3A_1358] : memref<24576xf32, #tpu.memory_space<vmem>> -> memref<512xf32, #tpu.memory_space<vmem>>
    %dma_wait3A_1360 = tpu.memref_slice %arg5[%dma_wait3A_1357, %mul3A_2] : memref<48x16384xf32, #tpu.memory_space<hbm>> -> memref<1x512xf32, #tpu.memory_space<hbm>>
    %dma_wait3A_1361 = tpu.memref_squeeze %dma_wait3A_1360 : memref<1x512xf32, #tpu.memory_space<hbm>> -> memref<512xf32, #tpu.memory_space<hbm>>
    %dma_wait3A_1362 = tpu.memref_slice %arg5[%dma_wait3A_1357, %mul3A_2] : memref<48x16384xf32, #tpu.memory_space<hbm>> -> memref<1x512xf32, #tpu.memory_space<hbm>>
    %dma_wait3A_1363 = tpu.memref_squeeze %dma_wait3A_1362 : memref<1x512xf32, #tpu.memory_space<hbm>> -> memref<512xf32, #tpu.memory_space<hbm>>
    %dma_wait3A_1364 = arith.constant 21504 : i32
    %dma_wait3A_1365 = tpu.memref_slice %arg9[%dma_wait3A_1364] : memref<24576xf32, #tpu.memory_space<vmem>> -> memref<512xf32, #tpu.memory_space<vmem>>
    tpu.wait_dma2 semaphore(%arg11 : memref<!tpu.dma_semaphore, #tpu.memory_space<semaphore_mem>>) src(%dma_wait3A_1365 : memref<512xf32, #tpu.memory_space<vmem>>) dst(%dma_wait3A_1363 : memref<512xf32, #tpu.memory_space<hbm>>)
    %dma_wait3A_1366 = arith.constant 43 : i32
    %dma_wait3A_1367 = arith.constant 22016 : i32
    %dma_wait3A_1368 = tpu.memref_slice %arg9[%dma_wait3A_1367] : memref<24576xf32, #tpu.memory_space<vmem>> -> memref<512xf32, #tpu.memory_space<vmem>>
    %dma_wait3A_1369 = tpu.memref_slice %arg5[%dma_wait3A_1366, %mul3A_2] : memref<48x16384xf32, #tpu.memory_space<hbm>> -> memref<1x512xf32, #tpu.memory_space<hbm>>
    %dma_wait3A_1370 = tpu.memref_squeeze %dma_wait3A_1369 : memref<1x512xf32, #tpu.memory_space<hbm>> -> memref<512xf32, #tpu.memory_space<hbm>>
    %dma_wait3A_1371 = tpu.memref_slice %arg5[%dma_wait3A_1366, %mul3A_2] : memref<48x16384xf32, #tpu.memory_space<hbm>> -> memref<1x512xf32, #tpu.memory_space<hbm>>
    %dma_wait3A_1372 = tpu.memref_squeeze %dma_wait3A_1371 : memref<1x512xf32, #tpu.memory_space<hbm>> -> memref<512xf32, #tpu.memory_space<hbm>>
    %dma_wait3A_1373 = arith.constant 22016 : i32
    %dma_wait3A_1374 = tpu.memref_slice %arg9[%dma_wait3A_1373] : memref<24576xf32, #tpu.memory_space<vmem>> -> memref<512xf32, #tpu.memory_space<vmem>>
    tpu.wait_dma2 semaphore(%arg11 : memref<!tpu.dma_semaphore, #tpu.memory_space<semaphore_mem>>) src(%dma_wait3A_1374 : memref<512xf32, #tpu.memory_space<vmem>>) dst(%dma_wait3A_1372 : memref<512xf32, #tpu.memory_space<hbm>>)
    %dma_wait3A_1375 = arith.constant 44 : i32
    %dma_wait3A_1376 = arith.constant 22528 : i32
    %dma_wait3A_1377 = tpu.memref_slice %arg9[%dma_wait3A_1376] : memref<24576xf32, #tpu.memory_space<vmem>> -> memref<512xf32, #tpu.memory_space<vmem>>
    %dma_wait3A_1378 = tpu.memref_slice %arg5[%dma_wait3A_1375, %mul3A_2] : memref<48x16384xf32, #tpu.memory_space<hbm>> -> memref<1x512xf32, #tpu.memory_space<hbm>>
    %dma_wait3A_1379 = tpu.memref_squeeze %dma_wait3A_1378 : memref<1x512xf32, #tpu.memory_space<hbm>> -> memref<512xf32, #tpu.memory_space<hbm>>
    %dma_wait3A_1380 = tpu.memref_slice %arg5[%dma_wait3A_1375, %mul3A_2] : memref<48x16384xf32, #tpu.memory_space<hbm>> -> memref<1x512xf32, #tpu.memory_space<hbm>>
    %dma_wait3A_1381 = tpu.memref_squeeze %dma_wait3A_1380 : memref<1x512xf32, #tpu.memory_space<hbm>> -> memref<512xf32, #tpu.memory_space<hbm>>
    %dma_wait3A_1382 = arith.constant 22528 : i32
    %dma_wait3A_1383 = tpu.memref_slice %arg9[%dma_wait3A_1382] : memref<24576xf32, #tpu.memory_space<vmem>> -> memref<512xf32, #tpu.memory_space<vmem>>
    tpu.wait_dma2 semaphore(%arg11 : memref<!tpu.dma_semaphore, #tpu.memory_space<semaphore_mem>>) src(%dma_wait3A_1383 : memref<512xf32, #tpu.memory_space<vmem>>) dst(%dma_wait3A_1381 : memref<512xf32, #tpu.memory_space<hbm>>)
    %dma_wait3A_1384 = arith.constant 45 : i32
    %dma_wait3A_1385 = arith.constant 23040 : i32
    %dma_wait3A_1386 = tpu.memref_slice %arg9[%dma_wait3A_1385] : memref<24576xf32, #tpu.memory_space<vmem>> -> memref<512xf32, #tpu.memory_space<vmem>>
    %dma_wait3A_1387 = tpu.memref_slice %arg5[%dma_wait3A_1384, %mul3A_2] : memref<48x16384xf32, #tpu.memory_space<hbm>> -> memref<1x512xf32, #tpu.memory_space<hbm>>
    %dma_wait3A_1388 = tpu.memref_squeeze %dma_wait3A_1387 : memref<1x512xf32, #tpu.memory_space<hbm>> -> memref<512xf32, #tpu.memory_space<hbm>>
    %dma_wait3A_1389 = tpu.memref_slice %arg5[%dma_wait3A_1384, %mul3A_2] : memref<48x16384xf32, #tpu.memory_space<hbm>> -> memref<1x512xf32, #tpu.memory_space<hbm>>
    %dma_wait3A_1390 = tpu.memref_squeeze %dma_wait3A_1389 : memref<1x512xf32, #tpu.memory_space<hbm>> -> memref<512xf32, #tpu.memory_space<hbm>>
    %dma_wait3A_1391 = arith.constant 23040 : i32
    %dma_wait3A_1392 = tpu.memref_slice %arg9[%dma_wait3A_1391] : memref<24576xf32, #tpu.memory_space<vmem>> -> memref<512xf32, #tpu.memory_space<vmem>>
    tpu.wait_dma2 semaphore(%arg11 : memref<!tpu.dma_semaphore, #tpu.memory_space<semaphore_mem>>) src(%dma_wait3A_1392 : memref<512xf32, #tpu.memory_space<vmem>>) dst(%dma_wait3A_1390 : memref<512xf32, #tpu.memory_space<hbm>>)
    %dma_wait3A_1393 = arith.constant 46 : i32
    %dma_wait3A_1394 = arith.constant 23552 : i32
    %dma_wait3A_1395 = tpu.memref_slice %arg9[%dma_wait3A_1394] : memref<24576xf32, #tpu.memory_space<vmem>> -> memref<512xf32, #tpu.memory_space<vmem>>
    %dma_wait3A_1396 = tpu.memref_slice %arg5[%dma_wait3A_1393, %mul3A_2] : memref<48x16384xf32, #tpu.memory_space<hbm>> -> memref<1x512xf32, #tpu.memory_space<hbm>>
    %dma_wait3A_1397 = tpu.memref_squeeze %dma_wait3A_1396 : memref<1x512xf32, #tpu.memory_space<hbm>> -> memref<512xf32, #tpu.memory_space<hbm>>
    %dma_wait3A_1398 = tpu.memref_slice %arg5[%dma_wait3A_1393, %mul3A_2] : memref<48x16384xf32, #tpu.memory_space<hbm>> -> memref<1x512xf32, #tpu.memory_space<hbm>>
    %dma_wait3A_1399 = tpu.memref_squeeze %dma_wait3A_1398 : memref<1x512xf32, #tpu.memory_space<hbm>> -> memref<512xf32, #tpu.memory_space<hbm>>
    %dma_wait3A_1400 = arith.constant 23552 : i32
    %dma_wait3A_1401 = tpu.memref_slice %arg9[%dma_wait3A_1400] : memref<24576xf32, #tpu.memory_space<vmem>> -> memref<512xf32, #tpu.memory_space<vmem>>
    tpu.wait_dma2 semaphore(%arg11 : memref<!tpu.dma_semaphore, #tpu.memory_space<semaphore_mem>>) src(%dma_wait3A_1401 : memref<512xf32, #tpu.memory_space<vmem>>) dst(%dma_wait3A_1399 : memref<512xf32, #tpu.memory_space<hbm>>)
    %dma_wait3A_1402 = arith.constant 47 : i32
    %dma_wait3A_1403 = arith.constant 24064 : i32
    %dma_wait3A_1404 = tpu.memref_slice %arg9[%dma_wait3A_1403] : memref<24576xf32, #tpu.memory_space<vmem>> -> memref<512xf32, #tpu.memory_space<vmem>>
    %dma_wait3A_1405 = tpu.memref_slice %arg5[%dma_wait3A_1402, %mul3A_2] : memref<48x16384xf32, #tpu.memory_space<hbm>> -> memref<1x512xf32, #tpu.memory_space<hbm>>
    %dma_wait3A_1406 = tpu.memref_squeeze %dma_wait3A_1405 : memref<1x512xf32, #tpu.memory_space<hbm>> -> memref<512xf32, #tpu.memory_space<hbm>>
    %dma_wait3A_1407 = tpu.memref_slice %arg5[%dma_wait3A_1402, %mul3A_2] : memref<48x16384xf32, #tpu.memory_space<hbm>> -> memref<1x512xf32, #tpu.memory_space<hbm>>
    %dma_wait3A_1408 = tpu.memref_squeeze %dma_wait3A_1407 : memref<1x512xf32, #tpu.memory_space<hbm>> -> memref<512xf32, #tpu.memory_space<hbm>>
    %dma_wait3A_1409 = arith.constant 24064 : i32
    %dma_wait3A_1410 = tpu.memref_slice %arg9[%dma_wait3A_1409] : memref<24576xf32, #tpu.memory_space<vmem>> -> memref<512xf32, #tpu.memory_space<vmem>>
    tpu.wait_dma2 semaphore(%arg11 : memref<!tpu.dma_semaphore, #tpu.memory_space<semaphore_mem>>) src(%dma_wait3A_1410 : memref<512xf32, #tpu.memory_space<vmem>>) dst(%dma_wait3A_1408 : memref<512xf32, #tpu.memory_space<hbm>>)
    %dma_wait3A_1411 = arith.constant 4 : i32
    %dma_wait3A_1412 = arith.constant 4 : i32
    %dma_wait3A_1413 = arith.constant 0 : i32
    %dma_wait3A_1414 = arith.constant 0 : i32
    %dma_wait3A_1415 = tpu.memref_slice %arg10[%dma_wait3A_1411, %dma_wait3A_1413, %dma_wait3A_1414] : memref<5x20x512xf32, #tpu.memory_space<vmem>> -> memref<1x20x512xf32, #tpu.memory_space<vmem>>
    %dma_wait3A_1416 = tpu.memref_squeeze %dma_wait3A_1415 : memref<1x20x512xf32, #tpu.memory_space<vmem>> -> memref<20x512xf32, #tpu.memory_space<vmem>>
    %dma_wait3A_1417 = arith.constant 0 : i32
    %dma_wait3A_1418 = tpu.memref_slice %arg6[%dma_wait3A_1412, %dma_wait3A_1417, %mul3A_2] : memref<9x20x16384xf32, #tpu.memory_space<hbm>> -> memref<1x20x512xf32, #tpu.memory_space<hbm>>
    %dma_wait3A_1419 = tpu.memref_squeeze %dma_wait3A_1418 : memref<1x20x512xf32, #tpu.memory_space<hbm>> -> memref<20x512xf32, #tpu.memory_space<hbm>>
    %dma_wait3A_1420 = arith.constant 0 : i32
    %dma_wait3A_1421 = tpu.memref_slice %arg6[%dma_wait3A_1412, %dma_wait3A_1420, %mul3A_2] : memref<9x20x16384xf32, #tpu.memory_space<hbm>> -> memref<1x20x512xf32, #tpu.memory_space<hbm>>
    %dma_wait3A_1422 = tpu.memref_squeeze %dma_wait3A_1421 : memref<1x20x512xf32, #tpu.memory_space<hbm>> -> memref<20x512xf32, #tpu.memory_space<hbm>>
    %dma_wait3A_1423 = arith.constant 0 : i32
    %dma_wait3A_1424 = arith.constant 0 : i32
    %dma_wait3A_1425 = tpu.memref_slice %arg10[%dma_wait3A_1411, %dma_wait3A_1423, %dma_wait3A_1424] : memref<5x20x512xf32, #tpu.memory_space<vmem>> -> memref<1x20x512xf32, #tpu.memory_space<vmem>>
    %dma_wait3A_1426 = tpu.memref_squeeze %dma_wait3A_1425 : memref<1x20x512xf32, #tpu.memory_space<vmem>> -> memref<20x512xf32, #tpu.memory_space<vmem>>
    tpu.wait_dma2 semaphore(%arg13 : memref<!tpu.dma_semaphore, #tpu.memory_space<semaphore_mem>>) src(%dma_wait3A_1426 : memref<20x512xf32, #tpu.memory_space<vmem>>) dst(%dma_wait3A_1422 : memref<20x512xf32, #tpu.memory_space<hbm>>)
    %dma_wait3A_1427 = arith.constant 0 : i32
    %dma_wait3A_1428 = arith.constant 5 : i32
    %dma_wait3A_1429 = arith.constant 0 : i32
    %dma_wait3A_1430 = arith.constant 0 : i32
    %dma_wait3A_1431 = tpu.memref_slice %arg10[%dma_wait3A_1427, %dma_wait3A_1429, %dma_wait3A_1430] : memref<5x20x512xf32, #tpu.memory_space<vmem>> -> memref<1x20x512xf32, #tpu.memory_space<vmem>>
    %dma_wait3A_1432 = tpu.memref_squeeze %dma_wait3A_1431 : memref<1x20x512xf32, #tpu.memory_space<vmem>> -> memref<20x512xf32, #tpu.memory_space<vmem>>
    %dma_wait3A_1433 = arith.constant 0 : i32
    %dma_wait3A_1434 = tpu.memref_slice %arg6[%dma_wait3A_1428, %dma_wait3A_1433, %mul3A_2] : memref<9x20x16384xf32, #tpu.memory_space<hbm>> -> memref<1x20x512xf32, #tpu.memory_space<hbm>>
    %dma_wait3A_1435 = tpu.memref_squeeze %dma_wait3A_1434 : memref<1x20x512xf32, #tpu.memory_space<hbm>> -> memref<20x512xf32, #tpu.memory_space<hbm>>
    %dma_wait3A_1436 = arith.constant 0 : i32
    %dma_wait3A_1437 = tpu.memref_slice %arg6[%dma_wait3A_1428, %dma_wait3A_1436, %mul3A_2] : memref<9x20x16384xf32, #tpu.memory_space<hbm>> -> memref<1x20x512xf32, #tpu.memory_space<hbm>>
    %dma_wait3A_1438 = tpu.memref_squeeze %dma_wait3A_1437 : memref<1x20x512xf32, #tpu.memory_space<hbm>> -> memref<20x512xf32, #tpu.memory_space<hbm>>
    %dma_wait3A_1439 = arith.constant 0 : i32
    %dma_wait3A_1440 = arith.constant 0 : i32
    %dma_wait3A_1441 = tpu.memref_slice %arg10[%dma_wait3A_1427, %dma_wait3A_1439, %dma_wait3A_1440] : memref<5x20x512xf32, #tpu.memory_space<vmem>> -> memref<1x20x512xf32, #tpu.memory_space<vmem>>
    %dma_wait3A_1442 = tpu.memref_squeeze %dma_wait3A_1441 : memref<1x20x512xf32, #tpu.memory_space<vmem>> -> memref<20x512xf32, #tpu.memory_space<vmem>>
    tpu.wait_dma2 semaphore(%arg13 : memref<!tpu.dma_semaphore, #tpu.memory_space<semaphore_mem>>) src(%dma_wait3A_1442 : memref<20x512xf32, #tpu.memory_space<vmem>>) dst(%dma_wait3A_1438 : memref<20x512xf32, #tpu.memory_space<hbm>>)
    %dma_wait3A_1443 = arith.constant 1 : i32
    %dma_wait3A_1444 = arith.constant 6 : i32
    %dma_wait3A_1445 = arith.constant 0 : i32
    %dma_wait3A_1446 = arith.constant 0 : i32
    %dma_wait3A_1447 = tpu.memref_slice %arg10[%dma_wait3A_1443, %dma_wait3A_1445, %dma_wait3A_1446] : memref<5x20x512xf32, #tpu.memory_space<vmem>> -> memref<1x20x512xf32, #tpu.memory_space<vmem>>
    %dma_wait3A_1448 = tpu.memref_squeeze %dma_wait3A_1447 : memref<1x20x512xf32, #tpu.memory_space<vmem>> -> memref<20x512xf32, #tpu.memory_space<vmem>>
    %dma_wait3A_1449 = arith.constant 0 : i32
    %dma_wait3A_1450 = tpu.memref_slice %arg6[%dma_wait3A_1444, %dma_wait3A_1449, %mul3A_2] : memref<9x20x16384xf32, #tpu.memory_space<hbm>> -> memref<1x20x512xf32, #tpu.memory_space<hbm>>
    %dma_wait3A_1451 = tpu.memref_squeeze %dma_wait3A_1450 : memref<1x20x512xf32, #tpu.memory_space<hbm>> -> memref<20x512xf32, #tpu.memory_space<hbm>>
    %dma_wait3A_1452 = arith.constant 0 : i32
    %dma_wait3A_1453 = tpu.memref_slice %arg6[%dma_wait3A_1444, %dma_wait3A_1452, %mul3A_2] : memref<9x20x16384xf32, #tpu.memory_space<hbm>> -> memref<1x20x512xf32, #tpu.memory_space<hbm>>
    %dma_wait3A_1454 = tpu.memref_squeeze %dma_wait3A_1453 : memref<1x20x512xf32, #tpu.memory_space<hbm>> -> memref<20x512xf32, #tpu.memory_space<hbm>>
    %dma_wait3A_1455 = arith.constant 0 : i32
    %dma_wait3A_1456 = arith.constant 0 : i32
    %dma_wait3A_1457 = tpu.memref_slice %arg10[%dma_wait3A_1443, %dma_wait3A_1455, %dma_wait3A_1456] : memref<5x20x512xf32, #tpu.memory_space<vmem>> -> memref<1x20x512xf32, #tpu.memory_space<vmem>>
    %dma_wait3A_1458 = tpu.memref_squeeze %dma_wait3A_1457 : memref<1x20x512xf32, #tpu.memory_space<vmem>> -> memref<20x512xf32, #tpu.memory_space<vmem>>
    tpu.wait_dma2 semaphore(%arg13 : memref<!tpu.dma_semaphore, #tpu.memory_space<semaphore_mem>>) src(%dma_wait3A_1458 : memref<20x512xf32, #tpu.memory_space<vmem>>) dst(%dma_wait3A_1454 : memref<20x512xf32, #tpu.memory_space<hbm>>)
    %dma_wait3A_1459 = arith.constant 2 : i32
    %dma_wait3A_1460 = arith.constant 7 : i32
    %dma_wait3A_1461 = arith.constant 0 : i32
    %dma_wait3A_1462 = arith.constant 0 : i32
    %dma_wait3A_1463 = tpu.memref_slice %arg10[%dma_wait3A_1459, %dma_wait3A_1461, %dma_wait3A_1462] : memref<5x20x512xf32, #tpu.memory_space<vmem>> -> memref<1x20x512xf32, #tpu.memory_space<vmem>>
    %dma_wait3A_1464 = tpu.memref_squeeze %dma_wait3A_1463 : memref<1x20x512xf32, #tpu.memory_space<vmem>> -> memref<20x512xf32, #tpu.memory_space<vmem>>
    %dma_wait3A_1465 = arith.constant 0 : i32
    %dma_wait3A_1466 = tpu.memref_slice %arg6[%dma_wait3A_1460, %dma_wait3A_1465, %mul3A_2] : memref<9x20x16384xf32, #tpu.memory_space<hbm>> -> memref<1x20x512xf32, #tpu.memory_space<hbm>>
    %dma_wait3A_1467 = tpu.memref_squeeze %dma_wait3A_1466 : memref<1x20x512xf32, #tpu.memory_space<hbm>> -> memref<20x512xf32, #tpu.memory_space<hbm>>
    %dma_wait3A_1468 = arith.constant 0 : i32
    %dma_wait3A_1469 = tpu.memref_slice %arg6[%dma_wait3A_1460, %dma_wait3A_1468, %mul3A_2] : memref<9x20x16384xf32, #tpu.memory_space<hbm>> -> memref<1x20x512xf32, #tpu.memory_space<hbm>>
    %dma_wait3A_1470 = tpu.memref_squeeze %dma_wait3A_1469 : memref<1x20x512xf32, #tpu.memory_space<hbm>> -> memref<20x512xf32, #tpu.memory_space<hbm>>
    %dma_wait3A_1471 = arith.constant 0 : i32
    %dma_wait3A_1472 = arith.constant 0 : i32
    %dma_wait3A_1473 = tpu.memref_slice %arg10[%dma_wait3A_1459, %dma_wait3A_1471, %dma_wait3A_1472] : memref<5x20x512xf32, #tpu.memory_space<vmem>> -> memref<1x20x512xf32, #tpu.memory_space<vmem>>
    %dma_wait3A_1474 = tpu.memref_squeeze %dma_wait3A_1473 : memref<1x20x512xf32, #tpu.memory_space<vmem>> -> memref<20x512xf32, #tpu.memory_space<vmem>>
    tpu.wait_dma2 semaphore(%arg13 : memref<!tpu.dma_semaphore, #tpu.memory_space<semaphore_mem>>) src(%dma_wait3A_1474 : memref<20x512xf32, #tpu.memory_space<vmem>>) dst(%dma_wait3A_1470 : memref<20x512xf32, #tpu.memory_space<hbm>>)
    %dma_wait3A_1475 = arith.constant 3 : i32
    %dma_wait3A_1476 = arith.constant 8 : i32
    %dma_wait3A_1477 = arith.constant 0 : i32
    %dma_wait3A_1478 = arith.constant 0 : i32
    %dma_wait3A_1479 = tpu.memref_slice %arg10[%dma_wait3A_1475, %dma_wait3A_1477, %dma_wait3A_1478] : memref<5x20x512xf32, #tpu.memory_space<vmem>> -> memref<1x20x512xf32, #tpu.memory_space<vmem>>
    %dma_wait3A_1480 = tpu.memref_squeeze %dma_wait3A_1479 : memref<1x20x512xf32, #tpu.memory_space<vmem>> -> memref<20x512xf32, #tpu.memory_space<vmem>>
    %dma_wait3A_1481 = arith.constant 0 : i32
    %dma_wait3A_1482 = tpu.memref_slice %arg6[%dma_wait3A_1476, %dma_wait3A_1481, %mul3A_2] : memref<9x20x16384xf32, #tpu.memory_space<hbm>> -> memref<1x20x512xf32, #tpu.memory_space<hbm>>
    %dma_wait3A_1483 = tpu.memref_squeeze %dma_wait3A_1482 : memref<1x20x512xf32, #tpu.memory_space<hbm>> -> memref<20x512xf32, #tpu.memory_space<hbm>>
    %dma_wait3A_1484 = arith.constant 0 : i32
    %dma_wait3A_1485 = tpu.memref_slice %arg6[%dma_wait3A_1476, %dma_wait3A_1484, %mul3A_2] : memref<9x20x16384xf32, #tpu.memory_space<hbm>> -> memref<1x20x512xf32, #tpu.memory_space<hbm>>
    %dma_wait3A_1486 = tpu.memref_squeeze %dma_wait3A_1485 : memref<1x20x512xf32, #tpu.memory_space<hbm>> -> memref<20x512xf32, #tpu.memory_space<hbm>>
    %dma_wait3A_1487 = arith.constant 0 : i32
    %dma_wait3A_1488 = arith.constant 0 : i32
    %dma_wait3A_1489 = tpu.memref_slice %arg10[%dma_wait3A_1475, %dma_wait3A_1487, %dma_wait3A_1488] : memref<5x20x512xf32, #tpu.memory_space<vmem>> -> memref<1x20x512xf32, #tpu.memory_space<vmem>>
    %dma_wait3A_1490 = tpu.memref_squeeze %dma_wait3A_1489 : memref<1x20x512xf32, #tpu.memory_space<vmem>> -> memref<20x512xf32, #tpu.memory_space<vmem>>
    tpu.wait_dma2 semaphore(%arg13 : memref<!tpu.dma_semaphore, #tpu.memory_space<semaphore_mem>>) src(%dma_wait3A_1490 : memref<20x512xf32, #tpu.memory_space<vmem>>) dst(%dma_wait3A_1486 : memref<20x512xf32, #tpu.memory_space<hbm>>)
    return
  }
}

</mosaic_0001>

<sc_bundles>
// kernel: kernel.3.cloned.1.call-start
scs
__scs_entry_jumppad:
0x0: {  	(pc) =	sbr.rel $0x88, $3  }
0x1: {  	(tag) =	ssettag $0x0;
	lr =	simm.s32 $0x1  }
0x2: {  	[smem:$0x3F9E] =	sst lr;
	_ =	strace $0xD0000000  }
0x3: {  	_ = 	snop  }
0x4: {  	_ = 	snop  }
0x5: {  	_ = 	snop  }
0x6: {  	_ = 	snop  }
0x7: {  	_ = 	snop  }
__scs_overlays_trampoline_lowered:
0x8: {  	[smem:$0x3FAD] =	sst s0  }
0x9: {  	[smem:$0x3FAE] =	sst s1  }
0xa: {  	[smem:$0x3FAF] =	sst s2  }
0xb: {  	[smem:$0x3FB0] =	sst s3  }
0xc: {  	[smem:$0x3FB1] =	sst s4  }
0xd: {  	[smem:$0x3FB2] =	sst s5  }
0xe: {  	[smem:$0x3FB3] =	sst s6  }
0xf: {  	[smem:$0x3FB4] =	sst s7  }
0x10: {  	[smem:$0x3FB5] =	sst s8  }
0x11: {  	[smem:$0x3FB6] =	sst s9;
	s0 =	simm.s32 @!p0 $0x0  }
0x12: {  	s1 =	sld [smem:$0x3F9C];
	s0 =	simm.s32 @p0 $0x1  }
0x13: {  	[smem:$0x3FB7] =	sst s0;
	s0 =	simm.s32 @!p1 $0x0  }
0x14: {  	s2 =	sld [smem:$0x3F9B];
	s0 =	simm.s32 @p1 $0x1  }
0x15: {  	[smem:$0x3FB8] =	sst s0;
	s0 =	simm.s32 @!p2 $0x0  }
0x16: {  	s3 =	sld [smem:$0x3FDB];
	s0 =	simm.s32 @p2 $0x1  }
0x17: {  	s4 =	simm.s32 $0x1BF5;
	[smem:$0x3FBA] =	sst s0  }
0x18: {  	s0 =	sld [smem:$0x3F9D];
	_ =	swait.ge [sflag:s4], $0x0  }
0x19: {  	s7 =	sld [smem:$0x3F9E]  }
0x1a: {  	s8 =	sadd.s32 $0xFFFFE003, lr  }
0x1b: {  	s9 =	sadd.s32 $0xFFFFFEF7, lr;
	s5 =	simm.s32 $0xFFFFFFFF;
	p2 =	slt.u32 s8, $0xFFFFF086  }
0x1c: {  	p1 =	slt.u32 s9, $0xF7A;
	s5 =	simm.s32 @!p2 $0x0  }
0x1d: {  	s5 =	simm.s32 @p1 $0x1;
	p0 =	seq.s32 s7, s2  }
0x1e: {  	s7 =	smul.u32 @!p0 $0xF7A, s2;
	p2 =	seq.s32 @!p0 s5, $0x0  }
0x1f: {  	s9 =	smul.u32 $0xF7A, s1;
	s8 =	simm.s32 @!p0 $0x1BF5;
	p2 =	por !p2, p0  }
0x20: {  	[sflag:s8] =	ssyncset.s32 @!p0 $0xFFFFF086;
	s6 =	sadd.s32 @!p0 s3, s7;
	s7 =	simm.s32 @!p0 $0x108  }
0x21: {  	s3 =	sadd.s32 s3, s9;
	s6 =	sadd.s32 @!p0 $0x88, s6;
	s7 =	simm.s32 @p2 $0x1082  }
0x22: {  	[simem:s7], [sflag:s8] =	dma.local @!p0 [hbm:s6], $0xF7A  }
0x23: {  	s9 =	sor.u32 $0xD0000000, s2;
	s6 =	simm.s32 $0x108;
	_ =	swait.ge @!p0 [sflag:s8], $0x0  }
0x24: {  	s3 =	sadd.s32 $0x88, s3;
	s6 =	simm.s32 @!p1 $0x1082;
	[sflag:s4] =	ssyncset.s32 $0xFFFFF086  }
0x25: {  	[simem:s6], [sflag:s4] =	dma.local [hbm:s3], $0xF7A  }
0x26: {  	[smem:$0x3F9E] =	sst s1;
	(tag) =	ssettag s2;
	_ =	strace s9  }
0x27: {  	s1 =	sld [smem:$0x3FAE]  }
0x28: {  	s2 =	sld [smem:$0x3FAF]  }
0x29: {  	s4 =	sld [smem:$0x3FB1]  }
0x2a: {  	p0 =	seq.s32 s5, $0x0;
	s5 =	sld [smem:$0x3FB2]  }
0x2b: {  	s6 =	sld [smem:$0x3FB3]  }
0x2c: {  	s7 =	sld [smem:$0x3FB4]  }
0x2d: {  	s3 =	simm.s32 $0x108;
	s8 =	sld [smem:$0x3FB5]  }
0x2e: {  	s3 =	simm.s32 @!p0 $0x1082;
	s9 =	sld [smem:$0x3FB6]  }
0x2f: {  	lr =	sadd.s32 s0, s3;
	s0 =	sld [smem:$0x3FAD]  }
0x30: {  	s3 =	sld [smem:$0x3FB0]  }
0x31: {  	[smem:$0x3FB9] =	sst s10  }
0x32: {  	s10 =	sld [smem:$0x3FB7];
	_ =	sdelay $0x3  }
0x33: {  	p0 =	seq.s32 s10, $0x1;
	s10 =	sld [smem:$0x3FB9];
	_ =	sdelay $0x3  }
0x34: {  	[smem:$0x3FB9] =	sst s10  }
0x35: {  	s10 =	sld [smem:$0x3FB8];
	_ =	sdelay $0x3  }
0x36: {  	p1 =	seq.s32 s10, $0x1;
	s10 =	sld [smem:$0x3FB9];
	_ =	sdelay $0x3  }
0x37: {  	[smem:$0x3FB9] =	sst s10  }
0x38: {  	s10 =	sld [smem:$0x3FBA]  }
0x39: {  	_ = 	snop;
	(pc) =	sbr.ind lr, $3  }
0x3a: {  	_ = 	snop  }
0x3b: {  	_ = 	snop  }
0x3c: {  	p2 =	seq.s32 s10, $0x1;
	s10 =	sld [smem:$0x3FB9]  }
0x3d: {  	_ =	shalt  }
0x3e: {  	_ =	shalt  }
0x3f: {  	_ =	shalt  }
0x40: {  	_ =	shalt  }
0x41: {  	_ =	shalt  }
0x42: {  	_ =	shalt  }
0x43: {  	_ =	shalt  }
0x44: {  	_ =	shalt  }
0x45: {  	_ =	shalt  }
0x46: {  	_ =	shalt  }
0x47: {  	_ =	shalt  }
0x48: {  	_ =	shalt  }
0x49: {  	_ =	shalt  }
0x4a: {  	_ =	shalt  }
0x4b: {  	_ =	shalt  }
0x4c: {  	_ =	shalt  }
0x4d: {  	_ =	shalt  }
0x4e: {  	_ =	shalt  }
0x4f: {  	_ =	shalt  }
0x50: {  	_ =	shalt  }
0x51: {  	_ =	shalt  }
0x52: {  	_ =	shalt  }
0x53: {  	_ =	shalt  }
0x54: {  	_ =	shalt  }
0x55: {  	_ =	shalt  }
0x56: {  	_ =	shalt  }
0x57: {  	_ =	shalt  }
0x58: {  	_ =	shalt  }
0x59: {  	_ =	shalt  }
0x5a: {  	_ =	shalt  }
0x5b: {  	_ =	shalt  }
0x5c: {  	_ =	shalt  }
0x5d: {  	_ =	shalt  }
0x5e: {  	_ =	shalt  }
0x5f: {  	_ =	shalt  }
0x60: {  	_ =	shalt  }
0x61: {  	_ =	shalt  }
0x62: {  	_ =	shalt  }
0x63: {  	_ =	shalt  }
0x64: {  	_ =	shalt  }
0x65: {  	_ =	shalt  }
0x66: {  	_ =	shalt  }
0x67: {  	_ =	shalt  }
0x68: {  	_ =	shalt  }
0x69: {  	_ =	shalt  }
0x6a: {  	_ =	shalt  }
0x6b: {  	_ =	shalt  }
0x6c: {  	_ =	shalt  }
0x6d: {  	_ =	shalt  }
0x6e: {  	_ =	shalt  }
0x6f: {  	_ =	shalt  }
0x70: {  	_ =	shalt  }
0x71: {  	_ =	shalt  }
0x72: {  	_ =	shalt  }
0x73: {  	_ =	shalt  }
0x74: {  	_ =	shalt  }
0x75: {  	_ =	shalt  }
0x76: {  	_ =	shalt  }
0x77: {  	_ =	shalt  }
0x78: {  	_ =	shalt  }
0x79: {  	_ =	shalt  }
0x7a: {  	_ =	shalt  }
0x7b: {  	_ =	shalt  }
0x7c: {  	_ =	shalt  }
0x7d: {  	_ =	shalt  }
0x7e: {  	_ =	shalt  }
0x7f: {  	_ =	shalt  }
0x80: {  	_ =	shalt  }
0x81: {  	_ =	shalt  }
0x82: {  	_ =	shalt  }
0x83: {  	_ =	shalt  }
0x84: {  	_ =	shalt  }
0x85: {  	_ =	shalt  }
0x86: {  	_ =	shalt  }
0x87: {  	_ =	shalt  }
.Lfunc_end0:
.L_simem_size_0:
called_computation_lowered:
.L_overlay_start_0:
0x88: {  	s2 =	sld [smem:$0x3FD9]  }
0x89: {  	s3 =	sld [smem:$0x3FFE];
	_ =	sdelay $0x1  }
0x8a: {  	s1 =	srdreg.scid  }
0x8b: {  	s0 =	sand.u32 $0x1, s1  }
0x8c: {  	s14 =	sshll.u32 s0, $0xA;
	s2 =	sadd.s32 s3, s2  }
0x8d: {  	s2 =	sadd.s32 s2, s14  }
0x8e: {  	[smem:$0x3FC5] =	sst s2  }
0x8f: {  	_ = 	snop  }
0x90: {  	s2 =	sld [smem:$0x3FD0];
	_ =	sdelay $0x2  }
0x91: {  	s4 =	simm.s32 $0xA;
	s5 =	simm.s32 $0x10;
	s15 =	sld [smem:$0x3FC9]  }
0x92: {  	[smem:s5], [sflag:s4] =	dma.local [hbm:s2], $0x1  }
0x93: {  	_ =	swait.eq [sflag:s4], $0x1  }
0x94: {  	[sflag:s4] =	ssyncset.done $0x0  }
0x95: {  	s16 =	sld [smem:$0x10];
	[sflag:s4] =	ssyncadd.s32 $0xFFFFFFFF  }
0x96: {  	s17 =	sld [smem:$0x11];
	(tm) =	ssettm $0x1  }
0x97: {  	s18 =	sld [smem:$0x3FFB];
	_ =	sdelay $0x3  }
0x98: {  	_ =	strace s18  }
0x99: {  	s5 =	sld [smem:$0x3FFC];
	_ =	sdelay $0x3  }
0x9a: {  	_ =	strace s5  }
0x9b: {  	s5 =	sld [smem:$0x3FFD];
	_ =	sdelay $0x3  }
0x9c: {  	_ =	strace s5  }
0x9d: {  	_ =	strace $0x8FFFFFFF  }
0x9e: {  	s19 =	sld [smem:$0x3FDB];
	_ =	sdelay $0x1  }
0x9f: {  	s6 =	simm.s32 $_scs_section_size  }
0xa0: {  	s7 =	simm.s32 $_size__tile_overlayer_lowered;
	s8 =	simm.s32 $_tile_overlayer_lowered  }
0xa1: {  	s22 =	simm.s32 $0x1BFF;
	s21 =	sshll.u32 s8, $0x1;
	s5 =	sadd.s32 s6, s19  }
0xa2: {  	s9 =	simm.s32 $0x0;
	s20 =	sshll.u32 s7, $0x1;
	s7 =	sadd.s32 s21, s5  }
0xa3: {  	[timem:s9], [sflag:s22] =	dma.local [hbm:s7], s20  }
0xa4: {  	_ =	swait.ge [sflag:s22], s20  }
0xa5: {  	s6 =	ssub.s32 $0x0, s20;
	[sflag:s22] =	ssyncset.done $0x0  }
0xa6: {  	[sflag:s22] =	ssyncadd.s32 s6;
	_ =	sdelay $0x1  }
0xa7: {  	s23 =	simm.s32 $0x1B8B  }
0xa8: {  	_ =	swait.ge [sflag:s23], $0x1  }
0xa9: {  	[sflag:s23] =	ssyncset.done $0x0  }
0xaa: {  	s25 =	simm.s32 $0x1B8E;
	s24 =	sld [smem:$0x3FFE];
	[sflag:s23] =	ssyncadd.s32 $0xFFFFFFFF  }
0xab: {  	s26 =	simm.s32 $execute0_lowered;
	[smem:$0x3FD2] =	sst s25  }
0xac: {  	s7 =	sshll.u32 s26, $0x1;
	_ =	strace $0x80000046;
	[dreg:$0x1] =	wrdreg $0xFFFFFFFF  }
0xad: {  	s28 =	simm.s32 $_size_execute0_lowered;
	s5 =	sadd.s32 s5, s7;
	[dreg:$0x0] =	wrdreg $0x0  }
0xae: {  	s7 =	sshll.u32 s28, $0x1;
	[dreg:$0x2] =	wrdreg s5  }
0xaf: {  	[dreg:$0x3] =	wrdreg s7  }
0xb0: {  	[dreg:$0x4] =	wrdreg $0xC0  }
0xb1: {  	_ =	task [dreg:s9], $0x5FFFF  }
0xb2: {  	[dreg:$0x1] =	wrdreg $0xFFFFFFFF  }
0xb3: {  	[dreg:$0x0] =	wrdreg $0x60  }
0xb4: {  	[dreg:$0x2] =	wrdreg s24  }
0xb5: {  	[dreg:$0x3] =	wrdreg s15  }
0xb6: {  	[dreg:$0x4] =	wrdreg s17  }
0xb7: {  	[dreg:$0x5] =	wrdreg s16  }
0xb8: {  	[dreg:$0x6] =	wrdreg $0x9  }
0xb9: {  	_ =	task.clear_ibuf [dreg:s9], $0x7FFFF;
	_ =	strace $0x90000046  }
0xba: {  	s29 =	simm.s32 $0x9;
	_ =	strace $0x80000048  }
0xbb: {  	_ =	swait.ge [sflag:s29], $0x1  }
0xbc: {  	[sflag:s29] =	ssyncadd.s32 $0xFFFFFFFF  }
0xbd: {  	_ =	strace $0x90000048  }
0xbe: {  	_ =	sfence  }
0xbf: {  	s30 =	sld [smem:$0x0];
	_ =	sdelay $0x2  }
0xc0: {  	s31 =	sshll.u32 s1, $0xD;
	s1 =	sshrl.u32 s1, $0x2  }
0xc1: {  	s3 =	sand.u32 $0x4000, s31;
	s1 =	sadd.s32 s1, s30  }
0xc2: {  	s0 =	sor.u32 s3, s0;
	s1 =	sshll.u32 s1, $0x11  }
0xc3: {  	s0 =	sor.u32 s1, s0  }
0xc4: {  	s0 =	sadd.s32 $0x8F2B, s0  }
0xc5: {  	[sflag:s0] =	ssyncadd.remote.s32 $0x1  }
0xc6: {  	_ =	sfence.sel $0xFFFF  }
0xc7: {  	[dreg:$0x0] =	wrdreg $0xFFFFFFFF;
	(pc) =	sbr.abs _section_cstart, $3  }
0xc8: {  	[dreg:$0x1] =	wrdreg $0xFFFFFFFF  }
0xc9: {  	_ =	task.clear_ibuf [dreg:s9], $0x2FFFF;
	_ =	strace $0x9FFFFFFF  }
0xca: {  	(tm) =	ssettm $0x7FFFFFFF  }
0xcb: {  	_ =	shalt  }
tec
execute0_lowered:
.L_overlay_start_1:
0x0: {  	(tag) =	ssettag $0x1  }
0x1: {  	s0 =	rddreg [dreg:$0x0]  }
0x2: {  	s2 =	rddreg [dreg:$0x1]  }
0x3: {  	s3 =	rddreg [dreg:$0x2]  }
0x4: {  	s4 =	srdreg.scid;
	s5 =	rddreg [dreg:$0x3]  }
0x5: {  	s1 =	simm.s32 $0x0;
	s8 =	stileid.u32;
	s4 =	sand.u32 $0x1, s4  }
0x6: {  	s8 =	sshll.u32 s8, $0xA;
	s6 =	ssub.s32 $0x2, s4;
	s4 =	sshll.u32 s4, $0x9  }
0x7: {  	[smem:$0x7FF] =	sst s1;
	s7 =	sshrl.u32 s6, $0x1;
	s4 =	sor.u32 s4, s8  }
0x8: {  	s9 =	sadd.s32 $0x800, s0;
	s6 =	ssub.s32 s6, s7;
	s22 =	sadd.s32 s2, s4  }
0x9: {  	s18 =	sshrl.u32 s4, $0x3;
	s15 =	sadd.s32 s5, s4;
	[dreg:$0x8] =	wrdreg s22  }
0xa: {  	s21 =	sor.u32 $0xC000, s4;
	s7 =	sadd.s32 s9, s18;
	[dreg:$0xe] =	wrdreg s15  }
0xb: {  	s24 =	sor.u32 $0x18000, s4;
	s23 =	sadd.s32 s2, s21;
	[dreg:$0x5] =	wrdreg s7  }
0xc: {  	s12 =	sor.u32 $0x24000, s4;
	s25 =	sadd.s32 s2, s24;
	[dreg:$0x9] =	wrdreg s23  }
0xd: {  	s13 =	sor.u32 $0x30000, s4;
	s26 =	sadd.s32 s2, s12;
	[dreg:$0xa] =	wrdreg s25  }
0xe: {  	s8 =	sor.u32 $0x4000, s4;
	s14 =	sadd.s32 s2, s13;
	[dreg:$0xb] =	wrdreg s26  }
0xf: {  	s19 =	sshrl.u32 s8, $0x3;
	s8 =	sadd.s32 s3, s8;
	[dreg:$0xc] =	wrdreg s14  }
0x10: {  	s16 =	sadd.s32 s5, s21;
	[dreg:$0xd] =	wrdreg s8  }
0x11: {  	s11 =	sor.u32 $0x8000, s4;
	s17 =	sadd.s32 s5, s24;
	[dreg:$0xf] =	wrdreg s16  }
0x12: {  	s18 =	sadd.s32 s3, s11;
	[dreg:$0x10] =	wrdreg s17  }
0x13: {  	s22 =	sadd.s32 s5, s13;
	[dreg:$0x11] =	wrdreg s18  }
0x14: {  	s10 =	sshrl.u32 s11, $0x3;
	s7 =	sadd.s32 s9, s19;
	[dreg:$0x14] =	wrdreg s22  }
0x15: {  	s20 =	sadd.s32 s9, s10;
	[dreg:$0x6] =	wrdreg s7  }
0x16: {  	s10 =	sadd.s32 s3, s4;
	s3 =	sadd.s32 s3, s21;
	[dreg:$0x7] =	wrdreg s20  }
0x17: {  	s19 =	sor.u32 $0x3C000, s4;
	s21 =	sadd.s32 s5, s12;
	[dreg:$0x12] =	wrdreg s3  }
0x18: {  	s23 =	sor.u32 $0x54000, s4;
	[dreg:$0x13] =	wrdreg s21;
	s24 =	sadd.s32 s2, s19  }
0x19: {  	s26 =	sadd.s32 s2, s23;
	[dreg:$0x15] =	wrdreg s24  }
0x1a: {  	s3 =	sadd.s32 s5, s19;
	[dreg:$0x17] =	wrdreg s26  }
0x1b: {  	s20 =	sor.u32 $0x48000, s4;
	s8 =	sadd.s32 s5, s23;
	[dreg:$0x19] =	wrdreg s3  }
0x1c: {  	s4 =	sor.u32 $0x60000, s4;
	s25 =	sadd.s32 s2, s20;
	[dreg:$0x1b] =	wrdreg s8  }
0x1d: {  	s2 =	sadd.s32 s2, s4;
	[dreg:$0x16] =	wrdreg s25  }
0x1e: {  	s7 =	sadd.s32 s5, s20;
	[dreg:$0x18] =	wrdreg s2  }
0x1f: {  	s9 =	sadd.s32 s5, s4;
	[dreg:$0x1a] =	wrdreg s7  }
0x20: {  	s0 =	sadd.s32 $0x2000, s0;
	[dreg:$0x1c] =	wrdreg s9  }
0x21: {  	s11 =	smax.u32 s6, $0x1;
	_ =	strace $0x80000047;
	[dreg:$0x1d] =	wrdreg s0  }
0x22: {  	s12 =	sadd.s32 $0x10, s10;
	[dreg:$0x1e] =	wrdreg s11  }
0x23: {  	s13 =	sadd.s32 $0x20, s10;
	[dreg:$0x1f] =	wrdreg s12  }
0x24: {  	s14 =	sadd.s32 $0x30, s10;
	[smem:$0x7D8] =	sst s13  }
0x25: {  	s15 =	sadd.s32 $0x40, s10;
	[smem:$0x7D9] =	sst s14  }
0x26: {  	s16 =	sadd.s32 $0x50, s10;
	[smem:$0x7DA] =	sst s15  }
0x27: {  	s17 =	sadd.s32 $0x60, s10;
	[smem:$0x7DB] =	sst s16  }
0x28: {  	s18 =	sadd.s32 $0x70, s10;
	[smem:$0x7DC] =	sst s17  }
0x29: {  	s19 =	sadd.s32 $0x4010, s10;
	[smem:$0x7DD] =	sst s18  }
0x2a: {  	s20 =	sadd.s32 $0x4020, s10;
	[smem:$0x7DE] =	sst s19  }
0x2b: {  	s21 =	sadd.s32 $0x4030, s10;
	[smem:$0x7DF] =	sst s20  }
0x2c: {  	s22 =	sadd.s32 $0x4040, s10;
	[smem:$0x7E0] =	sst s21  }
0x2d: {  	s23 =	sadd.s32 $0x4050, s10;
	[smem:$0x7E1] =	sst s22  }
0x2e: {  	s24 =	sadd.s32 $0x4060, s10;
	[smem:$0x7E2] =	sst s23  }
0x2f: {  	s25 =	sadd.s32 $0x4070, s10;
	[smem:$0x7E3] =	sst s24  }
0x30: {  	s26 =	sadd.s32 $0x8010, s10;
	[smem:$0x7E4] =	sst s25  }
0x31: {  	s2 =	sadd.s32 $0x8020, s10;
	[smem:$0x7E5] =	sst s26  }
0x32: {  	s3 =	sadd.s32 $0x8030, s10;
	[smem:$0x7E6] =	sst s2  }
0x33: {  	s4 =	sadd.s32 $0x8040, s10;
	[smem:$0x7E7] =	sst s3  }
0x34: {  	s5 =	sadd.s32 $0x8050, s10;
	[smem:$0x7E8] =	sst s4  }
0x35: {  	s6 =	sadd.s32 $0x8060, s10;
	[smem:$0x7E9] =	sst s5  }
0x36: {  	s7 =	sadd.s32 $0x8070, s10;
	[smem:$0x7EA] =	sst s6  }
0x37: {  	s8 =	sadd.s32 $0xC010, s10;
	[smem:$0x7EB] =	sst s7  }
0x38: {  	s9 =	sadd.s32 $0xC020, s10;
	[smem:$0x7EC] =	sst s8  }
0x39: {  	[smem:$0x7ED] =	sst s9;
	s11 =	sadd.s32 $0xC030, s10  }
0x3a: {  	s12 =	sadd.s32 $0xC040, s10;
	[smem:$0x7EE] =	sst s11  }
0x3b: {  	s13 =	sadd.s32 $0xC050, s10;
	[smem:$0x7EF] =	sst s12  }
0x3c: {  	s14 =	sadd.s32 $0xC060, s10;
	[smem:$0x7F0] =	sst s13  }
0x3d: {  	s15 =	sadd.s32 $0xC070, s10;
	[smem:$0x7F1] =	sst s14  }
0x3e: {  	s16 =	sadd.s32 $0x10000, s10;
	[smem:$0x7F2] =	sst s15  }
0x3f: {  	s17 =	sadd.s32 $0x10010, s10;
	[smem:$0x7F3] =	sst s16  }
0x40: {  	s18 =	sadd.s32 $0x10020, s10;
	[smem:$0x7F4] =	sst s17  }
0x41: {  	s19 =	sadd.s32 $0x10030, s10;
	[smem:$0x7F5] =	sst s18  }
0x42: {  	s20 =	sadd.s32 $0x10040, s10;
	[smem:$0x7F6] =	sst s19  }
0x43: {  	s21 =	sadd.s32 $0x10050, s10;
	[smem:$0x7F7] =	sst s20  }
0x44: {  	s22 =	sadd.s32 $0x10060, s10;
	[smem:$0x7F8] =	sst s21  }
0x45: {  	s28 =	simm.s32 $0x4600;
	s23 =	sadd.s32 $0x10070, s10;
	[smem:$0x7F9] =	sst s22  }
0x46: {  	s29 =	simm.s32 $0x2;
	s24 =	sadd.s32 $0x14000, s10;
	[smem:$0x7FA] =	sst s23  }
0x47: {  	s30 =	simm.s32 $0x3;
	s25 =	sadd.s32 $0x14010, s10;
	[smem:$0x7FB] =	sst s24  }
0x48: {  	s31 =	simm.s32 $0x1;
	s26 =	sadd.s32 $0x14020, s10;
	[smem:$0x7FC] =	sst s25  }
0x49: {  	s9 =	sadd.s32 $0x14030, s10;
	[smem:$0x7FD] =	sst s26;
	s11 =	sadd.s32 $0x14040, s10  }
0x4a: {  	s12 =	sadd.s32 $0x14050, s10;
	s13 =	sadd.s32 $0x14060, s10;
	s14 =	sadd.s32 $0x14070, s10  }
0x4b: {  	s15 =	simm.s32 $0x600;
	s16 =	simm.s32 $0x400;
	s17 =	simm.s32 $0x1000  }
0x4c: {  	s18 =	simm.s32 $0x20000;
	s19 =	simm.s32 $0xA600;
	s20 =	simm.s32 $0xD600  }
0x4d: {  	s22 =	simm.s32 $0x10600;
	s23 =	simm.s32 $0x13600;
	s24 =	simm.s32 $0x16600  }
0x4e: {  	s25 =	simm.s32 $0x4;
	s26 =	simm.s32 $0x80;
	s21 =	simm.s32 $0x0  }
.LBB2_1:
0x4f: {  	s0 =	rddreg [dreg:$0x1d]  }
0x50: {  	[tilespmem:s15], [sflag:$0x4] =	stream.linear.gather [hbm4b:s0+s1], $0x4000, $0x38;
	[tilespmem:$0x19600] =	vst v63  }
0x51: {  	s7 =	rddreg [dreg:$0x5]  }
0x52: {  	[tilespmem:s1], [sflag:$0x4] =	stream.linear.gather [hbm4b:s7+s1], $0x200, $0x38;
	[tilespmem:$0x19600] =	vst v63  }
0x53: {  	s8 =	rddreg [dreg:$0x6];
	s2 =	simm.s32 $0x200  }
0x54: {  	[tilespmem:s2], [sflag:$0x4] =	stream.linear.gather [hbm4b:s8+s1], $0x200, $0x38;
	[tilespmem:$0x19600] =	vst v63  }
0x55: {  	s3 =	rddreg [dreg:$0x7]  }
0x56: {  	[tilespmem:s16], [sflag:$0x4] =	stream.linear.gather [hbm4b:s3+s1], $0x200, $0x38;
	[tilespmem:$0x19600] =	vst v63  }
0x57: {  	s4 =	rddreg [dreg:$0x8]  }
0x58: {  	[tilespmem:s19], [sflag:$0x2] =	stream.strided.gather [hbm4b:s4+s17], $0x3000, s18, s17, $0x38;
	[tilespmem:$0x19600] =	vst v63  }
0x59: {  	s5 =	rddreg [dreg:$0x9]  }
0x5a: {  	[tilespmem:s20], [sflag:$0x2] =	stream.strided.gather [hbm4b:s5+s17], $0x3000, s18, s17, $0x38;
	[tilespmem:$0x19600] =	vst v63  }
0x5b: {  	s6 =	rddreg [dreg:$0xa]  }
0x5c: {  	[tilespmem:s22], [sflag:$0x2] =	stream.strided.gather [hbm4b:s6+s17], $0x3000, s18, s17, $0x38;
	[tilespmem:$0x19600] =	vst v63  }
0x5d: {  	s7 =	rddreg [dreg:$0xb]  }
0x5e: {  	[tilespmem:s23], [sflag:$0x2] =	stream.strided.gather [hbm4b:s7+s17], $0x3000, s18, s17, $0x38;
	[tilespmem:$0x19600] =	vst v63  }
0x5f: {  	s8 =	rddreg [dreg:$0xc]  }
0x60: {  	[tilespmem:s24], [sflag:$0x2] =	stream.strided.gather [hbm4b:s8+s17], $0x3000, s18, s17, $0x38;
	[tilespmem:$0x19600] =	vst v63  }
0x61: {  	_ =	swait.ge [sflag:s25], $0x4000  }
0x62: {  	[sflag:s25] =	ssyncset.done $0x0  }
0x63: {  	[sflag:s25] =	ssyncadd.s32 $0xFFFFC000  }
0x64: {  	_ =	swait.ge [sflag:s25], $0x200  }
0x65: {  	[sflag:s25] =	ssyncset.done $0x0  }
0x66: {  	[sflag:s25] =	ssyncadd.s32 $0xFFFFFE00  }
0x67: {  	_ =	swait.ge [sflag:s25], $0x200  }
0x68: {  	[sflag:s25] =	ssyncset.done $0x0  }
0x69: {  	[sflag:s25] =	ssyncadd.s32 $0xFFFFFE00  }
0x6a: {  	_ =	swait.ge [sflag:s25], $0x200  }
0x6b: {  	[sflag:s25] =	ssyncset.done $0x0  }
0x6c: {  	[sflag:s25] =	ssyncadd.s32 $0xFFFFFE00  }
0x6d: {  	v0 =	vld [tilespmem:s1+$0x0];
	_ =	sdelay $0x4  }
0x6e: {  	v2 =	vshll.u32 v0, $0x4  }
0x6f: {  	v0 =	vor.u32 $0xF, v2  }
0x70: {  	v1 =	vor.u32 $0xD, v2  }
0x71: {  	s0 =	simm.s32 $0x10;
	v3 =	vor.u32 $0x2, v2  }
0x72: {  	v5 =	vld [tilespmem:s0+$0x0];
	v4 =	vor.u32 $0x9, v2  }
0x73: {  	v6 =	vor.u32 $0xC, v2;
	v8 =	vld.idx.msk [tilespmem:v2+s15+$0x0], $0xffff  }
0x74: {  	v9 =	vor.u32 $0xA, v2;
	v11 =	vld.idx.msk [tilespmem:v0+s15+$0x0], $0xffff  }
0x75: {  	v10 =	vor.u32 $0xB, v2;
	v13 =	vld.idx.msk [tilespmem:v1+s15+$0x0], $0xffff  }
0x76: {  	v12 =	vor.u32 $0x8, v2;
	v0 =	vld.idx.msk [tilespmem:v3+s15+$0x0], $0xffff  }
0x77: {  	v24 =	vshll.u32 v5, $0x4;
	v15 =	vor.u32 $0x4, v2;
	v1 =	vld.idx.msk [tilespmem:v4+s15+$0x0], $0xffff  }
0x78: {  	v19 =	vor.u32 $0xD, v24;
	v7 =	vld.idx.msk [tilespmem:v6+s15+$0x0], $0xffff  }
0x79: {  	v3 =	vor.u32 $0x6, v2;
	v25 =	vld.idx.msk [tilespmem:v9+s15+$0x0], $0xffff  }
0x7a: {  	v4 =	vor.u32 $0x7, v2;
	v10 =	vld.idx.msk [tilespmem:v10+s15+$0x0], $0xffff  }
0x7b: {  	v6 =	vor.u32 $0x1, v2;
	v14 =	vld.idx.msk [tilespmem:v12+s15+$0x0], $0xffff  }
0x7c: {  	v16 =	vor.u32 $0x3, v2;
	v15 =	vld.idx.msk [tilespmem:v15+s15+$0x0], $0xffff  }
0x7d: {  	v12 =	vor.u32 $0x5, v2;
	v19 =	vld.idx.msk [tilespmem:v19+s15+$0x0], $0xffff  }
0x7e: {  	v2 =	vor.u32 $0xE, v2;
	v3 =	vld.idx.msk [tilespmem:v3+s15+$0x0], $0xffff  }
0x7f: {  	v18 =	vor.u32 $0xF, v24;
	v17 =	vld.idx.msk [tilespmem:v4+s15+$0x0], $0xffff  }
0x80: {  	v21 =	vor.u32 $0x9, v24;
	v9 =	vld.idx.msk [tilespmem:v6+s15+$0x0], $0xffff  }
0x81: {  	v20 =	vor.u32 $0x2, v24;
	v4 =	vld.idx.msk [tilespmem:v16+s15+$0x0], $0xffff  }
0x82: {  	v22 =	vor.u32 $0xC, v24;
	v12 =	vld.idx.msk [tilespmem:v12+s15+$0x0], $0xffff  }
0x83: {  	s4 =	sand.u32 $0x1F0, s1;
	v5 =	vld.idx.msk [tilespmem:v2+s15+$0x0], $0xffff;
	[tilespmem:s28+$0x0] =	vst v8  }
0x84: {  	v2 =	vld.idx.msk [tilespmem:v18+s15+$0x0], $0xffff;
	[tilespmem:s4+$0x6400] =	vst v11  }
0x85: {  	v26 =	vor.u32 $0xA, v24;
	v18 =	vld.idx.msk [tilespmem:v21+s15+$0x0], $0xffff;
	[tilespmem:s4+$0x4E00] =	vst v15  }
0x86: {  	v23 =	vor.u32 $0xB, v24;
	v8 =	vor.u32 $0xE, v24;
	v21 =	vor.u32 $0x6, v24;
	v11 =	vld.idx.msk [tilespmem:v20+s15+$0x0], $0xffff;
	[tilespmem:s4+$0x6000] =	vst v13  }
0x87: {  	v15 =	vor.u32 $0x1, v24;
	v13 =	vor.u32 $0x5, v24;
	v20 =	vld.idx.msk [tilespmem:v22+s15+$0x0], $0xffff;
	v22 =	vor.u32 $0x7, v24;
	[tilespmem:s4+$0x5400] =	vst v17  }
0x88: {  	s5 =	simm.s32 $0x20;
	v6 =	vld.idx.msk [tilespmem:v24+s15+$0x0], $0xffff;
	[tilespmem:s4+$0x5000] =	vst v12;
	v12 =	vor.u32 $0x3, v24;
	v17 =	vor.u32 $0x4, v24;
	v24 =	vor.u32 $0x8, v24  }
0x89: {  	s2 =	simm.s32 $0x4610;
	v16 =	vld [tilespmem:s5+$0x0];
	[tilespmem:s4+$0x5A00] =	vst v25  }
0x8a: {  	s3 =	simm.s32 $0x20;
	s6 =	simm.s32 $0x4610;
	s7 =	simm.s32 $0x30;
	[tilespmem:s4+$0x5200] =	vst v3;
	v3 =	vld.idx.msk [tilespmem:v26+s15+$0x0], $0xffff  }
.LBB2_2:
0x8b: {  	p0 =	sne.s32 s7, $0x1F0  }
0x8c: {  	v23 =	vld.idx.msk [tilespmem:v23+s15+$0x0], $0xffff;
	s2 =	sadd.s32 $0x10, s2;
	[tilespmem:s4+$0x5E00] =	vst v7;
	s8 =	smov.u32 s7;
	s7 =	sadd.s32 $0x10, s7  }
0x8d: {  	v25 =	vmov v19;
	v24 =	vld.idx.msk [tilespmem:v24+s15+$0x0], $0xffff;
	[tilespmem:s4+$0x5C00] =	vst v10  }
0x8e: {  	v26 =	vld.idx.msk [tilespmem:v21+s15+$0x0], $0xffff;
	[tilespmem:s4+$0x5600] =	vst v14  }
0x8f: {  	v19 =	vld.idx.msk [tilespmem:v22+s15+$0x0], $0xffff;
	[tilespmem:s4+$0x5800] =	vst v1;
	v1 =	vmov v18  }
0x90: {  	v7 =	vmov v20;
	v18 =	vld.idx.msk [tilespmem:v15+s15+$0x0], $0xffff;
	[tilespmem:s4+$0x4A00] =	vst v0;
	v0 =	vmov v11  }
0x91: {  	v11 =	vshll.u32 v16, $0x4;
	v20 =	vld.idx.msk [tilespmem:v17+s15+$0x0], $0xffff;
	[tilespmem:s4+$0x4C00] =	vst v4  }
0x92: {  	v15 =	vor.u32 $0x1, v11;
	v27 =	vor.u32 $0x2, v11;
	v28 =	vor.u32 $0xF, v11;
	v10 =	vmovc v23;
	v4 =	vld.idx.msk [tilespmem:v12+s15+$0x0], $0xffff;
	[tilespmem:s4+$0x4800] =	vst v9  }
0x93: {  	v17 =	vor.u32 $0x4, v11;
	v29 =	vor.u32 $0xD, v11;
	v12 =	vor.u32 $0x3, v11;
	v14 =	vmovc v24;
	v30 =	vld.idx.msk [tilespmem:v13+s15+$0x0], $0xffff;
	[tilespmem:s4+$0x6200] =	vst v5  }
0x94: {  	s5 =	sadd.s32 $0x10, s5;
	v31 =	vor.u32 $0x9, v11;
	v13 =	vor.u32 $0x5, v11;
	v5 =	vld.idx.msk [tilespmem:v8+s15+$0x0], $0xffff;
	v8 =	vor.u32 $0xE, v11  }
0x95: {  	v21 =	vor.u32 $0x6, v11;
	v22 =	vor.u32 $0x7, v11;
	v32 =	vor.u32 $0xC, v11;
	s4 =	sand.u32 $0x1F0, s0;
	s0 =	smov.u32 s3;
	s3 =	smov.u32 s8;
	v16 =	vld [tilespmem:s5+$0x0];
	[tilespmem:s6+$0x0] =	vst v6  }
0x96: {  	v33 =	vor.u32 $0xA, v11;
	v23 =	vor.u32 $0xB, v11;
	v9 =	vmov v18;
	s6 =	smov.u32 s2;
	v6 =	vld.idx.msk [tilespmem:v11+s15+$0x0], $0xffff;
	[tilespmem:s4+$0x6400] =	vst v2  }
0x97: {  	v2 =	vld.idx.msk [tilespmem:v28+s15+$0x0], $0xffff;
	[tilespmem:s4+$0x5400] =	vst v19  }
.Ltmp0:
0x98: {  	v24 =	vor.u32 $0x8, v11;
	v19 =	vld.idx.msk [tilespmem:v29+s15+$0x0], $0xffff;
	[tilespmem:s4+$0x4E00] =	vst v20;
	(pc) =	sbr.rel @p0 .LBB2_2-.Ltmp0, $4  }
0x99: {  	v11 =	vld.idx.msk [tilespmem:v27+s15+$0x0], $0xffff;
	[tilespmem:s4+$0x5000] =	vst v30  }
0x9a: {  	v18 =	vld.idx.msk [tilespmem:v31+s15+$0x0], $0xffff;
	[tilespmem:s4+$0x6000] =	vst v25  }
0x9b: {  	v20 =	vld.idx.msk [tilespmem:v32+s15+$0x0], $0xffff;
	[tilespmem:s4+$0x5200] =	vst v26  }
0x9c: {  	[tilespmem:s4+$0x5A00] =	vst v3;
	v3 =	vld.idx.msk [tilespmem:v33+s15+$0x0], $0xffff  }
0x9d: {  	_ =	sdelay $0x3  }
0x9e: {  	v23 =	vld.idx.msk [tilespmem:v23+s15+$0x0], $0xffff;
	[tilespmem:s4+$0x5E00] =	vst v7  }
0x9f: {  	v7 =	vld.idx.msk [tilespmem:v24+s15+$0x0], $0xffff;
	[tilespmem:s4+$0x5C00] =	vst v10  }
0xa0: {  	v10 =	vld.idx.msk [tilespmem:v21+s15+$0x0], $0xffff;
	[tilespmem:s4+$0x5600] =	vst v14  }
0xa1: {  	v14 =	vld.idx.msk [tilespmem:v22+s15+$0x0], $0xffff;
	[tilespmem:s4+$0x5800] =	vst v1  }
0xa2: {  	v1 =	vld.idx.msk [tilespmem:v15+s15+$0x0], $0xffff;
	v15 =	vshll.u32 v16, $0x4;
	[tilespmem:s4+$0x4A00] =	vst v0  }
0xa3: {  	v0 =	vld.idx.msk [tilespmem:v17+s15+$0x0], $0xffff;
	[tilespmem:s4+$0x4C00] =	vst v4;
	v16 =	vor.u32 $0xF, v15  }
0xa4: {  	v4 =	vld.idx.msk [tilespmem:v12+s15+$0x0], $0xffff;
	[tilespmem:s4+$0x4800] =	vst v9;
	v12 =	vor.u32 $0xD, v15  }
0xa5: {  	v9 =	vld.idx.msk [tilespmem:v13+s15+$0x0], $0xffff;
	[tilespmem:s4+$0x6200] =	vst v5;
	v17 =	vor.u32 $0x2, v15  }
0xa6: {  	v8 =	vld.idx.msk [tilespmem:v8+s15+$0x0], $0xffff;
	[tilespmem:s6+$0x0] =	vst v6;
	s0 =	sand.u32 $0x1F0, s0;
	v5 =	vor.u32 $0x9, v15  }
0xa7: {  	v6 =	vor.u32 $0xC, v15;
	[tilespmem:s0+$0x6400] =	vst v2;
	v13 =	vld.idx.msk [tilespmem:v15+s15+$0x0], $0xffff  }
0xa8: {  	v62 =	vor.u32 $0xA, v15;
	[tilespmem:s0+$0x6000] =	vst v19;
	v2 =	vld.idx.msk [tilespmem:v16+s15+$0x0], $0xffff  }
0xa9: {  	v63 =	vor.u32 $0x4, v15;
	[tilespmem:s0+$0x5E00] =	vst v20;
	v12 =	vld.idx.msk [tilespmem:v12+s15+$0x0], $0xffff  }
0xaa: {  	v20 =	vor.u32 $0x5, v15;
	[tilespmem:s0+$0x4E00] =	vst v0;
	v0 =	vld.idx.msk [tilespmem:v17+s15+$0x0], $0xffff  }
0xab: {  	[tilespmem:s0+$0x5400] =	vst v14;
	v16 =	vor.u32 $0xB, v15;
	v5 =	vld.idx.msk [tilespmem:v5+s15+$0x0], $0xffff  }
0xac: {  	v14 =	vor.u32 $0x8, v15;
	[tilespmem:s0+$0x5000] =	vst v9;
	v6 =	vld.idx.msk [tilespmem:v6+s15+$0x0], $0xffff  }
0xad: {  	v9 =	vor.u32 $0x7, v15;
	[tilespmem:s0+$0x5200] =	vst v10;
	v10 =	vld.idx.msk [tilespmem:v62+s15+$0x0], $0xffff  }
0xae: {  	v19 =	vor.u32 $0x1, v15;
	[tilespmem:s0+$0x4A00] =	vst v11;
	v11 =	vld.idx.msk [tilespmem:v63+s15+$0x0], $0xffff  }
0xaf: {  	[tilespmem:s0+$0x4800] =	vst v1;
	v17 =	vor.u32 $0x6, v15;
	v1 =	vld.idx.msk [tilespmem:v20+s15+$0x0], $0xffff  }
0xb0: {  	[tilespmem:s0+$0x5A00] =	vst v3;
	v3 =	vld.idx.msk [tilespmem:v16+s15+$0x0], $0xffff;
	v16 =	vor.u32 $0x3, v15  }
0xb1: {  	[tilespmem:s0+$0x5800] =	vst v18;
	v14 =	vld.idx.msk [tilespmem:v14+s15+$0x0], $0xffff;
	v15 =	vor.u32 $0xE, v15  }
0xb2: {  	[tilespmem:s0+$0x5600] =	vst v7;
	v7 =	vld.idx.msk [tilespmem:v9+s15+$0x0], $0xffff  }
0xb3: {  	[tilespmem:s0+$0x5C00] =	vst v23;
	v9 =	vld.idx.msk [tilespmem:v19+s15+$0x0], $0xffff  }
0xb4: {  	[tilespmem:s0+$0x4C00] =	vst v4;
	v17 =	vld.idx.msk [tilespmem:v17+s15+$0x0], $0xffff  }
0xb5: {  	s2 =	sadd.s32 $0x10, s2;
	[tilespmem:s0+$0x6200] =	vst v8;
	v4 =	vld.idx.msk [tilespmem:v16+s15+$0x0], $0xffff  }
0xb6: {  	s5 =	sand.u32 $0x1F0, s3;
	v8 =	vld.idx.msk [tilespmem:v15+s15+$0x0], $0xffff;
	[tilespmem:s2+$0x0] =	vst v13  }
0xb7: {  	[tilespmem:s5+$0x6400] =	vst v2  }
0xb8: {  	[tilespmem:s5+$0x5400] =	vst v7  }
0xb9: {  	[tilespmem:s5+$0x4E00] =	vst v11  }
0xba: {  	[tilespmem:s5+$0x5000] =	vst v1  }
0xbb: {  	[tilespmem:s5+$0x6000] =	vst v12  }
0xbc: {  	[tilespmem:s5+$0x5200] =	vst v17  }
0xbd: {  	[tilespmem:s5+$0x5A00] =	vst v10  }
0xbe: {  	[tilespmem:s5+$0x5E00] =	vst v6  }
0xbf: {  	[tilespmem:s5+$0x5C00] =	vst v3  }
0xc0: {  	[tilespmem:s5+$0x5600] =	vst v14  }
0xc1: {  	[tilespmem:s5+$0x5800] =	vst v5  }
0xc2: {  	[tilespmem:s5+$0x4A00] =	vst v0  }
0xc3: {  	[tilespmem:s5+$0x4800] =	vst v9  }
0xc4: {  	[tilespmem:s5+$0x4C00] =	vst v4  }
0xc5: {  	[tilespmem:s5+$0x6200] =	vst v8  }
0xc6: {  	[hbm4b:s10+s26] =	stream.strided.scatter [tilespmem:s28], [sflag:$0x1], $0x200, s16, s26, $0x38;
	[tilespmem:$0x19600] =	vst v63  }
0xc7: {  	s0 =	rddreg [dreg:$0x1f]  }
0xc8: {  	s6 =	simm.s32 $0x4800;
	s7 =	sld [smem:$0x7D8]  }
0xc9: {  	[hbm4b:s0+s26] =	stream.strided.scatter [tilespmem:s6], [sflag:$0x1], $0x200, s16, s26, $0x38;
	[tilespmem:$0x19600] =	vst v63  }
0xca: {  	s8 =	simm.s32 $0x4A00;
	s3 =	sld [smem:$0x7D9]  }
0xcb: {  	[hbm4b:s7+s26] =	stream.strided.scatter [tilespmem:s8], [sflag:$0x1], $0x200, s16, s26, $0x38;
	[tilespmem:$0x19600] =	vst v63  }
0xcc: {  	s4 =	simm.s32 $0x4C00;
	s5 =	sld [smem:$0x7DA]  }
0xcd: {  	[hbm4b:s3+s26] =	stream.strided.scatter [tilespmem:s4], [sflag:$0x1], $0x200, s16, s26, $0x38;
	[tilespmem:$0x19600] =	vst v63  }
0xce: {  	s6 =	simm.s32 $0x4E00;
	s7 =	sld [smem:$0x7DB]  }
0xcf: {  	[hbm4b:s5+s26] =	stream.strided.scatter [tilespmem:s6], [sflag:$0x1], $0x200, s16, s26, $0x38;
	[tilespmem:$0x19600] =	vst v63  }
0xd0: {  	s8 =	simm.s32 $0x5000;
	s3 =	sld [smem:$0x7DC]  }
0xd1: {  	[hbm4b:s7+s26] =	stream.strided.scatter [tilespmem:s8], [sflag:$0x1], $0x200, s16, s26, $0x38;
	[tilespmem:$0x19600] =	vst v63  }
0xd2: {  	s4 =	simm.s32 $0x5200;
	s5 =	sld [smem:$0x7DD]  }
0xd3: {  	[hbm4b:s3+s26] =	stream.strided.scatter [tilespmem:s4], [sflag:$0x1], $0x200, s16, s26, $0x38;
	[tilespmem:$0x19600] =	vst v63  }
0xd4: {  	s6 =	simm.s32 $0x5400;
	s7 =	rddreg [dreg:$0xd]  }
0xd5: {  	[hbm4b:s5+s26] =	stream.strided.scatter [tilespmem:s6], [sflag:$0x1], $0x200, s16, s26, $0x38;
	[tilespmem:$0x19600] =	vst v63  }
0xd6: {  	s8 =	simm.s32 $0x5600;
	s3 =	sld [smem:$0x7DE]  }
0xd7: {  	[hbm4b:s7+s26] =	stream.strided.scatter [tilespmem:s8], [sflag:$0x1], $0x200, s16, s26, $0x38;
	[tilespmem:$0x19600] =	vst v63  }
0xd8: {  	s4 =	simm.s32 $0x5800;
	s5 =	sld [smem:$0x7DF]  }
0xd9: {  	[hbm4b:s3+s26] =	stream.strided.scatter [tilespmem:s4], [sflag:$0x1], $0x200, s16, s26, $0x38;
	[tilespmem:$0x19600] =	vst v63  }
0xda: {  	s6 =	simm.s32 $0x5A00;
	s7 =	sld [smem:$0x7E0]  }
0xdb: {  	[hbm4b:s5+s26] =	stream.strided.scatter [tilespmem:s6], [sflag:$0x1], $0x200, s16, s26, $0x38;
	[tilespmem:$0x19600] =	vst v63  }
0xdc: {  	s8 =	simm.s32 $0x5C00;
	s3 =	sld [smem:$0x7E1]  }
0xdd: {  	[hbm4b:s7+s26] =	stream.strided.scatter [tilespmem:s8], [sflag:$0x1], $0x200, s16, s26, $0x38;
	[tilespmem:$0x19600] =	vst v63  }
0xde: {  	s4 =	simm.s32 $0x5E00;
	s5 =	sld [smem:$0x7E2]  }
0xdf: {  	[hbm4b:s3+s26] =	stream.strided.scatter [tilespmem:s4], [sflag:$0x1], $0x200, s16, s26, $0x38;
	[tilespmem:$0x19600] =	vst v63  }
0xe0: {  	s6 =	simm.s32 $0x6000;
	s7 =	sld [smem:$0x7E3]  }
0xe1: {  	[hbm4b:s5+s26] =	stream.strided.scatter [tilespmem:s6], [sflag:$0x1], $0x200, s16, s26, $0x38;
	[tilespmem:$0x19600] =	vst v63  }
0xe2: {  	s2 =	sld [smem:$0x7E4];
	s8 =	simm.s32 $0x6200  }
0xe3: {  	[hbm4b:s7+s26] =	stream.strided.scatter [tilespmem:s8], [sflag:$0x1], $0x200, s16, s26, $0x38;
	[tilespmem:$0x19600] =	vst v63  }
0xe4: {  	s3 =	simm.s32 $0x6400  }
0xe5: {  	[hbm4b:s2+s26] =	stream.strided.scatter [tilespmem:s3], [sflag:$0x1], $0x200, s16, s26, $0x38;
	[tilespmem:$0x19600] =	vst v63  }
0xe6: {  	_ =	swait.ge [sflag:s29], $0x3000  }
0xe7: {  	[sflag:s29] =	ssyncset.done $0x0  }
0xe8: {  	s4 =	rddreg [dreg:$0xe];
	[sflag:s29] =	ssyncadd.s32 $0xFFFFD000  }
0xe9: {  	[hbm4b:s4+s17] =	stream.strided.scatter [tilespmem:s19], [sflag:$0x3], $0x3000, s18, s17, $0x38;
	[tilespmem:$0x19600] =	vst v63  }
0xea: {  	_ =	swait.ge [sflag:s29], $0x3000  }
0xeb: {  	[sflag:s29] =	ssyncset.done $0x0  }
0xec: {  	s5 =	rddreg [dreg:$0xf];
	[sflag:s29] =	ssyncadd.s32 $0xFFFFD000  }
0xed: {  	[hbm4b:s5+s17] =	stream.strided.scatter [tilespmem:s20], [sflag:$0x3], $0x3000, s18, s17, $0x38;
	[tilespmem:$0x19600] =	vst v63  }
0xee: {  	_ =	swait.ge [sflag:s29], $0x3000  }
0xef: {  	s7 =	simm.s32 $0x0;
	[sflag:s29] =	ssyncset.done $0x0  }
0xf0: {  	s2 =	sand.u32 $0x1F0, s7;
	s6 =	rddreg [dreg:$0x10];
	[sflag:s29] =	ssyncadd.s32 $0xFFFFD000  }
0xf1: {  	[hbm4b:s6+s17] =	stream.strided.scatter [tilespmem:s22], [sflag:$0x3], $0x3000, s18, s17, $0x38;
	[tilespmem:$0x19600] =	vst v63  }
0xf2: {  	v0 =	vld [tilespmem:s2+$0x200];
	_ =	sdelay $0x4  }
0xf3: {  	v14 =	vshll.u32 v0, $0x4  }
0xf4: {  	v1 =	vor.u32 $0x1, v14  }
0xf5: {  	s8 =	simm.s32 $0x10;
	v2 =	vor.u32 $0x2, v14  }
0xf6: {  	s0 =	sand.u32 $0x1F0, s8;
	v3 =	vor.u32 $0x3, v14  }
0xf7: {  	v5 =	vld [tilespmem:s0+$0x200];
	v4 =	vor.u32 $0x4, v14  }
0xf8: {  	v6 =	vor.u32 $0x5, v14;
	v0 =	vld.idx.msk [tilespmem:v14+s15+$0x0], $0xffff  }
0xf9: {  	v11 =	vor.u32 $0x9, v14;
	v13 =	vld.idx.msk [tilespmem:v1+s15+$0x0], $0xffff  }
0xfa: {  	v1 =	vor.u32 $0x6, v14;
	v12 =	vld.idx.msk [tilespmem:v2+s15+$0x0], $0xffff  }
0xfb: {  	v2 =	vor.u32 $0x7, v14;
	v10 =	vld.idx.msk [tilespmem:v3+s15+$0x0], $0xffff  }
0xfc: {  	v8 =	vor.u32 $0x8, v14;
	v9 =	vld.idx.msk [tilespmem:v4+s15+$0x0], $0xffff  }
0xfd: {  	v4 =	vor.u32 $0xF, v14;
	v7 =	vld.idx.msk [tilespmem:v6+s15+$0x0], $0xffff  }
0xfe: {  	v16 =	vor.u32 $0xB, v14;
	v11 =	vld.idx.msk [tilespmem:v11+s15+$0x0], $0xffff  }
0xff: {  	v6 =	vld.idx.msk [tilespmem:v1+s15+$0x0], $0xffff;
	v1 =	vor.u32 $0xA, v14  }
0x100: {  	v19 =	vor.u32 $0xD, v14;
	v3 =	vld.idx.msk [tilespmem:v2+s15+$0x0], $0xffff  }
0x101: {  	v17 =	vor.u32 $0xC, v14;
	v2 =	vld.idx.msk [tilespmem:v8+s15+$0x0], $0xffff  }
0x102: {  	v18 =	vor.u32 $0xE, v14;
	v15 =	vld.idx.msk [tilespmem:v4+s15+$0x0], $0xffff  }
0x103: {  	v4 =	vld.idx.msk [tilespmem:v16+s15+$0x0], $0xffff  }
0x104: {  	v8 =	vld.idx.msk [tilespmem:v1+s15+$0x0], $0xffff;
	v1 =	vshll.u32 v5, $0x4  }
0x105: {  	v14 =	vld.idx.msk [tilespmem:v19+s15+$0x0], $0xffff;
	v16 =	vor.u32 $0x1, v1  }
0x106: {  	s3 =	simm.s32 $0x20;
	v5 =	vld.idx.msk [tilespmem:v17+s15+$0x0], $0xffff;
	v17 =	vor.u32 $0x2, v1  }
.LBB2_4:
0x107: {  	s4 =	sand.u32 $0x1F0, s3;
	p0 =	sne.s32 s3, $0x1F0;
	v19 =	vor.u32 $0x3, v1;
	v20 =	vld.idx.msk [tilespmem:v18+s15+$0x0], $0xffff;
	[tilespmem:s2+$0x8400] =	vst v15  }
0x108: {  	v15 =	vor.u32 $0x4, v1;
	v21 =	vld [tilespmem:s4+$0x200];
	[tilespmem:s2+$0x6800] =	vst v13  }
0x109: {  	v18 =	vor.u32 $0x5, v1;
	v22 =	vld.idx.msk [tilespmem:v1+s15+$0x0], $0xffff;
	[tilespmem:s2+$0x6A00] =	vst v12  }
0x10a: {  	v13 =	vld.idx.msk [tilespmem:v16+s15+$0x0], $0xffff;
	v16 =	vor.u32 $0x6, v1;
	[tilespmem:s2+$0x6C00] =	vst v10  }
0x10b: {  	v12 =	vld.idx.msk [tilespmem:v17+s15+$0x0], $0xffff;
	v17 =	vor.u32 $0x7, v1;
	[tilespmem:s2+$0x6E00] =	vst v9  }
0x10c: {  	v10 =	vld.idx.msk [tilespmem:v19+s15+$0x0], $0xffff;
	v19 =	vor.u32 $0x8, v1;
	[tilespmem:s2+$0x7000] =	vst v7  }
0x10d: {  	v9 =	vld.idx.msk [tilespmem:v15+s15+$0x0], $0xffff;
	v15 =	vor.u32 $0xF, v1;
	[tilespmem:s2+$0x7200] =	vst v6  }
0x10e: {  	v7 =	vld.idx.msk [tilespmem:v18+s15+$0x0], $0xffff;
	v18 =	vor.u32 $0x9, v1;
	[tilespmem:s2+$0x7400] =	vst v3  }
0x10f: {  	v6 =	vld.idx.msk [tilespmem:v16+s15+$0x0], $0xffff;
	v16 =	vor.u32 $0xA, v1;
	[tilespmem:s2+$0x7600] =	vst v2  }
0x110: {  	v3 =	vld.idx.msk [tilespmem:v17+s15+$0x0], $0xffff;
	v17 =	vor.u32 $0xB, v1;
	[tilespmem:s2+$0x7800] =	vst v11  }
0x111: {  	v2 =	vld.idx.msk [tilespmem:v19+s15+$0x0], $0xffff;
	v19 =	vor.u32 $0xC, v1;
	[tilespmem:s2+$0x7A00] =	vst v8  }
0x112: {  	v23 =	vor.u32 $0xD, v1;
	v15 =	vld.idx.msk [tilespmem:v15+s15+$0x0], $0xffff;
	[tilespmem:s2+$0x7C00] =	vst v4  }
.Ltmp1:
0x113: {  	v11 =	vld.idx.msk [tilespmem:v18+s15+$0x0], $0xffff;
	v18 =	vor.u32 $0xE, v1;
	[tilespmem:s2+$0x7E00] =	vst v5;
	(pc) =	sbr.rel @p0 .LBB2_4-.Ltmp1, $4  }
0x114: {  	v8 =	vld.idx.msk [tilespmem:v16+s15+$0x0], $0xffff;
	[tilespmem:s2+$0x8000] =	vst v14  }
0x115: {  	v1 =	vshll.u32 v21, $0x4;
	v4 =	vld.idx.msk [tilespmem:v17+s15+$0x0], $0xffff;
	[tilespmem:s2+$0x8200] =	vst v20  }
0x116: {  	v16 =	vor.u32 $0x1, v1;
	v5 =	vld.idx.msk [tilespmem:v19+s15+$0x0], $0xffff;
	[tilespmem:s2+$0x6600] =	vst v0;
	v0 =	vmov v22;
	s2 =	smov.u32 s0;
	s0 =	smov.u32 s4  }
0x117: {  	s3 =	sadd.s32 $0x10, s3;
	v17 =	vor.u32 $0x2, v1;
	v14 =	vld.idx.msk [tilespmem:v23+s15+$0x0], $0xffff  }
0x118: {  	_ =	sdelay $0x2  }
0x119: {  	v19 =	vor.u32 $0x3, v1  }
0x11a: {  	v18 =	vld.idx.msk [tilespmem:v18+s15+$0x0], $0xffff;
	v20 =	vor.u32 $0x4, v1;
	[tilespmem:s2+$0x8400] =	vst v15  }
0x11b: {  	v15 =	vld.idx.msk [tilespmem:v1+s15+$0x0], $0xffff;
	v21 =	vor.u32 $0x5, v1;
	[tilespmem:s2+$0x6800] =	vst v13  }
0x11c: {  	v13 =	vld.idx.msk [tilespmem:v16+s15+$0x0], $0xffff;
	v16 =	vor.u32 $0x6, v1;
	[tilespmem:s2+$0x6A00] =	vst v12  }
0x11d: {  	v12 =	vld.idx.msk [tilespmem:v17+s15+$0x0], $0xffff;
	v17 =	vor.u32 $0x7, v1;
	[tilespmem:s2+$0x6C00] =	vst v10  }
0x11e: {  	[tilespmem:s2+$0x6E00] =	vst v9;
	v63 =	vor.u32 $0x9, v1;
	v10 =	vld.idx.msk [tilespmem:v19+s15+$0x0], $0xffff  }
0x11f: {  	[tilespmem:s2+$0x7000] =	vst v7;
	v19 =	vor.u32 $0x8, v1;
	v9 =	vld.idx.msk [tilespmem:v20+s15+$0x0], $0xffff  }
0x120: {  	[tilespmem:s2+$0x7200] =	vst v6;
	v20 =	vor.u32 $0xF, v1;
	v7 =	vld.idx.msk [tilespmem:v21+s15+$0x0], $0xffff  }
0x121: {  	[tilespmem:s2+$0x7800] =	vst v11;
	v11 =	vor.u32 $0xD, v1;
	v6 =	vld.idx.msk [tilespmem:v16+s15+$0x0], $0xffff  }
0x122: {  	[tilespmem:s2+$0x7400] =	vst v3;
	v16 =	vor.u32 $0xA, v1;
	v3 =	vld.idx.msk [tilespmem:v17+s15+$0x0], $0xffff  }
0x123: {  	[tilespmem:s2+$0x7A00] =	vst v8;
	v17 =	vor.u32 $0xB, v1;
	v8 =	vld.idx.msk [tilespmem:v63+s15+$0x0], $0xffff  }
0x124: {  	[tilespmem:s2+$0x7600] =	vst v2;
	v2 =	vld.idx.msk [tilespmem:v19+s15+$0x0], $0xffff;
	v19 =	vor.u32 $0xC, v1  }
0x125: {  	[tilespmem:s2+$0x6600] =	vst v0;
	v20 =	vld.idx.msk [tilespmem:v20+s15+$0x0], $0xffff;
	v1 =	vor.u32 $0xE, v1  }
0x126: {  	[tilespmem:s2+$0x7C00] =	vst v4;
	v11 =	vld.idx.msk [tilespmem:v11+s15+$0x0], $0xffff  }
0x127: {  	[tilespmem:s2+$0x7E00] =	vst v5;
	v4 =	vld.idx.msk [tilespmem:v16+s15+$0x0], $0xffff  }
0x128: {  	[tilespmem:s2+$0x8000] =	vst v14;
	v5 =	vld.idx.msk [tilespmem:v17+s15+$0x0], $0xffff  }
0x129: {  	[tilespmem:s2+$0x8200] =	vst v18;
	v14 =	vld.idx.msk [tilespmem:v19+s15+$0x0], $0xffff  }
0x12a: {  	v0 =	vld.idx.msk [tilespmem:v1+s15+$0x0], $0xffff;
	[tilespmem:s0+$0x8400] =	vst v20  }
0x12b: {  	[tilespmem:s0+$0x6800] =	vst v13  }
0x12c: {  	[tilespmem:s0+$0x6A00] =	vst v12  }
0x12d: {  	[tilespmem:s0+$0x6C00] =	vst v10  }
0x12e: {  	[tilespmem:s0+$0x6E00] =	vst v9  }
0x12f: {  	[tilespmem:s0+$0x7000] =	vst v7  }
0x130: {  	[tilespmem:s0+$0x7200] =	vst v6  }
0x131: {  	[tilespmem:s0+$0x7400] =	vst v3  }
0x132: {  	[tilespmem:s0+$0x7600] =	vst v2  }
0x133: {  	[tilespmem:s0+$0x7800] =	vst v8  }
0x134: {  	[tilespmem:s0+$0x7A00] =	vst v4  }
0x135: {  	[tilespmem:s0+$0x7C00] =	vst v5  }
0x136: {  	[tilespmem:s0+$0x8000] =	vst v11  }
0x137: {  	[tilespmem:s0+$0x6600] =	vst v15  }
0x138: {  	[tilespmem:s0+$0x7E00] =	vst v14  }
0x139: {  	[tilespmem:s0+$0x8200] =	vst v0  }
0x13a: {  	s0 =	rddreg [dreg:$0x11]  }
0x13b: {  	s8 =	simm.s32 $0x6600;
	s3 =	sld [smem:$0x7E5]  }
0x13c: {  	[hbm4b:s0+s26] =	stream.strided.scatter [tilespmem:s8], [sflag:$0x1], $0x200, s16, s26, $0x38;
	[tilespmem:$0x19600] =	vst v63  }
0x13d: {  	s4 =	simm.s32 $0x6800;
	s5 =	sld [smem:$0x7E6]  }
0x13e: {  	[hbm4b:s3+s26] =	stream.strided.scatter [tilespmem:s4], [sflag:$0x1], $0x200, s16, s26, $0x38;
	[tilespmem:$0x19600] =	vst v63  }
0x13f: {  	s6 =	simm.s32 $0x6A00;
	s7 =	sld [smem:$0x7E7]  }
0x140: {  	[hbm4b:s5+s26] =	stream.strided.scatter [tilespmem:s6], [sflag:$0x1], $0x200, s16, s26, $0x38;
	[tilespmem:$0x19600] =	vst v63  }
0x141: {  	s8 =	simm.s32 $0x6C00;
	s3 =	sld [smem:$0x7E8]  }
0x142: {  	[hbm4b:s7+s26] =	stream.strided.scatter [tilespmem:s8], [sflag:$0x1], $0x200, s16, s26, $0x38;
	[tilespmem:$0x19600] =	vst v63  }
0x143: {  	s4 =	simm.s32 $0x6E00;
	s5 =	sld [smem:$0x7E9]  }
0x144: {  	[hbm4b:s3+s26] =	stream.strided.scatter [tilespmem:s4], [sflag:$0x1], $0x200, s16, s26, $0x38;
	[tilespmem:$0x19600] =	vst v63  }
0x145: {  	s6 =	simm.s32 $0x7000;
	s7 =	sld [smem:$0x7EA]  }
0x146: {  	[hbm4b:s5+s26] =	stream.strided.scatter [tilespmem:s6], [sflag:$0x1], $0x200, s16, s26, $0x38;
	[tilespmem:$0x19600] =	vst v63  }
0x147: {  	s8 =	simm.s32 $0x7200;
	s3 =	sld [smem:$0x7EB]  }
0x148: {  	[hbm4b:s7+s26] =	stream.strided.scatter [tilespmem:s8], [sflag:$0x1], $0x200, s16, s26, $0x38;
	[tilespmem:$0x19600] =	vst v63  }
0x149: {  	s4 =	simm.s32 $0x7400;
	s5 =	rddreg [dreg:$0x12]  }
0x14a: {  	[hbm4b:s3+s26] =	stream.strided.scatter [tilespmem:s4], [sflag:$0x1], $0x200, s16, s26, $0x38;
	[tilespmem:$0x19600] =	vst v63  }
0x14b: {  	s6 =	simm.s32 $0x7600;
	s7 =	sld [smem:$0x7EC]  }
0x14c: {  	[hbm4b:s5+s26] =	stream.strided.scatter [tilespmem:s6], [sflag:$0x1], $0x200, s16, s26, $0x38;
	[tilespmem:$0x19600] =	vst v63  }
0x14d: {  	s8 =	simm.s32 $0x7800;
	s3 =	sld [smem:$0x7ED]  }
0x14e: {  	[hbm4b:s7+s26] =	stream.strided.scatter [tilespmem:s8], [sflag:$0x1], $0x200, s16, s26, $0x38;
	[tilespmem:$0x19600] =	vst v63  }
0x14f: {  	s4 =	simm.s32 $0x7A00;
	s5 =	sld [smem:$0x7EE]  }
0x150: {  	[hbm4b:s3+s26] =	stream.strided.scatter [tilespmem:s4], [sflag:$0x1], $0x200, s16, s26, $0x38;
	[tilespmem:$0x19600] =	vst v63  }
0x151: {  	s6 =	simm.s32 $0x7C00;
	s7 =	sld [smem:$0x7EF]  }
0x152: {  	[hbm4b:s5+s26] =	stream.strided.scatter [tilespmem:s6], [sflag:$0x1], $0x200, s16, s26, $0x38;
	[tilespmem:$0x19600] =	vst v63  }
0x153: {  	s8 =	simm.s32 $0x7E00;
	s3 =	sld [smem:$0x7F0]  }
0x154: {  	[hbm4b:s7+s26] =	stream.strided.scatter [tilespmem:s8], [sflag:$0x1], $0x200, s16, s26, $0x38;
	[tilespmem:$0x19600] =	vst v63  }
0x155: {  	s4 =	simm.s32 $0x8000;
	s5 =	sld [smem:$0x7F1]  }
0x156: {  	[hbm4b:s3+s26] =	stream.strided.scatter [tilespmem:s4], [sflag:$0x1], $0x200, s16, s26, $0x38;
	[tilespmem:$0x19600] =	vst v63  }
0x157: {  	s6 =	simm.s32 $0x8200;
	s7 =	sld [smem:$0x7F2]  }
0x158: {  	[hbm4b:s5+s26] =	stream.strided.scatter [tilespmem:s6], [sflag:$0x1], $0x200, s16, s26, $0x38;
	[tilespmem:$0x19600] =	vst v63  }
0x159: {  	s8 =	simm.s32 $0x8400  }
0x15a: {  	[hbm4b:s7+s26] =	stream.strided.scatter [tilespmem:s8], [sflag:$0x1], $0x200, s16, s26, $0x38;
	[tilespmem:$0x19600] =	vst v63  }
0x15b: {  	_ =	swait.ge [sflag:s30], $0x3000  }
0x15c: {  	[sflag:s30] =	ssyncset.done $0x0  }
0x15d: {  	s3 =	rddreg [dreg:$0x15];
	[sflag:s30] =	ssyncadd.s32 $0xFFFFD000  }
0x15e: {  	[tilespmem:s19], [sflag:$0x2] =	stream.strided.gather [hbm4b:s3+s17], $0x3000, s18, s17, $0x38;
	[tilespmem:$0x19600] =	vst v63  }
0x15f: {  	_ =	swait.ge [sflag:s30], $0x3000  }
0x160: {  	[sflag:s30] =	ssyncset.done $0x0  }
0x161: {  	s4 =	rddreg [dreg:$0x16];
	[sflag:s30] =	ssyncadd.s32 $0xFFFFD000  }
0x162: {  	[tilespmem:s20], [sflag:$0x2] =	stream.strided.gather [hbm4b:s4+s17], $0x3000, s18, s17, $0x38;
	[tilespmem:$0x19600] =	vst v63  }
0x163: {  	_ =	swait.ge [sflag:s29], $0x3000  }
0x164: {  	[sflag:s29] =	ssyncset.done $0x0  }
0x165: {  	s5 =	rddreg [dreg:$0x13];
	[sflag:s29] =	ssyncadd.s32 $0xFFFFD000  }
0x166: {  	[hbm4b:s5+s17] =	stream.strided.scatter [tilespmem:s23], [sflag:$0x3], $0x3000, s18, s17, $0x38;
	[tilespmem:$0x19600] =	vst v63  }
0x167: {  	_ =	swait.ge [sflag:s29], $0x3000  }
0x168: {  	s7 =	simm.s32 $0x0;
	[sflag:s29] =	ssyncset.done $0x0  }
0x169: {  	s2 =	sand.u32 $0x1F0, s7;
	s6 =	rddreg [dreg:$0x14];
	[sflag:s29] =	ssyncadd.s32 $0xFFFFD000  }
0x16a: {  	[hbm4b:s6+s17] =	stream.strided.scatter [tilespmem:s24], [sflag:$0x3], $0x3000, s18, s17, $0x38;
	[tilespmem:$0x19600] =	vst v63  }
0x16b: {  	v0 =	vld [tilespmem:s2+$0x400];
	_ =	sdelay $0x4  }
0x16c: {  	v14 =	vshll.u32 v0, $0x4  }
0x16d: {  	v1 =	vor.u32 $0x1, v14  }
0x16e: {  	s8 =	simm.s32 $0x10;
	v2 =	vor.u32 $0x2, v14  }
0x16f: {  	s0 =	sand.u32 $0x1F0, s8;
	v3 =	vor.u32 $0x3, v14  }
0x170: {  	v5 =	vld [tilespmem:s0+$0x400];
	v4 =	vor.u32 $0x4, v14  }
0x171: {  	v6 =	vor.u32 $0x5, v14;
	v0 =	vld.idx.msk [tilespmem:v14+s15+$0x0], $0xffff  }
0x172: {  	v11 =	vor.u32 $0x9, v14;
	v13 =	vld.idx.msk [tilespmem:v1+s15+$0x0], $0xffff  }
0x173: {  	v1 =	vor.u32 $0x6, v14;
	v12 =	vld.idx.msk [tilespmem:v2+s15+$0x0], $0xffff  }
0x174: {  	v2 =	vor.u32 $0x7, v14;
	v10 =	vld.idx.msk [tilespmem:v3+s15+$0x0], $0xffff  }
0x175: {  	v8 =	vor.u32 $0x8, v14;
	v9 =	vld.idx.msk [tilespmem:v4+s15+$0x0], $0xffff  }
0x176: {  	v4 =	vor.u32 $0xF, v14;
	v7 =	vld.idx.msk [tilespmem:v6+s15+$0x0], $0xffff  }
0x177: {  	v16 =	vor.u32 $0xB, v14;
	v11 =	vld.idx.msk [tilespmem:v11+s15+$0x0], $0xffff  }
0x178: {  	v6 =	vld.idx.msk [tilespmem:v1+s15+$0x0], $0xffff;
	v1 =	vor.u32 $0xA, v14  }
0x179: {  	v19 =	vor.u32 $0xD, v14;
	v3 =	vld.idx.msk [tilespmem:v2+s15+$0x0], $0xffff  }
0x17a: {  	v17 =	vor.u32 $0xC, v14;
	v2 =	vld.idx.msk [tilespmem:v8+s15+$0x0], $0xffff  }
0x17b: {  	v18 =	vor.u32 $0xE, v14;
	v15 =	vld.idx.msk [tilespmem:v4+s15+$0x0], $0xffff  }
0x17c: {  	v4 =	vld.idx.msk [tilespmem:v16+s15+$0x0], $0xffff  }
0x17d: {  	v8 =	vld.idx.msk [tilespmem:v1+s15+$0x0], $0xffff;
	v1 =	vshll.u32 v5, $0x4  }
0x17e: {  	v14 =	vld.idx.msk [tilespmem:v19+s15+$0x0], $0xffff;
	v16 =	vor.u32 $0x1, v1  }
0x17f: {  	s3 =	simm.s32 $0x20;
	v5 =	vld.idx.msk [tilespmem:v17+s15+$0x0], $0xffff;
	v17 =	vor.u32 $0x2, v1  }
.LBB2_6:
0x180: {  	s4 =	sand.u32 $0x1F0, s3;
	p0 =	sne.s32 s3, $0x1F0;
	v19 =	vor.u32 $0x3, v1;
	v20 =	vld.idx.msk [tilespmem:v18+s15+$0x0], $0xffff;
	[tilespmem:s2+$0xA400] =	vst v15  }
0x181: {  	v15 =	vor.u32 $0x4, v1;
	v21 =	vld [tilespmem:s4+$0x400];
	[tilespmem:s2+$0x8800] =	vst v13  }
0x182: {  	v18 =	vor.u32 $0x5, v1;
	v22 =	vld.idx.msk [tilespmem:v1+s15+$0x0], $0xffff;
	[tilespmem:s2+$0x8A00] =	vst v12  }
0x183: {  	v13 =	vld.idx.msk [tilespmem:v16+s15+$0x0], $0xffff;
	v16 =	vor.u32 $0x6, v1;
	[tilespmem:s2+$0x8C00] =	vst v10  }
0x184: {  	v12 =	vld.idx.msk [tilespmem:v17+s15+$0x0], $0xffff;
	v17 =	vor.u32 $0x7, v1;
	[tilespmem:s2+$0x8E00] =	vst v9  }
0x185: {  	v10 =	vld.idx.msk [tilespmem:v19+s15+$0x0], $0xffff;
	v19 =	vor.u32 $0x8, v1;
	[tilespmem:s2+$0x9000] =	vst v7  }
0x186: {  	v9 =	vld.idx.msk [tilespmem:v15+s15+$0x0], $0xffff;
	v15 =	vor.u32 $0xF, v1;
	[tilespmem:s2+$0x9200] =	vst v6  }
0x187: {  	v7 =	vld.idx.msk [tilespmem:v18+s15+$0x0], $0xffff;
	v18 =	vor.u32 $0x9, v1;
	[tilespmem:s2+$0x9400] =	vst v3  }
0x188: {  	v6 =	vld.idx.msk [tilespmem:v16+s15+$0x0], $0xffff;
	v16 =	vor.u32 $0xA, v1;
	[tilespmem:s2+$0x9600] =	vst v2  }
0x189: {  	v3 =	vld.idx.msk [tilespmem:v17+s15+$0x0], $0xffff;
	v17 =	vor.u32 $0xB, v1;
	[tilespmem:s2+$0x9800] =	vst v11  }
0x18a: {  	v2 =	vld.idx.msk [tilespmem:v19+s15+$0x0], $0xffff;
	v19 =	vor.u32 $0xC, v1;
	[tilespmem:s2+$0x9A00] =	vst v8  }
0x18b: {  	v23 =	vor.u32 $0xD, v1;
	v15 =	vld.idx.msk [tilespmem:v15+s15+$0x0], $0xffff;
	[tilespmem:s2+$0x9C00] =	vst v4  }
.Ltmp2:
0x18c: {  	v11 =	vld.idx.msk [tilespmem:v18+s15+$0x0], $0xffff;
	v18 =	vor.u32 $0xE, v1;
	[tilespmem:s2+$0x9E00] =	vst v5;
	(pc) =	sbr.rel @p0 .LBB2_6-.Ltmp2, $4  }
0x18d: {  	v8 =	vld.idx.msk [tilespmem:v16+s15+$0x0], $0xffff;
	[tilespmem:s2+$0xA000] =	vst v14  }
0x18e: {  	v1 =	vshll.u32 v21, $0x4;
	v4 =	vld.idx.msk [tilespmem:v17+s15+$0x0], $0xffff;
	[tilespmem:s2+$0xA200] =	vst v20  }
0x18f: {  	v16 =	vor.u32 $0x1, v1;
	v5 =	vld.idx.msk [tilespmem:v19+s15+$0x0], $0xffff;
	[tilespmem:s2+$0x8600] =	vst v0;
	v0 =	vmov v22;
	s2 =	smov.u32 s0;
	s0 =	smov.u32 s4  }
0x190: {  	s3 =	sadd.s32 $0x10, s3;
	v17 =	vor.u32 $0x2, v1;
	v14 =	vld.idx.msk [tilespmem:v23+s15+$0x0], $0xffff  }
0x191: {  	_ =	sdelay $0x2  }
0x192: {  	v19 =	vor.u32 $0x3, v1  }
0x193: {  	v18 =	vld.idx.msk [tilespmem:v18+s15+$0x0], $0xffff;
	v20 =	vor.u32 $0x4, v1;
	[tilespmem:s2+$0xA400] =	vst v15  }
0x194: {  	v40 =	vld.idx.msk [tilespmem:v1+s15+$0x0], $0xffff;
	v21 =	vor.u32 $0x5, v1;
	[tilespmem:s2+$0x8800] =	vst v13  }
0x195: {  	v41 =	vld.idx.msk [tilespmem:v16+s15+$0x0], $0xffff;
	v42 =	vor.u32 $0x6, v1;
	[tilespmem:s2+$0x8A00] =	vst v12  }
0x196: {  	v43 =	vld.idx.msk [tilespmem:v17+s15+$0x0], $0xffff;
	v44 =	vor.u32 $0x7, v1;
	[tilespmem:s2+$0x8C00] =	vst v10  }
0x197: {  	v46 =	vor.u32 $0x8, v1;
	[tilespmem:s2+$0x8E00] =	vst v9;
	v45 =	vld.idx.msk [tilespmem:v19+s15+$0x0], $0xffff  }
0x198: {  	v48 =	vor.u32 $0xF, v1;
	[tilespmem:s2+$0x9000] =	vst v7;
	v47 =	vld.idx.msk [tilespmem:v20+s15+$0x0], $0xffff  }
0x199: {  	v50 =	vor.u32 $0x9, v1;
	[tilespmem:s2+$0x9200] =	vst v6;
	v49 =	vld.idx.msk [tilespmem:v21+s15+$0x0], $0xffff  }
0x19a: {  	v52 =	vor.u32 $0xA, v1;
	[tilespmem:s2+$0x9400] =	vst v3;
	v51 =	vld.idx.msk [tilespmem:v42+s15+$0x0], $0xffff  }
0x19b: {  	v54 =	vor.u32 $0xB, v1;
	[tilespmem:s2+$0x9600] =	vst v2;
	v53 =	vld.idx.msk [tilespmem:v44+s15+$0x0], $0xffff  }
0x19c: {  	v56 =	vor.u32 $0xC, v1;
	[tilespmem:s2+$0x9800] =	vst v11;
	v55 =	vld.idx.msk [tilespmem:v46+s15+$0x0], $0xffff  }
0x19d: {  	v57 =	vor.u32 $0xD, v1;
	[tilespmem:s2+$0x8600] =	vst v0;
	v20 =	vld.idx.msk [tilespmem:v48+s15+$0x0], $0xffff  }
0x19e: {  	v59 =	vor.u32 $0xE, v1;
	[tilespmem:s2+$0x9A00] =	vst v8;
	v58 =	vld.idx.msk [tilespmem:v50+s15+$0x0], $0xffff  }
0x19f: {  	[tilespmem:s2+$0x9C00] =	vst v4;
	v60 =	vld.idx.msk [tilespmem:v52+s15+$0x0], $0xffff  }
0x1a0: {  	[tilespmem:s2+$0x9E00] =	vst v5;
	v61 =	vld.idx.msk [tilespmem:v54+s15+$0x0], $0xffff  }
0x1a1: {  	[tilespmem:s2+$0xA000] =	vst v14;
	v62 =	vld.idx.msk [tilespmem:v56+s15+$0x0], $0xffff  }
0x1a2: {  	[tilespmem:s2+$0xA200] =	vst v18;
	v11 =	vld.idx.msk [tilespmem:v57+s15+$0x0], $0xffff  }
0x1a3: {  	v63 =	vld.idx.msk [tilespmem:v59+s15+$0x0], $0xffff;
	[tilespmem:s0+$0x8800] =	vst v41  }
0x1a4: {  	[tilespmem:s0+$0x8A00] =	vst v43  }
0x1a5: {  	[tilespmem:s0+$0x8600] =	vst v40  }
0x1a6: {  	[tilespmem:s0+$0xA400] =	vst v20  }
0x1a7: {  	[tilespmem:s0+$0x8C00] =	vst v45  }
0x1a8: {  	[tilespmem:s0+$0x8E00] =	vst v47  }
0x1a9: {  	[tilespmem:s0+$0x9000] =	vst v49  }
0x1aa: {  	[tilespmem:s0+$0x9200] =	vst v51  }
0x1ab: {  	[tilespmem:s0+$0x9400] =	vst v53  }
0x1ac: {  	[tilespmem:s0+$0x9600] =	vst v55  }
0x1ad: {  	[tilespmem:s0+$0x9800] =	vst v58  }
0x1ae: {  	[tilespmem:s0+$0x9A00] =	vst v60  }
0x1af: {  	[tilespmem:s0+$0x9C00] =	vst v61  }
0x1b0: {  	[tilespmem:s0+$0x9E00] =	vst v62  }
0x1b1: {  	[tilespmem:s0+$0xA000] =	vst v11  }
0x1b2: {  	[tilespmem:s0+$0xA200] =	vst v63  }
0x1b3: {  	s0 =	sld [smem:$0x7F3];
	_ =	sdelay $0x1  }
0x1b4: {  	s8 =	simm.s32 $0x8600;
	s3 =	sld [smem:$0x7F4]  }
0x1b5: {  	[hbm4b:s0+s26] =	stream.strided.scatter [tilespmem:s8], [sflag:$0x1], $0x200, s16, s26, $0x38;
	[tilespmem:$0x19600] =	vst v63  }
0x1b6: {  	s4 =	simm.s32 $0x8800;
	s5 =	sld [smem:$0x7F5]  }
0x1b7: {  	[hbm4b:s3+s26] =	stream.strided.scatter [tilespmem:s4], [sflag:$0x1], $0x200, s16, s26, $0x38;
	[tilespmem:$0x19600] =	vst v63  }
0x1b8: {  	s6 =	simm.s32 $0x8A00;
	s7 =	sld [smem:$0x7F6]  }
0x1b9: {  	[hbm4b:s5+s26] =	stream.strided.scatter [tilespmem:s6], [sflag:$0x1], $0x200, s16, s26, $0x38;
	[tilespmem:$0x19600] =	vst v63  }
0x1ba: {  	s8 =	simm.s32 $0x8C00;
	s3 =	sld [smem:$0x7F7]  }
0x1bb: {  	[hbm4b:s7+s26] =	stream.strided.scatter [tilespmem:s8], [sflag:$0x1], $0x200, s16, s26, $0x38;
	[tilespmem:$0x19600] =	vst v63  }
0x1bc: {  	s4 =	simm.s32 $0x8E00;
	s5 =	sld [smem:$0x7F8]  }
0x1bd: {  	[hbm4b:s3+s26] =	stream.strided.scatter [tilespmem:s4], [sflag:$0x1], $0x200, s16, s26, $0x38;
	[tilespmem:$0x19600] =	vst v63  }
0x1be: {  	s6 =	simm.s32 $0x9000;
	s7 =	sld [smem:$0x7F9]  }
0x1bf: {  	[hbm4b:s5+s26] =	stream.strided.scatter [tilespmem:s6], [sflag:$0x1], $0x200, s16, s26, $0x38;
	[tilespmem:$0x19600] =	vst v63  }
0x1c0: {  	s8 =	simm.s32 $0x9200;
	s3 =	sld [smem:$0x7FA]  }
0x1c1: {  	[hbm4b:s7+s26] =	stream.strided.scatter [tilespmem:s8], [sflag:$0x1], $0x200, s16, s26, $0x38;
	[tilespmem:$0x19600] =	vst v63  }
0x1c2: {  	s4 =	simm.s32 $0x9400;
	s5 =	sld [smem:$0x7FB]  }
0x1c3: {  	[hbm4b:s3+s26] =	stream.strided.scatter [tilespmem:s4], [sflag:$0x1], $0x200, s16, s26, $0x38;
	[tilespmem:$0x19600] =	vst v63  }
0x1c4: {  	s6 =	simm.s32 $0x9600;
	s7 =	sld [smem:$0x7FC]  }
0x1c5: {  	[hbm4b:s5+s26] =	stream.strided.scatter [tilespmem:s6], [sflag:$0x1], $0x200, s16, s26, $0x38;
	[tilespmem:$0x19600] =	vst v63  }
0x1c6: {  	s2 =	sld [smem:$0x7FD];
	s8 =	simm.s32 $0x9800  }
0x1c7: {  	[hbm4b:s7+s26] =	stream.strided.scatter [tilespmem:s8], [sflag:$0x1], $0x200, s16, s26, $0x38;
	[tilespmem:$0x19600] =	vst v63  }
0x1c8: {  	s3 =	simm.s32 $0x9A00  }
0x1c9: {  	[hbm4b:s2+s26] =	stream.strided.scatter [tilespmem:s3], [sflag:$0x1], $0x200, s16, s26, $0x38;
	[tilespmem:$0x19600] =	vst v63  }
0x1ca: {  	s4 =	simm.s32 $0x9C00  }
0x1cb: {  	[hbm4b:s9+s26] =	stream.strided.scatter [tilespmem:s4], [sflag:$0x1], $0x200, s16, s26, $0x38;
	[tilespmem:$0x19600] =	vst v63  }
0x1cc: {  	s5 =	simm.s32 $0x9E00  }
0x1cd: {  	[hbm4b:s11+s26] =	stream.strided.scatter [tilespmem:s5], [sflag:$0x1], $0x200, s16, s26, $0x38;
	[tilespmem:$0x19600] =	vst v63  }
0x1ce: {  	s6 =	simm.s32 $0xA000  }
0x1cf: {  	[hbm4b:s12+s26] =	stream.strided.scatter [tilespmem:s6], [sflag:$0x1], $0x200, s16, s26, $0x38;
	[tilespmem:$0x19600] =	vst v63  }
0x1d0: {  	s7 =	simm.s32 $0xA200  }
0x1d1: {  	[hbm4b:s13+s26] =	stream.strided.scatter [tilespmem:s7], [sflag:$0x1], $0x200, s16, s26, $0x38;
	[tilespmem:$0x19600] =	vst v63  }
0x1d2: {  	s8 =	simm.s32 $0xA400  }
0x1d3: {  	[hbm4b:s14+s26] =	stream.strided.scatter [tilespmem:s8], [sflag:$0x1], $0x200, s16, s26, $0x38;
	[tilespmem:$0x19600] =	vst v63  }
0x1d4: {  	_ =	swait.ge [sflag:s30], $0x3000  }
0x1d5: {  	[sflag:s30] =	ssyncset.done $0x0  }
0x1d6: {  	s2 =	rddreg [dreg:$0x17];
	[sflag:s30] =	ssyncadd.s32 $0xFFFFD000  }
0x1d7: {  	[tilespmem:s22], [sflag:$0x2] =	stream.strided.gather [hbm4b:s2+s17], $0x3000, s18, s17, $0x38;
	[tilespmem:$0x19600] =	vst v63  }
0x1d8: {  	_ =	swait.ge [sflag:s30], $0x3000  }
0x1d9: {  	[sflag:s30] =	ssyncset.done $0x0  }
0x1da: {  	s3 =	rddreg [dreg:$0x18];
	[sflag:s30] =	ssyncadd.s32 $0xFFFFD000  }
0x1db: {  	[tilespmem:s23], [sflag:$0x2] =	stream.strided.gather [hbm4b:s3+s17], $0x3000, s18, s17, $0x38;
	[tilespmem:$0x19600] =	vst v63  }
0x1dc: {  	_ =	swait.ge [sflag:s29], $0x3000  }
0x1dd: {  	[sflag:s29] =	ssyncset.done $0x0  }
0x1de: {  	s4 =	rddreg [dreg:$0x19];
	[sflag:s29] =	ssyncadd.s32 $0xFFFFD000  }
0x1df: {  	[hbm4b:s4+s17] =	stream.strided.scatter [tilespmem:s19], [sflag:$0x3], $0x3000, s18, s17, $0x38;
	[tilespmem:$0x19600] =	vst v63  }
0x1e0: {  	_ =	swait.ge [sflag:s29], $0x3000  }
0x1e1: {  	[sflag:s29] =	ssyncset.done $0x0  }
0x1e2: {  	s5 =	rddreg [dreg:$0x1a];
	[sflag:s29] =	ssyncadd.s32 $0xFFFFD000  }
0x1e3: {  	[hbm4b:s5+s17] =	stream.strided.scatter [tilespmem:s20], [sflag:$0x3], $0x3000, s18, s17, $0x38;
	[tilespmem:$0x19600] =	vst v63  }
0x1e4: {  	_ =	swait.ge [sflag:s29], $0x3000  }
0x1e5: {  	[sflag:s29] =	ssyncset.done $0x0  }
0x1e6: {  	s6 =	rddreg [dreg:$0x1b];
	[sflag:s29] =	ssyncadd.s32 $0xFFFFD000  }
0x1e7: {  	[hbm4b:s6+s17] =	stream.strided.scatter [tilespmem:s22], [sflag:$0x3], $0x3000, s18, s17, $0x38;
	[tilespmem:$0x19600] =	vst v63  }
0x1e8: {  	_ =	swait.ge [sflag:s29], $0x3000  }
0x1e9: {  	[sflag:s29] =	ssyncset.done $0x0  }
0x1ea: {  	s7 =	rddreg [dreg:$0x1c];
	[sflag:s29] =	ssyncadd.s32 $0xFFFFD000  }
0x1eb: {  	[hbm4b:s7+s17] =	stream.strided.scatter [tilespmem:s23], [sflag:$0x3], $0x3000, s18, s17, $0x38;
	[tilespmem:$0x19600] =	vst v63  }
0x1ec: {  	_ =	swait.ge [sflag:s31], $0x200  }
0x1ed: {  	[sflag:s31] =	ssyncset.done $0x0  }
0x1ee: {  	[sflag:s31] =	ssyncadd.s32 $0xFFFFFE00  }
0x1ef: {  	_ =	swait.ge [sflag:s31], $0x200  }
0x1f0: {  	[sflag:s31] =	ssyncset.done $0x0  }
0x1f1: {  	[sflag:s31] =	ssyncadd.s32 $0xFFFFFE00  }
0x1f2: {  	_ =	swait.ge [sflag:s31], $0x200  }
0x1f3: {  	[sflag:s31] =	ssyncset.done $0x0  }
0x1f4: {  	[sflag:s31] =	ssyncadd.s32 $0xFFFFFE00  }
0x1f5: {  	_ =	swait.ge [sflag:s31], $0x200  }
0x1f6: {  	[sflag:s31] =	ssyncset.done $0x0  }
0x1f7: {  	[sflag:s31] =	ssyncadd.s32 $0xFFFFFE00  }
0x1f8: {  	_ =	swait.ge [sflag:s31], $0x200  }
0x1f9: {  	[sflag:s31] =	ssyncset.done $0x0  }
0x1fa: {  	[sflag:s31] =	ssyncadd.s32 $0xFFFFFE00  }
0x1fb: {  	_ =	swait.ge [sflag:s31], $0x200  }
0x1fc: {  	[sflag:s31] =	ssyncset.done $0x0  }
0x1fd: {  	[sflag:s31] =	ssyncadd.s32 $0xFFFFFE00  }
0x1fe: {  	_ =	swait.ge [sflag:s31], $0x200  }
0x1ff: {  	[sflag:s31] =	ssyncset.done $0x0  }
0x200: {  	[sflag:s31] =	ssyncadd.s32 $0xFFFFFE00  }
0x201: {  	_ =	swait.ge [sflag:s31], $0x200  }
0x202: {  	[sflag:s31] =	ssyncset.done $0x0  }
0x203: {  	[sflag:s31] =	ssyncadd.s32 $0xFFFFFE00  }
0x204: {  	_ =	swait.ge [sflag:s31], $0x200  }
0x205: {  	[sflag:s31] =	ssyncset.done $0x0  }
0x206: {  	[sflag:s31] =	ssyncadd.s32 $0xFFFFFE00  }
0x207: {  	_ =	swait.ge [sflag:s31], $0x200  }
0x208: {  	[sflag:s31] =	ssyncset.done $0x0  }
0x209: {  	[sflag:s31] =	ssyncadd.s32 $0xFFFFFE00  }
0x20a: {  	_ =	swait.ge [sflag:s31], $0x200  }
0x20b: {  	[sflag:s31] =	ssyncset.done $0x0  }
0x20c: {  	[sflag:s31] =	ssyncadd.s32 $0xFFFFFE00  }
0x20d: {  	_ =	swait.ge [sflag:s31], $0x200  }
0x20e: {  	[sflag:s31] =	ssyncset.done $0x0  }
0x20f: {  	[sflag:s31] =	ssyncadd.s32 $0xFFFFFE00  }
0x210: {  	_ =	swait.ge [sflag:s31], $0x200  }
0x211: {  	[sflag:s31] =	ssyncset.done $0x0  }
0x212: {  	[sflag:s31] =	ssyncadd.s32 $0xFFFFFE00  }
0x213: {  	_ =	swait.ge [sflag:s31], $0x200  }
0x214: {  	[sflag:s31] =	ssyncset.done $0x0  }
0x215: {  	[sflag:s31] =	ssyncadd.s32 $0xFFFFFE00  }
0x216: {  	_ =	swait.ge [sflag:s31], $0x200  }
0x217: {  	[sflag:s31] =	ssyncset.done $0x0  }
0x218: {  	[sflag:s31] =	ssyncadd.s32 $0xFFFFFE00  }
0x219: {  	_ =	swait.ge [sflag:s31], $0x200  }
0x21a: {  	[sflag:s31] =	ssyncset.done $0x0  }
0x21b: {  	[sflag:s31] =	ssyncadd.s32 $0xFFFFFE00  }
0x21c: {  	_ =	swait.ge [sflag:s31], $0x200  }
0x21d: {  	[sflag:s31] =	ssyncset.done $0x0  }
0x21e: {  	[sflag:s31] =	ssyncadd.s32 $0xFFFFFE00  }
0x21f: {  	_ =	swait.ge [sflag:s31], $0x200  }
0x220: {  	[sflag:s31] =	ssyncset.done $0x0  }
0x221: {  	[sflag:s31] =	ssyncadd.s32 $0xFFFFFE00  }
0x222: {  	_ =	swait.ge [sflag:s31], $0x200  }
0x223: {  	[sflag:s31] =	ssyncset.done $0x0  }
0x224: {  	[sflag:s31] =	ssyncadd.s32 $0xFFFFFE00  }
0x225: {  	_ =	swait.ge [sflag:s31], $0x200  }
0x226: {  	[sflag:s31] =	ssyncset.done $0x0  }
0x227: {  	[sflag:s31] =	ssyncadd.s32 $0xFFFFFE00  }
0x228: {  	_ =	swait.ge [sflag:s31], $0x200  }
0x229: {  	[sflag:s31] =	ssyncset.done $0x0  }
0x22a: {  	[sflag:s31] =	ssyncadd.s32 $0xFFFFFE00  }
0x22b: {  	_ =	swait.ge [sflag:s31], $0x200  }
0x22c: {  	[sflag:s31] =	ssyncset.done $0x0  }
0x22d: {  	[sflag:s31] =	ssyncadd.s32 $0xFFFFFE00  }
0x22e: {  	_ =	swait.ge [sflag:s31], $0x200  }
0x22f: {  	[sflag:s31] =	ssyncset.done $0x0  }
0x230: {  	[sflag:s31] =	ssyncadd.s32 $0xFFFFFE00  }
0x231: {  	_ =	swait.ge [sflag:s31], $0x200  }
0x232: {  	[sflag:s31] =	ssyncset.done $0x0  }
0x233: {  	[sflag:s31] =	ssyncadd.s32 $0xFFFFFE00  }
0x234: {  	_ =	swait.ge [sflag:s31], $0x200  }
0x235: {  	[sflag:s31] =	ssyncset.done $0x0  }
0x236: {  	[sflag:s31] =	ssyncadd.s32 $0xFFFFFE00  }
0x237: {  	_ =	swait.ge [sflag:s31], $0x200  }
0x238: {  	[sflag:s31] =	ssyncset.done $0x0  }
0x239: {  	[sflag:s31] =	ssyncadd.s32 $0xFFFFFE00  }
0x23a: {  	_ =	swait.ge [sflag:s31], $0x200  }
0x23b: {  	[sflag:s31] =	ssyncset.done $0x0  }
0x23c: {  	[sflag:s31] =	ssyncadd.s32 $0xFFFFFE00  }
0x23d: {  	_ =	swait.ge [sflag:s31], $0x200  }
0x23e: {  	[sflag:s31] =	ssyncset.done $0x0  }
0x23f: {  	[sflag:s31] =	ssyncadd.s32 $0xFFFFFE00  }
0x240: {  	_ =	swait.ge [sflag:s31], $0x200  }
0x241: {  	[sflag:s31] =	ssyncset.done $0x0  }
0x242: {  	[sflag:s31] =	ssyncadd.s32 $0xFFFFFE00  }
0x243: {  	_ =	swait.ge [sflag:s31], $0x200  }
0x244: {  	[sflag:s31] =	ssyncset.done $0x0  }
0x245: {  	[sflag:s31] =	ssyncadd.s32 $0xFFFFFE00  }
0x246: {  	_ =	swait.ge [sflag:s31], $0x200  }
0x247: {  	[sflag:s31] =	ssyncset.done $0x0  }
0x248: {  	[sflag:s31] =	ssyncadd.s32 $0xFFFFFE00  }
0x249: {  	_ =	swait.ge [sflag:s31], $0x200  }
0x24a: {  	[sflag:s31] =	ssyncset.done $0x0  }
0x24b: {  	[sflag:s31] =	ssyncadd.s32 $0xFFFFFE00  }
0x24c: {  	_ =	swait.ge [sflag:s31], $0x200  }
0x24d: {  	[sflag:s31] =	ssyncset.done $0x0  }
0x24e: {  	[sflag:s31] =	ssyncadd.s32 $0xFFFFFE00  }
0x24f: {  	_ =	swait.ge [sflag:s31], $0x200  }
0x250: {  	[sflag:s31] =	ssyncset.done $0x0  }
0x251: {  	[sflag:s31] =	ssyncadd.s32 $0xFFFFFE00  }
0x252: {  	_ =	swait.ge [sflag:s31], $0x200  }
0x253: {  	[sflag:s31] =	ssyncset.done $0x0  }
0x254: {  	[sflag:s31] =	ssyncadd.s32 $0xFFFFFE00  }
0x255: {  	_ =	swait.ge [sflag:s31], $0x200  }
0x256: {  	[sflag:s31] =	ssyncset.done $0x0  }
0x257: {  	[sflag:s31] =	ssyncadd.s32 $0xFFFFFE00  }
0x258: {  	_ =	swait.ge [sflag:s31], $0x200  }
0x259: {  	[sflag:s31] =	ssyncset.done $0x0  }
0x25a: {  	[sflag:s31] =	ssyncadd.s32 $0xFFFFFE00  }
0x25b: {  	_ =	swait.ge [sflag:s31], $0x200  }
0x25c: {  	[sflag:s31] =	ssyncset.done $0x0  }
0x25d: {  	[sflag:s31] =	ssyncadd.s32 $0xFFFFFE00  }
0x25e: {  	_ =	swait.ge [sflag:s31], $0x200  }
0x25f: {  	[sflag:s31] =	ssyncset.done $0x0  }
0x260: {  	[sflag:s31] =	ssyncadd.s32 $0xFFFFFE00  }
0x261: {  	_ =	swait.ge [sflag:s31], $0x200  }
0x262: {  	[sflag:s31] =	ssyncset.done $0x0  }
0x263: {  	[sflag:s31] =	ssyncadd.s32 $0xFFFFFE00  }
0x264: {  	_ =	swait.ge [sflag:s31], $0x200  }
0x265: {  	[sflag:s31] =	ssyncset.done $0x0  }
0x266: {  	[sflag:s31] =	ssyncadd.s32 $0xFFFFFE00  }
0x267: {  	_ =	swait.ge [sflag:s31], $0x200  }
0x268: {  	[sflag:s31] =	ssyncset.done $0x0  }
0x269: {  	[sflag:s31] =	ssyncadd.s32 $0xFFFFFE00  }
0x26a: {  	_ =	swait.ge [sflag:s31], $0x200  }
0x26b: {  	[sflag:s31] =	ssyncset.done $0x0  }
0x26c: {  	[sflag:s31] =	ssyncadd.s32 $0xFFFFFE00  }
0x26d: {  	_ =	swait.ge [sflag:s31], $0x200  }
0x26e: {  	[sflag:s31] =	ssyncset.done $0x0  }
0x26f: {  	[sflag:s31] =	ssyncadd.s32 $0xFFFFFE00  }
0x270: {  	_ =	swait.ge [sflag:s31], $0x200  }
0x271: {  	[sflag:s31] =	ssyncset.done $0x0  }
0x272: {  	[sflag:s31] =	ssyncadd.s32 $0xFFFFFE00  }
0x273: {  	_ =	swait.ge [sflag:s31], $0x200  }
0x274: {  	[sflag:s31] =	ssyncset.done $0x0  }
0x275: {  	[sflag:s31] =	ssyncadd.s32 $0xFFFFFE00  }
0x276: {  	_ =	swait.ge [sflag:s31], $0x200  }
0x277: {  	[sflag:s31] =	ssyncset.done $0x0  }
0x278: {  	[sflag:s31] =	ssyncadd.s32 $0xFFFFFE00  }
0x279: {  	_ =	swait.ge [sflag:s31], $0x200  }
0x27a: {  	[sflag:s31] =	ssyncset.done $0x0  }
0x27b: {  	[sflag:s31] =	ssyncadd.s32 $0xFFFFFE00  }
0x27c: {  	_ =	swait.ge [sflag:s30], $0x3000  }
0x27d: {  	[sflag:s30] =	ssyncset.done $0x0  }
0x27e: {  	[sflag:s30] =	ssyncadd.s32 $0xFFFFD000  }
0x27f: {  	_ =	swait.ge [sflag:s30], $0x3000  }
0x280: {  	[sflag:s30] =	ssyncset.done $0x0  }
0x281: {  	[sflag:s30] =	ssyncadd.s32 $0xFFFFD000  }
0x282: {  	_ =	swait.ge [sflag:s30], $0x3000  }
0x283: {  	[sflag:s30] =	ssyncset.done $0x0  }
0x284: {  	[sflag:s30] =	ssyncadd.s32 $0xFFFFD000  }
0x285: {  	_ =	swait.ge [sflag:s30], $0x3000  }
0x286: {  	[sflag:s30] =	ssyncset.done $0x0  }
0x287: {  	[sflag:s30] =	ssyncadd.s32 $0xFFFFD000  }
0x288: {  	_ =	swait.ge [sflag:s30], $0x3000  }
0x289: {  	s21 =	sadd.s32 $0x1, s21;
	s8 =	rddreg [dreg:$0x1e]  }
0x28a: {  	p0 =	sne.s32 s21, s8  }
.Ltmp3:
0x28b: {  	_ = 	snop;
	(pc) =	sbr.rel @p0 .LBB2_1-.Ltmp3, $3  }
0x28c: {  	_ =	sdelay $0x1  }
0x28d: {  	[sflag:s30] =	ssyncset.done $0x0  }
0x28e: {  	[sflag:s30] =	ssyncadd.s32 $0xFFFFD000  }
0x28f: {  	_ =	sfence.sel $0x180000  }
0x290: {  	[bflag:$0x0] =	sbarrier.arrive $0xFFFF  }
0x291: {  	_ =	strace $0x90000047  }
0x292: {  	s0 =	stileid.u32;
	[bflag:$0x2] =	sbarrier.arrive $0xFFFF  }
0x293: {  	p0 =	sne.s32 s0, $0x0;
	s0 =	rddreg [dreg:$0x4]  }
0x294: {  	s0 =	sadd.s32 @!p0 $0x100000, s0  }
0x295: {  	[sflag:s0] =	ssyncadd.tile.s32 @!p0 $0x1;
	_ =	shalt  }
.Lfunc_end2:
_tile_overlayer_lowered:
.L_overlay_start_2:
0x296: {  	(tag) =	ssettag $0x2  }
0x297: {  	s0 =	rddreg [dreg:$0x0];
	s2 =	stileid.u32  }
0x298: {  	s1 =	rddreg [dreg:$0x1];
	p0 =	sne.s32 s2, $0x0  }
0x299: {  	s3 =	rddreg [dreg:$0x2];
	[bflag:$0x3] =	sbarrier.arrive $0xFFFF;
	s2 =	simm.s32 @!p0 $0x1C05  }
0x29a: {  	[timem:s3], [sflag:s2] =	dma.local @!p0 [hbm:s0], s1  }
0x29b: {  	s0 =	simm.s32 @!p0 $0x5  }
0x29c: {  	_ =	swait.ge @!p0 [sflag:s0], s1  }
0x29d: {  	s1 =	ssub.s32 @!p0 $0x0, s1;
	[sflag:s0] =	ssyncset.done @!p0 $0x0  }
0x29e: {  	[sflag:s0] =	ssyncadd.s32 @!p0 s1  }
0x29f: {  	[bflag:$0x3] =	sbarrier.arrive $0xFFFF  }
0x2a0: {  	_ =	shalt  }

</sc_bundles>
